<compile_context>
chip_gen: v7x
topology: tpu7x:2x2x1
jax: 0.10.2.dev20260603
libtpu: 0.0.44.dev20260713+nightly
codegen_flags: <defaults>
</compile_context>

<pallas_src>
import functools

import jax
import jax.numpy as jnp
from jax import lax
from jax.experimental import pallas as pl
from jax.experimental.pallas import tpu as pltpu
from jax.experimental.pallas import tpu_sc as plsc

N = 10000
E = 320000
D_IN = 128
D_HID = 16

NC = 2
NS = 16
NW = NC * NS
BLK = 128
EPW = 10240
E_PAD = EPW * NW
NB = EPW // BLK
N_ACC = 10240
RPT = N_ACC // NS
ROWS_TC = 1000


def _edge_pass(width: int, do_gather: bool):

  K = 8
  BLK_G = K * BLK
  NG = EPW // BLK_G

  def body(*refs):
    if do_gather:
      (table_hbm, src_hbm, dst_hbm, zeros_hbm, out_hbm, *rest) = refs
      banks = [(rest[0:K], rest[2 * K:3 * K], rest[4 * K:5 * K]),
               (rest[K:2 * K], rest[3 * K:4 * K], rest[5 * K:6 * K])]
      zbuf, acc, gsem, ssemA, ssemB = rest[6 * K:]
    else:
      (dst_hbm, ones_hbm, zeros_hbm, out_hbm, *rest) = refs
      banks = [(None, rest[0:K], None), (None, rest[K:2 * K], None)]
      ones_v = rest[2 * K]
      zbuf, acc, ssemA, ssemB = rest[2 * K + 1:]
    ssems = [ssemA, ssemB]
    c = lax.axis_index("c")
    s = lax.axis_index("s")
    wid = s * NC + c

    pltpu.sync_copy(zeros_hbm, zbuf)
    pltpu.sync_copy(zbuf, acc.at[pl.ds(s * RPT, RPT)])
    if not do_gather:
      pltpu.sync_copy(ones_hbm, ones_v)
    plsc.subcore_barrier()

    def prep(bank, g):
      sb, db, rw = bank
      base = wid * EPW + g * BLK_G
      if do_gather:
        for b in range(K):
          pltpu.sync_copy(src_hbm.at[pl.ds(base + b * BLK, BLK)], sb[b])
        for b in range(K):
          pltpu.async_copy(table_hbm.at[sb[b]], rw[b], gsem)
      for b in range(K):
        pltpu.sync_copy(dst_hbm.at[pl.ds(base + b * BLK, BLK)], db[b])
      if do_gather:
        for b in range(K):
          pltpu.make_async_copy(table_hbm.at[sb[b]], rw[b], gsem).wait()

    def fire(i):
      _, db, rw = banks[i]
      for b in range(K):
        pltpu.async_copy(rw[b] if do_gather else ones_v,
                         acc.at[db[b]], ssems[i], add=True)

    def drain(i):
      _, db, rw = banks[i]
      for b in range(K):
        pltpu.make_async_copy(rw[b] if do_gather else ones_v,
                              acc.at[db[b]], ssems[i]).wait()

    @pl.loop(0, NG // 2)
    def _(i):
      prep(banks[0], 2 * i)

      @pl.when(i > 0)
      def _():
        drain(1)

      fire(0)
      prep(banks[1], 2 * i + 1)
      drain(0)
      fire(1)

    drain(1)

    plsc.subcore_barrier()
    pltpu.sync_copy(acc.at[pl.ds(s * RPT, RPT)],
                    out_hbm.at[c, pl.ds(s * RPT, RPT)])

  scratch = []
  if do_gather:
    scratch += [pltpu.VMEM((BLK,), jnp.int32) for _ in range(2 * K)]
  scratch += [pltpu.VMEM((BLK,), jnp.int32) for _ in range(2 * K)]
  if do_gather:
    scratch += [pltpu.VMEM((BLK, width), jnp.float32)
                for _ in range(2 * K)]
  else:
    scratch += [pltpu.VMEM((BLK, width), jnp.float32)]
  scratch += [
      pltpu.VMEM((RPT, width), jnp.float32),
      pltpu.VMEM_SHARED((N_ACC, width), jnp.float32),
  ]
  if do_gather:
    scratch.append(pltpu.SemaphoreType.DMA)
  scratch += [pltpu.SemaphoreType.DMA, pltpu.SemaphoreType.DMA]
  return pl.kernel(
      body,
      out_type=jax.ShapeDtypeStruct((NC, N_ACC, width), jnp.float32),
      mesh=plsc.VectorSubcoreMesh(core_axis_name="c", subcore_axis_name="s"),
      scratch_types=scratch,
      compiler_params=pltpu.CompilerParams(use_tc_tiling_on_sc=False),
  )


def _mm_norm_body(x_ref, w_ref, d0_ref, d1_ref, dis_ref, u1_ref):
  h = jnp.dot(x_ref[...], w_ref[...], preferred_element_type=jnp.float32)
  deg = d0_ref[...] + d1_ref[...] + 1.0
  dis = lax.rsqrt(deg)
  dis_ref[...] = dis
  u1_ref[...] = h * dis


_mm_norm = pl.pallas_call(
    _mm_norm_body,
    grid=(N // ROWS_TC,),
    in_specs=[
        pl.BlockSpec((ROWS_TC, D_IN), lambda i: (i, 0)),
        pl.BlockSpec((D_IN, D_HID), lambda i: (0, 0)),
        pl.BlockSpec((ROWS_TC, 1), lambda i: (i, 0)),
        pl.BlockSpec((ROWS_TC, 1), lambda i: (i, 0)),
    ],
    out_specs=[
        pl.BlockSpec((ROWS_TC, 1), lambda i: (i, 0)),
        pl.BlockSpec((ROWS_TC, D_HID), lambda i: (i, 0)),
    ],
    out_shape=[
        jax.ShapeDtypeStruct((N, 1), jnp.float32),
        jax.ShapeDtypeStruct((N_ACC, D_HID), jnp.float32),
    ],
)


def _layer1_out_body(s0_ref, s1_ref, u1_ref, dis_ref, b1_ref, w2_ref, u2_ref):
  s1 = s0_ref[...] + s1_ref[...] + u1_ref[...]
  out1 = dis_ref[...] * s1 + b1_ref[...]
  h1 = jnp.maximum(out1, 0.0)
  z = jnp.sum(h1 * w2_ref[...], axis=1, keepdims=True)
  u2_ref[...] = dis_ref[...] * z


_layer1_out = pl.pallas_call(
    _layer1_out_body,
    grid=(N // ROWS_TC,),
    in_specs=[
        pl.BlockSpec((ROWS_TC, D_HID), lambda i: (i, 0)),
        pl.BlockSpec((ROWS_TC, D_HID), lambda i: (i, 0)),
        pl.BlockSpec((ROWS_TC, D_HID), lambda i: (i, 0)),
        pl.BlockSpec((ROWS_TC, 1), lambda i: (i, 0)),
        pl.BlockSpec((1, D_HID), lambda i: (0, 0)),
        pl.BlockSpec((1, D_HID), lambda i: (0, 0)),
    ],
    out_specs=pl.BlockSpec((ROWS_TC, 1), lambda i: (i, 0)),
    out_shape=jax.ShapeDtypeStruct((N_ACC, 1), jnp.float32),
)


def _layer2_out_body(s0_ref, s1_ref, u2_ref, dis_ref, b2_ref, o_ref):
  s2 = s0_ref[...] + s1_ref[...] + u2_ref[...]
  o_ref[...] = dis_ref[...] * s2 + b2_ref[...]


_layer2_out = pl.pallas_call(
    _layer2_out_body,
    grid=(N // ROWS_TC,),
    in_specs=[
        pl.BlockSpec((ROWS_TC, 1), lambda i: (i, 0)),
        pl.BlockSpec((ROWS_TC, 1), lambda i: (i, 0)),
        pl.BlockSpec((ROWS_TC, 1), lambda i: (i, 0)),
        pl.BlockSpec((ROWS_TC, 1), lambda i: (i, 0)),
        pl.BlockSpec((1, 1), lambda i: (0, 0)),
    ],
    out_specs=pl.BlockSpec((ROWS_TC, 1), lambda i: (i, 0)),
    out_shape=jax.ShapeDtypeStruct((N, 1), jnp.float32),
)

_deg_pass = _edge_pass(1, do_gather=False)
_agg16_pass = _edge_pass(D_HID, do_gather=True)
_agg1_pass = _edge_pass(1, do_gather=True)


@jax.jit
def kernel(x, edge_index, W1, b1, W2, b2):
  src = edge_index[0]
  dst = edge_index[1]
  pad = jnp.full((E_PAD - E,), N, dtype=jnp.int32)
  srcp = jnp.concatenate([src, pad])
  dstp = jnp.concatenate([dst, pad])

  ones1 = jnp.ones((BLK, 1), jnp.float32)
  zeros1 = jnp.zeros((RPT, 1), jnp.float32)
  zeros16 = jnp.zeros((RPT, D_HID), jnp.float32)

  degp = _deg_pass(dstp, ones1, zeros1)
  dis, u1 = _mm_norm(x, W1, degp[0, :N], degp[1, :N])

  s1p = _agg16_pass(u1, srcp, dstp, zeros16)

  u2 = _layer1_out(s1p[0], s1p[1], u1, dis,
                   b1.reshape(1, D_HID), W2.reshape(1, D_HID))

  s2p = _agg1_pass(u2, srcp, dstp, zeros1)

  return _layer2_out(s2p[0], s2p[1], u2, dis, b2.reshape(1, 1))

# --- scband reference (transcript-rebuilt; emitter-appended) ---
"""Pipeline reference for scband-gnn-335007449620 (READ-ONLY COPY).

The authoritative reference and input builder live on the scoring server;
editing this copy changes nothing except your own understanding.
"""

import jax, jax.numpy as jnp
import numpy as np

N = 10000
E = 320000
D_IN = 128
D_HID = 16
D_OUT = 1


def _glorot(key, fan_in, fan_out):
    limit = np.sqrt(6.0 / (fan_in + fan_out))
    return jax.random.uniform(key, (fan_in, fan_out), dtype=jnp.float32, minval=-limit, maxval=limit)


def setup_inputs(seed: int = 0) -> dict:
    key = jax.random.key(seed)
    k1, k2, k3, k4 = jax.random.split(key, 4)
    x = jax.random.normal(k1, (N, D_IN), dtype=jnp.float32)
    edge_index = jax.random.randint(k2, (2, E), 0, N, dtype=jnp.int32)
    W1 = _glorot(k3, D_IN, D_HID)
    b1 = jnp.zeros((D_HID,), dtype=jnp.float32)
    W2 = _glorot(k4, D_HID, D_OUT)
    b2 = jnp.zeros((D_OUT,), dtype=jnp.float32)
    return {"x": x, "edge_index": edge_index, "W1": W1, "b1": b1, "W2": W2, "b2": b2}


def _gcn_conv(x, src, dst, W, b):
    # Faithful PyG GCNConv: add self-loops, symmetric normalization, linear, scatter-add, bias.
    n = x.shape[0]
    deg = jnp.zeros((n,), dtype=jnp.float32).at[dst].add(1.0)
    deg_inv_sqrt = jnp.where(deg > 0, jax.lax.rsqrt(jnp.where(deg > 0, deg, 1.0)), 0.0)
    norm = deg_inv_sqrt[src] * deg_inv_sqrt[dst]
    h = x @ W
    msg = h[src] * norm[:, None]
    out = jnp.zeros((n, W.shape[1]), dtype=x.dtype).at[dst].add(msg)
    return out + b


def reference(x, edge_index, W1, b1, W2, b2):
    n = x.shape[0]
    loop = jnp.arange(n, dtype=edge_index.dtype)
    src = jnp.concatenate([edge_index[0], loop])
    dst = jnp.concatenate([edge_index[1], loop])
    h = jax.nn.relu(_gcn_conv(x, src, dst, W1, b1))
    return _gcn_conv(h, src, dst, W2, b2)

if __name__ == "__main__":
    import jax
    _d = setup_inputs()
    print(jax.jit(kernel)(*tuple(_d.values())))

</pallas_src>

<mosaic_0001>
#map = affine_map<(d0, d1) -> (0)>
#map1 = affine_map<(d0, d1) -> (0, 0)>
#map2 = affine_map<(d0, d1) -> (0, 0, 0)>
module attributes {stable_mosaic.version = 14 : i64} {
  func.func @body(%arg0: i32, %arg1: i32, %arg2: memref<327680xi32, #tpu.memory_space<hbm>>, %arg3: memref<128x1xf32, #tpu.memory_space<hbm>>, %arg4: memref<640x1xf32, #tpu.memory_space<hbm>>, %arg5: memref<2x10240x1xf32, #tpu.memory_space<hbm>>, %arg6: memref<128xi32, #tpu.memory_space<vmem>>, %arg7: memref<128xi32, #tpu.memory_space<vmem>>, %arg8: memref<128xi32, #tpu.memory_space<vmem>>, %arg9: memref<128xi32, #tpu.memory_space<vmem>>, %arg10: memref<128xi32, #tpu.memory_space<vmem>>, %arg11: memref<128xi32, #tpu.memory_space<vmem>>, %arg12: memref<128xi32, #tpu.memory_space<vmem>>, %arg13: memref<128xi32, #tpu.memory_space<vmem>>, %arg14: memref<128xi32, #tpu.memory_space<vmem>>, %arg15: memref<128xi32, #tpu.memory_space<vmem>>, %arg16: memref<128xi32, #tpu.memory_space<vmem>>, %arg17: memref<128xi32, #tpu.memory_space<vmem>>, %arg18: memref<128xi32, #tpu.memory_space<vmem>>, %arg19: memref<128xi32, #tpu.memory_space<vmem>>, %arg20: memref<128xi32, #tpu.memory_space<vmem>>, %arg21: memref<128xi32, #tpu.memory_space<vmem>>, %arg22: memref<128x1xf32, #tpu.memory_space<vmem>>, %arg23: memref<640x1xf32, #tpu.memory_space<vmem>>, %arg24: memref<10240x1xf32, #tpu.memory_space<vmem_shared>>, %arg25: memref<!tpu.dma_semaphore, #tpu.memory_space<semaphore_mem>>, %arg26: memref<!tpu.dma_semaphore, #tpu.memory_space<semaphore_mem>>) attributes {dimension_semantics = [#tpu.dimension_semantics<core_parallel>, #tpu.dimension_semantics<subcore_parallel>], iteration_bounds = array<i64: 2, 16>, scalar_prefetch = 0 : i64, scratch_operands = 21 : i64, tpu.core_type = #tpu.core_type<sc_vector_subcore>, window_params = [{transform_indices = #map}, {transform_indices = #map1}, {transform_indices = #map1}, {transform_indices = #map2}]} {
    %mul3A = arith.constant 2 : i32
    %mul3A_0 = arith.muli %arg1, %mul3A : i32
    %add3A = arith.addi %mul3A_0, %arg0 : i32
    "tpu.region"() ({
      %run_scoped3A = tpu.sem_alloc : memref<!tpu.dma_semaphore, #tpu.memory_space<semaphore_mem>>
      tpu.enqueue_dma source(%arg4 : memref<640x1xf32, #tpu.memory_space<hbm>>) target(%arg23 : memref<640x1xf32, #tpu.memory_space<vmem>>) target_semaphore(%run_scoped3A : memref<!tpu.dma_semaphore, #tpu.memory_space<semaphore_mem>>)
      tpu.wait_dma2 semaphore(%run_scoped3A : memref<!tpu.dma_semaphore, #tpu.memory_space<semaphore_mem>>) src(%arg4 : memref<640x1xf32, #tpu.memory_space<hbm>>) dst(%arg23 : memref<640x1xf32, #tpu.memory_space<vmem>>)
      tpu.yield
    }) : () -> ()
    %mul3A_1 = arith.constant 640 : i32
    %mul3A_2 = arith.muli %arg1, %mul3A_1 : i32
    "tpu.region"() ({
      %run_scoped3A = tpu.sem_alloc : memref<!tpu.dma_semaphore, #tpu.memory_space<semaphore_mem>>
      %dma_start3A = arith.constant 0 : i32
      %dma_start3A_35 = tpu.memref_slice %arg24[%mul3A_2, %dma_start3A] : memref<10240x1xf32, #tpu.memory_space<vmem_shared>> -> memref<640x1xf32, #tpu.memory_space<vmem_shared>>
      %dma_start3A_36 = arith.constant 0 : i32
      %dma_start3A_37 = tpu.memref_slice %arg24[%mul3A_2, %dma_start3A_36] : memref<10240x1xf32, #tpu.memory_space<vmem_shared>> -> memref<640x1xf32, #tpu.memory_space<vmem_shared>>
      tpu.enqueue_dma source(%arg23 : memref<640x1xf32, #tpu.memory_space<vmem>>) target(%dma_start3A_37 : memref<640x1xf32, #tpu.memory_space<vmem_shared>>) target_semaphore(%run_scoped3A : memref<!tpu.dma_semaphore, #tpu.memory_space<semaphore_mem>>)
      %dma_wait3A_38 = arith.constant 0 : i32
      %dma_wait3A_39 = tpu.memref_slice %arg24[%mul3A_2, %dma_wait3A_38] : memref<10240x1xf32, #tpu.memory_space<vmem_shared>> -> memref<640x1xf32, #tpu.memory_space<vmem_shared>>
      %dma_wait3A_40 = arith.constant 0 : i32
      %dma_wait3A_41 = tpu.memref_slice %arg24[%mul3A_2, %dma_wait3A_40] : memref<10240x1xf32, #tpu.memory_space<vmem_shared>> -> memref<640x1xf32, #tpu.memory_space<vmem_shared>>
      tpu.wait_dma2 semaphore(%run_scoped3A : memref<!tpu.dma_semaphore, #tpu.memory_space<semaphore_mem>>) src(%arg23 : memref<640x1xf32, #tpu.memory_space<vmem>>) dst(%dma_wait3A_41 : memref<640x1xf32, #tpu.memory_space<vmem_shared>>)
      tpu.yield
    }) : () -> ()
    "tpu.region"() ({
      %run_scoped3A = tpu.sem_alloc : memref<!tpu.dma_semaphore, #tpu.memory_space<semaphore_mem>>
      tpu.enqueue_dma source(%arg3 : memref<128x1xf32, #tpu.memory_space<hbm>>) target(%arg22 : memref<128x1xf32, #tpu.memory_space<vmem>>) target_semaphore(%run_scoped3A : memref<!tpu.dma_semaphore, #tpu.memory_space<semaphore_mem>>)
      tpu.wait_dma2 semaphore(%run_scoped3A : memref<!tpu.dma_semaphore, #tpu.memory_space<semaphore_mem>>) src(%arg3 : memref<128x1xf32, #tpu.memory_space<hbm>>) dst(%arg22 : memref<128x1xf32, #tpu.memory_space<vmem>>)
      tpu.yield
    }) : () -> ()
    %barrier3A = arith.constant 0 : index
    tpu.barrier barrier_id(%barrier3A)
    %scan3A = arith.constant 0 : i32
    %scan3A_3 = arith.constant 5 : i32
    %scan3A_4 = arith.addi %scan3A, %scan3A_3 : i32
    %scan3A_5 = arith.constant 1 : i32
    scf.for %scan3A_35 = %scan3A to %scan3A_4 step %scan3A_5  : i32 {
      %mul3A_36 = arith.constant 1 : i32
      %mul3A_37 = arith.muli %scan3A_35, %mul3A_36 : i32
      %add3A_38 = arith.constant 0 : i32
      %add3A_39 = arith.addi %add3A_38, %mul3A_37 : i32
      %mul3A_40 = arith.constant 2 : i32
      %mul3A_41 = arith.muli %mul3A_40, %add3A_39 : i32
      %mul3A_42 = arith.constant 10240 : i32
      %mul3A_43 = arith.muli %add3A, %mul3A_42 : i32
      %mul3A_44 = arith.constant 1024 : i32
      %mul3A_45 = arith.muli %mul3A_41, %mul3A_44 : i32
      %add3A_46 = arith.addi %mul3A_43, %mul3A_45 : i32
      %add3A_47 = arith.constant 0 : i32
      %add3A_48 = arith.addi %add3A_46, %add3A_47 : i32
      "tpu.region"() ({
        %run_scoped3A = tpu.sem_alloc : memref<!tpu.dma_semaphore, #tpu.memory_space<semaphore_mem>>
        %dma_start3A_161 = tpu.memref_slice %arg2[%add3A_48] : memref<327680xi32, #tpu.memory_space<hbm>> -> memref<128xi32, #tpu.memory_space<hbm>>
        %dma_start3A_162 = tpu.memref_slice %arg2[%add3A_48] : memref<327680xi32, #tpu.memory_space<hbm>> -> memref<128xi32, #tpu.memory_space<hbm>>
        tpu.enqueue_dma source(%dma_start3A_162 : memref<128xi32, #tpu.memory_space<hbm>>) target(%arg6 : memref<128xi32, #tpu.memory_space<vmem>>) target_semaphore(%run_scoped3A : memref<!tpu.dma_semaphore, #tpu.memory_space<semaphore_mem>>)
        %dma_wait3A_163 = tpu.memref_slice %arg2[%add3A_48] : memref<327680xi32, #tpu.memory_space<hbm>> -> memref<128xi32, #tpu.memory_space<hbm>>
        %dma_wait3A_164 = tpu.memref_slice %arg2[%add3A_48] : memref<327680xi32, #tpu.memory_space<hbm>> -> memref<128xi32, #tpu.memory_space<hbm>>
        tpu.wait_dma2 semaphore(%run_scoped3A : memref<!tpu.dma_semaphore, #tpu.memory_space<semaphore_mem>>) src(%dma_wait3A_164 : memref<128xi32, #tpu.memory_space<hbm>>) dst(%arg6 : memref<128xi32, #tpu.memory_space<vmem>>)
        tpu.yield
      }) : () -> ()
      %add3A_49 = arith.constant 128 : i32
      %add3A_50 = arith.addi %add3A_46, %add3A_49 : i32
      "tpu.region"() ({
        %run_scoped3A = tpu.sem_alloc : memref<!tpu.dma_semaphore, #tpu.memory_space<semaphore_mem>>
        %dma_start3A_161 = tpu.memref_slice %arg2[%add3A_50] : memref<327680xi32, #tpu.memory_space<hbm>> -> memref<128xi32, #tpu.memory_space<hbm>>
        %dma_start3A_162 = tpu.memref_slice %arg2[%add3A_50] : memref<327680xi32, #tpu.memory_space<hbm>> -> memref<128xi32, #tpu.memory_space<hbm>>
        tpu.enqueue_dma source(%dma_start3A_162 : memref<128xi32, #tpu.memory_space<hbm>>) target(%arg7 : memref<128xi32, #tpu.memory_space<vmem>>) target_semaphore(%run_scoped3A : memref<!tpu.dma_semaphore, #tpu.memory_space<semaphore_mem>>)
        %dma_wait3A_163 = tpu.memref_slice %arg2[%add3A_50] : memref<327680xi32, #tpu.memory_space<hbm>> -> memref<128xi32, #tpu.memory_space<hbm>>
        %dma_wait3A_164 = tpu.memref_slice %arg2[%add3A_50] : memref<327680xi32, #tpu.memory_space<hbm>> -> memref<128xi32, #tpu.memory_space<hbm>>
        tpu.wait_dma2 semaphore(%run_scoped3A : memref<!tpu.dma_semaphore, #tpu.memory_space<semaphore_mem>>) src(%dma_wait3A_164 : memref<128xi32, #tpu.memory_space<hbm>>) dst(%arg7 : memref<128xi32, #tpu.memory_space<vmem>>)
        tpu.yield
      }) : () -> ()
      %add3A_51 = arith.constant 256 : i32
      %add3A_52 = arith.addi %add3A_46, %add3A_51 : i32
      "tpu.region"() ({
        %run_scoped3A = tpu.sem_alloc : memref<!tpu.dma_semaphore, #tpu.memory_space<semaphore_mem>>
        %dma_start3A_161 = tpu.memref_slice %arg2[%add3A_52] : memref<327680xi32, #tpu.memory_space<hbm>> -> memref<128xi32, #tpu.memory_space<hbm>>
        %dma_start3A_162 = tpu.memref_slice %arg2[%add3A_52] : memref<327680xi32, #tpu.memory_space<hbm>> -> memref<128xi32, #tpu.memory_space<hbm>>
        tpu.enqueue_dma source(%dma_start3A_162 : memref<128xi32, #tpu.memory_space<hbm>>) target(%arg8 : memref<128xi32, #tpu.memory_space<vmem>>) target_semaphore(%run_scoped3A : memref<!tpu.dma_semaphore, #tpu.memory_space<semaphore_mem>>)
        %dma_wait3A_163 = tpu.memref_slice %arg2[%add3A_52] : memref<327680xi32, #tpu.memory_space<hbm>> -> memref<128xi32, #tpu.memory_space<hbm>>
        %dma_wait3A_164 = tpu.memref_slice %arg2[%add3A_52] : memref<327680xi32, #tpu.memory_space<hbm>> -> memref<128xi32, #tpu.memory_space<hbm>>
        tpu.wait_dma2 semaphore(%run_scoped3A : memref<!tpu.dma_semaphore, #tpu.memory_space<semaphore_mem>>) src(%dma_wait3A_164 : memref<128xi32, #tpu.memory_space<hbm>>) dst(%arg8 : memref<128xi32, #tpu.memory_space<vmem>>)
        tpu.yield
      }) : () -> ()
      %add3A_53 = arith.constant 384 : i32
      %add3A_54 = arith.addi %add3A_46, %add3A_53 : i32
      "tpu.region"() ({
        %run_scoped3A = tpu.sem_alloc : memref<!tpu.dma_semaphore, #tpu.memory_space<semaphore_mem>>
        %dma_start3A_161 = tpu.memref_slice %arg2[%add3A_54] : memref<327680xi32, #tpu.memory_space<hbm>> -> memref<128xi32, #tpu.memory_space<hbm>>
        %dma_start3A_162 = tpu.memref_slice %arg2[%add3A_54] : memref<327680xi32, #tpu.memory_space<hbm>> -> memref<128xi32, #tpu.memory_space<hbm>>
        tpu.enqueue_dma source(%dma_start3A_162 : memref<128xi32, #tpu.memory_space<hbm>>) target(%arg9 : memref<128xi32, #tpu.memory_space<vmem>>) target_semaphore(%run_scoped3A : memref<!tpu.dma_semaphore, #tpu.memory_space<semaphore_mem>>)
        %dma_wait3A_163 = tpu.memref_slice %arg2[%add3A_54] : memref<327680xi32, #tpu.memory_space<hbm>> -> memref<128xi32, #tpu.memory_space<hbm>>
        %dma_wait3A_164 = tpu.memref_slice %arg2[%add3A_54] : memref<327680xi32, #tpu.memory_space<hbm>> -> memref<128xi32, #tpu.memory_space<hbm>>
        tpu.wait_dma2 semaphore(%run_scoped3A : memref<!tpu.dma_semaphore, #tpu.memory_space<semaphore_mem>>) src(%dma_wait3A_164 : memref<128xi32, #tpu.memory_space<hbm>>) dst(%arg9 : memref<128xi32, #tpu.memory_space<vmem>>)
        tpu.yield
      }) : () -> ()
      %add3A_55 = arith.constant 512 : i32
      %add3A_56 = arith.addi %add3A_46, %add3A_55 : i32
      "tpu.region"() ({
        %run_scoped3A = tpu.sem_alloc : memref<!tpu.dma_semaphore, #tpu.memory_space<semaphore_mem>>
        %dma_start3A_161 = tpu.memref_slice %arg2[%add3A_56] : memref<327680xi32, #tpu.memory_space<hbm>> -> memref<128xi32, #tpu.memory_space<hbm>>
        %dma_start3A_162 = tpu.memref_slice %arg2[%add3A_56] : memref<327680xi32, #tpu.memory_space<hbm>> -> memref<128xi32, #tpu.memory_space<hbm>>
        tpu.enqueue_dma source(%dma_start3A_162 : memref<128xi32, #tpu.memory_space<hbm>>) target(%arg10 : memref<128xi32, #tpu.memory_space<vmem>>) target_semaphore(%run_scoped3A : memref<!tpu.dma_semaphore, #tpu.memory_space<semaphore_mem>>)
        %dma_wait3A_163 = tpu.memref_slice %arg2[%add3A_56] : memref<327680xi32, #tpu.memory_space<hbm>> -> memref<128xi32, #tpu.memory_space<hbm>>
        %dma_wait3A_164 = tpu.memref_slice %arg2[%add3A_56] : memref<327680xi32, #tpu.memory_space<hbm>> -> memref<128xi32, #tpu.memory_space<hbm>>
        tpu.wait_dma2 semaphore(%run_scoped3A : memref<!tpu.dma_semaphore, #tpu.memory_space<semaphore_mem>>) src(%dma_wait3A_164 : memref<128xi32, #tpu.memory_space<hbm>>) dst(%arg10 : memref<128xi32, #tpu.memory_space<vmem>>)
        tpu.yield
      }) : () -> ()
      %add3A_57 = arith.constant 640 : i32
      %add3A_58 = arith.addi %add3A_46, %add3A_57 : i32
      "tpu.region"() ({
        %run_scoped3A = tpu.sem_alloc : memref<!tpu.dma_semaphore, #tpu.memory_space<semaphore_mem>>
        %dma_start3A_161 = tpu.memref_slice %arg2[%add3A_58] : memref<327680xi32, #tpu.memory_space<hbm>> -> memref<128xi32, #tpu.memory_space<hbm>>
        %dma_start3A_162 = tpu.memref_slice %arg2[%add3A_58] : memref<327680xi32, #tpu.memory_space<hbm>> -> memref<128xi32, #tpu.memory_space<hbm>>
        tpu.enqueue_dma source(%dma_start3A_162 : memref<128xi32, #tpu.memory_space<hbm>>) target(%arg11 : memref<128xi32, #tpu.memory_space<vmem>>) target_semaphore(%run_scoped3A : memref<!tpu.dma_semaphore, #tpu.memory_space<semaphore_mem>>)
        %dma_wait3A_163 = tpu.memref_slice %arg2[%add3A_58] : memref<327680xi32, #tpu.memory_space<hbm>> -> memref<128xi32, #tpu.memory_space<hbm>>
        %dma_wait3A_164 = tpu.memref_slice %arg2[%add3A_58] : memref<327680xi32, #tpu.memory_space<hbm>> -> memref<128xi32, #tpu.memory_space<hbm>>
        tpu.wait_dma2 semaphore(%run_scoped3A : memref<!tpu.dma_semaphore, #tpu.memory_space<semaphore_mem>>) src(%dma_wait3A_164 : memref<128xi32, #tpu.memory_space<hbm>>) dst(%arg11 : memref<128xi32, #tpu.memory_space<vmem>>)
        tpu.yield
      }) : () -> ()
      %add3A_59 = arith.constant 768 : i32
      %add3A_60 = arith.addi %add3A_46, %add3A_59 : i32
      "tpu.region"() ({
        %run_scoped3A = tpu.sem_alloc : memref<!tpu.dma_semaphore, #tpu.memory_space<semaphore_mem>>
        %dma_start3A_161 = tpu.memref_slice %arg2[%add3A_60] : memref<327680xi32, #tpu.memory_space<hbm>> -> memref<128xi32, #tpu.memory_space<hbm>>
        %dma_start3A_162 = tpu.memref_slice %arg2[%add3A_60] : memref<327680xi32, #tpu.memory_space<hbm>> -> memref<128xi32, #tpu.memory_space<hbm>>
        tpu.enqueue_dma source(%dma_start3A_162 : memref<128xi32, #tpu.memory_space<hbm>>) target(%arg12 : memref<128xi32, #tpu.memory_space<vmem>>) target_semaphore(%run_scoped3A : memref<!tpu.dma_semaphore, #tpu.memory_space<semaphore_mem>>)
        %dma_wait3A_163 = tpu.memref_slice %arg2[%add3A_60] : memref<327680xi32, #tpu.memory_space<hbm>> -> memref<128xi32, #tpu.memory_space<hbm>>
        %dma_wait3A_164 = tpu.memref_slice %arg2[%add3A_60] : memref<327680xi32, #tpu.memory_space<hbm>> -> memref<128xi32, #tpu.memory_space<hbm>>
        tpu.wait_dma2 semaphore(%run_scoped3A : memref<!tpu.dma_semaphore, #tpu.memory_space<semaphore_mem>>) src(%dma_wait3A_164 : memref<128xi32, #tpu.memory_space<hbm>>) dst(%arg12 : memref<128xi32, #tpu.memory_space<vmem>>)
        tpu.yield
      }) : () -> ()
      %add3A_61 = arith.constant 896 : i32
      %add3A_62 = arith.addi %add3A_46, %add3A_61 : i32
      "tpu.region"() ({
        %run_scoped3A = tpu.sem_alloc : memref<!tpu.dma_semaphore, #tpu.memory_space<semaphore_mem>>
        %dma_start3A_161 = tpu.memref_slice %arg2[%add3A_62] : memref<327680xi32, #tpu.memory_space<hbm>> -> memref<128xi32, #tpu.memory_space<hbm>>
        %dma_start3A_162 = tpu.memref_slice %arg2[%add3A_62] : memref<327680xi32, #tpu.memory_space<hbm>> -> memref<128xi32, #tpu.memory_space<hbm>>
        tpu.enqueue_dma source(%dma_start3A_162 : memref<128xi32, #tpu.memory_space<hbm>>) target(%arg13 : memref<128xi32, #tpu.memory_space<vmem>>) target_semaphore(%run_scoped3A : memref<!tpu.dma_semaphore, #tpu.memory_space<semaphore_mem>>)
        %dma_wait3A_163 = tpu.memref_slice %arg2[%add3A_62] : memref<327680xi32, #tpu.memory_space<hbm>> -> memref<128xi32, #tpu.memory_space<hbm>>
        %dma_wait3A_164 = tpu.memref_slice %arg2[%add3A_62] : memref<327680xi32, #tpu.memory_space<hbm>> -> memref<128xi32, #tpu.memory_space<hbm>>
        tpu.wait_dma2 semaphore(%run_scoped3A : memref<!tpu.dma_semaphore, #tpu.memory_space<semaphore_mem>>) src(%dma_wait3A_164 : memref<128xi32, #tpu.memory_space<hbm>>) dst(%arg13 : memref<128xi32, #tpu.memory_space<vmem>>)
        tpu.yield
      }) : () -> ()
      %gt3A = arith.constant 0 : i32
      %gt3A_63 = arith.cmpi sgt, %add3A_39, %gt3A : i32
      %convert_element_type3A = arith.extui %gt3A_63 : i1 to i32
      %cond3A = arith.constant 0 : i32
      %cond3A_64 = arith.cmpi ne, %convert_element_type3A, %cond3A : i32
      scf.if %cond3A_64 {
        %dma_wait3A_161 = arith.constant 0 : i32
        %dma_wait3A_162 = arith.constant 0 : i32
        %dma_wait3A_163 = tpu.memref_slice %arg24[%dma_wait3A_161, %dma_wait3A_162] : memref<10240x1xf32, #tpu.memory_space<vmem_shared>> -> memref<10240x1xf32, #tpu.memory_space<vmem_shared>>
        tpu.wait_indirect_dma semaphore(%arg26 : memref<!tpu.dma_semaphore, #tpu.memory_space<semaphore_mem>>) src(%arg22 : memref<128x1xf32, #tpu.memory_space<vmem>>) dst(%dma_wait3A_163 : memref<10240x1xf32, #tpu.memory_space<vmem_shared>>)
        %dma_wait3A_164 = arith.constant 0 : i32
        %dma_wait3A_165 = arith.constant 0 : i32
        %dma_wait3A_166 = tpu.memref_slice %arg24[%dma_wait3A_164, %dma_wait3A_165] : memref<10240x1xf32, #tpu.memory_space<vmem_shared>> -> memref<10240x1xf32, #tpu.memory_space<vmem_shared>>
        tpu.wait_indirect_dma semaphore(%arg26 : memref<!tpu.dma_semaphore, #tpu.memory_space<semaphore_mem>>) src(%arg22 : memref<128x1xf32, #tpu.memory_space<vmem>>) dst(%dma_wait3A_166 : memref<10240x1xf32, #tpu.memory_space<vmem_shared>>)
        %dma_wait3A_167 = arith.constant 0 : i32
        %dma_wait3A_168 = arith.constant 0 : i32
        %dma_wait3A_169 = tpu.memref_slice %arg24[%dma_wait3A_167, %dma_wait3A_168] : memref<10240x1xf32, #tpu.memory_space<vmem_shared>> -> memref<10240x1xf32, #tpu.memory_space<vmem_shared>>
        tpu.wait_indirect_dma semaphore(%arg26 : memref<!tpu.dma_semaphore, #tpu.memory_space<semaphore_mem>>) src(%arg22 : memref<128x1xf32, #tpu.memory_space<vmem>>) dst(%dma_wait3A_169 : memref<10240x1xf32, #tpu.memory_space<vmem_shared>>)
        %dma_wait3A_170 = arith.constant 0 : i32
        %dma_wait3A_171 = arith.constant 0 : i32
        %dma_wait3A_172 = tpu.memref_slice %arg24[%dma_wait3A_170, %dma_wait3A_171] : memref<10240x1xf32, #tpu.memory_space<vmem_shared>> -> memref<10240x1xf32, #tpu.memory_space<vmem_shared>>
        tpu.wait_indirect_dma semaphore(%arg26 : memref<!tpu.dma_semaphore, #tpu.memory_space<semaphore_mem>>) src(%arg22 : memref<128x1xf32, #tpu.memory_space<vmem>>) dst(%dma_wait3A_172 : memref<10240x1xf32, #tpu.memory_space<vmem_shared>>)
        %dma_wait3A_173 = arith.constant 0 : i32
        %dma_wait3A_174 = arith.constant 0 : i32
        %dma_wait3A_175 = tpu.memref_slice %arg24[%dma_wait3A_173, %dma_wait3A_174] : memref<10240x1xf32, #tpu.memory_space<vmem_shared>> -> memref<10240x1xf32, #tpu.memory_space<vmem_shared>>
        tpu.wait_indirect_dma semaphore(%arg26 : memref<!tpu.dma_semaphore, #tpu.memory_space<semaphore_mem>>) src(%arg22 : memref<128x1xf32, #tpu.memory_space<vmem>>) dst(%dma_wait3A_175 : memref<10240x1xf32, #tpu.memory_space<vmem_shared>>)
        %dma_wait3A_176 = arith.constant 0 : i32
        %dma_wait3A_177 = arith.constant 0 : i32
        %dma_wait3A_178 = tpu.memref_slice %arg24[%dma_wait3A_176, %dma_wait3A_177] : memref<10240x1xf32, #tpu.memory_space<vmem_shared>> -> memref<10240x1xf32, #tpu.memory_space<vmem_shared>>
        tpu.wait_indirect_dma semaphore(%arg26 : memref<!tpu.dma_semaphore, #tpu.memory_space<semaphore_mem>>) src(%arg22 : memref<128x1xf32, #tpu.memory_space<vmem>>) dst(%dma_wait3A_178 : memref<10240x1xf32, #tpu.memory_space<vmem_shared>>)
        %dma_wait3A_179 = arith.constant 0 : i32
        %dma_wait3A_180 = arith.constant 0 : i32
        %dma_wait3A_181 = tpu.memref_slice %arg24[%dma_wait3A_179, %dma_wait3A_180] : memref<10240x1xf32, #tpu.memory_space<vmem_shared>> -> memref<10240x1xf32, #tpu.memory_space<vmem_shared>>
        tpu.wait_indirect_dma semaphore(%arg26 : memref<!tpu.dma_semaphore, #tpu.memory_space<semaphore_mem>>) src(%arg22 : memref<128x1xf32, #tpu.memory_space<vmem>>) dst(%dma_wait3A_181 : memref<10240x1xf32, #tpu.memory_space<vmem_shared>>)
        %dma_wait3A_182 = arith.constant 0 : i32
        %dma_wait3A_183 = arith.constant 0 : i32
        %dma_wait3A_184 = tpu.memref_slice %arg24[%dma_wait3A_182, %dma_wait3A_183] : memref<10240x1xf32, #tpu.memory_space<vmem_shared>> -> memref<10240x1xf32, #tpu.memory_space<vmem_shared>>
        tpu.wait_indirect_dma semaphore(%arg26 : memref<!tpu.dma_semaphore, #tpu.memory_space<semaphore_mem>>) src(%arg22 : memref<128x1xf32, #tpu.memory_space<vmem>>) dst(%dma_wait3A_184 : memref<10240x1xf32, #tpu.memory_space<vmem_shared>>)
      } else {
      }
      %dma_start3A = arith.constant 0 : i32
      %dma_start3A_65 = arith.constant 0 : i32
      %dma_start3A_66 = tpu.memref_slice %arg24[%dma_start3A, %dma_start3A_65] : memref<10240x1xf32, #tpu.memory_space<vmem_shared>> -> memref<10240x1xf32, #tpu.memory_space<vmem_shared>>
      tpu.enqueue_indirect_dma source(%arg22 : memref<128x1xf32, #tpu.memory_space<vmem>>) target(%dma_start3A_66 : memref<10240x1xf32, #tpu.memory_space<vmem_shared>>) offsets(%arg6 : memref<128xi32, #tpu.memory_space<vmem>>) semaphore(%arg25 : memref<!tpu.dma_semaphore, #tpu.memory_space<semaphore_mem>>) {add = true}
      %dma_start3A_67 = arith.constant 0 : i32
      %dma_start3A_68 = arith.constant 0 : i32
      %dma_start3A_69 = tpu.memref_slice %arg24[%dma_start3A_67, %dma_start3A_68] : memref<10240x1xf32, #tpu.memory_space<vmem_shared>> -> memref<10240x1xf32, #tpu.memory_space<vmem_shared>>
      tpu.enqueue_indirect_dma source(%arg22 : memref<128x1xf32, #tpu.memory_space<vmem>>) target(%dma_start3A_69 : memref<10240x1xf32, #tpu.memory_space<vmem_shared>>) offsets(%arg7 : memref<128xi32, #tpu.memory_space<vmem>>) semaphore(%arg25 : memref<!tpu.dma_semaphore, #tpu.memory_space<semaphore_mem>>) {add = true}
      %dma_start3A_70 = arith.constant 0 : i32
      %dma_start3A_71 = arith.constant 0 : i32
      %dma_start3A_72 = tpu.memref_slice %arg24[%dma_start3A_70, %dma_start3A_71] : memref<10240x1xf32, #tpu.memory_space<vmem_shared>> -> memref<10240x1xf32, #tpu.memory_space<vmem_shared>>
      tpu.enqueue_indirect_dma source(%arg22 : memref<128x1xf32, #tpu.memory_space<vmem>>) target(%dma_start3A_72 : memref<10240x1xf32, #tpu.memory_space<vmem_shared>>) offsets(%arg8 : memref<128xi32, #tpu.memory_space<vmem>>) semaphore(%arg25 : memref<!tpu.dma_semaphore, #tpu.memory_space<semaphore_mem>>) {add = true}
      %dma_start3A_73 = arith.constant 0 : i32
      %dma_start3A_74 = arith.constant 0 : i32
      %dma_start3A_75 = tpu.memref_slice %arg24[%dma_start3A_73, %dma_start3A_74] : memref<10240x1xf32, #tpu.memory_space<vmem_shared>> -> memref<10240x1xf32, #tpu.memory_space<vmem_shared>>
      tpu.enqueue_indirect_dma source(%arg22 : memref<128x1xf32, #tpu.memory_space<vmem>>) target(%dma_start3A_75 : memref<10240x1xf32, #tpu.memory_space<vmem_shared>>) offsets(%arg9 : memref<128xi32, #tpu.memory_space<vmem>>) semaphore(%arg25 : memref<!tpu.dma_semaphore, #tpu.memory_space<semaphore_mem>>) {add = true}
      %dma_start3A_76 = arith.constant 0 : i32
      %dma_start3A_77 = arith.constant 0 : i32
      %dma_start3A_78 = tpu.memref_slice %arg24[%dma_start3A_76, %dma_start3A_77] : memref<10240x1xf32, #tpu.memory_space<vmem_shared>> -> memref<10240x1xf32, #tpu.memory_space<vmem_shared>>
      tpu.enqueue_indirect_dma source(%arg22 : memref<128x1xf32, #tpu.memory_space<vmem>>) target(%dma_start3A_78 : memref<10240x1xf32, #tpu.memory_space<vmem_shared>>) offsets(%arg10 : memref<128xi32, #tpu.memory_space<vmem>>) semaphore(%arg25 : memref<!tpu.dma_semaphore, #tpu.memory_space<semaphore_mem>>) {add = true}
      %dma_start3A_79 = arith.constant 0 : i32
      %dma_start3A_80 = arith.constant 0 : i32
      %dma_start3A_81 = tpu.memref_slice %arg24[%dma_start3A_79, %dma_start3A_80] : memref<10240x1xf32, #tpu.memory_space<vmem_shared>> -> memref<10240x1xf32, #tpu.memory_space<vmem_shared>>
      tpu.enqueue_indirect_dma source(%arg22 : memref<128x1xf32, #tpu.memory_space<vmem>>) target(%dma_start3A_81 : memref<10240x1xf32, #tpu.memory_space<vmem_shared>>) offsets(%arg11 : memref<128xi32, #tpu.memory_space<vmem>>) semaphore(%arg25 : memref<!tpu.dma_semaphore, #tpu.memory_space<semaphore_mem>>) {add = true}
      %dma_start3A_82 = arith.constant 0 : i32
      %dma_start3A_83 = arith.constant 0 : i32
      %dma_start3A_84 = tpu.memref_slice %arg24[%dma_start3A_82, %dma_start3A_83] : memref<10240x1xf32, #tpu.memory_space<vmem_shared>> -> memref<10240x1xf32, #tpu.memory_space<vmem_shared>>
      tpu.enqueue_indirect_dma source(%arg22 : memref<128x1xf32, #tpu.memory_space<vmem>>) target(%dma_start3A_84 : memref<10240x1xf32, #tpu.memory_space<vmem_shared>>) offsets(%arg12 : memref<128xi32, #tpu.memory_space<vmem>>) semaphore(%arg25 : memref<!tpu.dma_semaphore, #tpu.memory_space<semaphore_mem>>) {add = true}
      %dma_start3A_85 = arith.constant 0 : i32
      %dma_start3A_86 = arith.constant 0 : i32
      %dma_start3A_87 = tpu.memref_slice %arg24[%dma_start3A_85, %dma_start3A_86] : memref<10240x1xf32, #tpu.memory_space<vmem_shared>> -> memref<10240x1xf32, #tpu.memory_space<vmem_shared>>
      tpu.enqueue_indirect_dma source(%arg22 : memref<128x1xf32, #tpu.memory_space<vmem>>) target(%dma_start3A_87 : memref<10240x1xf32, #tpu.memory_space<vmem_shared>>) offsets(%arg13 : memref<128xi32, #tpu.memory_space<vmem>>) semaphore(%arg25 : memref<!tpu.dma_semaphore, #tpu.memory_space<semaphore_mem>>) {add = true}
      %mul3A_88 = arith.constant 2 : i32
      %mul3A_89 = arith.muli %mul3A_88, %add3A_39 : i32
      %add3A_90 = arith.constant 1 : i32
      %add3A_91 = arith.addi %mul3A_89, %add3A_90 : i32
      %mul3A_92 = arith.constant 10240 : i32
      %mul3A_93 = arith.muli %add3A, %mul3A_92 : i32
      %mul3A_94 = arith.constant 1024 : i32
      %mul3A_95 = arith.muli %add3A_91, %mul3A_94 : i32
      %add3A_96 = arith.addi %mul3A_93, %mul3A_95 : i32
      %add3A_97 = arith.constant 0 : i32
      %add3A_98 = arith.addi %add3A_96, %add3A_97 : i32
      "tpu.region"() ({
        %run_scoped3A = tpu.sem_alloc : memref<!tpu.dma_semaphore, #tpu.memory_space<semaphore_mem>>
        %dma_start3A_161 = tpu.memref_slice %arg2[%add3A_98] : memref<327680xi32, #tpu.memory_space<hbm>> -> memref<128xi32, #tpu.memory_space<hbm>>
        %dma_start3A_162 = tpu.memref_slice %arg2[%add3A_98] : memref<327680xi32, #tpu.memory_space<hbm>> -> memref<128xi32, #tpu.memory_space<hbm>>
        tpu.enqueue_dma source(%dma_start3A_162 : memref<128xi32, #tpu.memory_space<hbm>>) target(%arg14 : memref<128xi32, #tpu.memory_space<vmem>>) target_semaphore(%run_scoped3A : memref<!tpu.dma_semaphore, #tpu.memory_space<semaphore_mem>>)
        %dma_wait3A_163 = tpu.memref_slice %arg2[%add3A_98] : memref<327680xi32, #tpu.memory_space<hbm>> -> memref<128xi32, #tpu.memory_space<hbm>>
        %dma_wait3A_164 = tpu.memref_slice %arg2[%add3A_98] : memref<327680xi32, #tpu.memory_space<hbm>> -> memref<128xi32, #tpu.memory_space<hbm>>
        tpu.wait_dma2 semaphore(%run_scoped3A : memref<!tpu.dma_semaphore, #tpu.memory_space<semaphore_mem>>) src(%dma_wait3A_164 : memref<128xi32, #tpu.memory_space<hbm>>) dst(%arg14 : memref<128xi32, #tpu.memory_space<vmem>>)
        tpu.yield
      }) : () -> ()
      %add3A_99 = arith.constant 128 : i32
      %add3A_100 = arith.addi %add3A_96, %add3A_99 : i32
      "tpu.region"() ({
        %run_scoped3A = tpu.sem_alloc : memref<!tpu.dma_semaphore, #tpu.memory_space<semaphore_mem>>
        %dma_start3A_161 = tpu.memref_slice %arg2[%add3A_100] : memref<327680xi32, #tpu.memory_space<hbm>> -> memref<128xi32, #tpu.memory_space<hbm>>
        %dma_start3A_162 = tpu.memref_slice %arg2[%add3A_100] : memref<327680xi32, #tpu.memory_space<hbm>> -> memref<128xi32, #tpu.memory_space<hbm>>
        tpu.enqueue_dma source(%dma_start3A_162 : memref<128xi32, #tpu.memory_space<hbm>>) target(%arg15 : memref<128xi32, #tpu.memory_space<vmem>>) target_semaphore(%run_scoped3A : memref<!tpu.dma_semaphore, #tpu.memory_space<semaphore_mem>>)
        %dma_wait3A_163 = tpu.memref_slice %arg2[%add3A_100] : memref<327680xi32, #tpu.memory_space<hbm>> -> memref<128xi32, #tpu.memory_space<hbm>>
        %dma_wait3A_164 = tpu.memref_slice %arg2[%add3A_100] : memref<327680xi32, #tpu.memory_space<hbm>> -> memref<128xi32, #tpu.memory_space<hbm>>
        tpu.wait_dma2 semaphore(%run_scoped3A : memref<!tpu.dma_semaphore, #tpu.memory_space<semaphore_mem>>) src(%dma_wait3A_164 : memref<128xi32, #tpu.memory_space<hbm>>) dst(%arg15 : memref<128xi32, #tpu.memory_space<vmem>>)
        tpu.yield
      }) : () -> ()
      %add3A_101 = arith.constant 256 : i32
      %add3A_102 = arith.addi %add3A_96, %add3A_101 : i32
      "tpu.region"() ({
        %run_scoped3A = tpu.sem_alloc : memref<!tpu.dma_semaphore, #tpu.memory_space<semaphore_mem>>
        %dma_start3A_161 = tpu.memref_slice %arg2[%add3A_102] : memref<327680xi32, #tpu.memory_space<hbm>> -> memref<128xi32, #tpu.memory_space<hbm>>
        %dma_start3A_162 = tpu.memref_slice %arg2[%add3A_102] : memref<327680xi32, #tpu.memory_space<hbm>> -> memref<128xi32, #tpu.memory_space<hbm>>
        tpu.enqueue_dma source(%dma_start3A_162 : memref<128xi32, #tpu.memory_space<hbm>>) target(%arg16 : memref<128xi32, #tpu.memory_space<vmem>>) target_semaphore(%run_scoped3A : memref<!tpu.dma_semaphore, #tpu.memory_space<semaphore_mem>>)
        %dma_wait3A_163 = tpu.memref_slice %arg2[%add3A_102] : memref<327680xi32, #tpu.memory_space<hbm>> -> memref<128xi32, #tpu.memory_space<hbm>>
        %dma_wait3A_164 = tpu.memref_slice %arg2[%add3A_102] : memref<327680xi32, #tpu.memory_space<hbm>> -> memref<128xi32, #tpu.memory_space<hbm>>
        tpu.wait_dma2 semaphore(%run_scoped3A : memref<!tpu.dma_semaphore, #tpu.memory_space<semaphore_mem>>) src(%dma_wait3A_164 : memref<128xi32, #tpu.memory_space<hbm>>) dst(%arg16 : memref<128xi32, #tpu.memory_space<vmem>>)
        tpu.yield
      }) : () -> ()
      %add3A_103 = arith.constant 384 : i32
      %add3A_104 = arith.addi %add3A_96, %add3A_103 : i32
      "tpu.region"() ({
        %run_scoped3A = tpu.sem_alloc : memref<!tpu.dma_semaphore, #tpu.memory_space<semaphore_mem>>
        %dma_start3A_161 = tpu.memref_slice %arg2[%add3A_104] : memref<327680xi32, #tpu.memory_space<hbm>> -> memref<128xi32, #tpu.memory_space<hbm>>
        %dma_start3A_162 = tpu.memref_slice %arg2[%add3A_104] : memref<327680xi32, #tpu.memory_space<hbm>> -> memref<128xi32, #tpu.memory_space<hbm>>
        tpu.enqueue_dma source(%dma_start3A_162 : memref<128xi32, #tpu.memory_space<hbm>>) target(%arg17 : memref<128xi32, #tpu.memory_space<vmem>>) target_semaphore(%run_scoped3A : memref<!tpu.dma_semaphore, #tpu.memory_space<semaphore_mem>>)
        %dma_wait3A_163 = tpu.memref_slice %arg2[%add3A_104] : memref<327680xi32, #tpu.memory_space<hbm>> -> memref<128xi32, #tpu.memory_space<hbm>>
        %dma_wait3A_164 = tpu.memref_slice %arg2[%add3A_104] : memref<327680xi32, #tpu.memory_space<hbm>> -> memref<128xi32, #tpu.memory_space<hbm>>
        tpu.wait_dma2 semaphore(%run_scoped3A : memref<!tpu.dma_semaphore, #tpu.memory_space<semaphore_mem>>) src(%dma_wait3A_164 : memref<128xi32, #tpu.memory_space<hbm>>) dst(%arg17 : memref<128xi32, #tpu.memory_space<vmem>>)
        tpu.yield
      }) : () -> ()
      %add3A_105 = arith.constant 512 : i32
      %add3A_106 = arith.addi %add3A_96, %add3A_105 : i32
      "tpu.region"() ({
        %run_scoped3A = tpu.sem_alloc : memref<!tpu.dma_semaphore, #tpu.memory_space<semaphore_mem>>
        %dma_start3A_161 = tpu.memref_slice %arg2[%add3A_106] : memref<327680xi32, #tpu.memory_space<hbm>> -> memref<128xi32, #tpu.memory_space<hbm>>
        %dma_start3A_162 = tpu.memref_slice %arg2[%add3A_106] : memref<327680xi32, #tpu.memory_space<hbm>> -> memref<128xi32, #tpu.memory_space<hbm>>
        tpu.enqueue_dma source(%dma_start3A_162 : memref<128xi32, #tpu.memory_space<hbm>>) target(%arg18 : memref<128xi32, #tpu.memory_space<vmem>>) target_semaphore(%run_scoped3A : memref<!tpu.dma_semaphore, #tpu.memory_space<semaphore_mem>>)
        %dma_wait3A_163 = tpu.memref_slice %arg2[%add3A_106] : memref<327680xi32, #tpu.memory_space<hbm>> -> memref<128xi32, #tpu.memory_space<hbm>>
        %dma_wait3A_164 = tpu.memref_slice %arg2[%add3A_106] : memref<327680xi32, #tpu.memory_space<hbm>> -> memref<128xi32, #tpu.memory_space<hbm>>
        tpu.wait_dma2 semaphore(%run_scoped3A : memref<!tpu.dma_semaphore, #tpu.memory_space<semaphore_mem>>) src(%dma_wait3A_164 : memref<128xi32, #tpu.memory_space<hbm>>) dst(%arg18 : memref<128xi32, #tpu.memory_space<vmem>>)
        tpu.yield
      }) : () -> ()
      %add3A_107 = arith.constant 640 : i32
      %add3A_108 = arith.addi %add3A_96, %add3A_107 : i32
      "tpu.region"() ({
        %run_scoped3A = tpu.sem_alloc : memref<!tpu.dma_semaphore, #tpu.memory_space<semaphore_mem>>
        %dma_start3A_161 = tpu.memref_slice %arg2[%add3A_108] : memref<327680xi32, #tpu.memory_space<hbm>> -> memref<128xi32, #tpu.memory_space<hbm>>
        %dma_start3A_162 = tpu.memref_slice %arg2[%add3A_108] : memref<327680xi32, #tpu.memory_space<hbm>> -> memref<128xi32, #tpu.memory_space<hbm>>
        tpu.enqueue_dma source(%dma_start3A_162 : memref<128xi32, #tpu.memory_space<hbm>>) target(%arg19 : memref<128xi32, #tpu.memory_space<vmem>>) target_semaphore(%run_scoped3A : memref<!tpu.dma_semaphore, #tpu.memory_space<semaphore_mem>>)
        %dma_wait3A_163 = tpu.memref_slice %arg2[%add3A_108] : memref<327680xi32, #tpu.memory_space<hbm>> -> memref<128xi32, #tpu.memory_space<hbm>>
        %dma_wait3A_164 = tpu.memref_slice %arg2[%add3A_108] : memref<327680xi32, #tpu.memory_space<hbm>> -> memref<128xi32, #tpu.memory_space<hbm>>
        tpu.wait_dma2 semaphore(%run_scoped3A : memref<!tpu.dma_semaphore, #tpu.memory_space<semaphore_mem>>) src(%dma_wait3A_164 : memref<128xi32, #tpu.memory_space<hbm>>) dst(%arg19 : memref<128xi32, #tpu.memory_space<vmem>>)
        tpu.yield
      }) : () -> ()
      %add3A_109 = arith.constant 768 : i32
      %add3A_110 = arith.addi %add3A_96, %add3A_109 : i32
      "tpu.region"() ({
        %run_scoped3A = tpu.sem_alloc : memref<!tpu.dma_semaphore, #tpu.memory_space<semaphore_mem>>
        %dma_start3A_161 = tpu.memref_slice %arg2[%add3A_110] : memref<327680xi32, #tpu.memory_space<hbm>> -> memref<128xi32, #tpu.memory_space<hbm>>
        %dma_start3A_162 = tpu.memref_slice %arg2[%add3A_110] : memref<327680xi32, #tpu.memory_space<hbm>> -> memref<128xi32, #tpu.memory_space<hbm>>
        tpu.enqueue_dma source(%dma_start3A_162 : memref<128xi32, #tpu.memory_space<hbm>>) target(%arg20 : memref<128xi32, #tpu.memory_space<vmem>>) target_semaphore(%run_scoped3A : memref<!tpu.dma_semaphore, #tpu.memory_space<semaphore_mem>>)
        %dma_wait3A_163 = tpu.memref_slice %arg2[%add3A_110] : memref<327680xi32, #tpu.memory_space<hbm>> -> memref<128xi32, #tpu.memory_space<hbm>>
        %dma_wait3A_164 = tpu.memref_slice %arg2[%add3A_110] : memref<327680xi32, #tpu.memory_space<hbm>> -> memref<128xi32, #tpu.memory_space<hbm>>
        tpu.wait_dma2 semaphore(%run_scoped3A : memref<!tpu.dma_semaphore, #tpu.memory_space<semaphore_mem>>) src(%dma_wait3A_164 : memref<128xi32, #tpu.memory_space<hbm>>) dst(%arg20 : memref<128xi32, #tpu.memory_space<vmem>>)
        tpu.yield
      }) : () -> ()
      %add3A_111 = arith.constant 896 : i32
      %add3A_112 = arith.addi %add3A_96, %add3A_111 : i32
      "tpu.region"() ({
        %run_scoped3A = tpu.sem_alloc : memref<!tpu.dma_semaphore, #tpu.memory_space<semaphore_mem>>
        %dma_start3A_161 = tpu.memref_slice %arg2[%add3A_112] : memref<327680xi32, #tpu.memory_space<hbm>> -> memref<128xi32, #tpu.memory_space<hbm>>
        %dma_start3A_162 = tpu.memref_slice %arg2[%add3A_112] : memref<327680xi32, #tpu.memory_space<hbm>> -> memref<128xi32, #tpu.memory_space<hbm>>
        tpu.enqueue_dma source(%dma_start3A_162 : memref<128xi32, #tpu.memory_space<hbm>>) target(%arg21 : memref<128xi32, #tpu.memory_space<vmem>>) target_semaphore(%run_scoped3A : memref<!tpu.dma_semaphore, #tpu.memory_space<semaphore_mem>>)
        %dma_wait3A_163 = tpu.memref_slice %arg2[%add3A_112] : memref<327680xi32, #tpu.memory_space<hbm>> -> memref<128xi32, #tpu.memory_space<hbm>>
        %dma_wait3A_164 = tpu.memref_slice %arg2[%add3A_112] : memref<327680xi32, #tpu.memory_space<hbm>> -> memref<128xi32, #tpu.memory_space<hbm>>
        tpu.wait_dma2 semaphore(%run_scoped3A : memref<!tpu.dma_semaphore, #tpu.memory_space<semaphore_mem>>) src(%dma_wait3A_164 : memref<128xi32, #tpu.memory_space<hbm>>) dst(%arg21 : memref<128xi32, #tpu.memory_space<vmem>>)
        tpu.yield
      }) : () -> ()
      %dma_wait3A_113 = arith.constant 0 : i32
      %dma_wait3A_114 = arith.constant 0 : i32
      %dma_wait3A_115 = tpu.memref_slice %arg24[%dma_wait3A_113, %dma_wait3A_114] : memref<10240x1xf32, #tpu.memory_space<vmem_shared>> -> memref<10240x1xf32, #tpu.memory_space<vmem_shared>>
      tpu.wait_indirect_dma semaphore(%arg25 : memref<!tpu.dma_semaphore, #tpu.memory_space<semaphore_mem>>) src(%arg22 : memref<128x1xf32, #tpu.memory_space<vmem>>) dst(%dma_wait3A_115 : memref<10240x1xf32, #tpu.memory_space<vmem_shared>>)
      %dma_wait3A_116 = arith.constant 0 : i32
      %dma_wait3A_117 = arith.constant 0 : i32
      %dma_wait3A_118 = tpu.memref_slice %arg24[%dma_wait3A_116, %dma_wait3A_117] : memref<10240x1xf32, #tpu.memory_space<vmem_shared>> -> memref<10240x1xf32, #tpu.memory_space<vmem_shared>>
      tpu.wait_indirect_dma semaphore(%arg25 : memref<!tpu.dma_semaphore, #tpu.memory_space<semaphore_mem>>) src(%arg22 : memref<128x1xf32, #tpu.memory_space<vmem>>) dst(%dma_wait3A_118 : memref<10240x1xf32, #tpu.memory_space<vmem_shared>>)
      %dma_wait3A_119 = arith.constant 0 : i32
      %dma_wait3A_120 = arith.constant 0 : i32
      %dma_wait3A_121 = tpu.memref_slice %arg24[%dma_wait3A_119, %dma_wait3A_120] : memref<10240x1xf32, #tpu.memory_space<vmem_shared>> -> memref<10240x1xf32, #tpu.memory_space<vmem_shared>>
      tpu.wait_indirect_dma semaphore(%arg25 : memref<!tpu.dma_semaphore, #tpu.memory_space<semaphore_mem>>) src(%arg22 : memref<128x1xf32, #tpu.memory_space<vmem>>) dst(%dma_wait3A_121 : memref<10240x1xf32, #tpu.memory_space<vmem_shared>>)
      %dma_wait3A_122 = arith.constant 0 : i32
      %dma_wait3A_123 = arith.constant 0 : i32
      %dma_wait3A_124 = tpu.memref_slice %arg24[%dma_wait3A_122, %dma_wait3A_123] : memref<10240x1xf32, #tpu.memory_space<vmem_shared>> -> memref<10240x1xf32, #tpu.memory_space<vmem_shared>>
      tpu.wait_indirect_dma semaphore(%arg25 : memref<!tpu.dma_semaphore, #tpu.memory_space<semaphore_mem>>) src(%arg22 : memref<128x1xf32, #tpu.memory_space<vmem>>) dst(%dma_wait3A_124 : memref<10240x1xf32, #tpu.memory_space<vmem_shared>>)
      %dma_wait3A_125 = arith.constant 0 : i32
      %dma_wait3A_126 = arith.constant 0 : i32
      %dma_wait3A_127 = tpu.memref_slice %arg24[%dma_wait3A_125, %dma_wait3A_126] : memref<10240x1xf32, #tpu.memory_space<vmem_shared>> -> memref<10240x1xf32, #tpu.memory_space<vmem_shared>>
      tpu.wait_indirect_dma semaphore(%arg25 : memref<!tpu.dma_semaphore, #tpu.memory_space<semaphore_mem>>) src(%arg22 : memref<128x1xf32, #tpu.memory_space<vmem>>) dst(%dma_wait3A_127 : memref<10240x1xf32, #tpu.memory_space<vmem_shared>>)
      %dma_wait3A_128 = arith.constant 0 : i32
      %dma_wait3A_129 = arith.constant 0 : i32
      %dma_wait3A_130 = tpu.memref_slice %arg24[%dma_wait3A_128, %dma_wait3A_129] : memref<10240x1xf32, #tpu.memory_space<vmem_shared>> -> memref<10240x1xf32, #tpu.memory_space<vmem_shared>>
      tpu.wait_indirect_dma semaphore(%arg25 : memref<!tpu.dma_semaphore, #tpu.memory_space<semaphore_mem>>) src(%arg22 : memref<128x1xf32, #tpu.memory_space<vmem>>) dst(%dma_wait3A_130 : memref<10240x1xf32, #tpu.memory_space<vmem_shared>>)
      %dma_wait3A_131 = arith.constant 0 : i32
      %dma_wait3A_132 = arith.constant 0 : i32
      %dma_wait3A_133 = tpu.memref_slice %arg24[%dma_wait3A_131, %dma_wait3A_132] : memref<10240x1xf32, #tpu.memory_space<vmem_shared>> -> memref<10240x1xf32, #tpu.memory_space<vmem_shared>>
      tpu.wait_indirect_dma semaphore(%arg25 : memref<!tpu.dma_semaphore, #tpu.memory_space<semaphore_mem>>) src(%arg22 : memref<128x1xf32, #tpu.memory_space<vmem>>) dst(%dma_wait3A_133 : memref<10240x1xf32, #tpu.memory_space<vmem_shared>>)
      %dma_wait3A_134 = arith.constant 0 : i32
      %dma_wait3A_135 = arith.constant 0 : i32
      %dma_wait3A_136 = tpu.memref_slice %arg24[%dma_wait3A_134, %dma_wait3A_135] : memref<10240x1xf32, #tpu.memory_space<vmem_shared>> -> memref<10240x1xf32, #tpu.memory_space<vmem_shared>>
      tpu.wait_indirect_dma semaphore(%arg25 : memref<!tpu.dma_semaphore, #tpu.memory_space<semaphore_mem>>) src(%arg22 : memref<128x1xf32, #tpu.memory_space<vmem>>) dst(%dma_wait3A_136 : memref<10240x1xf32, #tpu.memory_space<vmem_shared>>)
      %dma_start3A_137 = arith.constant 0 : i32
      %dma_start3A_138 = arith.constant 0 : i32
      %dma_start3A_139 = tpu.memref_slice %arg24[%dma_start3A_137, %dma_start3A_138] : memref<10240x1xf32, #tpu.memory_space<vmem_shared>> -> memref<10240x1xf32, #tpu.memory_space<vmem_shared>>
      tpu.enqueue_indirect_dma source(%arg22 : memref<128x1xf32, #tpu.memory_space<vmem>>) target(%dma_start3A_139 : memref<10240x1xf32, #tpu.memory_space<vmem_shared>>) offsets(%arg14 : memref<128xi32, #tpu.memory_space<vmem>>) semaphore(%arg26 : memref<!tpu.dma_semaphore, #tpu.memory_space<semaphore_mem>>) {add = true}
      %dma_start3A_140 = arith.constant 0 : i32
      %dma_start3A_141 = arith.constant 0 : i32
      %dma_start3A_142 = tpu.memref_slice %arg24[%dma_start3A_140, %dma_start3A_141] : memref<10240x1xf32, #tpu.memory_space<vmem_shared>> -> memref<10240x1xf32, #tpu.memory_space<vmem_shared>>
      tpu.enqueue_indirect_dma source(%arg22 : memref<128x1xf32, #tpu.memory_space<vmem>>) target(%dma_start3A_142 : memref<10240x1xf32, #tpu.memory_space<vmem_shared>>) offsets(%arg15 : memref<128xi32, #tpu.memory_space<vmem>>) semaphore(%arg26 : memref<!tpu.dma_semaphore, #tpu.memory_space<semaphore_mem>>) {add = true}
      %dma_start3A_143 = arith.constant 0 : i32
      %dma_start3A_144 = arith.constant 0 : i32
      %dma_start3A_145 = tpu.memref_slice %arg24[%dma_start3A_143, %dma_start3A_144] : memref<10240x1xf32, #tpu.memory_space<vmem_shared>> -> memref<10240x1xf32, #tpu.memory_space<vmem_shared>>
      tpu.enqueue_indirect_dma source(%arg22 : memref<128x1xf32, #tpu.memory_space<vmem>>) target(%dma_start3A_145 : memref<10240x1xf32, #tpu.memory_space<vmem_shared>>) offsets(%arg16 : memref<128xi32, #tpu.memory_space<vmem>>) semaphore(%arg26 : memref<!tpu.dma_semaphore, #tpu.memory_space<semaphore_mem>>) {add = true}
      %dma_start3A_146 = arith.constant 0 : i32
      %dma_start3A_147 = arith.constant 0 : i32
      %dma_start3A_148 = tpu.memref_slice %arg24[%dma_start3A_146, %dma_start3A_147] : memref<10240x1xf32, #tpu.memory_space<vmem_shared>> -> memref<10240x1xf32, #tpu.memory_space<vmem_shared>>
      tpu.enqueue_indirect_dma source(%arg22 : memref<128x1xf32, #tpu.memory_space<vmem>>) target(%dma_start3A_148 : memref<10240x1xf32, #tpu.memory_space<vmem_shared>>) offsets(%arg17 : memref<128xi32, #tpu.memory_space<vmem>>) semaphore(%arg26 : memref<!tpu.dma_semaphore, #tpu.memory_space<semaphore_mem>>) {add = true}
      %dma_start3A_149 = arith.constant 0 : i32
      %dma_start3A_150 = arith.constant 0 : i32
      %dma_start3A_151 = tpu.memref_slice %arg24[%dma_start3A_149, %dma_start3A_150] : memref<10240x1xf32, #tpu.memory_space<vmem_shared>> -> memref<10240x1xf32, #tpu.memory_space<vmem_shared>>
      tpu.enqueue_indirect_dma source(%arg22 : memref<128x1xf32, #tpu.memory_space<vmem>>) target(%dma_start3A_151 : memref<10240x1xf32, #tpu.memory_space<vmem_shared>>) offsets(%arg18 : memref<128xi32, #tpu.memory_space<vmem>>) semaphore(%arg26 : memref<!tpu.dma_semaphore, #tpu.memory_space<semaphore_mem>>) {add = true}
      %dma_start3A_152 = arith.constant 0 : i32
      %dma_start3A_153 = arith.constant 0 : i32
      %dma_start3A_154 = tpu.memref_slice %arg24[%dma_start3A_152, %dma_start3A_153] : memref<10240x1xf32, #tpu.memory_space<vmem_shared>> -> memref<10240x1xf32, #tpu.memory_space<vmem_shared>>
      tpu.enqueue_indirect_dma source(%arg22 : memref<128x1xf32, #tpu.memory_space<vmem>>) target(%dma_start3A_154 : memref<10240x1xf32, #tpu.memory_space<vmem_shared>>) offsets(%arg19 : memref<128xi32, #tpu.memory_space<vmem>>) semaphore(%arg26 : memref<!tpu.dma_semaphore, #tpu.memory_space<semaphore_mem>>) {add = true}
      %dma_start3A_155 = arith.constant 0 : i32
      %dma_start3A_156 = arith.constant 0 : i32
      %dma_start3A_157 = tpu.memref_slice %arg24[%dma_start3A_155, %dma_start3A_156] : memref<10240x1xf32, #tpu.memory_space<vmem_shared>> -> memref<10240x1xf32, #tpu.memory_space<vmem_shared>>
      tpu.enqueue_indirect_dma source(%arg22 : memref<128x1xf32, #tpu.memory_space<vmem>>) target(%dma_start3A_157 : memref<10240x1xf32, #tpu.memory_space<vmem_shared>>) offsets(%arg20 : memref<128xi32, #tpu.memory_space<vmem>>) semaphore(%arg26 : memref<!tpu.dma_semaphore, #tpu.memory_space<semaphore_mem>>) {add = true}
      %dma_start3A_158 = arith.constant 0 : i32
      %dma_start3A_159 = arith.constant 0 : i32
      %dma_start3A_160 = tpu.memref_slice %arg24[%dma_start3A_158, %dma_start3A_159] : memref<10240x1xf32, #tpu.memory_space<vmem_shared>> -> memref<10240x1xf32, #tpu.memory_space<vmem_shared>>
      tpu.enqueue_indirect_dma source(%arg22 : memref<128x1xf32, #tpu.memory_space<vmem>>) target(%dma_start3A_160 : memref<10240x1xf32, #tpu.memory_space<vmem_shared>>) offsets(%arg21 : memref<128xi32, #tpu.memory_space<vmem>>) semaphore(%arg26 : memref<!tpu.dma_semaphore, #tpu.memory_space<semaphore_mem>>) {add = true}
    }
    %scan3A_6 = arith.constant 5 : i32
    %dma_wait3A = arith.constant 0 : i32
    %dma_wait3A_7 = arith.constant 0 : i32
    %dma_wait3A_8 = tpu.memref_slice %arg24[%dma_wait3A, %dma_wait3A_7] : memref<10240x1xf32, #tpu.memory_space<vmem_shared>> -> memref<10240x1xf32, #tpu.memory_space<vmem_shared>>
    tpu.wait_indirect_dma semaphore(%arg26 : memref<!tpu.dma_semaphore, #tpu.memory_space<semaphore_mem>>) src(%arg22 : memref<128x1xf32, #tpu.memory_space<vmem>>) dst(%dma_wait3A_8 : memref<10240x1xf32, #tpu.memory_space<vmem_shared>>)
    %dma_wait3A_9 = arith.constant 0 : i32
    %dma_wait3A_10 = arith.constant 0 : i32
    %dma_wait3A_11 = tpu.memref_slice %arg24[%dma_wait3A_9, %dma_wait3A_10] : memref<10240x1xf32, #tpu.memory_space<vmem_shared>> -> memref<10240x1xf32, #tpu.memory_space<vmem_shared>>
    tpu.wait_indirect_dma semaphore(%arg26 : memref<!tpu.dma_semaphore, #tpu.memory_space<semaphore_mem>>) src(%arg22 : memref<128x1xf32, #tpu.memory_space<vmem>>) dst(%dma_wait3A_11 : memref<10240x1xf32, #tpu.memory_space<vmem_shared>>)
    %dma_wait3A_12 = arith.constant 0 : i32
    %dma_wait3A_13 = arith.constant 0 : i32
    %dma_wait3A_14 = tpu.memref_slice %arg24[%dma_wait3A_12, %dma_wait3A_13] : memref<10240x1xf32, #tpu.memory_space<vmem_shared>> -> memref<10240x1xf32, #tpu.memory_space<vmem_shared>>
    tpu.wait_indirect_dma semaphore(%arg26 : memref<!tpu.dma_semaphore, #tpu.memory_space<semaphore_mem>>) src(%arg22 : memref<128x1xf32, #tpu.memory_space<vmem>>) dst(%dma_wait3A_14 : memref<10240x1xf32, #tpu.memory_space<vmem_shared>>)
    %dma_wait3A_15 = arith.constant 0 : i32
    %dma_wait3A_16 = arith.constant 0 : i32
    %dma_wait3A_17 = tpu.memref_slice %arg24[%dma_wait3A_15, %dma_wait3A_16] : memref<10240x1xf32, #tpu.memory_space<vmem_shared>> -> memref<10240x1xf32, #tpu.memory_space<vmem_shared>>
    tpu.wait_indirect_dma semaphore(%arg26 : memref<!tpu.dma_semaphore, #tpu.memory_space<semaphore_mem>>) src(%arg22 : memref<128x1xf32, #tpu.memory_space<vmem>>) dst(%dma_wait3A_17 : memref<10240x1xf32, #tpu.memory_space<vmem_shared>>)
    %dma_wait3A_18 = arith.constant 0 : i32
    %dma_wait3A_19 = arith.constant 0 : i32
    %dma_wait3A_20 = tpu.memref_slice %arg24[%dma_wait3A_18, %dma_wait3A_19] : memref<10240x1xf32, #tpu.memory_space<vmem_shared>> -> memref<10240x1xf32, #tpu.memory_space<vmem_shared>>
    tpu.wait_indirect_dma semaphore(%arg26 : memref<!tpu.dma_semaphore, #tpu.memory_space<semaphore_mem>>) src(%arg22 : memref<128x1xf32, #tpu.memory_space<vmem>>) dst(%dma_wait3A_20 : memref<10240x1xf32, #tpu.memory_space<vmem_shared>>)
    %dma_wait3A_21 = arith.constant 0 : i32
    %dma_wait3A_22 = arith.constant 0 : i32
    %dma_wait3A_23 = tpu.memref_slice %arg24[%dma_wait3A_21, %dma_wait3A_22] : memref<10240x1xf32, #tpu.memory_space<vmem_shared>> -> memref<10240x1xf32, #tpu.memory_space<vmem_shared>>
    tpu.wait_indirect_dma semaphore(%arg26 : memref<!tpu.dma_semaphore, #tpu.memory_space<semaphore_mem>>) src(%arg22 : memref<128x1xf32, #tpu.memory_space<vmem>>) dst(%dma_wait3A_23 : memref<10240x1xf32, #tpu.memory_space<vmem_shared>>)
    %dma_wait3A_24 = arith.constant 0 : i32
    %dma_wait3A_25 = arith.constant 0 : i32
    %dma_wait3A_26 = tpu.memref_slice %arg24[%dma_wait3A_24, %dma_wait3A_25] : memref<10240x1xf32, #tpu.memory_space<vmem_shared>> -> memref<10240x1xf32, #tpu.memory_space<vmem_shared>>
    tpu.wait_indirect_dma semaphore(%arg26 : memref<!tpu.dma_semaphore, #tpu.memory_space<semaphore_mem>>) src(%arg22 : memref<128x1xf32, #tpu.memory_space<vmem>>) dst(%dma_wait3A_26 : memref<10240x1xf32, #tpu.memory_space<vmem_shared>>)
    %dma_wait3A_27 = arith.constant 0 : i32
    %dma_wait3A_28 = arith.constant 0 : i32
    %dma_wait3A_29 = tpu.memref_slice %arg24[%dma_wait3A_27, %dma_wait3A_28] : memref<10240x1xf32, #tpu.memory_space<vmem_shared>> -> memref<10240x1xf32, #tpu.memory_space<vmem_shared>>
    tpu.wait_indirect_dma semaphore(%arg26 : memref<!tpu.dma_semaphore, #tpu.memory_space<semaphore_mem>>) src(%arg22 : memref<128x1xf32, #tpu.memory_space<vmem>>) dst(%dma_wait3A_29 : memref<10240x1xf32, #tpu.memory_space<vmem_shared>>)
    %barrier3A_30 = arith.constant 0 : index
    tpu.barrier barrier_id(%barrier3A_30)
    %mul3A_31 = arith.constant 640 : i32
    %mul3A_32 = arith.muli %arg1, %mul3A_31 : i32
    %mul3A_33 = arith.constant 640 : i32
    %mul3A_34 = arith.muli %arg1, %mul3A_33 : i32
    "tpu.region"() ({
      %run_scoped3A = tpu.sem_alloc : memref<!tpu.dma_semaphore, #tpu.memory_space<semaphore_mem>>
      %dma_start3A = arith.constant 0 : i32
      %dma_start3A_35 = tpu.memref_slice %arg5[%arg0, %mul3A_34, %dma_start3A] : memref<2x10240x1xf32, #tpu.memory_space<hbm>> -> memref<1x640x1xf32, #tpu.memory_space<hbm>>
      %dma_start3A_36 = tpu.memref_squeeze %dma_start3A_35 : memref<1x640x1xf32, #tpu.memory_space<hbm>> -> memref<640x1xf32, #tpu.memory_space<hbm>>
      %dma_start3A_37 = arith.constant 0 : i32
      %dma_start3A_38 = tpu.memref_slice %arg24[%mul3A_32, %dma_start3A_37] : memref<10240x1xf32, #tpu.memory_space<vmem_shared>> -> memref<640x1xf32, #tpu.memory_space<vmem_shared>>
      tpu.enqueue_dma source(%dma_start3A_38 : memref<640x1xf32, #tpu.memory_space<vmem_shared>>) target(%dma_start3A_36 : memref<640x1xf32, #tpu.memory_space<hbm>>) target_semaphore(%run_scoped3A : memref<!tpu.dma_semaphore, #tpu.memory_space<semaphore_mem>>)
      %dma_wait3A_39 = arith.constant 0 : i32
      %dma_wait3A_40 = tpu.memref_slice %arg5[%arg0, %mul3A_34, %dma_wait3A_39] : memref<2x10240x1xf32, #tpu.memory_space<hbm>> -> memref<1x640x1xf32, #tpu.memory_space<hbm>>
      %dma_wait3A_41 = tpu.memref_squeeze %dma_wait3A_40 : memref<1x640x1xf32, #tpu.memory_space<hbm>> -> memref<640x1xf32, #tpu.memory_space<hbm>>
      %dma_wait3A_42 = arith.constant 0 : i32
      %dma_wait3A_43 = tpu.memref_slice %arg24[%mul3A_32, %dma_wait3A_42] : memref<10240x1xf32, #tpu.memory_space<vmem_shared>> -> memref<640x1xf32, #tpu.memory_space<vmem_shared>>
      tpu.wait_dma2 semaphore(%run_scoped3A : memref<!tpu.dma_semaphore, #tpu.memory_space<semaphore_mem>>) src(%dma_wait3A_43 : memref<640x1xf32, #tpu.memory_space<vmem_shared>>) dst(%dma_wait3A_41 : memref<640x1xf32, #tpu.memory_space<hbm>>)
      tpu.yield
    }) : () -> ()
    return
  }
}

#map = affine_map<(d0, d1) -> (0, 0)>
#map1 = affine_map<(d0, d1) -> (0)>
#map2 = affine_map<(d0, d1) -> (0, 0, 0)>
module attributes {stable_mosaic.version = 14 : i64} {
  func.func @body(%arg0: i32, %arg1: i32, %arg2: memref<10240x16xf32, #tpu.memory_space<hbm>>, %arg3: memref<327680xi32, #tpu.memory_space<hbm>>, %arg4: memref<327680xi32, #tpu.memory_space<hbm>>, %arg5: memref<640x16xf32, #tpu.memory_space<hbm>>, %arg6: memref<2x10240x16xf32, #tpu.memory_space<hbm>>, %arg7: memref<128xi32, #tpu.memory_space<vmem>>, %arg8: memref<128xi32, #tpu.memory_space<vmem>>, %arg9: memref<128xi32, #tpu.memory_space<vmem>>, %arg10: memref<128xi32, #tpu.memory_space<vmem>>, %arg11: memref<128xi32, #tpu.memory_space<vmem>>, %arg12: memref<128xi32, #tpu.memory_space<vmem>>, %arg13: memref<128xi32, #tpu.memory_space<vmem>>, %arg14: memref<128xi32, #tpu.memory_space<vmem>>, %arg15: memref<128xi32, #tpu.memory_space<vmem>>, %arg16: memref<128xi32, #tpu.memory_space<vmem>>, %arg17: memref<128xi32, #tpu.memory_space<vmem>>, %arg18: memref<128xi32, #tpu.memory_space<vmem>>, %arg19: memref<128xi32, #tpu.memory_space<vmem>>, %arg20: memref<128xi32, #tpu.memory_space<vmem>>, %arg21: memref<128xi32, #tpu.memory_space<vmem>>, %arg22: memref<128xi32, #tpu.memory_space<vmem>>, %arg23: memref<128xi32, #tpu.memory_space<vmem>>, %arg24: memref<128xi32, #tpu.memory_space<vmem>>, %arg25: memref<128xi32, #tpu.memory_space<vmem>>, %arg26: memref<128xi32, #tpu.memory_space<vmem>>, %arg27: memref<128xi32, #tpu.memory_space<vmem>>, %arg28: memref<128xi32, #tpu.memory_space<vmem>>, %arg29: memref<128xi32, #tpu.memory_space<vmem>>, %arg30: memref<128xi32, #tpu.memory_space<vmem>>, %arg31: memref<128xi32, #tpu.memory_space<vmem>>, %arg32: memref<128xi32, #tpu.memory_space<vmem>>, %arg33: memref<128xi32, #tpu.memory_space<vmem>>, %arg34: memref<128xi32, #tpu.memory_space<vmem>>, %arg35: memref<128xi32, #tpu.memory_space<vmem>>, %arg36: memref<128xi32, #tpu.memory_space<vmem>>, %arg37: memref<128xi32, #tpu.memory_space<vmem>>, %arg38: memref<128xi32, #tpu.memory_space<vmem>>, %arg39: memref<128x16xf32, #tpu.memory_space<vmem>>, %arg40: memref<128x16xf32, #tpu.memory_space<vmem>>, %arg41: memref<128x16xf32, #tpu.memory_space<vmem>>, %arg42: memref<128x16xf32, #tpu.memory_space<vmem>>, %arg43: memref<128x16xf32, #tpu.memory_space<vmem>>, %arg44: memref<128x16xf32, #tpu.memory_space<vmem>>, %arg45: memref<128x16xf32, #tpu.memory_space<vmem>>, %arg46: memref<128x16xf32, #tpu.memory_space<vmem>>, %arg47: memref<128x16xf32, #tpu.memory_space<vmem>>, %arg48: memref<128x16xf32, #tpu.memory_space<vmem>>, %arg49: memref<128x16xf32, #tpu.memory_space<vmem>>, %arg50: memref<128x16xf32, #tpu.memory_space<vmem>>, %arg51: memref<128x16xf32, #tpu.memory_space<vmem>>, %arg52: memref<128x16xf32, #tpu.memory_space<vmem>>, %arg53: memref<128x16xf32, #tpu.memory_space<vmem>>, %arg54: memref<128x16xf32, #tpu.memory_space<vmem>>, %arg55: memref<640x16xf32, #tpu.memory_space<vmem>>, %arg56: memref<10240x16xf32, #tpu.memory_space<vmem_shared>>, %arg57: memref<!tpu.dma_semaphore, #tpu.memory_space<semaphore_mem>>, %arg58: memref<!tpu.dma_semaphore, #tpu.memory_space<semaphore_mem>>, %arg59: memref<!tpu.dma_semaphore, #tpu.memory_space<semaphore_mem>>) attributes {dimension_semantics = [#tpu.dimension_semantics<core_parallel>, #tpu.dimension_semantics<subcore_parallel>], iteration_bounds = array<i64: 2, 16>, scalar_prefetch = 0 : i64, scratch_operands = 53 : i64, tpu.core_type = #tpu.core_type<sc_vector_subcore>, window_params = [{transform_indices = #map}, {transform_indices = #map1}, {transform_indices = #map1}, {transform_indices = #map}, {transform_indices = #map2}]} {
    %mul3A = arith.constant 2 : i32
    %mul3A_0 = arith.muli %arg1, %mul3A : i32
    %add3A = arith.addi %mul3A_0, %arg0 : i32
    "tpu.region"() ({
      %run_scoped3A = tpu.sem_alloc : memref<!tpu.dma_semaphore, #tpu.memory_space<semaphore_mem>>
      tpu.enqueue_dma source(%arg5 : memref<640x16xf32, #tpu.memory_space<hbm>>) target(%arg55 : memref<640x16xf32, #tpu.memory_space<vmem>>) target_semaphore(%run_scoped3A : memref<!tpu.dma_semaphore, #tpu.memory_space<semaphore_mem>>)
      tpu.wait_dma2 semaphore(%run_scoped3A : memref<!tpu.dma_semaphore, #tpu.memory_space<semaphore_mem>>) src(%arg5 : memref<640x16xf32, #tpu.memory_space<hbm>>) dst(%arg55 : memref<640x16xf32, #tpu.memory_space<vmem>>)
      tpu.yield
    }) : () -> ()
    %mul3A_1 = arith.constant 640 : i32
    %mul3A_2 = arith.muli %arg1, %mul3A_1 : i32
    "tpu.region"() ({
      %run_scoped3A = tpu.sem_alloc : memref<!tpu.dma_semaphore, #tpu.memory_space<semaphore_mem>>
      %dma_start3A = arith.constant 0 : i32
      %dma_start3A_35 = tpu.memref_slice %arg56[%mul3A_2, %dma_start3A] : memref<10240x16xf32, #tpu.memory_space<vmem_shared>> -> memref<640x16xf32, #tpu.memory_space<vmem_shared>>
      %dma_start3A_36 = arith.constant 0 : i32
      %dma_start3A_37 = tpu.memref_slice %arg56[%mul3A_2, %dma_start3A_36] : memref<10240x16xf32, #tpu.memory_space<vmem_shared>> -> memref<640x16xf32, #tpu.memory_space<vmem_shared>>
      tpu.enqueue_dma source(%arg55 : memref<640x16xf32, #tpu.memory_space<vmem>>) target(%dma_start3A_37 : memref<640x16xf32, #tpu.memory_space<vmem_shared>>) target_semaphore(%run_scoped3A : memref<!tpu.dma_semaphore, #tpu.memory_space<semaphore_mem>>)
      %dma_wait3A_38 = arith.constant 0 : i32
      %dma_wait3A_39 = tpu.memref_slice %arg56[%mul3A_2, %dma_wait3A_38] : memref<10240x16xf32, #tpu.memory_space<vmem_shared>> -> memref<640x16xf32, #tpu.memory_space<vmem_shared>>
      %dma_wait3A_40 = arith.constant 0 : i32
      %dma_wait3A_41 = tpu.memref_slice %arg56[%mul3A_2, %dma_wait3A_40] : memref<10240x16xf32, #tpu.memory_space<vmem_shared>> -> memref<640x16xf32, #tpu.memory_space<vmem_shared>>
      tpu.wait_dma2 semaphore(%run_scoped3A : memref<!tpu.dma_semaphore, #tpu.memory_space<semaphore_mem>>) src(%arg55 : memref<640x16xf32, #tpu.memory_space<vmem>>) dst(%dma_wait3A_41 : memref<640x16xf32, #tpu.memory_space<vmem_shared>>)
      tpu.yield
    }) : () -> ()
    %barrier3A = arith.constant 0 : index
    tpu.barrier barrier_id(%barrier3A)
    %scan3A = arith.constant 0 : i32
    %scan3A_3 = arith.constant 5 : i32
    %scan3A_4 = arith.addi %scan3A, %scan3A_3 : i32
    %scan3A_5 = arith.constant 1 : i32
    scf.for %scan3A_35 = %scan3A to %scan3A_4 step %scan3A_5  : i32 {
      %mul3A_36 = arith.constant 1 : i32
      %mul3A_37 = arith.muli %scan3A_35, %mul3A_36 : i32
      %add3A_38 = arith.constant 0 : i32
      %add3A_39 = arith.addi %add3A_38, %mul3A_37 : i32
      %mul3A_40 = arith.constant 2 : i32
      %mul3A_41 = arith.muli %mul3A_40, %add3A_39 : i32
      %mul3A_42 = arith.constant 10240 : i32
      %mul3A_43 = arith.muli %add3A, %mul3A_42 : i32
      %mul3A_44 = arith.constant 1024 : i32
      %mul3A_45 = arith.muli %mul3A_41, %mul3A_44 : i32
      %add3A_46 = arith.addi %mul3A_43, %mul3A_45 : i32
      %add3A_47 = arith.constant 0 : i32
      %add3A_48 = arith.addi %add3A_46, %add3A_47 : i32
      "tpu.region"() ({
        %run_scoped3A = tpu.sem_alloc : memref<!tpu.dma_semaphore, #tpu.memory_space<semaphore_mem>>
        %dma_start3A_289 = tpu.memref_slice %arg3[%add3A_48] : memref<327680xi32, #tpu.memory_space<hbm>> -> memref<128xi32, #tpu.memory_space<hbm>>
        %dma_start3A_290 = tpu.memref_slice %arg3[%add3A_48] : memref<327680xi32, #tpu.memory_space<hbm>> -> memref<128xi32, #tpu.memory_space<hbm>>
        tpu.enqueue_dma source(%dma_start3A_290 : memref<128xi32, #tpu.memory_space<hbm>>) target(%arg7 : memref<128xi32, #tpu.memory_space<vmem>>) target_semaphore(%run_scoped3A : memref<!tpu.dma_semaphore, #tpu.memory_space<semaphore_mem>>)
        %dma_wait3A_291 = tpu.memref_slice %arg3[%add3A_48] : memref<327680xi32, #tpu.memory_space<hbm>> -> memref<128xi32, #tpu.memory_space<hbm>>
        %dma_wait3A_292 = tpu.memref_slice %arg3[%add3A_48] : memref<327680xi32, #tpu.memory_space<hbm>> -> memref<128xi32, #tpu.memory_space<hbm>>
        tpu.wait_dma2 semaphore(%run_scoped3A : memref<!tpu.dma_semaphore, #tpu.memory_space<semaphore_mem>>) src(%dma_wait3A_292 : memref<128xi32, #tpu.memory_space<hbm>>) dst(%arg7 : memref<128xi32, #tpu.memory_space<vmem>>)
        tpu.yield
      }) : () -> ()
      %add3A_49 = arith.constant 128 : i32
      %add3A_50 = arith.addi %add3A_46, %add3A_49 : i32
      "tpu.region"() ({
        %run_scoped3A = tpu.sem_alloc : memref<!tpu.dma_semaphore, #tpu.memory_space<semaphore_mem>>
        %dma_start3A_289 = tpu.memref_slice %arg3[%add3A_50] : memref<327680xi32, #tpu.memory_space<hbm>> -> memref<128xi32, #tpu.memory_space<hbm>>
        %dma_start3A_290 = tpu.memref_slice %arg3[%add3A_50] : memref<327680xi32, #tpu.memory_space<hbm>> -> memref<128xi32, #tpu.memory_space<hbm>>
        tpu.enqueue_dma source(%dma_start3A_290 : memref<128xi32, #tpu.memory_space<hbm>>) target(%arg8 : memref<128xi32, #tpu.memory_space<vmem>>) target_semaphore(%run_scoped3A : memref<!tpu.dma_semaphore, #tpu.memory_space<semaphore_mem>>)
        %dma_wait3A_291 = tpu.memref_slice %arg3[%add3A_50] : memref<327680xi32, #tpu.memory_space<hbm>> -> memref<128xi32, #tpu.memory_space<hbm>>
        %dma_wait3A_292 = tpu.memref_slice %arg3[%add3A_50] : memref<327680xi32, #tpu.memory_space<hbm>> -> memref<128xi32, #tpu.memory_space<hbm>>
        tpu.wait_dma2 semaphore(%run_scoped3A : memref<!tpu.dma_semaphore, #tpu.memory_space<semaphore_mem>>) src(%dma_wait3A_292 : memref<128xi32, #tpu.memory_space<hbm>>) dst(%arg8 : memref<128xi32, #tpu.memory_space<vmem>>)
        tpu.yield
      }) : () -> ()
      %add3A_51 = arith.constant 256 : i32
      %add3A_52 = arith.addi %add3A_46, %add3A_51 : i32
      "tpu.region"() ({
        %run_scoped3A = tpu.sem_alloc : memref<!tpu.dma_semaphore, #tpu.memory_space<semaphore_mem>>
        %dma_start3A_289 = tpu.memref_slice %arg3[%add3A_52] : memref<327680xi32, #tpu.memory_space<hbm>> -> memref<128xi32, #tpu.memory_space<hbm>>
        %dma_start3A_290 = tpu.memref_slice %arg3[%add3A_52] : memref<327680xi32, #tpu.memory_space<hbm>> -> memref<128xi32, #tpu.memory_space<hbm>>
        tpu.enqueue_dma source(%dma_start3A_290 : memref<128xi32, #tpu.memory_space<hbm>>) target(%arg9 : memref<128xi32, #tpu.memory_space<vmem>>) target_semaphore(%run_scoped3A : memref<!tpu.dma_semaphore, #tpu.memory_space<semaphore_mem>>)
        %dma_wait3A_291 = tpu.memref_slice %arg3[%add3A_52] : memref<327680xi32, #tpu.memory_space<hbm>> -> memref<128xi32, #tpu.memory_space<hbm>>
        %dma_wait3A_292 = tpu.memref_slice %arg3[%add3A_52] : memref<327680xi32, #tpu.memory_space<hbm>> -> memref<128xi32, #tpu.memory_space<hbm>>
        tpu.wait_dma2 semaphore(%run_scoped3A : memref<!tpu.dma_semaphore, #tpu.memory_space<semaphore_mem>>) src(%dma_wait3A_292 : memref<128xi32, #tpu.memory_space<hbm>>) dst(%arg9 : memref<128xi32, #tpu.memory_space<vmem>>)
        tpu.yield
      }) : () -> ()
      %add3A_53 = arith.constant 384 : i32
      %add3A_54 = arith.addi %add3A_46, %add3A_53 : i32
      "tpu.region"() ({
        %run_scoped3A = tpu.sem_alloc : memref<!tpu.dma_semaphore, #tpu.memory_space<semaphore_mem>>
        %dma_start3A_289 = tpu.memref_slice %arg3[%add3A_54] : memref<327680xi32, #tpu.memory_space<hbm>> -> memref<128xi32, #tpu.memory_space<hbm>>
        %dma_start3A_290 = tpu.memref_slice %arg3[%add3A_54] : memref<327680xi32, #tpu.memory_space<hbm>> -> memref<128xi32, #tpu.memory_space<hbm>>
        tpu.enqueue_dma source(%dma_start3A_290 : memref<128xi32, #tpu.memory_space<hbm>>) target(%arg10 : memref<128xi32, #tpu.memory_space<vmem>>) target_semaphore(%run_scoped3A : memref<!tpu.dma_semaphore, #tpu.memory_space<semaphore_mem>>)
        %dma_wait3A_291 = tpu.memref_slice %arg3[%add3A_54] : memref<327680xi32, #tpu.memory_space<hbm>> -> memref<128xi32, #tpu.memory_space<hbm>>
        %dma_wait3A_292 = tpu.memref_slice %arg3[%add3A_54] : memref<327680xi32, #tpu.memory_space<hbm>> -> memref<128xi32, #tpu.memory_space<hbm>>
        tpu.wait_dma2 semaphore(%run_scoped3A : memref<!tpu.dma_semaphore, #tpu.memory_space<semaphore_mem>>) src(%dma_wait3A_292 : memref<128xi32, #tpu.memory_space<hbm>>) dst(%arg10 : memref<128xi32, #tpu.memory_space<vmem>>)
        tpu.yield
      }) : () -> ()
      %add3A_55 = arith.constant 512 : i32
      %add3A_56 = arith.addi %add3A_46, %add3A_55 : i32
      "tpu.region"() ({
        %run_scoped3A = tpu.sem_alloc : memref<!tpu.dma_semaphore, #tpu.memory_space<semaphore_mem>>
        %dma_start3A_289 = tpu.memref_slice %arg3[%add3A_56] : memref<327680xi32, #tpu.memory_space<hbm>> -> memref<128xi32, #tpu.memory_space<hbm>>
        %dma_start3A_290 = tpu.memref_slice %arg3[%add3A_56] : memref<327680xi32, #tpu.memory_space<hbm>> -> memref<128xi32, #tpu.memory_space<hbm>>
        tpu.enqueue_dma source(%dma_start3A_290 : memref<128xi32, #tpu.memory_space<hbm>>) target(%arg11 : memref<128xi32, #tpu.memory_space<vmem>>) target_semaphore(%run_scoped3A : memref<!tpu.dma_semaphore, #tpu.memory_space<semaphore_mem>>)
        %dma_wait3A_291 = tpu.memref_slice %arg3[%add3A_56] : memref<327680xi32, #tpu.memory_space<hbm>> -> memref<128xi32, #tpu.memory_space<hbm>>
        %dma_wait3A_292 = tpu.memref_slice %arg3[%add3A_56] : memref<327680xi32, #tpu.memory_space<hbm>> -> memref<128xi32, #tpu.memory_space<hbm>>
        tpu.wait_dma2 semaphore(%run_scoped3A : memref<!tpu.dma_semaphore, #tpu.memory_space<semaphore_mem>>) src(%dma_wait3A_292 : memref<128xi32, #tpu.memory_space<hbm>>) dst(%arg11 : memref<128xi32, #tpu.memory_space<vmem>>)
        tpu.yield
      }) : () -> ()
      %add3A_57 = arith.constant 640 : i32
      %add3A_58 = arith.addi %add3A_46, %add3A_57 : i32
      "tpu.region"() ({
        %run_scoped3A = tpu.sem_alloc : memref<!tpu.dma_semaphore, #tpu.memory_space<semaphore_mem>>
        %dma_start3A_289 = tpu.memref_slice %arg3[%add3A_58] : memref<327680xi32, #tpu.memory_space<hbm>> -> memref<128xi32, #tpu.memory_space<hbm>>
        %dma_start3A_290 = tpu.memref_slice %arg3[%add3A_58] : memref<327680xi32, #tpu.memory_space<hbm>> -> memref<128xi32, #tpu.memory_space<hbm>>
        tpu.enqueue_dma source(%dma_start3A_290 : memref<128xi32, #tpu.memory_space<hbm>>) target(%arg12 : memref<128xi32, #tpu.memory_space<vmem>>) target_semaphore(%run_scoped3A : memref<!tpu.dma_semaphore, #tpu.memory_space<semaphore_mem>>)
        %dma_wait3A_291 = tpu.memref_slice %arg3[%add3A_58] : memref<327680xi32, #tpu.memory_space<hbm>> -> memref<128xi32, #tpu.memory_space<hbm>>
        %dma_wait3A_292 = tpu.memref_slice %arg3[%add3A_58] : memref<327680xi32, #tpu.memory_space<hbm>> -> memref<128xi32, #tpu.memory_space<hbm>>
        tpu.wait_dma2 semaphore(%run_scoped3A : memref<!tpu.dma_semaphore, #tpu.memory_space<semaphore_mem>>) src(%dma_wait3A_292 : memref<128xi32, #tpu.memory_space<hbm>>) dst(%arg12 : memref<128xi32, #tpu.memory_space<vmem>>)
        tpu.yield
      }) : () -> ()
      %add3A_59 = arith.constant 768 : i32
      %add3A_60 = arith.addi %add3A_46, %add3A_59 : i32
      "tpu.region"() ({
        %run_scoped3A = tpu.sem_alloc : memref<!tpu.dma_semaphore, #tpu.memory_space<semaphore_mem>>
        %dma_start3A_289 = tpu.memref_slice %arg3[%add3A_60] : memref<327680xi32, #tpu.memory_space<hbm>> -> memref<128xi32, #tpu.memory_space<hbm>>
        %dma_start3A_290 = tpu.memref_slice %arg3[%add3A_60] : memref<327680xi32, #tpu.memory_space<hbm>> -> memref<128xi32, #tpu.memory_space<hbm>>
        tpu.enqueue_dma source(%dma_start3A_290 : memref<128xi32, #tpu.memory_space<hbm>>) target(%arg13 : memref<128xi32, #tpu.memory_space<vmem>>) target_semaphore(%run_scoped3A : memref<!tpu.dma_semaphore, #tpu.memory_space<semaphore_mem>>)
        %dma_wait3A_291 = tpu.memref_slice %arg3[%add3A_60] : memref<327680xi32, #tpu.memory_space<hbm>> -> memref<128xi32, #tpu.memory_space<hbm>>
        %dma_wait3A_292 = tpu.memref_slice %arg3[%add3A_60] : memref<327680xi32, #tpu.memory_space<hbm>> -> memref<128xi32, #tpu.memory_space<hbm>>
        tpu.wait_dma2 semaphore(%run_scoped3A : memref<!tpu.dma_semaphore, #tpu.memory_space<semaphore_mem>>) src(%dma_wait3A_292 : memref<128xi32, #tpu.memory_space<hbm>>) dst(%arg13 : memref<128xi32, #tpu.memory_space<vmem>>)
        tpu.yield
      }) : () -> ()
      %add3A_61 = arith.constant 896 : i32
      %add3A_62 = arith.addi %add3A_46, %add3A_61 : i32
      "tpu.region"() ({
        %run_scoped3A = tpu.sem_alloc : memref<!tpu.dma_semaphore, #tpu.memory_space<semaphore_mem>>
        %dma_start3A_289 = tpu.memref_slice %arg3[%add3A_62] : memref<327680xi32, #tpu.memory_space<hbm>> -> memref<128xi32, #tpu.memory_space<hbm>>
        %dma_start3A_290 = tpu.memref_slice %arg3[%add3A_62] : memref<327680xi32, #tpu.memory_space<hbm>> -> memref<128xi32, #tpu.memory_space<hbm>>
        tpu.enqueue_dma source(%dma_start3A_290 : memref<128xi32, #tpu.memory_space<hbm>>) target(%arg14 : memref<128xi32, #tpu.memory_space<vmem>>) target_semaphore(%run_scoped3A : memref<!tpu.dma_semaphore, #tpu.memory_space<semaphore_mem>>)
        %dma_wait3A_291 = tpu.memref_slice %arg3[%add3A_62] : memref<327680xi32, #tpu.memory_space<hbm>> -> memref<128xi32, #tpu.memory_space<hbm>>
        %dma_wait3A_292 = tpu.memref_slice %arg3[%add3A_62] : memref<327680xi32, #tpu.memory_space<hbm>> -> memref<128xi32, #tpu.memory_space<hbm>>
        tpu.wait_dma2 semaphore(%run_scoped3A : memref<!tpu.dma_semaphore, #tpu.memory_space<semaphore_mem>>) src(%dma_wait3A_292 : memref<128xi32, #tpu.memory_space<hbm>>) dst(%arg14 : memref<128xi32, #tpu.memory_space<vmem>>)
        tpu.yield
      }) : () -> ()
      %dma_start3A = arith.constant 0 : i32
      %dma_start3A_63 = arith.constant 0 : i32
      %dma_start3A_64 = tpu.memref_slice %arg2[%dma_start3A, %dma_start3A_63] : memref<10240x16xf32, #tpu.memory_space<hbm>> -> memref<10240x16xf32, #tpu.memory_space<hbm>>
      tpu.enqueue_indirect_dma source(%dma_start3A_64 : memref<10240x16xf32, #tpu.memory_space<hbm>>) target(%arg39 : memref<128x16xf32, #tpu.memory_space<vmem>>) offsets(%arg7 : memref<128xi32, #tpu.memory_space<vmem>>) semaphore(%arg57 : memref<!tpu.dma_semaphore, #tpu.memory_space<semaphore_mem>>)
      %dma_start3A_65 = arith.constant 0 : i32
      %dma_start3A_66 = arith.constant 0 : i32
      %dma_start3A_67 = tpu.memref_slice %arg2[%dma_start3A_65, %dma_start3A_66] : memref<10240x16xf32, #tpu.memory_space<hbm>> -> memref<10240x16xf32, #tpu.memory_space<hbm>>
      tpu.enqueue_indirect_dma source(%dma_start3A_67 : memref<10240x16xf32, #tpu.memory_space<hbm>>) target(%arg40 : memref<128x16xf32, #tpu.memory_space<vmem>>) offsets(%arg8 : memref<128xi32, #tpu.memory_space<vmem>>) semaphore(%arg57 : memref<!tpu.dma_semaphore, #tpu.memory_space<semaphore_mem>>)
      %dma_start3A_68 = arith.constant 0 : i32
      %dma_start3A_69 = arith.constant 0 : i32
      %dma_start3A_70 = tpu.memref_slice %arg2[%dma_start3A_68, %dma_start3A_69] : memref<10240x16xf32, #tpu.memory_space<hbm>> -> memref<10240x16xf32, #tpu.memory_space<hbm>>
      tpu.enqueue_indirect_dma source(%dma_start3A_70 : memref<10240x16xf32, #tpu.memory_space<hbm>>) target(%arg41 : memref<128x16xf32, #tpu.memory_space<vmem>>) offsets(%arg9 : memref<128xi32, #tpu.memory_space<vmem>>) semaphore(%arg57 : memref<!tpu.dma_semaphore, #tpu.memory_space<semaphore_mem>>)
      %dma_start3A_71 = arith.constant 0 : i32
      %dma_start3A_72 = arith.constant 0 : i32
      %dma_start3A_73 = tpu.memref_slice %arg2[%dma_start3A_71, %dma_start3A_72] : memref<10240x16xf32, #tpu.memory_space<hbm>> -> memref<10240x16xf32, #tpu.memory_space<hbm>>
      tpu.enqueue_indirect_dma source(%dma_start3A_73 : memref<10240x16xf32, #tpu.memory_space<hbm>>) target(%arg42 : memref<128x16xf32, #tpu.memory_space<vmem>>) offsets(%arg10 : memref<128xi32, #tpu.memory_space<vmem>>) semaphore(%arg57 : memref<!tpu.dma_semaphore, #tpu.memory_space<semaphore_mem>>)
      %dma_start3A_74 = arith.constant 0 : i32
      %dma_start3A_75 = arith.constant 0 : i32
      %dma_start3A_76 = tpu.memref_slice %arg2[%dma_start3A_74, %dma_start3A_75] : memref<10240x16xf32, #tpu.memory_space<hbm>> -> memref<10240x16xf32, #tpu.memory_space<hbm>>
      tpu.enqueue_indirect_dma source(%dma_start3A_76 : memref<10240x16xf32, #tpu.memory_space<hbm>>) target(%arg43 : memref<128x16xf32, #tpu.memory_space<vmem>>) offsets(%arg11 : memref<128xi32, #tpu.memory_space<vmem>>) semaphore(%arg57 : memref<!tpu.dma_semaphore, #tpu.memory_space<semaphore_mem>>)
      %dma_start3A_77 = arith.constant 0 : i32
      %dma_start3A_78 = arith.constant 0 : i32
      %dma_start3A_79 = tpu.memref_slice %arg2[%dma_start3A_77, %dma_start3A_78] : memref<10240x16xf32, #tpu.memory_space<hbm>> -> memref<10240x16xf32, #tpu.memory_space<hbm>>
      tpu.enqueue_indirect_dma source(%dma_start3A_79 : memref<10240x16xf32, #tpu.memory_space<hbm>>) target(%arg44 : memref<128x16xf32, #tpu.memory_space<vmem>>) offsets(%arg12 : memref<128xi32, #tpu.memory_space<vmem>>) semaphore(%arg57 : memref<!tpu.dma_semaphore, #tpu.memory_space<semaphore_mem>>)
      %dma_start3A_80 = arith.constant 0 : i32
      %dma_start3A_81 = arith.constant 0 : i32
      %dma_start3A_82 = tpu.memref_slice %arg2[%dma_start3A_80, %dma_start3A_81] : memref<10240x16xf32, #tpu.memory_space<hbm>> -> memref<10240x16xf32, #tpu.memory_space<hbm>>
      tpu.enqueue_indirect_dma source(%dma_start3A_82 : memref<10240x16xf32, #tpu.memory_space<hbm>>) target(%arg45 : memref<128x16xf32, #tpu.memory_space<vmem>>) offsets(%arg13 : memref<128xi32, #tpu.memory_space<vmem>>) semaphore(%arg57 : memref<!tpu.dma_semaphore, #tpu.memory_space<semaphore_mem>>)
      %dma_start3A_83 = arith.constant 0 : i32
      %dma_start3A_84 = arith.constant 0 : i32
      %dma_start3A_85 = tpu.memref_slice %arg2[%dma_start3A_83, %dma_start3A_84] : memref<10240x16xf32, #tpu.memory_space<hbm>> -> memref<10240x16xf32, #tpu.memory_space<hbm>>
      tpu.enqueue_indirect_dma source(%dma_start3A_85 : memref<10240x16xf32, #tpu.memory_space<hbm>>) target(%arg46 : memref<128x16xf32, #tpu.memory_space<vmem>>) offsets(%arg14 : memref<128xi32, #tpu.memory_space<vmem>>) semaphore(%arg57 : memref<!tpu.dma_semaphore, #tpu.memory_space<semaphore_mem>>)
      %add3A_86 = arith.constant 0 : i32
      %add3A_87 = arith.addi %add3A_46, %add3A_86 : i32
      "tpu.region"() ({
        %run_scoped3A = tpu.sem_alloc : memref<!tpu.dma_semaphore, #tpu.memory_space<semaphore_mem>>
        %dma_start3A_289 = tpu.memref_slice %arg4[%add3A_87] : memref<327680xi32, #tpu.memory_space<hbm>> -> memref<128xi32, #tpu.memory_space<hbm>>
        %dma_start3A_290 = tpu.memref_slice %arg4[%add3A_87] : memref<327680xi32, #tpu.memory_space<hbm>> -> memref<128xi32, #tpu.memory_space<hbm>>
        tpu.enqueue_dma source(%dma_start3A_290 : memref<128xi32, #tpu.memory_space<hbm>>) target(%arg23 : memref<128xi32, #tpu.memory_space<vmem>>) target_semaphore(%run_scoped3A : memref<!tpu.dma_semaphore, #tpu.memory_space<semaphore_mem>>)
        %dma_wait3A_291 = tpu.memref_slice %arg4[%add3A_87] : memref<327680xi32, #tpu.memory_space<hbm>> -> memref<128xi32, #tpu.memory_space<hbm>>
        %dma_wait3A_292 = tpu.memref_slice %arg4[%add3A_87] : memref<327680xi32, #tpu.memory_space<hbm>> -> memref<128xi32, #tpu.memory_space<hbm>>
        tpu.wait_dma2 semaphore(%run_scoped3A : memref<!tpu.dma_semaphore, #tpu.memory_space<semaphore_mem>>) src(%dma_wait3A_292 : memref<128xi32, #tpu.memory_space<hbm>>) dst(%arg23 : memref<128xi32, #tpu.memory_space<vmem>>)
        tpu.yield
      }) : () -> ()
      %add3A_88 = arith.constant 128 : i32
      %add3A_89 = arith.addi %add3A_46, %add3A_88 : i32
      "tpu.region"() ({
        %run_scoped3A = tpu.sem_alloc : memref<!tpu.dma_semaphore, #tpu.memory_space<semaphore_mem>>
        %dma_start3A_289 = tpu.memref_slice %arg4[%add3A_89] : memref<327680xi32, #tpu.memory_space<hbm>> -> memref<128xi32, #tpu.memory_space<hbm>>
        %dma_start3A_290 = tpu.memref_slice %arg4[%add3A_89] : memref<327680xi32, #tpu.memory_space<hbm>> -> memref<128xi32, #tpu.memory_space<hbm>>
        tpu.enqueue_dma source(%dma_start3A_290 : memref<128xi32, #tpu.memory_space<hbm>>) target(%arg24 : memref<128xi32, #tpu.memory_space<vmem>>) target_semaphore(%run_scoped3A : memref<!tpu.dma_semaphore, #tpu.memory_space<semaphore_mem>>)
        %dma_wait3A_291 = tpu.memref_slice %arg4[%add3A_89] : memref<327680xi32, #tpu.memory_space<hbm>> -> memref<128xi32, #tpu.memory_space<hbm>>
        %dma_wait3A_292 = tpu.memref_slice %arg4[%add3A_89] : memref<327680xi32, #tpu.memory_space<hbm>> -> memref<128xi32, #tpu.memory_space<hbm>>
        tpu.wait_dma2 semaphore(%run_scoped3A : memref<!tpu.dma_semaphore, #tpu.memory_space<semaphore_mem>>) src(%dma_wait3A_292 : memref<128xi32, #tpu.memory_space<hbm>>) dst(%arg24 : memref<128xi32, #tpu.memory_space<vmem>>)
        tpu.yield
      }) : () -> ()
      %add3A_90 = arith.constant 256 : i32
      %add3A_91 = arith.addi %add3A_46, %add3A_90 : i32
      "tpu.region"() ({
        %run_scoped3A = tpu.sem_alloc : memref<!tpu.dma_semaphore, #tpu.memory_space<semaphore_mem>>
        %dma_start3A_289 = tpu.memref_slice %arg4[%add3A_91] : memref<327680xi32, #tpu.memory_space<hbm>> -> memref<128xi32, #tpu.memory_space<hbm>>
        %dma_start3A_290 = tpu.memref_slice %arg4[%add3A_91] : memref<327680xi32, #tpu.memory_space<hbm>> -> memref<128xi32, #tpu.memory_space<hbm>>
        tpu.enqueue_dma source(%dma_start3A_290 : memref<128xi32, #tpu.memory_space<hbm>>) target(%arg25 : memref<128xi32, #tpu.memory_space<vmem>>) target_semaphore(%run_scoped3A : memref<!tpu.dma_semaphore, #tpu.memory_space<semaphore_mem>>)
        %dma_wait3A_291 = tpu.memref_slice %arg4[%add3A_91] : memref<327680xi32, #tpu.memory_space<hbm>> -> memref<128xi32, #tpu.memory_space<hbm>>
        %dma_wait3A_292 = tpu.memref_slice %arg4[%add3A_91] : memref<327680xi32, #tpu.memory_space<hbm>> -> memref<128xi32, #tpu.memory_space<hbm>>
        tpu.wait_dma2 semaphore(%run_scoped3A : memref<!tpu.dma_semaphore, #tpu.memory_space<semaphore_mem>>) src(%dma_wait3A_292 : memref<128xi32, #tpu.memory_space<hbm>>) dst(%arg25 : memref<128xi32, #tpu.memory_space<vmem>>)
        tpu.yield
      }) : () -> ()
      %add3A_92 = arith.constant 384 : i32
      %add3A_93 = arith.addi %add3A_46, %add3A_92 : i32
      "tpu.region"() ({
        %run_scoped3A = tpu.sem_alloc : memref<!tpu.dma_semaphore, #tpu.memory_space<semaphore_mem>>
        %dma_start3A_289 = tpu.memref_slice %arg4[%add3A_93] : memref<327680xi32, #tpu.memory_space<hbm>> -> memref<128xi32, #tpu.memory_space<hbm>>
        %dma_start3A_290 = tpu.memref_slice %arg4[%add3A_93] : memref<327680xi32, #tpu.memory_space<hbm>> -> memref<128xi32, #tpu.memory_space<hbm>>
        tpu.enqueue_dma source(%dma_start3A_290 : memref<128xi32, #tpu.memory_space<hbm>>) target(%arg26 : memref<128xi32, #tpu.memory_space<vmem>>) target_semaphore(%run_scoped3A : memref<!tpu.dma_semaphore, #tpu.memory_space<semaphore_mem>>)
        %dma_wait3A_291 = tpu.memref_slice %arg4[%add3A_93] : memref<327680xi32, #tpu.memory_space<hbm>> -> memref<128xi32, #tpu.memory_space<hbm>>
        %dma_wait3A_292 = tpu.memref_slice %arg4[%add3A_93] : memref<327680xi32, #tpu.memory_space<hbm>> -> memref<128xi32, #tpu.memory_space<hbm>>
        tpu.wait_dma2 semaphore(%run_scoped3A : memref<!tpu.dma_semaphore, #tpu.memory_space<semaphore_mem>>) src(%dma_wait3A_292 : memref<128xi32, #tpu.memory_space<hbm>>) dst(%arg26 : memref<128xi32, #tpu.memory_space<vmem>>)
        tpu.yield
      }) : () -> ()
      %add3A_94 = arith.constant 512 : i32
      %add3A_95 = arith.addi %add3A_46, %add3A_94 : i32
      "tpu.region"() ({
        %run_scoped3A = tpu.sem_alloc : memref<!tpu.dma_semaphore, #tpu.memory_space<semaphore_mem>>
        %dma_start3A_289 = tpu.memref_slice %arg4[%add3A_95] : memref<327680xi32, #tpu.memory_space<hbm>> -> memref<128xi32, #tpu.memory_space<hbm>>
        %dma_start3A_290 = tpu.memref_slice %arg4[%add3A_95] : memref<327680xi32, #tpu.memory_space<hbm>> -> memref<128xi32, #tpu.memory_space<hbm>>
        tpu.enqueue_dma source(%dma_start3A_290 : memref<128xi32, #tpu.memory_space<hbm>>) target(%arg27 : memref<128xi32, #tpu.memory_space<vmem>>) target_semaphore(%run_scoped3A : memref<!tpu.dma_semaphore, #tpu.memory_space<semaphore_mem>>)
        %dma_wait3A_291 = tpu.memref_slice %arg4[%add3A_95] : memref<327680xi32, #tpu.memory_space<hbm>> -> memref<128xi32, #tpu.memory_space<hbm>>
        %dma_wait3A_292 = tpu.memref_slice %arg4[%add3A_95] : memref<327680xi32, #tpu.memory_space<hbm>> -> memref<128xi32, #tpu.memory_space<hbm>>
        tpu.wait_dma2 semaphore(%run_scoped3A : memref<!tpu.dma_semaphore, #tpu.memory_space<semaphore_mem>>) src(%dma_wait3A_292 : memref<128xi32, #tpu.memory_space<hbm>>) dst(%arg27 : memref<128xi32, #tpu.memory_space<vmem>>)
        tpu.yield
      }) : () -> ()
      %add3A_96 = arith.constant 640 : i32
      %add3A_97 = arith.addi %add3A_46, %add3A_96 : i32
      "tpu.region"() ({
        %run_scoped3A = tpu.sem_alloc : memref<!tpu.dma_semaphore, #tpu.memory_space<semaphore_mem>>
        %dma_start3A_289 = tpu.memref_slice %arg4[%add3A_97] : memref<327680xi32, #tpu.memory_space<hbm>> -> memref<128xi32, #tpu.memory_space<hbm>>
        %dma_start3A_290 = tpu.memref_slice %arg4[%add3A_97] : memref<327680xi32, #tpu.memory_space<hbm>> -> memref<128xi32, #tpu.memory_space<hbm>>
        tpu.enqueue_dma source(%dma_start3A_290 : memref<128xi32, #tpu.memory_space<hbm>>) target(%arg28 : memref<128xi32, #tpu.memory_space<vmem>>) target_semaphore(%run_scoped3A : memref<!tpu.dma_semaphore, #tpu.memory_space<semaphore_mem>>)
        %dma_wait3A_291 = tpu.memref_slice %arg4[%add3A_97] : memref<327680xi32, #tpu.memory_space<hbm>> -> memref<128xi32, #tpu.memory_space<hbm>>
        %dma_wait3A_292 = tpu.memref_slice %arg4[%add3A_97] : memref<327680xi32, #tpu.memory_space<hbm>> -> memref<128xi32, #tpu.memory_space<hbm>>
        tpu.wait_dma2 semaphore(%run_scoped3A : memref<!tpu.dma_semaphore, #tpu.memory_space<semaphore_mem>>) src(%dma_wait3A_292 : memref<128xi32, #tpu.memory_space<hbm>>) dst(%arg28 : memref<128xi32, #tpu.memory_space<vmem>>)
        tpu.yield
      }) : () -> ()
      %add3A_98 = arith.constant 768 : i32
      %add3A_99 = arith.addi %add3A_46, %add3A_98 : i32
      "tpu.region"() ({
        %run_scoped3A = tpu.sem_alloc : memref<!tpu.dma_semaphore, #tpu.memory_space<semaphore_mem>>
        %dma_start3A_289 = tpu.memref_slice %arg4[%add3A_99] : memref<327680xi32, #tpu.memory_space<hbm>> -> memref<128xi32, #tpu.memory_space<hbm>>
        %dma_start3A_290 = tpu.memref_slice %arg4[%add3A_99] : memref<327680xi32, #tpu.memory_space<hbm>> -> memref<128xi32, #tpu.memory_space<hbm>>
        tpu.enqueue_dma source(%dma_start3A_290 : memref<128xi32, #tpu.memory_space<hbm>>) target(%arg29 : memref<128xi32, #tpu.memory_space<vmem>>) target_semaphore(%run_scoped3A : memref<!tpu.dma_semaphore, #tpu.memory_space<semaphore_mem>>)
        %dma_wait3A_291 = tpu.memref_slice %arg4[%add3A_99] : memref<327680xi32, #tpu.memory_space<hbm>> -> memref<128xi32, #tpu.memory_space<hbm>>
        %dma_wait3A_292 = tpu.memref_slice %arg4[%add3A_99] : memref<327680xi32, #tpu.memory_space<hbm>> -> memref<128xi32, #tpu.memory_space<hbm>>
        tpu.wait_dma2 semaphore(%run_scoped3A : memref<!tpu.dma_semaphore, #tpu.memory_space<semaphore_mem>>) src(%dma_wait3A_292 : memref<128xi32, #tpu.memory_space<hbm>>) dst(%arg29 : memref<128xi32, #tpu.memory_space<vmem>>)
        tpu.yield
      }) : () -> ()
      %add3A_100 = arith.constant 896 : i32
      %add3A_101 = arith.addi %add3A_46, %add3A_100 : i32
      "tpu.region"() ({
        %run_scoped3A = tpu.sem_alloc : memref<!tpu.dma_semaphore, #tpu.memory_space<semaphore_mem>>
        %dma_start3A_289 = tpu.memref_slice %arg4[%add3A_101] : memref<327680xi32, #tpu.memory_space<hbm>> -> memref<128xi32, #tpu.memory_space<hbm>>
        %dma_start3A_290 = tpu.memref_slice %arg4[%add3A_101] : memref<327680xi32, #tpu.memory_space<hbm>> -> memref<128xi32, #tpu.memory_space<hbm>>
        tpu.enqueue_dma source(%dma_start3A_290 : memref<128xi32, #tpu.memory_space<hbm>>) target(%arg30 : memref<128xi32, #tpu.memory_space<vmem>>) target_semaphore(%run_scoped3A : memref<!tpu.dma_semaphore, #tpu.memory_space<semaphore_mem>>)
        %dma_wait3A_291 = tpu.memref_slice %arg4[%add3A_101] : memref<327680xi32, #tpu.memory_space<hbm>> -> memref<128xi32, #tpu.memory_space<hbm>>
        %dma_wait3A_292 = tpu.memref_slice %arg4[%add3A_101] : memref<327680xi32, #tpu.memory_space<hbm>> -> memref<128xi32, #tpu.memory_space<hbm>>
        tpu.wait_dma2 semaphore(%run_scoped3A : memref<!tpu.dma_semaphore, #tpu.memory_space<semaphore_mem>>) src(%dma_wait3A_292 : memref<128xi32, #tpu.memory_space<hbm>>) dst(%arg30 : memref<128xi32, #tpu.memory_space<vmem>>)
        tpu.yield
      }) : () -> ()
      %dma_wait3A_102 = arith.constant 0 : i32
      %dma_wait3A_103 = arith.constant 0 : i32
      %dma_wait3A_104 = tpu.memref_slice %arg2[%dma_wait3A_102, %dma_wait3A_103] : memref<10240x16xf32, #tpu.memory_space<hbm>> -> memref<10240x16xf32, #tpu.memory_space<hbm>>
      tpu.wait_indirect_dma semaphore(%arg57 : memref<!tpu.dma_semaphore, #tpu.memory_space<semaphore_mem>>) src(%dma_wait3A_104 : memref<10240x16xf32, #tpu.memory_space<hbm>>) dst(%arg39 : memref<128x16xf32, #tpu.memory_space<vmem>>)
      %dma_wait3A_105 = arith.constant 0 : i32
      %dma_wait3A_106 = arith.constant 0 : i32
      %dma_wait3A_107 = tpu.memref_slice %arg2[%dma_wait3A_105, %dma_wait3A_106] : memref<10240x16xf32, #tpu.memory_space<hbm>> -> memref<10240x16xf32, #tpu.memory_space<hbm>>
      tpu.wait_indirect_dma semaphore(%arg57 : memref<!tpu.dma_semaphore, #tpu.memory_space<semaphore_mem>>) src(%dma_wait3A_107 : memref<10240x16xf32, #tpu.memory_space<hbm>>) dst(%arg40 : memref<128x16xf32, #tpu.memory_space<vmem>>)
      %dma_wait3A_108 = arith.constant 0 : i32
      %dma_wait3A_109 = arith.constant 0 : i32
      %dma_wait3A_110 = tpu.memref_slice %arg2[%dma_wait3A_108, %dma_wait3A_109] : memref<10240x16xf32, #tpu.memory_space<hbm>> -> memref<10240x16xf32, #tpu.memory_space<hbm>>
      tpu.wait_indirect_dma semaphore(%arg57 : memref<!tpu.dma_semaphore, #tpu.memory_space<semaphore_mem>>) src(%dma_wait3A_110 : memref<10240x16xf32, #tpu.memory_space<hbm>>) dst(%arg41 : memref<128x16xf32, #tpu.memory_space<vmem>>)
      %dma_wait3A_111 = arith.constant 0 : i32
      %dma_wait3A_112 = arith.constant 0 : i32
      %dma_wait3A_113 = tpu.memref_slice %arg2[%dma_wait3A_111, %dma_wait3A_112] : memref<10240x16xf32, #tpu.memory_space<hbm>> -> memref<10240x16xf32, #tpu.memory_space<hbm>>
      tpu.wait_indirect_dma semaphore(%arg57 : memref<!tpu.dma_semaphore, #tpu.memory_space<semaphore_mem>>) src(%dma_wait3A_113 : memref<10240x16xf32, #tpu.memory_space<hbm>>) dst(%arg42 : memref<128x16xf32, #tpu.memory_space<vmem>>)
      %dma_wait3A_114 = arith.constant 0 : i32
      %dma_wait3A_115 = arith.constant 0 : i32
      %dma_wait3A_116 = tpu.memref_slice %arg2[%dma_wait3A_114, %dma_wait3A_115] : memref<10240x16xf32, #tpu.memory_space<hbm>> -> memref<10240x16xf32, #tpu.memory_space<hbm>>
      tpu.wait_indirect_dma semaphore(%arg57 : memref<!tpu.dma_semaphore, #tpu.memory_space<semaphore_mem>>) src(%dma_wait3A_116 : memref<10240x16xf32, #tpu.memory_space<hbm>>) dst(%arg43 : memref<128x16xf32, #tpu.memory_space<vmem>>)
      %dma_wait3A_117 = arith.constant 0 : i32
      %dma_wait3A_118 = arith.constant 0 : i32
      %dma_wait3A_119 = tpu.memref_slice %arg2[%dma_wait3A_117, %dma_wait3A_118] : memref<10240x16xf32, #tpu.memory_space<hbm>> -> memref<10240x16xf32, #tpu.memory_space<hbm>>
      tpu.wait_indirect_dma semaphore(%arg57 : memref<!tpu.dma_semaphore, #tpu.memory_space<semaphore_mem>>) src(%dma_wait3A_119 : memref<10240x16xf32, #tpu.memory_space<hbm>>) dst(%arg44 : memref<128x16xf32, #tpu.memory_space<vmem>>)
      %dma_wait3A_120 = arith.constant 0 : i32
      %dma_wait3A_121 = arith.constant 0 : i32
      %dma_wait3A_122 = tpu.memref_slice %arg2[%dma_wait3A_120, %dma_wait3A_121] : memref<10240x16xf32, #tpu.memory_space<hbm>> -> memref<10240x16xf32, #tpu.memory_space<hbm>>
      tpu.wait_indirect_dma semaphore(%arg57 : memref<!tpu.dma_semaphore, #tpu.memory_space<semaphore_mem>>) src(%dma_wait3A_122 : memref<10240x16xf32, #tpu.memory_space<hbm>>) dst(%arg45 : memref<128x16xf32, #tpu.memory_space<vmem>>)
      %dma_wait3A_123 = arith.constant 0 : i32
      %dma_wait3A_124 = arith.constant 0 : i32
      %dma_wait3A_125 = tpu.memref_slice %arg2[%dma_wait3A_123, %dma_wait3A_124] : memref<10240x16xf32, #tpu.memory_space<hbm>> -> memref<10240x16xf32, #tpu.memory_space<hbm>>
      tpu.wait_indirect_dma semaphore(%arg57 : memref<!tpu.dma_semaphore, #tpu.memory_space<semaphore_mem>>) src(%dma_wait3A_125 : memref<10240x16xf32, #tpu.memory_space<hbm>>) dst(%arg46 : memref<128x16xf32, #tpu.memory_space<vmem>>)
      %gt3A = arith.constant 0 : i32
      %gt3A_126 = arith.cmpi sgt, %add3A_39, %gt3A : i32
      %convert_element_type3A = arith.extui %gt3A_126 : i1 to i32
      %cond3A = arith.constant 0 : i32
      %cond3A_127 = arith.cmpi ne, %convert_element_type3A, %cond3A : i32
      scf.if %cond3A_127 {
        %dma_wait3A_289 = arith.constant 0 : i32
        %dma_wait3A_290 = arith.constant 0 : i32
        %dma_wait3A_291 = tpu.memref_slice %arg56[%dma_wait3A_289, %dma_wait3A_290] : memref<10240x16xf32, #tpu.memory_space<vmem_shared>> -> memref<10240x16xf32, #tpu.memory_space<vmem_shared>>
        tpu.wait_indirect_dma semaphore(%arg59 : memref<!tpu.dma_semaphore, #tpu.memory_space<semaphore_mem>>) src(%arg47 : memref<128x16xf32, #tpu.memory_space<vmem>>) dst(%dma_wait3A_291 : memref<10240x16xf32, #tpu.memory_space<vmem_shared>>)
        %dma_wait3A_292 = arith.constant 0 : i32
        %dma_wait3A_293 = arith.constant 0 : i32
        %dma_wait3A_294 = tpu.memref_slice %arg56[%dma_wait3A_292, %dma_wait3A_293] : memref<10240x16xf32, #tpu.memory_space<vmem_shared>> -> memref<10240x16xf32, #tpu.memory_space<vmem_shared>>
        tpu.wait_indirect_dma semaphore(%arg59 : memref<!tpu.dma_semaphore, #tpu.memory_space<semaphore_mem>>) src(%arg48 : memref<128x16xf32, #tpu.memory_space<vmem>>) dst(%dma_wait3A_294 : memref<10240x16xf32, #tpu.memory_space<vmem_shared>>)
        %dma_wait3A_295 = arith.constant 0 : i32
        %dma_wait3A_296 = arith.constant 0 : i32
        %dma_wait3A_297 = tpu.memref_slice %arg56[%dma_wait3A_295, %dma_wait3A_296] : memref<10240x16xf32, #tpu.memory_space<vmem_shared>> -> memref<10240x16xf32, #tpu.memory_space<vmem_shared>>
        tpu.wait_indirect_dma semaphore(%arg59 : memref<!tpu.dma_semaphore, #tpu.memory_space<semaphore_mem>>) src(%arg49 : memref<128x16xf32, #tpu.memory_space<vmem>>) dst(%dma_wait3A_297 : memref<10240x16xf32, #tpu.memory_space<vmem_shared>>)
        %dma_wait3A_298 = arith.constant 0 : i32
        %dma_wait3A_299 = arith.constant 0 : i32
        %dma_wait3A_300 = tpu.memref_slice %arg56[%dma_wait3A_298, %dma_wait3A_299] : memref<10240x16xf32, #tpu.memory_space<vmem_shared>> -> memref<10240x16xf32, #tpu.memory_space<vmem_shared>>
        tpu.wait_indirect_dma semaphore(%arg59 : memref<!tpu.dma_semaphore, #tpu.memory_space<semaphore_mem>>) src(%arg50 : memref<128x16xf32, #tpu.memory_space<vmem>>) dst(%dma_wait3A_300 : memref<10240x16xf32, #tpu.memory_space<vmem_shared>>)
        %dma_wait3A_301 = arith.constant 0 : i32
        %dma_wait3A_302 = arith.constant 0 : i32
        %dma_wait3A_303 = tpu.memref_slice %arg56[%dma_wait3A_301, %dma_wait3A_302] : memref<10240x16xf32, #tpu.memory_space<vmem_shared>> -> memref<10240x16xf32, #tpu.memory_space<vmem_shared>>
        tpu.wait_indirect_dma semaphore(%arg59 : memref<!tpu.dma_semaphore, #tpu.memory_space<semaphore_mem>>) src(%arg51 : memref<128x16xf32, #tpu.memory_space<vmem>>) dst(%dma_wait3A_303 : memref<10240x16xf32, #tpu.memory_space<vmem_shared>>)
        %dma_wait3A_304 = arith.constant 0 : i32
        %dma_wait3A_305 = arith.constant 0 : i32
        %dma_wait3A_306 = tpu.memref_slice %arg56[%dma_wait3A_304, %dma_wait3A_305] : memref<10240x16xf32, #tpu.memory_space<vmem_shared>> -> memref<10240x16xf32, #tpu.memory_space<vmem_shared>>
        tpu.wait_indirect_dma semaphore(%arg59 : memref<!tpu.dma_semaphore, #tpu.memory_space<semaphore_mem>>) src(%arg52 : memref<128x16xf32, #tpu.memory_space<vmem>>) dst(%dma_wait3A_306 : memref<10240x16xf32, #tpu.memory_space<vmem_shared>>)
        %dma_wait3A_307 = arith.constant 0 : i32
        %dma_wait3A_308 = arith.constant 0 : i32
        %dma_wait3A_309 = tpu.memref_slice %arg56[%dma_wait3A_307, %dma_wait3A_308] : memref<10240x16xf32, #tpu.memory_space<vmem_shared>> -> memref<10240x16xf32, #tpu.memory_space<vmem_shared>>
        tpu.wait_indirect_dma semaphore(%arg59 : memref<!tpu.dma_semaphore, #tpu.memory_space<semaphore_mem>>) src(%arg53 : memref<128x16xf32, #tpu.memory_space<vmem>>) dst(%dma_wait3A_309 : memref<10240x16xf32, #tpu.memory_space<vmem_shared>>)
        %dma_wait3A_310 = arith.constant 0 : i32
        %dma_wait3A_311 = arith.constant 0 : i32
        %dma_wait3A_312 = tpu.memref_slice %arg56[%dma_wait3A_310, %dma_wait3A_311] : memref<10240x16xf32, #tpu.memory_space<vmem_shared>> -> memref<10240x16xf32, #tpu.memory_space<vmem_shared>>
        tpu.wait_indirect_dma semaphore(%arg59 : memref<!tpu.dma_semaphore, #tpu.memory_space<semaphore_mem>>) src(%arg54 : memref<128x16xf32, #tpu.memory_space<vmem>>) dst(%dma_wait3A_312 : memref<10240x16xf32, #tpu.memory_space<vmem_shared>>)
      } else {
      }
      %dma_start3A_128 = arith.constant 0 : i32
      %dma_start3A_129 = arith.constant 0 : i32
      %dma_start3A_130 = tpu.memref_slice %arg56[%dma_start3A_128, %dma_start3A_129] : memref<10240x16xf32, #tpu.memory_space<vmem_shared>> -> memref<10240x16xf32, #tpu.memory_space<vmem_shared>>
      tpu.enqueue_indirect_dma source(%arg39 : memref<128x16xf32, #tpu.memory_space<vmem>>) target(%dma_start3A_130 : memref<10240x16xf32, #tpu.memory_space<vmem_shared>>) offsets(%arg23 : memref<128xi32, #tpu.memory_space<vmem>>) semaphore(%arg58 : memref<!tpu.dma_semaphore, #tpu.memory_space<semaphore_mem>>) {add = true}
      %dma_start3A_131 = arith.constant 0 : i32
      %dma_start3A_132 = arith.constant 0 : i32
      %dma_start3A_133 = tpu.memref_slice %arg56[%dma_start3A_131, %dma_start3A_132] : memref<10240x16xf32, #tpu.memory_space<vmem_shared>> -> memref<10240x16xf32, #tpu.memory_space<vmem_shared>>
      tpu.enqueue_indirect_dma source(%arg40 : memref<128x16xf32, #tpu.memory_space<vmem>>) target(%dma_start3A_133 : memref<10240x16xf32, #tpu.memory_space<vmem_shared>>) offsets(%arg24 : memref<128xi32, #tpu.memory_space<vmem>>) semaphore(%arg58 : memref<!tpu.dma_semaphore, #tpu.memory_space<semaphore_mem>>) {add = true}
      %dma_start3A_134 = arith.constant 0 : i32
      %dma_start3A_135 = arith.constant 0 : i32
      %dma_start3A_136 = tpu.memref_slice %arg56[%dma_start3A_134, %dma_start3A_135] : memref<10240x16xf32, #tpu.memory_space<vmem_shared>> -> memref<10240x16xf32, #tpu.memory_space<vmem_shared>>
      tpu.enqueue_indirect_dma source(%arg41 : memref<128x16xf32, #tpu.memory_space<vmem>>) target(%dma_start3A_136 : memref<10240x16xf32, #tpu.memory_space<vmem_shared>>) offsets(%arg25 : memref<128xi32, #tpu.memory_space<vmem>>) semaphore(%arg58 : memref<!tpu.dma_semaphore, #tpu.memory_space<semaphore_mem>>) {add = true}
      %dma_start3A_137 = arith.constant 0 : i32
      %dma_start3A_138 = arith.constant 0 : i32
      %dma_start3A_139 = tpu.memref_slice %arg56[%dma_start3A_137, %dma_start3A_138] : memref<10240x16xf32, #tpu.memory_space<vmem_shared>> -> memref<10240x16xf32, #tpu.memory_space<vmem_shared>>
      tpu.enqueue_indirect_dma source(%arg42 : memref<128x16xf32, #tpu.memory_space<vmem>>) target(%dma_start3A_139 : memref<10240x16xf32, #tpu.memory_space<vmem_shared>>) offsets(%arg26 : memref<128xi32, #tpu.memory_space<vmem>>) semaphore(%arg58 : memref<!tpu.dma_semaphore, #tpu.memory_space<semaphore_mem>>) {add = true}
      %dma_start3A_140 = arith.constant 0 : i32
      %dma_start3A_141 = arith.constant 0 : i32
      %dma_start3A_142 = tpu.memref_slice %arg56[%dma_start3A_140, %dma_start3A_141] : memref<10240x16xf32, #tpu.memory_space<vmem_shared>> -> memref<10240x16xf32, #tpu.memory_space<vmem_shared>>
      tpu.enqueue_indirect_dma source(%arg43 : memref<128x16xf32, #tpu.memory_space<vmem>>) target(%dma_start3A_142 : memref<10240x16xf32, #tpu.memory_space<vmem_shared>>) offsets(%arg27 : memref<128xi32, #tpu.memory_space<vmem>>) semaphore(%arg58 : memref<!tpu.dma_semaphore, #tpu.memory_space<semaphore_mem>>) {add = true}
      %dma_start3A_143 = arith.constant 0 : i32
      %dma_start3A_144 = arith.constant 0 : i32
      %dma_start3A_145 = tpu.memref_slice %arg56[%dma_start3A_143, %dma_start3A_144] : memref<10240x16xf32, #tpu.memory_space<vmem_shared>> -> memref<10240x16xf32, #tpu.memory_space<vmem_shared>>
      tpu.enqueue_indirect_dma source(%arg44 : memref<128x16xf32, #tpu.memory_space<vmem>>) target(%dma_start3A_145 : memref<10240x16xf32, #tpu.memory_space<vmem_shared>>) offsets(%arg28 : memref<128xi32, #tpu.memory_space<vmem>>) semaphore(%arg58 : memref<!tpu.dma_semaphore, #tpu.memory_space<semaphore_mem>>) {add = true}
      %dma_start3A_146 = arith.constant 0 : i32
      %dma_start3A_147 = arith.constant 0 : i32
      %dma_start3A_148 = tpu.memref_slice %arg56[%dma_start3A_146, %dma_start3A_147] : memref<10240x16xf32, #tpu.memory_space<vmem_shared>> -> memref<10240x16xf32, #tpu.memory_space<vmem_shared>>
      tpu.enqueue_indirect_dma source(%arg45 : memref<128x16xf32, #tpu.memory_space<vmem>>) target(%dma_start3A_148 : memref<10240x16xf32, #tpu.memory_space<vmem_shared>>) offsets(%arg29 : memref<128xi32, #tpu.memory_space<vmem>>) semaphore(%arg58 : memref<!tpu.dma_semaphore, #tpu.memory_space<semaphore_mem>>) {add = true}
      %dma_start3A_149 = arith.constant 0 : i32
      %dma_start3A_150 = arith.constant 0 : i32
      %dma_start3A_151 = tpu.memref_slice %arg56[%dma_start3A_149, %dma_start3A_150] : memref<10240x16xf32, #tpu.memory_space<vmem_shared>> -> memref<10240x16xf32, #tpu.memory_space<vmem_shared>>
      tpu.enqueue_indirect_dma source(%arg46 : memref<128x16xf32, #tpu.memory_space<vmem>>) target(%dma_start3A_151 : memref<10240x16xf32, #tpu.memory_space<vmem_shared>>) offsets(%arg30 : memref<128xi32, #tpu.memory_space<vmem>>) semaphore(%arg58 : memref<!tpu.dma_semaphore, #tpu.memory_space<semaphore_mem>>) {add = true}
      %mul3A_152 = arith.constant 2 : i32
      %mul3A_153 = arith.muli %mul3A_152, %add3A_39 : i32
      %add3A_154 = arith.constant 1 : i32
      %add3A_155 = arith.addi %mul3A_153, %add3A_154 : i32
      %mul3A_156 = arith.constant 10240 : i32
      %mul3A_157 = arith.muli %add3A, %mul3A_156 : i32
      %mul3A_158 = arith.constant 1024 : i32
      %mul3A_159 = arith.muli %add3A_155, %mul3A_158 : i32
      %add3A_160 = arith.addi %mul3A_157, %mul3A_159 : i32
      %add3A_161 = arith.constant 0 : i32
      %add3A_162 = arith.addi %add3A_160, %add3A_161 : i32
      "tpu.region"() ({
        %run_scoped3A = tpu.sem_alloc : memref<!tpu.dma_semaphore, #tpu.memory_space<semaphore_mem>>
        %dma_start3A_289 = tpu.memref_slice %arg3[%add3A_162] : memref<327680xi32, #tpu.memory_space<hbm>> -> memref<128xi32, #tpu.memory_space<hbm>>
        %dma_start3A_290 = tpu.memref_slice %arg3[%add3A_162] : memref<327680xi32, #tpu.memory_space<hbm>> -> memref<128xi32, #tpu.memory_space<hbm>>
        tpu.enqueue_dma source(%dma_start3A_290 : memref<128xi32, #tpu.memory_space<hbm>>) target(%arg15 : memref<128xi32, #tpu.memory_space<vmem>>) target_semaphore(%run_scoped3A : memref<!tpu.dma_semaphore, #tpu.memory_space<semaphore_mem>>)
        %dma_wait3A_291 = tpu.memref_slice %arg3[%add3A_162] : memref<327680xi32, #tpu.memory_space<hbm>> -> memref<128xi32, #tpu.memory_space<hbm>>
        %dma_wait3A_292 = tpu.memref_slice %arg3[%add3A_162] : memref<327680xi32, #tpu.memory_space<hbm>> -> memref<128xi32, #tpu.memory_space<hbm>>
        tpu.wait_dma2 semaphore(%run_scoped3A : memref<!tpu.dma_semaphore, #tpu.memory_space<semaphore_mem>>) src(%dma_wait3A_292 : memref<128xi32, #tpu.memory_space<hbm>>) dst(%arg15 : memref<128xi32, #tpu.memory_space<vmem>>)
        tpu.yield
      }) : () -> ()
      %add3A_163 = arith.constant 128 : i32
      %add3A_164 = arith.addi %add3A_160, %add3A_163 : i32
      "tpu.region"() ({
        %run_scoped3A = tpu.sem_alloc : memref<!tpu.dma_semaphore, #tpu.memory_space<semaphore_mem>>
        %dma_start3A_289 = tpu.memref_slice %arg3[%add3A_164] : memref<327680xi32, #tpu.memory_space<hbm>> -> memref<128xi32, #tpu.memory_space<hbm>>
        %dma_start3A_290 = tpu.memref_slice %arg3[%add3A_164] : memref<327680xi32, #tpu.memory_space<hbm>> -> memref<128xi32, #tpu.memory_space<hbm>>
        tpu.enqueue_dma source(%dma_start3A_290 : memref<128xi32, #tpu.memory_space<hbm>>) target(%arg16 : memref<128xi32, #tpu.memory_space<vmem>>) target_semaphore(%run_scoped3A : memref<!tpu.dma_semaphore, #tpu.memory_space<semaphore_mem>>)
        %dma_wait3A_291 = tpu.memref_slice %arg3[%add3A_164] : memref<327680xi32, #tpu.memory_space<hbm>> -> memref<128xi32, #tpu.memory_space<hbm>>
        %dma_wait3A_292 = tpu.memref_slice %arg3[%add3A_164] : memref<327680xi32, #tpu.memory_space<hbm>> -> memref<128xi32, #tpu.memory_space<hbm>>
        tpu.wait_dma2 semaphore(%run_scoped3A : memref<!tpu.dma_semaphore, #tpu.memory_space<semaphore_mem>>) src(%dma_wait3A_292 : memref<128xi32, #tpu.memory_space<hbm>>) dst(%arg16 : memref<128xi32, #tpu.memory_space<vmem>>)
        tpu.yield
      }) : () -> ()
      %add3A_165 = arith.constant 256 : i32
      %add3A_166 = arith.addi %add3A_160, %add3A_165 : i32
      "tpu.region"() ({
        %run_scoped3A = tpu.sem_alloc : memref<!tpu.dma_semaphore, #tpu.memory_space<semaphore_mem>>
        %dma_start3A_289 = tpu.memref_slice %arg3[%add3A_166] : memref<327680xi32, #tpu.memory_space<hbm>> -> memref<128xi32, #tpu.memory_space<hbm>>
        %dma_start3A_290 = tpu.memref_slice %arg3[%add3A_166] : memref<327680xi32, #tpu.memory_space<hbm>> -> memref<128xi32, #tpu.memory_space<hbm>>
        tpu.enqueue_dma source(%dma_start3A_290 : memref<128xi32, #tpu.memory_space<hbm>>) target(%arg17 : memref<128xi32, #tpu.memory_space<vmem>>) target_semaphore(%run_scoped3A : memref<!tpu.dma_semaphore, #tpu.memory_space<semaphore_mem>>)
        %dma_wait3A_291 = tpu.memref_slice %arg3[%add3A_166] : memref<327680xi32, #tpu.memory_space<hbm>> -> memref<128xi32, #tpu.memory_space<hbm>>
        %dma_wait3A_292 = tpu.memref_slice %arg3[%add3A_166] : memref<327680xi32, #tpu.memory_space<hbm>> -> memref<128xi32, #tpu.memory_space<hbm>>
        tpu.wait_dma2 semaphore(%run_scoped3A : memref<!tpu.dma_semaphore, #tpu.memory_space<semaphore_mem>>) src(%dma_wait3A_292 : memref<128xi32, #tpu.memory_space<hbm>>) dst(%arg17 : memref<128xi32, #tpu.memory_space<vmem>>)
        tpu.yield
      }) : () -> ()
      %add3A_167 = arith.constant 384 : i32
      %add3A_168 = arith.addi %add3A_160, %add3A_167 : i32
      "tpu.region"() ({
        %run_scoped3A = tpu.sem_alloc : memref<!tpu.dma_semaphore, #tpu.memory_space<semaphore_mem>>
        %dma_start3A_289 = tpu.memref_slice %arg3[%add3A_168] : memref<327680xi32, #tpu.memory_space<hbm>> -> memref<128xi32, #tpu.memory_space<hbm>>
        %dma_start3A_290 = tpu.memref_slice %arg3[%add3A_168] : memref<327680xi32, #tpu.memory_space<hbm>> -> memref<128xi32, #tpu.memory_space<hbm>>
        tpu.enqueue_dma source(%dma_start3A_290 : memref<128xi32, #tpu.memory_space<hbm>>) target(%arg18 : memref<128xi32, #tpu.memory_space<vmem>>) target_semaphore(%run_scoped3A : memref<!tpu.dma_semaphore, #tpu.memory_space<semaphore_mem>>)
        %dma_wait3A_291 = tpu.memref_slice %arg3[%add3A_168] : memref<327680xi32, #tpu.memory_space<hbm>> -> memref<128xi32, #tpu.memory_space<hbm>>
        %dma_wait3A_292 = tpu.memref_slice %arg3[%add3A_168] : memref<327680xi32, #tpu.memory_space<hbm>> -> memref<128xi32, #tpu.memory_space<hbm>>
        tpu.wait_dma2 semaphore(%run_scoped3A : memref<!tpu.dma_semaphore, #tpu.memory_space<semaphore_mem>>) src(%dma_wait3A_292 : memref<128xi32, #tpu.memory_space<hbm>>) dst(%arg18 : memref<128xi32, #tpu.memory_space<vmem>>)
        tpu.yield
      }) : () -> ()
      %add3A_169 = arith.constant 512 : i32
      %add3A_170 = arith.addi %add3A_160, %add3A_169 : i32
      "tpu.region"() ({
        %run_scoped3A = tpu.sem_alloc : memref<!tpu.dma_semaphore, #tpu.memory_space<semaphore_mem>>
        %dma_start3A_289 = tpu.memref_slice %arg3[%add3A_170] : memref<327680xi32, #tpu.memory_space<hbm>> -> memref<128xi32, #tpu.memory_space<hbm>>
        %dma_start3A_290 = tpu.memref_slice %arg3[%add3A_170] : memref<327680xi32, #tpu.memory_space<hbm>> -> memref<128xi32, #tpu.memory_space<hbm>>
        tpu.enqueue_dma source(%dma_start3A_290 : memref<128xi32, #tpu.memory_space<hbm>>) target(%arg19 : memref<128xi32, #tpu.memory_space<vmem>>) target_semaphore(%run_scoped3A : memref<!tpu.dma_semaphore, #tpu.memory_space<semaphore_mem>>)
        %dma_wait3A_291 = tpu.memref_slice %arg3[%add3A_170] : memref<327680xi32, #tpu.memory_space<hbm>> -> memref<128xi32, #tpu.memory_space<hbm>>
        %dma_wait3A_292 = tpu.memref_slice %arg3[%add3A_170] : memref<327680xi32, #tpu.memory_space<hbm>> -> memref<128xi32, #tpu.memory_space<hbm>>
        tpu.wait_dma2 semaphore(%run_scoped3A : memref<!tpu.dma_semaphore, #tpu.memory_space<semaphore_mem>>) src(%dma_wait3A_292 : memref<128xi32, #tpu.memory_space<hbm>>) dst(%arg19 : memref<128xi32, #tpu.memory_space<vmem>>)
        tpu.yield
      }) : () -> ()
      %add3A_171 = arith.constant 640 : i32
      %add3A_172 = arith.addi %add3A_160, %add3A_171 : i32
      "tpu.region"() ({
        %run_scoped3A = tpu.sem_alloc : memref<!tpu.dma_semaphore, #tpu.memory_space<semaphore_mem>>
        %dma_start3A_289 = tpu.memref_slice %arg3[%add3A_172] : memref<327680xi32, #tpu.memory_space<hbm>> -> memref<128xi32, #tpu.memory_space<hbm>>
        %dma_start3A_290 = tpu.memref_slice %arg3[%add3A_172] : memref<327680xi32, #tpu.memory_space<hbm>> -> memref<128xi32, #tpu.memory_space<hbm>>
        tpu.enqueue_dma source(%dma_start3A_290 : memref<128xi32, #tpu.memory_space<hbm>>) target(%arg20 : memref<128xi32, #tpu.memory_space<vmem>>) target_semaphore(%run_scoped3A : memref<!tpu.dma_semaphore, #tpu.memory_space<semaphore_mem>>)
        %dma_wait3A_291 = tpu.memref_slice %arg3[%add3A_172] : memref<327680xi32, #tpu.memory_space<hbm>> -> memref<128xi32, #tpu.memory_space<hbm>>
        %dma_wait3A_292 = tpu.memref_slice %arg3[%add3A_172] : memref<327680xi32, #tpu.memory_space<hbm>> -> memref<128xi32, #tpu.memory_space<hbm>>
        tpu.wait_dma2 semaphore(%run_scoped3A : memref<!tpu.dma_semaphore, #tpu.memory_space<semaphore_mem>>) src(%dma_wait3A_292 : memref<128xi32, #tpu.memory_space<hbm>>) dst(%arg20 : memref<128xi32, #tpu.memory_space<vmem>>)
        tpu.yield
      }) : () -> ()
      %add3A_173 = arith.constant 768 : i32
      %add3A_174 = arith.addi %add3A_160, %add3A_173 : i32
      "tpu.region"() ({
        %run_scoped3A = tpu.sem_alloc : memref<!tpu.dma_semaphore, #tpu.memory_space<semaphore_mem>>
        %dma_start3A_289 = tpu.memref_slice %arg3[%add3A_174] : memref<327680xi32, #tpu.memory_space<hbm>> -> memref<128xi32, #tpu.memory_space<hbm>>
        %dma_start3A_290 = tpu.memref_slice %arg3[%add3A_174] : memref<327680xi32, #tpu.memory_space<hbm>> -> memref<128xi32, #tpu.memory_space<hbm>>
        tpu.enqueue_dma source(%dma_start3A_290 : memref<128xi32, #tpu.memory_space<hbm>>) target(%arg21 : memref<128xi32, #tpu.memory_space<vmem>>) target_semaphore(%run_scoped3A : memref<!tpu.dma_semaphore, #tpu.memory_space<semaphore_mem>>)
        %dma_wait3A_291 = tpu.memref_slice %arg3[%add3A_174] : memref<327680xi32, #tpu.memory_space<hbm>> -> memref<128xi32, #tpu.memory_space<hbm>>
        %dma_wait3A_292 = tpu.memref_slice %arg3[%add3A_174] : memref<327680xi32, #tpu.memory_space<hbm>> -> memref<128xi32, #tpu.memory_space<hbm>>
        tpu.wait_dma2 semaphore(%run_scoped3A : memref<!tpu.dma_semaphore, #tpu.memory_space<semaphore_mem>>) src(%dma_wait3A_292 : memref<128xi32, #tpu.memory_space<hbm>>) dst(%arg21 : memref<128xi32, #tpu.memory_space<vmem>>)
        tpu.yield
      }) : () -> ()
      %add3A_175 = arith.constant 896 : i32
      %add3A_176 = arith.addi %add3A_160, %add3A_175 : i32
      "tpu.region"() ({
        %run_scoped3A = tpu.sem_alloc : memref<!tpu.dma_semaphore, #tpu.memory_space<semaphore_mem>>
        %dma_start3A_289 = tpu.memref_slice %arg3[%add3A_176] : memref<327680xi32, #tpu.memory_space<hbm>> -> memref<128xi32, #tpu.memory_space<hbm>>
        %dma_start3A_290 = tpu.memref_slice %arg3[%add3A_176] : memref<327680xi32, #tpu.memory_space<hbm>> -> memref<128xi32, #tpu.memory_space<hbm>>
        tpu.enqueue_dma source(%dma_start3A_290 : memref<128xi32, #tpu.memory_space<hbm>>) target(%arg22 : memref<128xi32, #tpu.memory_space<vmem>>) target_semaphore(%run_scoped3A : memref<!tpu.dma_semaphore, #tpu.memory_space<semaphore_mem>>)
        %dma_wait3A_291 = tpu.memref_slice %arg3[%add3A_176] : memref<327680xi32, #tpu.memory_space<hbm>> -> memref<128xi32, #tpu.memory_space<hbm>>
        %dma_wait3A_292 = tpu.memref_slice %arg3[%add3A_176] : memref<327680xi32, #tpu.memory_space<hbm>> -> memref<128xi32, #tpu.memory_space<hbm>>
        tpu.wait_dma2 semaphore(%run_scoped3A : memref<!tpu.dma_semaphore, #tpu.memory_space<semaphore_mem>>) src(%dma_wait3A_292 : memref<128xi32, #tpu.memory_space<hbm>>) dst(%arg22 : memref<128xi32, #tpu.memory_space<vmem>>)
        tpu.yield
      }) : () -> ()
      %dma_start3A_177 = arith.constant 0 : i32
      %dma_start3A_178 = arith.constant 0 : i32
      %dma_start3A_179 = tpu.memref_slice %arg2[%dma_start3A_177, %dma_start3A_178] : memref<10240x16xf32, #tpu.memory_space<hbm>> -> memref<10240x16xf32, #tpu.memory_space<hbm>>
      tpu.enqueue_indirect_dma source(%dma_start3A_179 : memref<10240x16xf32, #tpu.memory_space<hbm>>) target(%arg47 : memref<128x16xf32, #tpu.memory_space<vmem>>) offsets(%arg15 : memref<128xi32, #tpu.memory_space<vmem>>) semaphore(%arg57 : memref<!tpu.dma_semaphore, #tpu.memory_space<semaphore_mem>>)
      %dma_start3A_180 = arith.constant 0 : i32
      %dma_start3A_181 = arith.constant 0 : i32
      %dma_start3A_182 = tpu.memref_slice %arg2[%dma_start3A_180, %dma_start3A_181] : memref<10240x16xf32, #tpu.memory_space<hbm>> -> memref<10240x16xf32, #tpu.memory_space<hbm>>
      tpu.enqueue_indirect_dma source(%dma_start3A_182 : memref<10240x16xf32, #tpu.memory_space<hbm>>) target(%arg48 : memref<128x16xf32, #tpu.memory_space<vmem>>) offsets(%arg16 : memref<128xi32, #tpu.memory_space<vmem>>) semaphore(%arg57 : memref<!tpu.dma_semaphore, #tpu.memory_space<semaphore_mem>>)
      %dma_start3A_183 = arith.constant 0 : i32
      %dma_start3A_184 = arith.constant 0 : i32
      %dma_start3A_185 = tpu.memref_slice %arg2[%dma_start3A_183, %dma_start3A_184] : memref<10240x16xf32, #tpu.memory_space<hbm>> -> memref<10240x16xf32, #tpu.memory_space<hbm>>
      tpu.enqueue_indirect_dma source(%dma_start3A_185 : memref<10240x16xf32, #tpu.memory_space<hbm>>) target(%arg49 : memref<128x16xf32, #tpu.memory_space<vmem>>) offsets(%arg17 : memref<128xi32, #tpu.memory_space<vmem>>) semaphore(%arg57 : memref<!tpu.dma_semaphore, #tpu.memory_space<semaphore_mem>>)
      %dma_start3A_186 = arith.constant 0 : i32
      %dma_start3A_187 = arith.constant 0 : i32
      %dma_start3A_188 = tpu.memref_slice %arg2[%dma_start3A_186, %dma_start3A_187] : memref<10240x16xf32, #tpu.memory_space<hbm>> -> memref<10240x16xf32, #tpu.memory_space<hbm>>
      tpu.enqueue_indirect_dma source(%dma_start3A_188 : memref<10240x16xf32, #tpu.memory_space<hbm>>) target(%arg50 : memref<128x16xf32, #tpu.memory_space<vmem>>) offsets(%arg18 : memref<128xi32, #tpu.memory_space<vmem>>) semaphore(%arg57 : memref<!tpu.dma_semaphore, #tpu.memory_space<semaphore_mem>>)
      %dma_start3A_189 = arith.constant 0 : i32
      %dma_start3A_190 = arith.constant 0 : i32
      %dma_start3A_191 = tpu.memref_slice %arg2[%dma_start3A_189, %dma_start3A_190] : memref<10240x16xf32, #tpu.memory_space<hbm>> -> memref<10240x16xf32, #tpu.memory_space<hbm>>
      tpu.enqueue_indirect_dma source(%dma_start3A_191 : memref<10240x16xf32, #tpu.memory_space<hbm>>) target(%arg51 : memref<128x16xf32, #tpu.memory_space<vmem>>) offsets(%arg19 : memref<128xi32, #tpu.memory_space<vmem>>) semaphore(%arg57 : memref<!tpu.dma_semaphore, #tpu.memory_space<semaphore_mem>>)
      %dma_start3A_192 = arith.constant 0 : i32
      %dma_start3A_193 = arith.constant 0 : i32
      %dma_start3A_194 = tpu.memref_slice %arg2[%dma_start3A_192, %dma_start3A_193] : memref<10240x16xf32, #tpu.memory_space<hbm>> -> memref<10240x16xf32, #tpu.memory_space<hbm>>
      tpu.enqueue_indirect_dma source(%dma_start3A_194 : memref<10240x16xf32, #tpu.memory_space<hbm>>) target(%arg52 : memref<128x16xf32, #tpu.memory_space<vmem>>) offsets(%arg20 : memref<128xi32, #tpu.memory_space<vmem>>) semaphore(%arg57 : memref<!tpu.dma_semaphore, #tpu.memory_space<semaphore_mem>>)
      %dma_start3A_195 = arith.constant 0 : i32
      %dma_start3A_196 = arith.constant 0 : i32
      %dma_start3A_197 = tpu.memref_slice %arg2[%dma_start3A_195, %dma_start3A_196] : memref<10240x16xf32, #tpu.memory_space<hbm>> -> memref<10240x16xf32, #tpu.memory_space<hbm>>
      tpu.enqueue_indirect_dma source(%dma_start3A_197 : memref<10240x16xf32, #tpu.memory_space<hbm>>) target(%arg53 : memref<128x16xf32, #tpu.memory_space<vmem>>) offsets(%arg21 : memref<128xi32, #tpu.memory_space<vmem>>) semaphore(%arg57 : memref<!tpu.dma_semaphore, #tpu.memory_space<semaphore_mem>>)
      %dma_start3A_198 = arith.constant 0 : i32
      %dma_start3A_199 = arith.constant 0 : i32
      %dma_start3A_200 = tpu.memref_slice %arg2[%dma_start3A_198, %dma_start3A_199] : memref<10240x16xf32, #tpu.memory_space<hbm>> -> memref<10240x16xf32, #tpu.memory_space<hbm>>
      tpu.enqueue_indirect_dma source(%dma_start3A_200 : memref<10240x16xf32, #tpu.memory_space<hbm>>) target(%arg54 : memref<128x16xf32, #tpu.memory_space<vmem>>) offsets(%arg22 : memref<128xi32, #tpu.memory_space<vmem>>) semaphore(%arg57 : memref<!tpu.dma_semaphore, #tpu.memory_space<semaphore_mem>>)
      %add3A_201 = arith.constant 0 : i32
      %add3A_202 = arith.addi %add3A_160, %add3A_201 : i32
      "tpu.region"() ({
        %run_scoped3A = tpu.sem_alloc : memref<!tpu.dma_semaphore, #tpu.memory_space<semaphore_mem>>
        %dma_start3A_289 = tpu.memref_slice %arg4[%add3A_202] : memref<327680xi32, #tpu.memory_space<hbm>> -> memref<128xi32, #tpu.memory_space<hbm>>
        %dma_start3A_290 = tpu.memref_slice %arg4[%add3A_202] : memref<327680xi32, #tpu.memory_space<hbm>> -> memref<128xi32, #tpu.memory_space<hbm>>
        tpu.enqueue_dma source(%dma_start3A_290 : memref<128xi32, #tpu.memory_space<hbm>>) target(%arg31 : memref<128xi32, #tpu.memory_space<vmem>>) target_semaphore(%run_scoped3A : memref<!tpu.dma_semaphore, #tpu.memory_space<semaphore_mem>>)
        %dma_wait3A_291 = tpu.memref_slice %arg4[%add3A_202] : memref<327680xi32, #tpu.memory_space<hbm>> -> memref<128xi32, #tpu.memory_space<hbm>>
        %dma_wait3A_292 = tpu.memref_slice %arg4[%add3A_202] : memref<327680xi32, #tpu.memory_space<hbm>> -> memref<128xi32, #tpu.memory_space<hbm>>
        tpu.wait_dma2 semaphore(%run_scoped3A : memref<!tpu.dma_semaphore, #tpu.memory_space<semaphore_mem>>) src(%dma_wait3A_292 : memref<128xi32, #tpu.memory_space<hbm>>) dst(%arg31 : memref<128xi32, #tpu.memory_space<vmem>>)
        tpu.yield
      }) : () -> ()
      %add3A_203 = arith.constant 128 : i32
      %add3A_204 = arith.addi %add3A_160, %add3A_203 : i32
      "tpu.region"() ({
        %run_scoped3A = tpu.sem_alloc : memref<!tpu.dma_semaphore, #tpu.memory_space<semaphore_mem>>
        %dma_start3A_289 = tpu.memref_slice %arg4[%add3A_204] : memref<327680xi32, #tpu.memory_space<hbm>> -> memref<128xi32, #tpu.memory_space<hbm>>
        %dma_start3A_290 = tpu.memref_slice %arg4[%add3A_204] : memref<327680xi32, #tpu.memory_space<hbm>> -> memref<128xi32, #tpu.memory_space<hbm>>
        tpu.enqueue_dma source(%dma_start3A_290 : memref<128xi32, #tpu.memory_space<hbm>>) target(%arg32 : memref<128xi32, #tpu.memory_space<vmem>>) target_semaphore(%run_scoped3A : memref<!tpu.dma_semaphore, #tpu.memory_space<semaphore_mem>>)
        %dma_wait3A_291 = tpu.memref_slice %arg4[%add3A_204] : memref<327680xi32, #tpu.memory_space<hbm>> -> memref<128xi32, #tpu.memory_space<hbm>>
        %dma_wait3A_292 = tpu.memref_slice %arg4[%add3A_204] : memref<327680xi32, #tpu.memory_space<hbm>> -> memref<128xi32, #tpu.memory_space<hbm>>
        tpu.wait_dma2 semaphore(%run_scoped3A : memref<!tpu.dma_semaphore, #tpu.memory_space<semaphore_mem>>) src(%dma_wait3A_292 : memref<128xi32, #tpu.memory_space<hbm>>) dst(%arg32 : memref<128xi32, #tpu.memory_space<vmem>>)
        tpu.yield
      }) : () -> ()
      %add3A_205 = arith.constant 256 : i32
      %add3A_206 = arith.addi %add3A_160, %add3A_205 : i32
      "tpu.region"() ({
        %run_scoped3A = tpu.sem_alloc : memref<!tpu.dma_semaphore, #tpu.memory_space<semaphore_mem>>
        %dma_start3A_289 = tpu.memref_slice %arg4[%add3A_206] : memref<327680xi32, #tpu.memory_space<hbm>> -> memref<128xi32, #tpu.memory_space<hbm>>
        %dma_start3A_290 = tpu.memref_slice %arg4[%add3A_206] : memref<327680xi32, #tpu.memory_space<hbm>> -> memref<128xi32, #tpu.memory_space<hbm>>
        tpu.enqueue_dma source(%dma_start3A_290 : memref<128xi32, #tpu.memory_space<hbm>>) target(%arg33 : memref<128xi32, #tpu.memory_space<vmem>>) target_semaphore(%run_scoped3A : memref<!tpu.dma_semaphore, #tpu.memory_space<semaphore_mem>>)
        %dma_wait3A_291 = tpu.memref_slice %arg4[%add3A_206] : memref<327680xi32, #tpu.memory_space<hbm>> -> memref<128xi32, #tpu.memory_space<hbm>>
        %dma_wait3A_292 = tpu.memref_slice %arg4[%add3A_206] : memref<327680xi32, #tpu.memory_space<hbm>> -> memref<128xi32, #tpu.memory_space<hbm>>
        tpu.wait_dma2 semaphore(%run_scoped3A : memref<!tpu.dma_semaphore, #tpu.memory_space<semaphore_mem>>) src(%dma_wait3A_292 : memref<128xi32, #tpu.memory_space<hbm>>) dst(%arg33 : memref<128xi32, #tpu.memory_space<vmem>>)
        tpu.yield
      }) : () -> ()
      %add3A_207 = arith.constant 384 : i32
      %add3A_208 = arith.addi %add3A_160, %add3A_207 : i32
      "tpu.region"() ({
        %run_scoped3A = tpu.sem_alloc : memref<!tpu.dma_semaphore, #tpu.memory_space<semaphore_mem>>
        %dma_start3A_289 = tpu.memref_slice %arg4[%add3A_208] : memref<327680xi32, #tpu.memory_space<hbm>> -> memref<128xi32, #tpu.memory_space<hbm>>
        %dma_start3A_290 = tpu.memref_slice %arg4[%add3A_208] : memref<327680xi32, #tpu.memory_space<hbm>> -> memref<128xi32, #tpu.memory_space<hbm>>
        tpu.enqueue_dma source(%dma_start3A_290 : memref<128xi32, #tpu.memory_space<hbm>>) target(%arg34 : memref<128xi32, #tpu.memory_space<vmem>>) target_semaphore(%run_scoped3A : memref<!tpu.dma_semaphore, #tpu.memory_space<semaphore_mem>>)
        %dma_wait3A_291 = tpu.memref_slice %arg4[%add3A_208] : memref<327680xi32, #tpu.memory_space<hbm>> -> memref<128xi32, #tpu.memory_space<hbm>>
        %dma_wait3A_292 = tpu.memref_slice %arg4[%add3A_208] : memref<327680xi32, #tpu.memory_space<hbm>> -> memref<128xi32, #tpu.memory_space<hbm>>
        tpu.wait_dma2 semaphore(%run_scoped3A : memref<!tpu.dma_semaphore, #tpu.memory_space<semaphore_mem>>) src(%dma_wait3A_292 : memref<128xi32, #tpu.memory_space<hbm>>) dst(%arg34 : memref<128xi32, #tpu.memory_space<vmem>>)
        tpu.yield
      }) : () -> ()
      %add3A_209 = arith.constant 512 : i32
      %add3A_210 = arith.addi %add3A_160, %add3A_209 : i32
      "tpu.region"() ({
        %run_scoped3A = tpu.sem_alloc : memref<!tpu.dma_semaphore, #tpu.memory_space<semaphore_mem>>
        %dma_start3A_289 = tpu.memref_slice %arg4[%add3A_210] : memref<327680xi32, #tpu.memory_space<hbm>> -> memref<128xi32, #tpu.memory_space<hbm>>
        %dma_start3A_290 = tpu.memref_slice %arg4[%add3A_210] : memref<327680xi32, #tpu.memory_space<hbm>> -> memref<128xi32, #tpu.memory_space<hbm>>
        tpu.enqueue_dma source(%dma_start3A_290 : memref<128xi32, #tpu.memory_space<hbm>>) target(%arg35 : memref<128xi32, #tpu.memory_space<vmem>>) target_semaphore(%run_scoped3A : memref<!tpu.dma_semaphore, #tpu.memory_space<semaphore_mem>>)
        %dma_wait3A_291 = tpu.memref_slice %arg4[%add3A_210] : memref<327680xi32, #tpu.memory_space<hbm>> -> memref<128xi32, #tpu.memory_space<hbm>>
        %dma_wait3A_292 = tpu.memref_slice %arg4[%add3A_210] : memref<327680xi32, #tpu.memory_space<hbm>> -> memref<128xi32, #tpu.memory_space<hbm>>
        tpu.wait_dma2 semaphore(%run_scoped3A : memref<!tpu.dma_semaphore, #tpu.memory_space<semaphore_mem>>) src(%dma_wait3A_292 : memref<128xi32, #tpu.memory_space<hbm>>) dst(%arg35 : memref<128xi32, #tpu.memory_space<vmem>>)
        tpu.yield
      }) : () -> ()
      %add3A_211 = arith.constant 640 : i32
      %add3A_212 = arith.addi %add3A_160, %add3A_211 : i32
      "tpu.region"() ({
        %run_scoped3A = tpu.sem_alloc : memref<!tpu.dma_semaphore, #tpu.memory_space<semaphore_mem>>
        %dma_start3A_289 = tpu.memref_slice %arg4[%add3A_212] : memref<327680xi32, #tpu.memory_space<hbm>> -> memref<128xi32, #tpu.memory_space<hbm>>
        %dma_start3A_290 = tpu.memref_slice %arg4[%add3A_212] : memref<327680xi32, #tpu.memory_space<hbm>> -> memref<128xi32, #tpu.memory_space<hbm>>
        tpu.enqueue_dma source(%dma_start3A_290 : memref<128xi32, #tpu.memory_space<hbm>>) target(%arg36 : memref<128xi32, #tpu.memory_space<vmem>>) target_semaphore(%run_scoped3A : memref<!tpu.dma_semaphore, #tpu.memory_space<semaphore_mem>>)
        %dma_wait3A_291 = tpu.memref_slice %arg4[%add3A_212] : memref<327680xi32, #tpu.memory_space<hbm>> -> memref<128xi32, #tpu.memory_space<hbm>>
        %dma_wait3A_292 = tpu.memref_slice %arg4[%add3A_212] : memref<327680xi32, #tpu.memory_space<hbm>> -> memref<128xi32, #tpu.memory_space<hbm>>
        tpu.wait_dma2 semaphore(%run_scoped3A : memref<!tpu.dma_semaphore, #tpu.memory_space<semaphore_mem>>) src(%dma_wait3A_292 : memref<128xi32, #tpu.memory_space<hbm>>) dst(%arg36 : memref<128xi32, #tpu.memory_space<vmem>>)
        tpu.yield
      }) : () -> ()
      %add3A_213 = arith.constant 768 : i32
      %add3A_214 = arith.addi %add3A_160, %add3A_213 : i32
      "tpu.region"() ({
        %run_scoped3A = tpu.sem_alloc : memref<!tpu.dma_semaphore, #tpu.memory_space<semaphore_mem>>
        %dma_start3A_289 = tpu.memref_slice %arg4[%add3A_214] : memref<327680xi32, #tpu.memory_space<hbm>> -> memref<128xi32, #tpu.memory_space<hbm>>
        %dma_start3A_290 = tpu.memref_slice %arg4[%add3A_214] : memref<327680xi32, #tpu.memory_space<hbm>> -> memref<128xi32, #tpu.memory_space<hbm>>
        tpu.enqueue_dma source(%dma_start3A_290 : memref<128xi32, #tpu.memory_space<hbm>>) target(%arg37 : memref<128xi32, #tpu.memory_space<vmem>>) target_semaphore(%run_scoped3A : memref<!tpu.dma_semaphore, #tpu.memory_space<semaphore_mem>>)
        %dma_wait3A_291 = tpu.memref_slice %arg4[%add3A_214] : memref<327680xi32, #tpu.memory_space<hbm>> -> memref<128xi32, #tpu.memory_space<hbm>>
        %dma_wait3A_292 = tpu.memref_slice %arg4[%add3A_214] : memref<327680xi32, #tpu.memory_space<hbm>> -> memref<128xi32, #tpu.memory_space<hbm>>
        tpu.wait_dma2 semaphore(%run_scoped3A : memref<!tpu.dma_semaphore, #tpu.memory_space<semaphore_mem>>) src(%dma_wait3A_292 : memref<128xi32, #tpu.memory_space<hbm>>) dst(%arg37 : memref<128xi32, #tpu.memory_space<vmem>>)
        tpu.yield
      }) : () -> ()
      %add3A_215 = arith.constant 896 : i32
      %add3A_216 = arith.addi %add3A_160, %add3A_215 : i32
      "tpu.region"() ({
        %run_scoped3A = tpu.sem_alloc : memref<!tpu.dma_semaphore, #tpu.memory_space<semaphore_mem>>
        %dma_start3A_289 = tpu.memref_slice %arg4[%add3A_216] : memref<327680xi32, #tpu.memory_space<hbm>> -> memref<128xi32, #tpu.memory_space<hbm>>
        %dma_start3A_290 = tpu.memref_slice %arg4[%add3A_216] : memref<327680xi32, #tpu.memory_space<hbm>> -> memref<128xi32, #tpu.memory_space<hbm>>
        tpu.enqueue_dma source(%dma_start3A_290 : memref<128xi32, #tpu.memory_space<hbm>>) target(%arg38 : memref<128xi32, #tpu.memory_space<vmem>>) target_semaphore(%run_scoped3A : memref<!tpu.dma_semaphore, #tpu.memory_space<semaphore_mem>>)
        %dma_wait3A_291 = tpu.memref_slice %arg4[%add3A_216] : memref<327680xi32, #tpu.memory_space<hbm>> -> memref<128xi32, #tpu.memory_space<hbm>>
        %dma_wait3A_292 = tpu.memref_slice %arg4[%add3A_216] : memref<327680xi32, #tpu.memory_space<hbm>> -> memref<128xi32, #tpu.memory_space<hbm>>
        tpu.wait_dma2 semaphore(%run_scoped3A : memref<!tpu.dma_semaphore, #tpu.memory_space<semaphore_mem>>) src(%dma_wait3A_292 : memref<128xi32, #tpu.memory_space<hbm>>) dst(%arg38 : memref<128xi32, #tpu.memory_space<vmem>>)
        tpu.yield
      }) : () -> ()
      %dma_wait3A_217 = arith.constant 0 : i32
      %dma_wait3A_218 = arith.constant 0 : i32
      %dma_wait3A_219 = tpu.memref_slice %arg2[%dma_wait3A_217, %dma_wait3A_218] : memref<10240x16xf32, #tpu.memory_space<hbm>> -> memref<10240x16xf32, #tpu.memory_space<hbm>>
      tpu.wait_indirect_dma semaphore(%arg57 : memref<!tpu.dma_semaphore, #tpu.memory_space<semaphore_mem>>) src(%dma_wait3A_219 : memref<10240x16xf32, #tpu.memory_space<hbm>>) dst(%arg47 : memref<128x16xf32, #tpu.memory_space<vmem>>)
      %dma_wait3A_220 = arith.constant 0 : i32
      %dma_wait3A_221 = arith.constant 0 : i32
      %dma_wait3A_222 = tpu.memref_slice %arg2[%dma_wait3A_220, %dma_wait3A_221] : memref<10240x16xf32, #tpu.memory_space<hbm>> -> memref<10240x16xf32, #tpu.memory_space<hbm>>
      tpu.wait_indirect_dma semaphore(%arg57 : memref<!tpu.dma_semaphore, #tpu.memory_space<semaphore_mem>>) src(%dma_wait3A_222 : memref<10240x16xf32, #tpu.memory_space<hbm>>) dst(%arg48 : memref<128x16xf32, #tpu.memory_space<vmem>>)
      %dma_wait3A_223 = arith.constant 0 : i32
      %dma_wait3A_224 = arith.constant 0 : i32
      %dma_wait3A_225 = tpu.memref_slice %arg2[%dma_wait3A_223, %dma_wait3A_224] : memref<10240x16xf32, #tpu.memory_space<hbm>> -> memref<10240x16xf32, #tpu.memory_space<hbm>>
      tpu.wait_indirect_dma semaphore(%arg57 : memref<!tpu.dma_semaphore, #tpu.memory_space<semaphore_mem>>) src(%dma_wait3A_225 : memref<10240x16xf32, #tpu.memory_space<hbm>>) dst(%arg49 : memref<128x16xf32, #tpu.memory_space<vmem>>)
      %dma_wait3A_226 = arith.constant 0 : i32
      %dma_wait3A_227 = arith.constant 0 : i32
      %dma_wait3A_228 = tpu.memref_slice %arg2[%dma_wait3A_226, %dma_wait3A_227] : memref<10240x16xf32, #tpu.memory_space<hbm>> -> memref<10240x16xf32, #tpu.memory_space<hbm>>
      tpu.wait_indirect_dma semaphore(%arg57 : memref<!tpu.dma_semaphore, #tpu.memory_space<semaphore_mem>>) src(%dma_wait3A_228 : memref<10240x16xf32, #tpu.memory_space<hbm>>) dst(%arg50 : memref<128x16xf32, #tpu.memory_space<vmem>>)
      %dma_wait3A_229 = arith.constant 0 : i32
      %dma_wait3A_230 = arith.constant 0 : i32
      %dma_wait3A_231 = tpu.memref_slice %arg2[%dma_wait3A_229, %dma_wait3A_230] : memref<10240x16xf32, #tpu.memory_space<hbm>> -> memref<10240x16xf32, #tpu.memory_space<hbm>>
      tpu.wait_indirect_dma semaphore(%arg57 : memref<!tpu.dma_semaphore, #tpu.memory_space<semaphore_mem>>) src(%dma_wait3A_231 : memref<10240x16xf32, #tpu.memory_space<hbm>>) dst(%arg51 : memref<128x16xf32, #tpu.memory_space<vmem>>)
      %dma_wait3A_232 = arith.constant 0 : i32
      %dma_wait3A_233 = arith.constant 0 : i32
      %dma_wait3A_234 = tpu.memref_slice %arg2[%dma_wait3A_232, %dma_wait3A_233] : memref<10240x16xf32, #tpu.memory_space<hbm>> -> memref<10240x16xf32, #tpu.memory_space<hbm>>
      tpu.wait_indirect_dma semaphore(%arg57 : memref<!tpu.dma_semaphore, #tpu.memory_space<semaphore_mem>>) src(%dma_wait3A_234 : memref<10240x16xf32, #tpu.memory_space<hbm>>) dst(%arg52 : memref<128x16xf32, #tpu.memory_space<vmem>>)
      %dma_wait3A_235 = arith.constant 0 : i32
      %dma_wait3A_236 = arith.constant 0 : i32
      %dma_wait3A_237 = tpu.memref_slice %arg2[%dma_wait3A_235, %dma_wait3A_236] : memref<10240x16xf32, #tpu.memory_space<hbm>> -> memref<10240x16xf32, #tpu.memory_space<hbm>>
      tpu.wait_indirect_dma semaphore(%arg57 : memref<!tpu.dma_semaphore, #tpu.memory_space<semaphore_mem>>) src(%dma_wait3A_237 : memref<10240x16xf32, #tpu.memory_space<hbm>>) dst(%arg53 : memref<128x16xf32, #tpu.memory_space<vmem>>)
      %dma_wait3A_238 = arith.constant 0 : i32
      %dma_wait3A_239 = arith.constant 0 : i32
      %dma_wait3A_240 = tpu.memref_slice %arg2[%dma_wait3A_238, %dma_wait3A_239] : memref<10240x16xf32, #tpu.memory_space<hbm>> -> memref<10240x16xf32, #tpu.memory_space<hbm>>
      tpu.wait_indirect_dma semaphore(%arg57 : memref<!tpu.dma_semaphore, #tpu.memory_space<semaphore_mem>>) src(%dma_wait3A_240 : memref<10240x16xf32, #tpu.memory_space<hbm>>) dst(%arg54 : memref<128x16xf32, #tpu.memory_space<vmem>>)
      %dma_wait3A_241 = arith.constant 0 : i32
      %dma_wait3A_242 = arith.constant 0 : i32
      %dma_wait3A_243 = tpu.memref_slice %arg56[%dma_wait3A_241, %dma_wait3A_242] : memref<10240x16xf32, #tpu.memory_space<vmem_shared>> -> memref<10240x16xf32, #tpu.memory_space<vmem_shared>>
      tpu.wait_indirect_dma semaphore(%arg58 : memref<!tpu.dma_semaphore, #tpu.memory_space<semaphore_mem>>) src(%arg39 : memref<128x16xf32, #tpu.memory_space<vmem>>) dst(%dma_wait3A_243 : memref<10240x16xf32, #tpu.memory_space<vmem_shared>>)
      %dma_wait3A_244 = arith.constant 0 : i32
      %dma_wait3A_245 = arith.constant 0 : i32
      %dma_wait3A_246 = tpu.memref_slice %arg56[%dma_wait3A_244, %dma_wait3A_245] : memref<10240x16xf32, #tpu.memory_space<vmem_shared>> -> memref<10240x16xf32, #tpu.memory_space<vmem_shared>>
      tpu.wait_indirect_dma semaphore(%arg58 : memref<!tpu.dma_semaphore, #tpu.memory_space<semaphore_mem>>) src(%arg40 : memref<128x16xf32, #tpu.memory_space<vmem>>) dst(%dma_wait3A_246 : memref<10240x16xf32, #tpu.memory_space<vmem_shared>>)
      %dma_wait3A_247 = arith.constant 0 : i32
      %dma_wait3A_248 = arith.constant 0 : i32
      %dma_wait3A_249 = tpu.memref_slice %arg56[%dma_wait3A_247, %dma_wait3A_248] : memref<10240x16xf32, #tpu.memory_space<vmem_shared>> -> memref<10240x16xf32, #tpu.memory_space<vmem_shared>>
      tpu.wait_indirect_dma semaphore(%arg58 : memref<!tpu.dma_semaphore, #tpu.memory_space<semaphore_mem>>) src(%arg41 : memref<128x16xf32, #tpu.memory_space<vmem>>) dst(%dma_wait3A_249 : memref<10240x16xf32, #tpu.memory_space<vmem_shared>>)
      %dma_wait3A_250 = arith.constant 0 : i32
      %dma_wait3A_251 = arith.constant 0 : i32
      %dma_wait3A_252 = tpu.memref_slice %arg56[%dma_wait3A_250, %dma_wait3A_251] : memref<10240x16xf32, #tpu.memory_space<vmem_shared>> -> memref<10240x16xf32, #tpu.memory_space<vmem_shared>>
      tpu.wait_indirect_dma semaphore(%arg58 : memref<!tpu.dma_semaphore, #tpu.memory_space<semaphore_mem>>) src(%arg42 : memref<128x16xf32, #tpu.memory_space<vmem>>) dst(%dma_wait3A_252 : memref<10240x16xf32, #tpu.memory_space<vmem_shared>>)
      %dma_wait3A_253 = arith.constant 0 : i32
      %dma_wait3A_254 = arith.constant 0 : i32
      %dma_wait3A_255 = tpu.memref_slice %arg56[%dma_wait3A_253, %dma_wait3A_254] : memref<10240x16xf32, #tpu.memory_space<vmem_shared>> -> memref<10240x16xf32, #tpu.memory_space<vmem_shared>>
      tpu.wait_indirect_dma semaphore(%arg58 : memref<!tpu.dma_semaphore, #tpu.memory_space<semaphore_mem>>) src(%arg43 : memref<128x16xf32, #tpu.memory_space<vmem>>) dst(%dma_wait3A_255 : memref<10240x16xf32, #tpu.memory_space<vmem_shared>>)
      %dma_wait3A_256 = arith.constant 0 : i32
      %dma_wait3A_257 = arith.constant 0 : i32
      %dma_wait3A_258 = tpu.memref_slice %arg56[%dma_wait3A_256, %dma_wait3A_257] : memref<10240x16xf32, #tpu.memory_space<vmem_shared>> -> memref<10240x16xf32, #tpu.memory_space<vmem_shared>>
      tpu.wait_indirect_dma semaphore(%arg58 : memref<!tpu.dma_semaphore, #tpu.memory_space<semaphore_mem>>) src(%arg44 : memref<128x16xf32, #tpu.memory_space<vmem>>) dst(%dma_wait3A_258 : memref<10240x16xf32, #tpu.memory_space<vmem_shared>>)
      %dma_wait3A_259 = arith.constant 0 : i32
      %dma_wait3A_260 = arith.constant 0 : i32
      %dma_wait3A_261 = tpu.memref_slice %arg56[%dma_wait3A_259, %dma_wait3A_260] : memref<10240x16xf32, #tpu.memory_space<vmem_shared>> -> memref<10240x16xf32, #tpu.memory_space<vmem_shared>>
      tpu.wait_indirect_dma semaphore(%arg58 : memref<!tpu.dma_semaphore, #tpu.memory_space<semaphore_mem>>) src(%arg45 : memref<128x16xf32, #tpu.memory_space<vmem>>) dst(%dma_wait3A_261 : memref<10240x16xf32, #tpu.memory_space<vmem_shared>>)
      %dma_wait3A_262 = arith.constant 0 : i32
      %dma_wait3A_263 = arith.constant 0 : i32
      %dma_wait3A_264 = tpu.memref_slice %arg56[%dma_wait3A_262, %dma_wait3A_263] : memref<10240x16xf32, #tpu.memory_space<vmem_shared>> -> memref<10240x16xf32, #tpu.memory_space<vmem_shared>>
      tpu.wait_indirect_dma semaphore(%arg58 : memref<!tpu.dma_semaphore, #tpu.memory_space<semaphore_mem>>) src(%arg46 : memref<128x16xf32, #tpu.memory_space<vmem>>) dst(%dma_wait3A_264 : memref<10240x16xf32, #tpu.memory_space<vmem_shared>>)
      %dma_start3A_265 = arith.constant 0 : i32
      %dma_start3A_266 = arith.constant 0 : i32
      %dma_start3A_267 = tpu.memref_slice %arg56[%dma_start3A_265, %dma_start3A_266] : memref<10240x16xf32, #tpu.memory_space<vmem_shared>> -> memref<10240x16xf32, #tpu.memory_space<vmem_shared>>
      tpu.enqueue_indirect_dma source(%arg47 : memref<128x16xf32, #tpu.memory_space<vmem>>) target(%dma_start3A_267 : memref<10240x16xf32, #tpu.memory_space<vmem_shared>>) offsets(%arg31 : memref<128xi32, #tpu.memory_space<vmem>>) semaphore(%arg59 : memref<!tpu.dma_semaphore, #tpu.memory_space<semaphore_mem>>) {add = true}
      %dma_start3A_268 = arith.constant 0 : i32
      %dma_start3A_269 = arith.constant 0 : i32
      %dma_start3A_270 = tpu.memref_slice %arg56[%dma_start3A_268, %dma_start3A_269] : memref<10240x16xf32, #tpu.memory_space<vmem_shared>> -> memref<10240x16xf32, #tpu.memory_space<vmem_shared>>
      tpu.enqueue_indirect_dma source(%arg48 : memref<128x16xf32, #tpu.memory_space<vmem>>) target(%dma_start3A_270 : memref<10240x16xf32, #tpu.memory_space<vmem_shared>>) offsets(%arg32 : memref<128xi32, #tpu.memory_space<vmem>>) semaphore(%arg59 : memref<!tpu.dma_semaphore, #tpu.memory_space<semaphore_mem>>) {add = true}
      %dma_start3A_271 = arith.constant 0 : i32
      %dma_start3A_272 = arith.constant 0 : i32
      %dma_start3A_273 = tpu.memref_slice %arg56[%dma_start3A_271, %dma_start3A_272] : memref<10240x16xf32, #tpu.memory_space<vmem_shared>> -> memref<10240x16xf32, #tpu.memory_space<vmem_shared>>
      tpu.enqueue_indirect_dma source(%arg49 : memref<128x16xf32, #tpu.memory_space<vmem>>) target(%dma_start3A_273 : memref<10240x16xf32, #tpu.memory_space<vmem_shared>>) offsets(%arg33 : memref<128xi32, #tpu.memory_space<vmem>>) semaphore(%arg59 : memref<!tpu.dma_semaphore, #tpu.memory_space<semaphore_mem>>) {add = true}
      %dma_start3A_274 = arith.constant 0 : i32
      %dma_start3A_275 = arith.constant 0 : i32
      %dma_start3A_276 = tpu.memref_slice %arg56[%dma_start3A_274, %dma_start3A_275] : memref<10240x16xf32, #tpu.memory_space<vmem_shared>> -> memref<10240x16xf32, #tpu.memory_space<vmem_shared>>
      tpu.enqueue_indirect_dma source(%arg50 : memref<128x16xf32, #tpu.memory_space<vmem>>) target(%dma_start3A_276 : memref<10240x16xf32, #tpu.memory_space<vmem_shared>>) offsets(%arg34 : memref<128xi32, #tpu.memory_space<vmem>>) semaphore(%arg59 : memref<!tpu.dma_semaphore, #tpu.memory_space<semaphore_mem>>) {add = true}
      %dma_start3A_277 = arith.constant 0 : i32
      %dma_start3A_278 = arith.constant 0 : i32
      %dma_start3A_279 = tpu.memref_slice %arg56[%dma_start3A_277, %dma_start3A_278] : memref<10240x16xf32, #tpu.memory_space<vmem_shared>> -> memref<10240x16xf32, #tpu.memory_space<vmem_shared>>
      tpu.enqueue_indirect_dma source(%arg51 : memref<128x16xf32, #tpu.memory_space<vmem>>) target(%dma_start3A_279 : memref<10240x16xf32, #tpu.memory_space<vmem_shared>>) offsets(%arg35 : memref<128xi32, #tpu.memory_space<vmem>>) semaphore(%arg59 : memref<!tpu.dma_semaphore, #tpu.memory_space<semaphore_mem>>) {add = true}
      %dma_start3A_280 = arith.constant 0 : i32
      %dma_start3A_281 = arith.constant 0 : i32
      %dma_start3A_282 = tpu.memref_slice %arg56[%dma_start3A_280, %dma_start3A_281] : memref<10240x16xf32, #tpu.memory_space<vmem_shared>> -> memref<10240x16xf32, #tpu.memory_space<vmem_shared>>
      tpu.enqueue_indirect_dma source(%arg52 : memref<128x16xf32, #tpu.memory_space<vmem>>) target(%dma_start3A_282 : memref<10240x16xf32, #tpu.memory_space<vmem_shared>>) offsets(%arg36 : memref<128xi32, #tpu.memory_space<vmem>>) semaphore(%arg59 : memref<!tpu.dma_semaphore, #tpu.memory_space<semaphore_mem>>) {add = true}
      %dma_start3A_283 = arith.constant 0 : i32
      %dma_start3A_284 = arith.constant 0 : i32
      %dma_start3A_285 = tpu.memref_slice %arg56[%dma_start3A_283, %dma_start3A_284] : memref<10240x16xf32, #tpu.memory_space<vmem_shared>> -> memref<10240x16xf32, #tpu.memory_space<vmem_shared>>
      tpu.enqueue_indirect_dma source(%arg53 : memref<128x16xf32, #tpu.memory_space<vmem>>) target(%dma_start3A_285 : memref<10240x16xf32, #tpu.memory_space<vmem_shared>>) offsets(%arg37 : memref<128xi32, #tpu.memory_space<vmem>>) semaphore(%arg59 : memref<!tpu.dma_semaphore, #tpu.memory_space<semaphore_mem>>) {add = true}
      %dma_start3A_286 = arith.constant 0 : i32
      %dma_start3A_287 = arith.constant 0 : i32
      %dma_start3A_288 = tpu.memref_slice %arg56[%dma_start3A_286, %dma_start3A_287] : memref<10240x16xf32, #tpu.memory_space<vmem_shared>> -> memref<10240x16xf32, #tpu.memory_space<vmem_shared>>
      tpu.enqueue_indirect_dma source(%arg54 : memref<128x16xf32, #tpu.memory_space<vmem>>) target(%dma_start3A_288 : memref<10240x16xf32, #tpu.memory_space<vmem_shared>>) offsets(%arg38 : memref<128xi32, #tpu.memory_space<vmem>>) semaphore(%arg59 : memref<!tpu.dma_semaphore, #tpu.memory_space<semaphore_mem>>) {add = true}
    }
    %scan3A_6 = arith.constant 5 : i32
    %dma_wait3A = arith.constant 0 : i32
    %dma_wait3A_7 = arith.constant 0 : i32
    %dma_wait3A_8 = tpu.memref_slice %arg56[%dma_wait3A, %dma_wait3A_7] : memref<10240x16xf32, #tpu.memory_space<vmem_shared>> -> memref<10240x16xf32, #tpu.memory_space<vmem_shared>>
    tpu.wait_indirect_dma semaphore(%arg59 : memref<!tpu.dma_semaphore, #tpu.memory_space<semaphore_mem>>) src(%arg47 : memref<128x16xf32, #tpu.memory_space<vmem>>) dst(%dma_wait3A_8 : memref<10240x16xf32, #tpu.memory_space<vmem_shared>>)
    %dma_wait3A_9 = arith.constant 0 : i32
    %dma_wait3A_10 = arith.constant 0 : i32
    %dma_wait3A_11 = tpu.memref_slice %arg56[%dma_wait3A_9, %dma_wait3A_10] : memref<10240x16xf32, #tpu.memory_space<vmem_shared>> -> memref<10240x16xf32, #tpu.memory_space<vmem_shared>>
    tpu.wait_indirect_dma semaphore(%arg59 : memref<!tpu.dma_semaphore, #tpu.memory_space<semaphore_mem>>) src(%arg48 : memref<128x16xf32, #tpu.memory_space<vmem>>) dst(%dma_wait3A_11 : memref<10240x16xf32, #tpu.memory_space<vmem_shared>>)
    %dma_wait3A_12 = arith.constant 0 : i32
    %dma_wait3A_13 = arith.constant 0 : i32
    %dma_wait3A_14 = tpu.memref_slice %arg56[%dma_wait3A_12, %dma_wait3A_13] : memref<10240x16xf32, #tpu.memory_space<vmem_shared>> -> memref<10240x16xf32, #tpu.memory_space<vmem_shared>>
    tpu.wait_indirect_dma semaphore(%arg59 : memref<!tpu.dma_semaphore, #tpu.memory_space<semaphore_mem>>) src(%arg49 : memref<128x16xf32, #tpu.memory_space<vmem>>) dst(%dma_wait3A_14 : memref<10240x16xf32, #tpu.memory_space<vmem_shared>>)
    %dma_wait3A_15 = arith.constant 0 : i32
    %dma_wait3A_16 = arith.constant 0 : i32
    %dma_wait3A_17 = tpu.memref_slice %arg56[%dma_wait3A_15, %dma_wait3A_16] : memref<10240x16xf32, #tpu.memory_space<vmem_shared>> -> memref<10240x16xf32, #tpu.memory_space<vmem_shared>>
    tpu.wait_indirect_dma semaphore(%arg59 : memref<!tpu.dma_semaphore, #tpu.memory_space<semaphore_mem>>) src(%arg50 : memref<128x16xf32, #tpu.memory_space<vmem>>) dst(%dma_wait3A_17 : memref<10240x16xf32, #tpu.memory_space<vmem_shared>>)
    %dma_wait3A_18 = arith.constant 0 : i32
    %dma_wait3A_19 = arith.constant 0 : i32
    %dma_wait3A_20 = tpu.memref_slice %arg56[%dma_wait3A_18, %dma_wait3A_19] : memref<10240x16xf32, #tpu.memory_space<vmem_shared>> -> memref<10240x16xf32, #tpu.memory_space<vmem_shared>>
    tpu.wait_indirect_dma semaphore(%arg59 : memref<!tpu.dma_semaphore, #tpu.memory_space<semaphore_mem>>) src(%arg51 : memref<128x16xf32, #tpu.memory_space<vmem>>) dst(%dma_wait3A_20 : memref<10240x16xf32, #tpu.memory_space<vmem_shared>>)
    %dma_wait3A_21 = arith.constant 0 : i32
    %dma_wait3A_22 = arith.constant 0 : i32
    %dma_wait3A_23 = tpu.memref_slice %arg56[%dma_wait3A_21, %dma_wait3A_22] : memref<10240x16xf32, #tpu.memory_space<vmem_shared>> -> memref<10240x16xf32, #tpu.memory_space<vmem_shared>>
    tpu.wait_indirect_dma semaphore(%arg59 : memref<!tpu.dma_semaphore, #tpu.memory_space<semaphore_mem>>) src(%arg52 : memref<128x16xf32, #tpu.memory_space<vmem>>) dst(%dma_wait3A_23 : memref<10240x16xf32, #tpu.memory_space<vmem_shared>>)
    %dma_wait3A_24 = arith.constant 0 : i32
    %dma_wait3A_25 = arith.constant 0 : i32
    %dma_wait3A_26 = tpu.memref_slice %arg56[%dma_wait3A_24, %dma_wait3A_25] : memref<10240x16xf32, #tpu.memory_space<vmem_shared>> -> memref<10240x16xf32, #tpu.memory_space<vmem_shared>>
    tpu.wait_indirect_dma semaphore(%arg59 : memref<!tpu.dma_semaphore, #tpu.memory_space<semaphore_mem>>) src(%arg53 : memref<128x16xf32, #tpu.memory_space<vmem>>) dst(%dma_wait3A_26 : memref<10240x16xf32, #tpu.memory_space<vmem_shared>>)
    %dma_wait3A_27 = arith.constant 0 : i32
    %dma_wait3A_28 = arith.constant 0 : i32
    %dma_wait3A_29 = tpu.memref_slice %arg56[%dma_wait3A_27, %dma_wait3A_28] : memref<10240x16xf32, #tpu.memory_space<vmem_shared>> -> memref<10240x16xf32, #tpu.memory_space<vmem_shared>>
    tpu.wait_indirect_dma semaphore(%arg59 : memref<!tpu.dma_semaphore, #tpu.memory_space<semaphore_mem>>) src(%arg54 : memref<128x16xf32, #tpu.memory_space<vmem>>) dst(%dma_wait3A_29 : memref<10240x16xf32, #tpu.memory_space<vmem_shared>>)
    %barrier3A_30 = arith.constant 0 : index
    tpu.barrier barrier_id(%barrier3A_30)
    %mul3A_31 = arith.constant 640 : i32
    %mul3A_32 = arith.muli %arg1, %mul3A_31 : i32
    %mul3A_33 = arith.constant 640 : i32
    %mul3A_34 = arith.muli %arg1, %mul3A_33 : i32
    "tpu.region"() ({
      %run_scoped3A = tpu.sem_alloc : memref<!tpu.dma_semaphore, #tpu.memory_space<semaphore_mem>>
      %dma_start3A = arith.constant 0 : i32
      %dma_start3A_35 = tpu.memref_slice %arg6[%arg0, %mul3A_34, %dma_start3A] : memref<2x10240x16xf32, #tpu.memory_space<hbm>> -> memref<1x640x16xf32, #tpu.memory_space<hbm>>
      %dma_start3A_36 = tpu.memref_squeeze %dma_start3A_35 : memref<1x640x16xf32, #tpu.memory_space<hbm>> -> memref<640x16xf32, #tpu.memory_space<hbm>>
      %dma_start3A_37 = arith.constant 0 : i32
      %dma_start3A_38 = tpu.memref_slice %arg56[%mul3A_32, %dma_start3A_37] : memref<10240x16xf32, #tpu.memory_space<vmem_shared>> -> memref<640x16xf32, #tpu.memory_space<vmem_shared>>
      tpu.enqueue_dma source(%dma_start3A_38 : memref<640x16xf32, #tpu.memory_space<vmem_shared>>) target(%dma_start3A_36 : memref<640x16xf32, #tpu.memory_space<hbm>>) target_semaphore(%run_scoped3A : memref<!tpu.dma_semaphore, #tpu.memory_space<semaphore_mem>>)
      %dma_wait3A_39 = arith.constant 0 : i32
      %dma_wait3A_40 = tpu.memref_slice %arg6[%arg0, %mul3A_34, %dma_wait3A_39] : memref<2x10240x16xf32, #tpu.memory_space<hbm>> -> memref<1x640x16xf32, #tpu.memory_space<hbm>>
      %dma_wait3A_41 = tpu.memref_squeeze %dma_wait3A_40 : memref<1x640x16xf32, #tpu.memory_space<hbm>> -> memref<640x16xf32, #tpu.memory_space<hbm>>
      %dma_wait3A_42 = arith.constant 0 : i32
      %dma_wait3A_43 = tpu.memref_slice %arg56[%mul3A_32, %dma_wait3A_42] : memref<10240x16xf32, #tpu.memory_space<vmem_shared>> -> memref<640x16xf32, #tpu.memory_space<vmem_shared>>
      tpu.wait_dma2 semaphore(%run_scoped3A : memref<!tpu.dma_semaphore, #tpu.memory_space<semaphore_mem>>) src(%dma_wait3A_43 : memref<640x16xf32, #tpu.memory_space<vmem_shared>>) dst(%dma_wait3A_41 : memref<640x16xf32, #tpu.memory_space<hbm>>)
      tpu.yield
    }) : () -> ()
    return
  }
}

#map = affine_map<(d0, d1) -> (0, 0)>
#map1 = affine_map<(d0, d1) -> (0)>
#map2 = affine_map<(d0, d1) -> (0, 0, 0)>
module attributes {stable_mosaic.version = 14 : i64} {
  func.func @body(%arg0: i32, %arg1: i32, %arg2: memref<10240x1xf32, #tpu.memory_space<hbm>>, %arg3: memref<327680xi32, #tpu.memory_space<hbm>>, %arg4: memref<327680xi32, #tpu.memory_space<hbm>>, %arg5: memref<640x1xf32, #tpu.memory_space<hbm>>, %arg6: memref<2x10240x1xf32, #tpu.memory_space<hbm>>, %arg7: memref<128xi32, #tpu.memory_space<vmem>>, %arg8: memref<128xi32, #tpu.memory_space<vmem>>, %arg9: memref<128xi32, #tpu.memory_space<vmem>>, %arg10: memref<128xi32, #tpu.memory_space<vmem>>, %arg11: memref<128xi32, #tpu.memory_space<vmem>>, %arg12: memref<128xi32, #tpu.memory_space<vmem>>, %arg13: memref<128xi32, #tpu.memory_space<vmem>>, %arg14: memref<128xi32, #tpu.memory_space<vmem>>, %arg15: memref<128xi32, #tpu.memory_space<vmem>>, %arg16: memref<128xi32, #tpu.memory_space<vmem>>, %arg17: memref<128xi32, #tpu.memory_space<vmem>>, %arg18: memref<128xi32, #tpu.memory_space<vmem>>, %arg19: memref<128xi32, #tpu.memory_space<vmem>>, %arg20: memref<128xi32, #tpu.memory_space<vmem>>, %arg21: memref<128xi32, #tpu.memory_space<vmem>>, %arg22: memref<128xi32, #tpu.memory_space<vmem>>, %arg23: memref<128xi32, #tpu.memory_space<vmem>>, %arg24: memref<128xi32, #tpu.memory_space<vmem>>, %arg25: memref<128xi32, #tpu.memory_space<vmem>>, %arg26: memref<128xi32, #tpu.memory_space<vmem>>, %arg27: memref<128xi32, #tpu.memory_space<vmem>>, %arg28: memref<128xi32, #tpu.memory_space<vmem>>, %arg29: memref<128xi32, #tpu.memory_space<vmem>>, %arg30: memref<128xi32, #tpu.memory_space<vmem>>, %arg31: memref<128xi32, #tpu.memory_space<vmem>>, %arg32: memref<128xi32, #tpu.memory_space<vmem>>, %arg33: memref<128xi32, #tpu.memory_space<vmem>>, %arg34: memref<128xi32, #tpu.memory_space<vmem>>, %arg35: memref<128xi32, #tpu.memory_space<vmem>>, %arg36: memref<128xi32, #tpu.memory_space<vmem>>, %arg37: memref<128xi32, #tpu.memory_space<vmem>>, %arg38: memref<128xi32, #tpu.memory_space<vmem>>, %arg39: memref<128x1xf32, #tpu.memory_space<vmem>>, %arg40: memref<128x1xf32, #tpu.memory_space<vmem>>, %arg41: memref<128x1xf32, #tpu.memory_space<vmem>>, %arg42: memref<128x1xf32, #tpu.memory_space<vmem>>, %arg43: memref<128x1xf32, #tpu.memory_space<vmem>>, %arg44: memref<128x1xf32, #tpu.memory_space<vmem>>, %arg45: memref<128x1xf32, #tpu.memory_space<vmem>>, %arg46: memref<128x1xf32, #tpu.memory_space<vmem>>, %arg47: memref<128x1xf32, #tpu.memory_space<vmem>>, %arg48: memref<128x1xf32, #tpu.memory_space<vmem>>, %arg49: memref<128x1xf32, #tpu.memory_space<vmem>>, %arg50: memref<128x1xf32, #tpu.memory_space<vmem>>, %arg51: memref<128x1xf32, #tpu.memory_space<vmem>>, %arg52: memref<128x1xf32, #tpu.memory_space<vmem>>, %arg53: memref<128x1xf32, #tpu.memory_space<vmem>>, %arg54: memref<128x1xf32, #tpu.memory_space<vmem>>, %arg55: memref<640x1xf32, #tpu.memory_space<vmem>>, %arg56: memref<10240x1xf32, #tpu.memory_space<vmem_shared>>, %arg57: memref<!tpu.dma_semaphore, #tpu.memory_space<semaphore_mem>>, %arg58: memref<!tpu.dma_semaphore, #tpu.memory_space<semaphore_mem>>, %arg59: memref<!tpu.dma_semaphore, #tpu.memory_space<semaphore_mem>>) attributes {dimension_semantics = [#tpu.dimension_semantics<core_parallel>, #tpu.dimension_semantics<subcore_parallel>], iteration_bounds = array<i64: 2, 16>, scalar_prefetch = 0 : i64, scratch_operands = 53 : i64, tpu.core_type = #tpu.core_type<sc_vector_subcore>, window_params = [{transform_indices = #map}, {transform_indices = #map1}, {transform_indices = #map1}, {transform_indices = #map}, {transform_indices = #map2}]} {
    %mul3A = arith.constant 2 : i32
    %mul3A_0 = arith.muli %arg1, %mul3A : i32
    %add3A = arith.addi %mul3A_0, %arg0 : i32
    "tpu.region"() ({
      %run_scoped3A = tpu.sem_alloc : memref<!tpu.dma_semaphore, #tpu.memory_space<semaphore_mem>>
      tpu.enqueue_dma source(%arg5 : memref<640x1xf32, #tpu.memory_space<hbm>>) target(%arg55 : memref<640x1xf32, #tpu.memory_space<vmem>>) target_semaphore(%run_scoped3A : memref<!tpu.dma_semaphore, #tpu.memory_space<semaphore_mem>>)
      tpu.wait_dma2 semaphore(%run_scoped3A : memref<!tpu.dma_semaphore, #tpu.memory_space<semaphore_mem>>) src(%arg5 : memref<640x1xf32, #tpu.memory_space<hbm>>) dst(%arg55 : memref<640x1xf32, #tpu.memory_space<vmem>>)
      tpu.yield
    }) : () -> ()
    %mul3A_1 = arith.constant 640 : i32
    %mul3A_2 = arith.muli %arg1, %mul3A_1 : i32
    "tpu.region"() ({
      %run_scoped3A = tpu.sem_alloc : memref<!tpu.dma_semaphore, #tpu.memory_space<semaphore_mem>>
      %dma_start3A = arith.constant 0 : i32
      %dma_start3A_35 = tpu.memref_slice %arg56[%mul3A_2, %dma_start3A] : memref<10240x1xf32, #tpu.memory_space<vmem_shared>> -> memref<640x1xf32, #tpu.memory_space<vmem_shared>>
      %dma_start3A_36 = arith.constant 0 : i32
      %dma_start3A_37 = tpu.memref_slice %arg56[%mul3A_2, %dma_start3A_36] : memref<10240x1xf32, #tpu.memory_space<vmem_shared>> -> memref<640x1xf32, #tpu.memory_space<vmem_shared>>
      tpu.enqueue_dma source(%arg55 : memref<640x1xf32, #tpu.memory_space<vmem>>) target(%dma_start3A_37 : memref<640x1xf32, #tpu.memory_space<vmem_shared>>) target_semaphore(%run_scoped3A : memref<!tpu.dma_semaphore, #tpu.memory_space<semaphore_mem>>)
      %dma_wait3A_38 = arith.constant 0 : i32
      %dma_wait3A_39 = tpu.memref_slice %arg56[%mul3A_2, %dma_wait3A_38] : memref<10240x1xf32, #tpu.memory_space<vmem_shared>> -> memref<640x1xf32, #tpu.memory_space<vmem_shared>>
      %dma_wait3A_40 = arith.constant 0 : i32
      %dma_wait3A_41 = tpu.memref_slice %arg56[%mul3A_2, %dma_wait3A_40] : memref<10240x1xf32, #tpu.memory_space<vmem_shared>> -> memref<640x1xf32, #tpu.memory_space<vmem_shared>>
      tpu.wait_dma2 semaphore(%run_scoped3A : memref<!tpu.dma_semaphore, #tpu.memory_space<semaphore_mem>>) src(%arg55 : memref<640x1xf32, #tpu.memory_space<vmem>>) dst(%dma_wait3A_41 : memref<640x1xf32, #tpu.memory_space<vmem_shared>>)
      tpu.yield
    }) : () -> ()
    %barrier3A = arith.constant 0 : index
    tpu.barrier barrier_id(%barrier3A)
    %scan3A = arith.constant 0 : i32
    %scan3A_3 = arith.constant 5 : i32
    %scan3A_4 = arith.addi %scan3A, %scan3A_3 : i32
    %scan3A_5 = arith.constant 1 : i32
    scf.for %scan3A_35 = %scan3A to %scan3A_4 step %scan3A_5  : i32 {
      %mul3A_36 = arith.constant 1 : i32
      %mul3A_37 = arith.muli %scan3A_35, %mul3A_36 : i32
      %add3A_38 = arith.constant 0 : i32
      %add3A_39 = arith.addi %add3A_38, %mul3A_37 : i32
      %mul3A_40 = arith.constant 2 : i32
      %mul3A_41 = arith.muli %mul3A_40, %add3A_39 : i32
      %mul3A_42 = arith.constant 10240 : i32
      %mul3A_43 = arith.muli %add3A, %mul3A_42 : i32
      %mul3A_44 = arith.constant 1024 : i32
      %mul3A_45 = arith.muli %mul3A_41, %mul3A_44 : i32
      %add3A_46 = arith.addi %mul3A_43, %mul3A_45 : i32
      %add3A_47 = arith.constant 0 : i32
      %add3A_48 = arith.addi %add3A_46, %add3A_47 : i32
      "tpu.region"() ({
        %run_scoped3A = tpu.sem_alloc : memref<!tpu.dma_semaphore, #tpu.memory_space<semaphore_mem>>
        %dma_start3A_289 = tpu.memref_slice %arg3[%add3A_48] : memref<327680xi32, #tpu.memory_space<hbm>> -> memref<128xi32, #tpu.memory_space<hbm>>
        %dma_start3A_290 = tpu.memref_slice %arg3[%add3A_48] : memref<327680xi32, #tpu.memory_space<hbm>> -> memref<128xi32, #tpu.memory_space<hbm>>
        tpu.enqueue_dma source(%dma_start3A_290 : memref<128xi32, #tpu.memory_space<hbm>>) target(%arg7 : memref<128xi32, #tpu.memory_space<vmem>>) target_semaphore(%run_scoped3A : memref<!tpu.dma_semaphore, #tpu.memory_space<semaphore_mem>>)
        %dma_wait3A_291 = tpu.memref_slice %arg3[%add3A_48] : memref<327680xi32, #tpu.memory_space<hbm>> -> memref<128xi32, #tpu.memory_space<hbm>>
        %dma_wait3A_292 = tpu.memref_slice %arg3[%add3A_48] : memref<327680xi32, #tpu.memory_space<hbm>> -> memref<128xi32, #tpu.memory_space<hbm>>
        tpu.wait_dma2 semaphore(%run_scoped3A : memref<!tpu.dma_semaphore, #tpu.memory_space<semaphore_mem>>) src(%dma_wait3A_292 : memref<128xi32, #tpu.memory_space<hbm>>) dst(%arg7 : memref<128xi32, #tpu.memory_space<vmem>>)
        tpu.yield
      }) : () -> ()
      %add3A_49 = arith.constant 128 : i32
      %add3A_50 = arith.addi %add3A_46, %add3A_49 : i32
      "tpu.region"() ({
        %run_scoped3A = tpu.sem_alloc : memref<!tpu.dma_semaphore, #tpu.memory_space<semaphore_mem>>
        %dma_start3A_289 = tpu.memref_slice %arg3[%add3A_50] : memref<327680xi32, #tpu.memory_space<hbm>> -> memref<128xi32, #tpu.memory_space<hbm>>
        %dma_start3A_290 = tpu.memref_slice %arg3[%add3A_50] : memref<327680xi32, #tpu.memory_space<hbm>> -> memref<128xi32, #tpu.memory_space<hbm>>
        tpu.enqueue_dma source(%dma_start3A_290 : memref<128xi32, #tpu.memory_space<hbm>>) target(%arg8 : memref<128xi32, #tpu.memory_space<vmem>>) target_semaphore(%run_scoped3A : memref<!tpu.dma_semaphore, #tpu.memory_space<semaphore_mem>>)
        %dma_wait3A_291 = tpu.memref_slice %arg3[%add3A_50] : memref<327680xi32, #tpu.memory_space<hbm>> -> memref<128xi32, #tpu.memory_space<hbm>>
        %dma_wait3A_292 = tpu.memref_slice %arg3[%add3A_50] : memref<327680xi32, #tpu.memory_space<hbm>> -> memref<128xi32, #tpu.memory_space<hbm>>
        tpu.wait_dma2 semaphore(%run_scoped3A : memref<!tpu.dma_semaphore, #tpu.memory_space<semaphore_mem>>) src(%dma_wait3A_292 : memref<128xi32, #tpu.memory_space<hbm>>) dst(%arg8 : memref<128xi32, #tpu.memory_space<vmem>>)
        tpu.yield
      }) : () -> ()
      %add3A_51 = arith.constant 256 : i32
      %add3A_52 = arith.addi %add3A_46, %add3A_51 : i32
      "tpu.region"() ({
        %run_scoped3A = tpu.sem_alloc : memref<!tpu.dma_semaphore, #tpu.memory_space<semaphore_mem>>
        %dma_start3A_289 = tpu.memref_slice %arg3[%add3A_52] : memref<327680xi32, #tpu.memory_space<hbm>> -> memref<128xi32, #tpu.memory_space<hbm>>
        %dma_start3A_290 = tpu.memref_slice %arg3[%add3A_52] : memref<327680xi32, #tpu.memory_space<hbm>> -> memref<128xi32, #tpu.memory_space<hbm>>
        tpu.enqueue_dma source(%dma_start3A_290 : memref<128xi32, #tpu.memory_space<hbm>>) target(%arg9 : memref<128xi32, #tpu.memory_space<vmem>>) target_semaphore(%run_scoped3A : memref<!tpu.dma_semaphore, #tpu.memory_space<semaphore_mem>>)
        %dma_wait3A_291 = tpu.memref_slice %arg3[%add3A_52] : memref<327680xi32, #tpu.memory_space<hbm>> -> memref<128xi32, #tpu.memory_space<hbm>>
        %dma_wait3A_292 = tpu.memref_slice %arg3[%add3A_52] : memref<327680xi32, #tpu.memory_space<hbm>> -> memref<128xi32, #tpu.memory_space<hbm>>
        tpu.wait_dma2 semaphore(%run_scoped3A : memref<!tpu.dma_semaphore, #tpu.memory_space<semaphore_mem>>) src(%dma_wait3A_292 : memref<128xi32, #tpu.memory_space<hbm>>) dst(%arg9 : memref<128xi32, #tpu.memory_space<vmem>>)
        tpu.yield
      }) : () -> ()
      %add3A_53 = arith.constant 384 : i32
      %add3A_54 = arith.addi %add3A_46, %add3A_53 : i32
      "tpu.region"() ({
        %run_scoped3A = tpu.sem_alloc : memref<!tpu.dma_semaphore, #tpu.memory_space<semaphore_mem>>
        %dma_start3A_289 = tpu.memref_slice %arg3[%add3A_54] : memref<327680xi32, #tpu.memory_space<hbm>> -> memref<128xi32, #tpu.memory_space<hbm>>
        %dma_start3A_290 = tpu.memref_slice %arg3[%add3A_54] : memref<327680xi32, #tpu.memory_space<hbm>> -> memref<128xi32, #tpu.memory_space<hbm>>
        tpu.enqueue_dma source(%dma_start3A_290 : memref<128xi32, #tpu.memory_space<hbm>>) target(%arg10 : memref<128xi32, #tpu.memory_space<vmem>>) target_semaphore(%run_scoped3A : memref<!tpu.dma_semaphore, #tpu.memory_space<semaphore_mem>>)
        %dma_wait3A_291 = tpu.memref_slice %arg3[%add3A_54] : memref<327680xi32, #tpu.memory_space<hbm>> -> memref<128xi32, #tpu.memory_space<hbm>>
        %dma_wait3A_292 = tpu.memref_slice %arg3[%add3A_54] : memref<327680xi32, #tpu.memory_space<hbm>> -> memref<128xi32, #tpu.memory_space<hbm>>
        tpu.wait_dma2 semaphore(%run_scoped3A : memref<!tpu.dma_semaphore, #tpu.memory_space<semaphore_mem>>) src(%dma_wait3A_292 : memref<128xi32, #tpu.memory_space<hbm>>) dst(%arg10 : memref<128xi32, #tpu.memory_space<vmem>>)
        tpu.yield
      }) : () -> ()
      %add3A_55 = arith.constant 512 : i32
      %add3A_56 = arith.addi %add3A_46, %add3A_55 : i32
      "tpu.region"() ({
        %run_scoped3A = tpu.sem_alloc : memref<!tpu.dma_semaphore, #tpu.memory_space<semaphore_mem>>
        %dma_start3A_289 = tpu.memref_slice %arg3[%add3A_56] : memref<327680xi32, #tpu.memory_space<hbm>> -> memref<128xi32, #tpu.memory_space<hbm>>
        %dma_start3A_290 = tpu.memref_slice %arg3[%add3A_56] : memref<327680xi32, #tpu.memory_space<hbm>> -> memref<128xi32, #tpu.memory_space<hbm>>
        tpu.enqueue_dma source(%dma_start3A_290 : memref<128xi32, #tpu.memory_space<hbm>>) target(%arg11 : memref<128xi32, #tpu.memory_space<vmem>>) target_semaphore(%run_scoped3A : memref<!tpu.dma_semaphore, #tpu.memory_space<semaphore_mem>>)
        %dma_wait3A_291 = tpu.memref_slice %arg3[%add3A_56] : memref<327680xi32, #tpu.memory_space<hbm>> -> memref<128xi32, #tpu.memory_space<hbm>>
        %dma_wait3A_292 = tpu.memref_slice %arg3[%add3A_56] : memref<327680xi32, #tpu.memory_space<hbm>> -> memref<128xi32, #tpu.memory_space<hbm>>
        tpu.wait_dma2 semaphore(%run_scoped3A : memref<!tpu.dma_semaphore, #tpu.memory_space<semaphore_mem>>) src(%dma_wait3A_292 : memref<128xi32, #tpu.memory_space<hbm>>) dst(%arg11 : memref<128xi32, #tpu.memory_space<vmem>>)
        tpu.yield
      }) : () -> ()
      %add3A_57 = arith.constant 640 : i32
      %add3A_58 = arith.addi %add3A_46, %add3A_57 : i32
      "tpu.region"() ({
        %run_scoped3A = tpu.sem_alloc : memref<!tpu.dma_semaphore, #tpu.memory_space<semaphore_mem>>
        %dma_start3A_289 = tpu.memref_slice %arg3[%add3A_58] : memref<327680xi32, #tpu.memory_space<hbm>> -> memref<128xi32, #tpu.memory_space<hbm>>
        %dma_start3A_290 = tpu.memref_slice %arg3[%add3A_58] : memref<327680xi32, #tpu.memory_space<hbm>> -> memref<128xi32, #tpu.memory_space<hbm>>
        tpu.enqueue_dma source(%dma_start3A_290 : memref<128xi32, #tpu.memory_space<hbm>>) target(%arg12 : memref<128xi32, #tpu.memory_space<vmem>>) target_semaphore(%run_scoped3A : memref<!tpu.dma_semaphore, #tpu.memory_space<semaphore_mem>>)
        %dma_wait3A_291 = tpu.memref_slice %arg3[%add3A_58] : memref<327680xi32, #tpu.memory_space<hbm>> -> memref<128xi32, #tpu.memory_space<hbm>>
        %dma_wait3A_292 = tpu.memref_slice %arg3[%add3A_58] : memref<327680xi32, #tpu.memory_space<hbm>> -> memref<128xi32, #tpu.memory_space<hbm>>
        tpu.wait_dma2 semaphore(%run_scoped3A : memref<!tpu.dma_semaphore, #tpu.memory_space<semaphore_mem>>) src(%dma_wait3A_292 : memref<128xi32, #tpu.memory_space<hbm>>) dst(%arg12 : memref<128xi32, #tpu.memory_space<vmem>>)
        tpu.yield
      }) : () -> ()
      %add3A_59 = arith.constant 768 : i32
      %add3A_60 = arith.addi %add3A_46, %add3A_59 : i32
      "tpu.region"() ({
        %run_scoped3A = tpu.sem_alloc : memref<!tpu.dma_semaphore, #tpu.memory_space<semaphore_mem>>
        %dma_start3A_289 = tpu.memref_slice %arg3[%add3A_60] : memref<327680xi32, #tpu.memory_space<hbm>> -> memref<128xi32, #tpu.memory_space<hbm>>
        %dma_start3A_290 = tpu.memref_slice %arg3[%add3A_60] : memref<327680xi32, #tpu.memory_space<hbm>> -> memref<128xi32, #tpu.memory_space<hbm>>
        tpu.enqueue_dma source(%dma_start3A_290 : memref<128xi32, #tpu.memory_space<hbm>>) target(%arg13 : memref<128xi32, #tpu.memory_space<vmem>>) target_semaphore(%run_scoped3A : memref<!tpu.dma_semaphore, #tpu.memory_space<semaphore_mem>>)
        %dma_wait3A_291 = tpu.memref_slice %arg3[%add3A_60] : memref<327680xi32, #tpu.memory_space<hbm>> -> memref<128xi32, #tpu.memory_space<hbm>>
        %dma_wait3A_292 = tpu.memref_slice %arg3[%add3A_60] : memref<327680xi32, #tpu.memory_space<hbm>> -> memref<128xi32, #tpu.memory_space<hbm>>
        tpu.wait_dma2 semaphore(%run_scoped3A : memref<!tpu.dma_semaphore, #tpu.memory_space<semaphore_mem>>) src(%dma_wait3A_292 : memref<128xi32, #tpu.memory_space<hbm>>) dst(%arg13 : memref<128xi32, #tpu.memory_space<vmem>>)
        tpu.yield
      }) : () -> ()
      %add3A_61 = arith.constant 896 : i32
      %add3A_62 = arith.addi %add3A_46, %add3A_61 : i32
      "tpu.region"() ({
        %run_scoped3A = tpu.sem_alloc : memref<!tpu.dma_semaphore, #tpu.memory_space<semaphore_mem>>
        %dma_start3A_289 = tpu.memref_slice %arg3[%add3A_62] : memref<327680xi32, #tpu.memory_space<hbm>> -> memref<128xi32, #tpu.memory_space<hbm>>
        %dma_start3A_290 = tpu.memref_slice %arg3[%add3A_62] : memref<327680xi32, #tpu.memory_space<hbm>> -> memref<128xi32, #tpu.memory_space<hbm>>
        tpu.enqueue_dma source(%dma_start3A_290 : memref<128xi32, #tpu.memory_space<hbm>>) target(%arg14 : memref<128xi32, #tpu.memory_space<vmem>>) target_semaphore(%run_scoped3A : memref<!tpu.dma_semaphore, #tpu.memory_space<semaphore_mem>>)
        %dma_wait3A_291 = tpu.memref_slice %arg3[%add3A_62] : memref<327680xi32, #tpu.memory_space<hbm>> -> memref<128xi32, #tpu.memory_space<hbm>>
        %dma_wait3A_292 = tpu.memref_slice %arg3[%add3A_62] : memref<327680xi32, #tpu.memory_space<hbm>> -> memref<128xi32, #tpu.memory_space<hbm>>
        tpu.wait_dma2 semaphore(%run_scoped3A : memref<!tpu.dma_semaphore, #tpu.memory_space<semaphore_mem>>) src(%dma_wait3A_292 : memref<128xi32, #tpu.memory_space<hbm>>) dst(%arg14 : memref<128xi32, #tpu.memory_space<vmem>>)
        tpu.yield
      }) : () -> ()
      %dma_start3A = arith.constant 0 : i32
      %dma_start3A_63 = arith.constant 0 : i32
      %dma_start3A_64 = tpu.memref_slice %arg2[%dma_start3A, %dma_start3A_63] : memref<10240x1xf32, #tpu.memory_space<hbm>> -> memref<10240x1xf32, #tpu.memory_space<hbm>>
      tpu.enqueue_indirect_dma source(%dma_start3A_64 : memref<10240x1xf32, #tpu.memory_space<hbm>>) target(%arg39 : memref<128x1xf32, #tpu.memory_space<vmem>>) offsets(%arg7 : memref<128xi32, #tpu.memory_space<vmem>>) semaphore(%arg57 : memref<!tpu.dma_semaphore, #tpu.memory_space<semaphore_mem>>)
      %dma_start3A_65 = arith.constant 0 : i32
      %dma_start3A_66 = arith.constant 0 : i32
      %dma_start3A_67 = tpu.memref_slice %arg2[%dma_start3A_65, %dma_start3A_66] : memref<10240x1xf32, #tpu.memory_space<hbm>> -> memref<10240x1xf32, #tpu.memory_space<hbm>>
      tpu.enqueue_indirect_dma source(%dma_start3A_67 : memref<10240x1xf32, #tpu.memory_space<hbm>>) target(%arg40 : memref<128x1xf32, #tpu.memory_space<vmem>>) offsets(%arg8 : memref<128xi32, #tpu.memory_space<vmem>>) semaphore(%arg57 : memref<!tpu.dma_semaphore, #tpu.memory_space<semaphore_mem>>)
      %dma_start3A_68 = arith.constant 0 : i32
      %dma_start3A_69 = arith.constant 0 : i32
      %dma_start3A_70 = tpu.memref_slice %arg2[%dma_start3A_68, %dma_start3A_69] : memref<10240x1xf32, #tpu.memory_space<hbm>> -> memref<10240x1xf32, #tpu.memory_space<hbm>>
      tpu.enqueue_indirect_dma source(%dma_start3A_70 : memref<10240x1xf32, #tpu.memory_space<hbm>>) target(%arg41 : memref<128x1xf32, #tpu.memory_space<vmem>>) offsets(%arg9 : memref<128xi32, #tpu.memory_space<vmem>>) semaphore(%arg57 : memref<!tpu.dma_semaphore, #tpu.memory_space<semaphore_mem>>)
      %dma_start3A_71 = arith.constant 0 : i32
      %dma_start3A_72 = arith.constant 0 : i32
      %dma_start3A_73 = tpu.memref_slice %arg2[%dma_start3A_71, %dma_start3A_72] : memref<10240x1xf32, #tpu.memory_space<hbm>> -> memref<10240x1xf32, #tpu.memory_space<hbm>>
      tpu.enqueue_indirect_dma source(%dma_start3A_73 : memref<10240x1xf32, #tpu.memory_space<hbm>>) target(%arg42 : memref<128x1xf32, #tpu.memory_space<vmem>>) offsets(%arg10 : memref<128xi32, #tpu.memory_space<vmem>>) semaphore(%arg57 : memref<!tpu.dma_semaphore, #tpu.memory_space<semaphore_mem>>)
      %dma_start3A_74 = arith.constant 0 : i32
      %dma_start3A_75 = arith.constant 0 : i32
      %dma_start3A_76 = tpu.memref_slice %arg2[%dma_start3A_74, %dma_start3A_75] : memref<10240x1xf32, #tpu.memory_space<hbm>> -> memref<10240x1xf32, #tpu.memory_space<hbm>>
      tpu.enqueue_indirect_dma source(%dma_start3A_76 : memref<10240x1xf32, #tpu.memory_space<hbm>>) target(%arg43 : memref<128x1xf32, #tpu.memory_space<vmem>>) offsets(%arg11 : memref<128xi32, #tpu.memory_space<vmem>>) semaphore(%arg57 : memref<!tpu.dma_semaphore, #tpu.memory_space<semaphore_mem>>)
      %dma_start3A_77 = arith.constant 0 : i32
      %dma_start3A_78 = arith.constant 0 : i32
      %dma_start3A_79 = tpu.memref_slice %arg2[%dma_start3A_77, %dma_start3A_78] : memref<10240x1xf32, #tpu.memory_space<hbm>> -> memref<10240x1xf32, #tpu.memory_space<hbm>>
      tpu.enqueue_indirect_dma source(%dma_start3A_79 : memref<10240x1xf32, #tpu.memory_space<hbm>>) target(%arg44 : memref<128x1xf32, #tpu.memory_space<vmem>>) offsets(%arg12 : memref<128xi32, #tpu.memory_space<vmem>>) semaphore(%arg57 : memref<!tpu.dma_semaphore, #tpu.memory_space<semaphore_mem>>)
      %dma_start3A_80 = arith.constant 0 : i32
      %dma_start3A_81 = arith.constant 0 : i32
      %dma_start3A_82 = tpu.memref_slice %arg2[%dma_start3A_80, %dma_start3A_81] : memref<10240x1xf32, #tpu.memory_space<hbm>> -> memref<10240x1xf32, #tpu.memory_space<hbm>>
      tpu.enqueue_indirect_dma source(%dma_start3A_82 : memref<10240x1xf32, #tpu.memory_space<hbm>>) target(%arg45 : memref<128x1xf32, #tpu.memory_space<vmem>>) offsets(%arg13 : memref<128xi32, #tpu.memory_space<vmem>>) semaphore(%arg57 : memref<!tpu.dma_semaphore, #tpu.memory_space<semaphore_mem>>)
      %dma_start3A_83 = arith.constant 0 : i32
      %dma_start3A_84 = arith.constant 0 : i32
      %dma_start3A_85 = tpu.memref_slice %arg2[%dma_start3A_83, %dma_start3A_84] : memref<10240x1xf32, #tpu.memory_space<hbm>> -> memref<10240x1xf32, #tpu.memory_space<hbm>>
      tpu.enqueue_indirect_dma source(%dma_start3A_85 : memref<10240x1xf32, #tpu.memory_space<hbm>>) target(%arg46 : memref<128x1xf32, #tpu.memory_space<vmem>>) offsets(%arg14 : memref<128xi32, #tpu.memory_space<vmem>>) semaphore(%arg57 : memref<!tpu.dma_semaphore, #tpu.memory_space<semaphore_mem>>)
      %add3A_86 = arith.constant 0 : i32
      %add3A_87 = arith.addi %add3A_46, %add3A_86 : i32
      "tpu.region"() ({
        %run_scoped3A = tpu.sem_alloc : memref<!tpu.dma_semaphore, #tpu.memory_space<semaphore_mem>>
        %dma_start3A_289 = tpu.memref_slice %arg4[%add3A_87] : memref<327680xi32, #tpu.memory_space<hbm>> -> memref<128xi32, #tpu.memory_space<hbm>>
        %dma_start3A_290 = tpu.memref_slice %arg4[%add3A_87] : memref<327680xi32, #tpu.memory_space<hbm>> -> memref<128xi32, #tpu.memory_space<hbm>>
        tpu.enqueue_dma source(%dma_start3A_290 : memref<128xi32, #tpu.memory_space<hbm>>) target(%arg23 : memref<128xi32, #tpu.memory_space<vmem>>) target_semaphore(%run_scoped3A : memref<!tpu.dma_semaphore, #tpu.memory_space<semaphore_mem>>)
        %dma_wait3A_291 = tpu.memref_slice %arg4[%add3A_87] : memref<327680xi32, #tpu.memory_space<hbm>> -> memref<128xi32, #tpu.memory_space<hbm>>
        %dma_wait3A_292 = tpu.memref_slice %arg4[%add3A_87] : memref<327680xi32, #tpu.memory_space<hbm>> -> memref<128xi32, #tpu.memory_space<hbm>>
        tpu.wait_dma2 semaphore(%run_scoped3A : memref<!tpu.dma_semaphore, #tpu.memory_space<semaphore_mem>>) src(%dma_wait3A_292 : memref<128xi32, #tpu.memory_space<hbm>>) dst(%arg23 : memref<128xi32, #tpu.memory_space<vmem>>)
        tpu.yield
      }) : () -> ()
      %add3A_88 = arith.constant 128 : i32
      %add3A_89 = arith.addi %add3A_46, %add3A_88 : i32
      "tpu.region"() ({
        %run_scoped3A = tpu.sem_alloc : memref<!tpu.dma_semaphore, #tpu.memory_space<semaphore_mem>>
        %dma_start3A_289 = tpu.memref_slice %arg4[%add3A_89] : memref<327680xi32, #tpu.memory_space<hbm>> -> memref<128xi32, #tpu.memory_space<hbm>>
        %dma_start3A_290 = tpu.memref_slice %arg4[%add3A_89] : memref<327680xi32, #tpu.memory_space<hbm>> -> memref<128xi32, #tpu.memory_space<hbm>>
        tpu.enqueue_dma source(%dma_start3A_290 : memref<128xi32, #tpu.memory_space<hbm>>) target(%arg24 : memref<128xi32, #tpu.memory_space<vmem>>) target_semaphore(%run_scoped3A : memref<!tpu.dma_semaphore, #tpu.memory_space<semaphore_mem>>)
        %dma_wait3A_291 = tpu.memref_slice %arg4[%add3A_89] : memref<327680xi32, #tpu.memory_space<hbm>> -> memref<128xi32, #tpu.memory_space<hbm>>
        %dma_wait3A_292 = tpu.memref_slice %arg4[%add3A_89] : memref<327680xi32, #tpu.memory_space<hbm>> -> memref<128xi32, #tpu.memory_space<hbm>>
        tpu.wait_dma2 semaphore(%run_scoped3A : memref<!tpu.dma_semaphore, #tpu.memory_space<semaphore_mem>>) src(%dma_wait3A_292 : memref<128xi32, #tpu.memory_space<hbm>>) dst(%arg24 : memref<128xi32, #tpu.memory_space<vmem>>)
        tpu.yield
      }) : () -> ()
      %add3A_90 = arith.constant 256 : i32
      %add3A_91 = arith.addi %add3A_46, %add3A_90 : i32
      "tpu.region"() ({
        %run_scoped3A = tpu.sem_alloc : memref<!tpu.dma_semaphore, #tpu.memory_space<semaphore_mem>>
        %dma_start3A_289 = tpu.memref_slice %arg4[%add3A_91] : memref<327680xi32, #tpu.memory_space<hbm>> -> memref<128xi32, #tpu.memory_space<hbm>>
        %dma_start3A_290 = tpu.memref_slice %arg4[%add3A_91] : memref<327680xi32, #tpu.memory_space<hbm>> -> memref<128xi32, #tpu.memory_space<hbm>>
        tpu.enqueue_dma source(%dma_start3A_290 : memref<128xi32, #tpu.memory_space<hbm>>) target(%arg25 : memref<128xi32, #tpu.memory_space<vmem>>) target_semaphore(%run_scoped3A : memref<!tpu.dma_semaphore, #tpu.memory_space<semaphore_mem>>)
        %dma_wait3A_291 = tpu.memref_slice %arg4[%add3A_91] : memref<327680xi32, #tpu.memory_space<hbm>> -> memref<128xi32, #tpu.memory_space<hbm>>
        %dma_wait3A_292 = tpu.memref_slice %arg4[%add3A_91] : memref<327680xi32, #tpu.memory_space<hbm>> -> memref<128xi32, #tpu.memory_space<hbm>>
        tpu.wait_dma2 semaphore(%run_scoped3A : memref<!tpu.dma_semaphore, #tpu.memory_space<semaphore_mem>>) src(%dma_wait3A_292 : memref<128xi32, #tpu.memory_space<hbm>>) dst(%arg25 : memref<128xi32, #tpu.memory_space<vmem>>)
        tpu.yield
      }) : () -> ()
      %add3A_92 = arith.constant 384 : i32
      %add3A_93 = arith.addi %add3A_46, %add3A_92 : i32
      "tpu.region"() ({
        %run_scoped3A = tpu.sem_alloc : memref<!tpu.dma_semaphore, #tpu.memory_space<semaphore_mem>>
        %dma_start3A_289 = tpu.memref_slice %arg4[%add3A_93] : memref<327680xi32, #tpu.memory_space<hbm>> -> memref<128xi32, #tpu.memory_space<hbm>>
        %dma_start3A_290 = tpu.memref_slice %arg4[%add3A_93] : memref<327680xi32, #tpu.memory_space<hbm>> -> memref<128xi32, #tpu.memory_space<hbm>>
        tpu.enqueue_dma source(%dma_start3A_290 : memref<128xi32, #tpu.memory_space<hbm>>) target(%arg26 : memref<128xi32, #tpu.memory_space<vmem>>) target_semaphore(%run_scoped3A : memref<!tpu.dma_semaphore, #tpu.memory_space<semaphore_mem>>)
        %dma_wait3A_291 = tpu.memref_slice %arg4[%add3A_93] : memref<327680xi32, #tpu.memory_space<hbm>> -> memref<128xi32, #tpu.memory_space<hbm>>
        %dma_wait3A_292 = tpu.memref_slice %arg4[%add3A_93] : memref<327680xi32, #tpu.memory_space<hbm>> -> memref<128xi32, #tpu.memory_space<hbm>>
        tpu.wait_dma2 semaphore(%run_scoped3A : memref<!tpu.dma_semaphore, #tpu.memory_space<semaphore_mem>>) src(%dma_wait3A_292 : memref<128xi32, #tpu.memory_space<hbm>>) dst(%arg26 : memref<128xi32, #tpu.memory_space<vmem>>)
        tpu.yield
      }) : () -> ()
      %add3A_94 = arith.constant 512 : i32
      %add3A_95 = arith.addi %add3A_46, %add3A_94 : i32
      "tpu.region"() ({
        %run_scoped3A = tpu.sem_alloc : memref<!tpu.dma_semaphore, #tpu.memory_space<semaphore_mem>>
        %dma_start3A_289 = tpu.memref_slice %arg4[%add3A_95] : memref<327680xi32, #tpu.memory_space<hbm>> -> memref<128xi32, #tpu.memory_space<hbm>>
        %dma_start3A_290 = tpu.memref_slice %arg4[%add3A_95] : memref<327680xi32, #tpu.memory_space<hbm>> -> memref<128xi32, #tpu.memory_space<hbm>>
        tpu.enqueue_dma source(%dma_start3A_290 : memref<128xi32, #tpu.memory_space<hbm>>) target(%arg27 : memref<128xi32, #tpu.memory_space<vmem>>) target_semaphore(%run_scoped3A : memref<!tpu.dma_semaphore, #tpu.memory_space<semaphore_mem>>)
        %dma_wait3A_291 = tpu.memref_slice %arg4[%add3A_95] : memref<327680xi32, #tpu.memory_space<hbm>> -> memref<128xi32, #tpu.memory_space<hbm>>
        %dma_wait3A_292 = tpu.memref_slice %arg4[%add3A_95] : memref<327680xi32, #tpu.memory_space<hbm>> -> memref<128xi32, #tpu.memory_space<hbm>>
        tpu.wait_dma2 semaphore(%run_scoped3A : memref<!tpu.dma_semaphore, #tpu.memory_space<semaphore_mem>>) src(%dma_wait3A_292 : memref<128xi32, #tpu.memory_space<hbm>>) dst(%arg27 : memref<128xi32, #tpu.memory_space<vmem>>)
        tpu.yield
      }) : () -> ()
      %add3A_96 = arith.constant 640 : i32
      %add3A_97 = arith.addi %add3A_46, %add3A_96 : i32
      "tpu.region"() ({
        %run_scoped3A = tpu.sem_alloc : memref<!tpu.dma_semaphore, #tpu.memory_space<semaphore_mem>>
        %dma_start3A_289 = tpu.memref_slice %arg4[%add3A_97] : memref<327680xi32, #tpu.memory_space<hbm>> -> memref<128xi32, #tpu.memory_space<hbm>>
        %dma_start3A_290 = tpu.memref_slice %arg4[%add3A_97] : memref<327680xi32, #tpu.memory_space<hbm>> -> memref<128xi32, #tpu.memory_space<hbm>>
        tpu.enqueue_dma source(%dma_start3A_290 : memref<128xi32, #tpu.memory_space<hbm>>) target(%arg28 : memref<128xi32, #tpu.memory_space<vmem>>) target_semaphore(%run_scoped3A : memref<!tpu.dma_semaphore, #tpu.memory_space<semaphore_mem>>)
        %dma_wait3A_291 = tpu.memref_slice %arg4[%add3A_97] : memref<327680xi32, #tpu.memory_space<hbm>> -> memref<128xi32, #tpu.memory_space<hbm>>
        %dma_wait3A_292 = tpu.memref_slice %arg4[%add3A_97] : memref<327680xi32, #tpu.memory_space<hbm>> -> memref<128xi32, #tpu.memory_space<hbm>>
        tpu.wait_dma2 semaphore(%run_scoped3A : memref<!tpu.dma_semaphore, #tpu.memory_space<semaphore_mem>>) src(%dma_wait3A_292 : memref<128xi32, #tpu.memory_space<hbm>>) dst(%arg28 : memref<128xi32, #tpu.memory_space<vmem>>)
        tpu.yield
      }) : () -> ()
      %add3A_98 = arith.constant 768 : i32
      %add3A_99 = arith.addi %add3A_46, %add3A_98 : i32
      "tpu.region"() ({
        %run_scoped3A = tpu.sem_alloc : memref<!tpu.dma_semaphore, #tpu.memory_space<semaphore_mem>>
        %dma_start3A_289 = tpu.memref_slice %arg4[%add3A_99] : memref<327680xi32, #tpu.memory_space<hbm>> -> memref<128xi32, #tpu.memory_space<hbm>>
        %dma_start3A_290 = tpu.memref_slice %arg4[%add3A_99] : memref<327680xi32, #tpu.memory_space<hbm>> -> memref<128xi32, #tpu.memory_space<hbm>>
        tpu.enqueue_dma source(%dma_start3A_290 : memref<128xi32, #tpu.memory_space<hbm>>) target(%arg29 : memref<128xi32, #tpu.memory_space<vmem>>) target_semaphore(%run_scoped3A : memref<!tpu.dma_semaphore, #tpu.memory_space<semaphore_mem>>)
        %dma_wait3A_291 = tpu.memref_slice %arg4[%add3A_99] : memref<327680xi32, #tpu.memory_space<hbm>> -> memref<128xi32, #tpu.memory_space<hbm>>
        %dma_wait3A_292 = tpu.memref_slice %arg4[%add3A_99] : memref<327680xi32, #tpu.memory_space<hbm>> -> memref<128xi32, #tpu.memory_space<hbm>>
        tpu.wait_dma2 semaphore(%run_scoped3A : memref<!tpu.dma_semaphore, #tpu.memory_space<semaphore_mem>>) src(%dma_wait3A_292 : memref<128xi32, #tpu.memory_space<hbm>>) dst(%arg29 : memref<128xi32, #tpu.memory_space<vmem>>)
        tpu.yield
      }) : () -> ()
      %add3A_100 = arith.constant 896 : i32
      %add3A_101 = arith.addi %add3A_46, %add3A_100 : i32
      "tpu.region"() ({
        %run_scoped3A = tpu.sem_alloc : memref<!tpu.dma_semaphore, #tpu.memory_space<semaphore_mem>>
        %dma_start3A_289 = tpu.memref_slice %arg4[%add3A_101] : memref<327680xi32, #tpu.memory_space<hbm>> -> memref<128xi32, #tpu.memory_space<hbm>>
        %dma_start3A_290 = tpu.memref_slice %arg4[%add3A_101] : memref<327680xi32, #tpu.memory_space<hbm>> -> memref<128xi32, #tpu.memory_space<hbm>>
        tpu.enqueue_dma source(%dma_start3A_290 : memref<128xi32, #tpu.memory_space<hbm>>) target(%arg30 : memref<128xi32, #tpu.memory_space<vmem>>) target_semaphore(%run_scoped3A : memref<!tpu.dma_semaphore, #tpu.memory_space<semaphore_mem>>)
        %dma_wait3A_291 = tpu.memref_slice %arg4[%add3A_101] : memref<327680xi32, #tpu.memory_space<hbm>> -> memref<128xi32, #tpu.memory_space<hbm>>
        %dma_wait3A_292 = tpu.memref_slice %arg4[%add3A_101] : memref<327680xi32, #tpu.memory_space<hbm>> -> memref<128xi32, #tpu.memory_space<hbm>>
        tpu.wait_dma2 semaphore(%run_scoped3A : memref<!tpu.dma_semaphore, #tpu.memory_space<semaphore_mem>>) src(%dma_wait3A_292 : memref<128xi32, #tpu.memory_space<hbm>>) dst(%arg30 : memref<128xi32, #tpu.memory_space<vmem>>)
        tpu.yield
      }) : () -> ()
      %dma_wait3A_102 = arith.constant 0 : i32
      %dma_wait3A_103 = arith.constant 0 : i32
      %dma_wait3A_104 = tpu.memref_slice %arg2[%dma_wait3A_102, %dma_wait3A_103] : memref<10240x1xf32, #tpu.memory_space<hbm>> -> memref<10240x1xf32, #tpu.memory_space<hbm>>
      tpu.wait_indirect_dma semaphore(%arg57 : memref<!tpu.dma_semaphore, #tpu.memory_space<semaphore_mem>>) src(%dma_wait3A_104 : memref<10240x1xf32, #tpu.memory_space<hbm>>) dst(%arg39 : memref<128x1xf32, #tpu.memory_space<vmem>>)
      %dma_wait3A_105 = arith.constant 0 : i32
      %dma_wait3A_106 = arith.constant 0 : i32
      %dma_wait3A_107 = tpu.memref_slice %arg2[%dma_wait3A_105, %dma_wait3A_106] : memref<10240x1xf32, #tpu.memory_space<hbm>> -> memref<10240x1xf32, #tpu.memory_space<hbm>>
      tpu.wait_indirect_dma semaphore(%arg57 : memref<!tpu.dma_semaphore, #tpu.memory_space<semaphore_mem>>) src(%dma_wait3A_107 : memref<10240x1xf32, #tpu.memory_space<hbm>>) dst(%arg40 : memref<128x1xf32, #tpu.memory_space<vmem>>)
      %dma_wait3A_108 = arith.constant 0 : i32
      %dma_wait3A_109 = arith.constant 0 : i32
      %dma_wait3A_110 = tpu.memref_slice %arg2[%dma_wait3A_108, %dma_wait3A_109] : memref<10240x1xf32, #tpu.memory_space<hbm>> -> memref<10240x1xf32, #tpu.memory_space<hbm>>
      tpu.wait_indirect_dma semaphore(%arg57 : memref<!tpu.dma_semaphore, #tpu.memory_space<semaphore_mem>>) src(%dma_wait3A_110 : memref<10240x1xf32, #tpu.memory_space<hbm>>) dst(%arg41 : memref<128x1xf32, #tpu.memory_space<vmem>>)
      %dma_wait3A_111 = arith.constant 0 : i32
      %dma_wait3A_112 = arith.constant 0 : i32
      %dma_wait3A_113 = tpu.memref_slice %arg2[%dma_wait3A_111, %dma_wait3A_112] : memref<10240x1xf32, #tpu.memory_space<hbm>> -> memref<10240x1xf32, #tpu.memory_space<hbm>>
      tpu.wait_indirect_dma semaphore(%arg57 : memref<!tpu.dma_semaphore, #tpu.memory_space<semaphore_mem>>) src(%dma_wait3A_113 : memref<10240x1xf32, #tpu.memory_space<hbm>>) dst(%arg42 : memref<128x1xf32, #tpu.memory_space<vmem>>)
      %dma_wait3A_114 = arith.constant 0 : i32
      %dma_wait3A_115 = arith.constant 0 : i32
      %dma_wait3A_116 = tpu.memref_slice %arg2[%dma_wait3A_114, %dma_wait3A_115] : memref<10240x1xf32, #tpu.memory_space<hbm>> -> memref<10240x1xf32, #tpu.memory_space<hbm>>
      tpu.wait_indirect_dma semaphore(%arg57 : memref<!tpu.dma_semaphore, #tpu.memory_space<semaphore_mem>>) src(%dma_wait3A_116 : memref<10240x1xf32, #tpu.memory_space<hbm>>) dst(%arg43 : memref<128x1xf32, #tpu.memory_space<vmem>>)
      %dma_wait3A_117 = arith.constant 0 : i32
      %dma_wait3A_118 = arith.constant 0 : i32
      %dma_wait3A_119 = tpu.memref_slice %arg2[%dma_wait3A_117, %dma_wait3A_118] : memref<10240x1xf32, #tpu.memory_space<hbm>> -> memref<10240x1xf32, #tpu.memory_space<hbm>>
      tpu.wait_indirect_dma semaphore(%arg57 : memref<!tpu.dma_semaphore, #tpu.memory_space<semaphore_mem>>) src(%dma_wait3A_119 : memref<10240x1xf32, #tpu.memory_space<hbm>>) dst(%arg44 : memref<128x1xf32, #tpu.memory_space<vmem>>)
      %dma_wait3A_120 = arith.constant 0 : i32
      %dma_wait3A_121 = arith.constant 0 : i32
      %dma_wait3A_122 = tpu.memref_slice %arg2[%dma_wait3A_120, %dma_wait3A_121] : memref<10240x1xf32, #tpu.memory_space<hbm>> -> memref<10240x1xf32, #tpu.memory_space<hbm>>
      tpu.wait_indirect_dma semaphore(%arg57 : memref<!tpu.dma_semaphore, #tpu.memory_space<semaphore_mem>>) src(%dma_wait3A_122 : memref<10240x1xf32, #tpu.memory_space<hbm>>) dst(%arg45 : memref<128x1xf32, #tpu.memory_space<vmem>>)
      %dma_wait3A_123 = arith.constant 0 : i32
      %dma_wait3A_124 = arith.constant 0 : i32
      %dma_wait3A_125 = tpu.memref_slice %arg2[%dma_wait3A_123, %dma_wait3A_124] : memref<10240x1xf32, #tpu.memory_space<hbm>> -> memref<10240x1xf32, #tpu.memory_space<hbm>>
      tpu.wait_indirect_dma semaphore(%arg57 : memref<!tpu.dma_semaphore, #tpu.memory_space<semaphore_mem>>) src(%dma_wait3A_125 : memref<10240x1xf32, #tpu.memory_space<hbm>>) dst(%arg46 : memref<128x1xf32, #tpu.memory_space<vmem>>)
      %gt3A = arith.constant 0 : i32
      %gt3A_126 = arith.cmpi sgt, %add3A_39, %gt3A : i32
      %convert_element_type3A = arith.extui %gt3A_126 : i1 to i32
      %cond3A = arith.constant 0 : i32
      %cond3A_127 = arith.cmpi ne, %convert_element_type3A, %cond3A : i32
      scf.if %cond3A_127 {
        %dma_wait3A_289 = arith.constant 0 : i32
        %dma_wait3A_290 = arith.constant 0 : i32
        %dma_wait3A_291 = tpu.memref_slice %arg56[%dma_wait3A_289, %dma_wait3A_290] : memref<10240x1xf32, #tpu.memory_space<vmem_shared>> -> memref<10240x1xf32, #tpu.memory_space<vmem_shared>>
        tpu.wait_indirect_dma semaphore(%arg59 : memref<!tpu.dma_semaphore, #tpu.memory_space<semaphore_mem>>) src(%arg47 : memref<128x1xf32, #tpu.memory_space<vmem>>) dst(%dma_wait3A_291 : memref<10240x1xf32, #tpu.memory_space<vmem_shared>>)
        %dma_wait3A_292 = arith.constant 0 : i32
        %dma_wait3A_293 = arith.constant 0 : i32
        %dma_wait3A_294 = tpu.memref_slice %arg56[%dma_wait3A_292, %dma_wait3A_293] : memref<10240x1xf32, #tpu.memory_space<vmem_shared>> -> memref<10240x1xf32, #tpu.memory_space<vmem_shared>>
        tpu.wait_indirect_dma semaphore(%arg59 : memref<!tpu.dma_semaphore, #tpu.memory_space<semaphore_mem>>) src(%arg48 : memref<128x1xf32, #tpu.memory_space<vmem>>) dst(%dma_wait3A_294 : memref<10240x1xf32, #tpu.memory_space<vmem_shared>>)
        %dma_wait3A_295 = arith.constant 0 : i32
        %dma_wait3A_296 = arith.constant 0 : i32
        %dma_wait3A_297 = tpu.memref_slice %arg56[%dma_wait3A_295, %dma_wait3A_296] : memref<10240x1xf32, #tpu.memory_space<vmem_shared>> -> memref<10240x1xf32, #tpu.memory_space<vmem_shared>>
        tpu.wait_indirect_dma semaphore(%arg59 : memref<!tpu.dma_semaphore, #tpu.memory_space<semaphore_mem>>) src(%arg49 : memref<128x1xf32, #tpu.memory_space<vmem>>) dst(%dma_wait3A_297 : memref<10240x1xf32, #tpu.memory_space<vmem_shared>>)
        %dma_wait3A_298 = arith.constant 0 : i32
        %dma_wait3A_299 = arith.constant 0 : i32
        %dma_wait3A_300 = tpu.memref_slice %arg56[%dma_wait3A_298, %dma_wait3A_299] : memref<10240x1xf32, #tpu.memory_space<vmem_shared>> -> memref<10240x1xf32, #tpu.memory_space<vmem_shared>>
        tpu.wait_indirect_dma semaphore(%arg59 : memref<!tpu.dma_semaphore, #tpu.memory_space<semaphore_mem>>) src(%arg50 : memref<128x1xf32, #tpu.memory_space<vmem>>) dst(%dma_wait3A_300 : memref<10240x1xf32, #tpu.memory_space<vmem_shared>>)
        %dma_wait3A_301 = arith.constant 0 : i32
        %dma_wait3A_302 = arith.constant 0 : i32
        %dma_wait3A_303 = tpu.memref_slice %arg56[%dma_wait3A_301, %dma_wait3A_302] : memref<10240x1xf32, #tpu.memory_space<vmem_shared>> -> memref<10240x1xf32, #tpu.memory_space<vmem_shared>>
        tpu.wait_indirect_dma semaphore(%arg59 : memref<!tpu.dma_semaphore, #tpu.memory_space<semaphore_mem>>) src(%arg51 : memref<128x1xf32, #tpu.memory_space<vmem>>) dst(%dma_wait3A_303 : memref<10240x1xf32, #tpu.memory_space<vmem_shared>>)
        %dma_wait3A_304 = arith.constant 0 : i32
        %dma_wait3A_305 = arith.constant 0 : i32
        %dma_wait3A_306 = tpu.memref_slice %arg56[%dma_wait3A_304, %dma_wait3A_305] : memref<10240x1xf32, #tpu.memory_space<vmem_shared>> -> memref<10240x1xf32, #tpu.memory_space<vmem_shared>>
        tpu.wait_indirect_dma semaphore(%arg59 : memref<!tpu.dma_semaphore, #tpu.memory_space<semaphore_mem>>) src(%arg52 : memref<128x1xf32, #tpu.memory_space<vmem>>) dst(%dma_wait3A_306 : memref<10240x1xf32, #tpu.memory_space<vmem_shared>>)
        %dma_wait3A_307 = arith.constant 0 : i32
        %dma_wait3A_308 = arith.constant 0 : i32
        %dma_wait3A_309 = tpu.memref_slice %arg56[%dma_wait3A_307, %dma_wait3A_308] : memref<10240x1xf32, #tpu.memory_space<vmem_shared>> -> memref<10240x1xf32, #tpu.memory_space<vmem_shared>>
        tpu.wait_indirect_dma semaphore(%arg59 : memref<!tpu.dma_semaphore, #tpu.memory_space<semaphore_mem>>) src(%arg53 : memref<128x1xf32, #tpu.memory_space<vmem>>) dst(%dma_wait3A_309 : memref<10240x1xf32, #tpu.memory_space<vmem_shared>>)
        %dma_wait3A_310 = arith.constant 0 : i32
        %dma_wait3A_311 = arith.constant 0 : i32
        %dma_wait3A_312 = tpu.memref_slice %arg56[%dma_wait3A_310, %dma_wait3A_311] : memref<10240x1xf32, #tpu.memory_space<vmem_shared>> -> memref<10240x1xf32, #tpu.memory_space<vmem_shared>>
        tpu.wait_indirect_dma semaphore(%arg59 : memref<!tpu.dma_semaphore, #tpu.memory_space<semaphore_mem>>) src(%arg54 : memref<128x1xf32, #tpu.memory_space<vmem>>) dst(%dma_wait3A_312 : memref<10240x1xf32, #tpu.memory_space<vmem_shared>>)
      } else {
      }
      %dma_start3A_128 = arith.constant 0 : i32
      %dma_start3A_129 = arith.constant 0 : i32
      %dma_start3A_130 = tpu.memref_slice %arg56[%dma_start3A_128, %dma_start3A_129] : memref<10240x1xf32, #tpu.memory_space<vmem_shared>> -> memref<10240x1xf32, #tpu.memory_space<vmem_shared>>
      tpu.enqueue_indirect_dma source(%arg39 : memref<128x1xf32, #tpu.memory_space<vmem>>) target(%dma_start3A_130 : memref<10240x1xf32, #tpu.memory_space<vmem_shared>>) offsets(%arg23 : memref<128xi32, #tpu.memory_space<vmem>>) semaphore(%arg58 : memref<!tpu.dma_semaphore, #tpu.memory_space<semaphore_mem>>) {add = true}
      %dma_start3A_131 = arith.constant 0 : i32
      %dma_start3A_132 = arith.constant 0 : i32
      %dma_start3A_133 = tpu.memref_slice %arg56[%dma_start3A_131, %dma_start3A_132] : memref<10240x1xf32, #tpu.memory_space<vmem_shared>> -> memref<10240x1xf32, #tpu.memory_space<vmem_shared>>
      tpu.enqueue_indirect_dma source(%arg40 : memref<128x1xf32, #tpu.memory_space<vmem>>) target(%dma_start3A_133 : memref<10240x1xf32, #tpu.memory_space<vmem_shared>>) offsets(%arg24 : memref<128xi32, #tpu.memory_space<vmem>>) semaphore(%arg58 : memref<!tpu.dma_semaphore, #tpu.memory_space<semaphore_mem>>) {add = true}
      %dma_start3A_134 = arith.constant 0 : i32
      %dma_start3A_135 = arith.constant 0 : i32
      %dma_start3A_136 = tpu.memref_slice %arg56[%dma_start3A_134, %dma_start3A_135] : memref<10240x1xf32, #tpu.memory_space<vmem_shared>> -> memref<10240x1xf32, #tpu.memory_space<vmem_shared>>
      tpu.enqueue_indirect_dma source(%arg41 : memref<128x1xf32, #tpu.memory_space<vmem>>) target(%dma_start3A_136 : memref<10240x1xf32, #tpu.memory_space<vmem_shared>>) offsets(%arg25 : memref<128xi32, #tpu.memory_space<vmem>>) semaphore(%arg58 : memref<!tpu.dma_semaphore, #tpu.memory_space<semaphore_mem>>) {add = true}
      %dma_start3A_137 = arith.constant 0 : i32
      %dma_start3A_138 = arith.constant 0 : i32
      %dma_start3A_139 = tpu.memref_slice %arg56[%dma_start3A_137, %dma_start3A_138] : memref<10240x1xf32, #tpu.memory_space<vmem_shared>> -> memref<10240x1xf32, #tpu.memory_space<vmem_shared>>
      tpu.enqueue_indirect_dma source(%arg42 : memref<128x1xf32, #tpu.memory_space<vmem>>) target(%dma_start3A_139 : memref<10240x1xf32, #tpu.memory_space<vmem_shared>>) offsets(%arg26 : memref<128xi32, #tpu.memory_space<vmem>>) semaphore(%arg58 : memref<!tpu.dma_semaphore, #tpu.memory_space<semaphore_mem>>) {add = true}
      %dma_start3A_140 = arith.constant 0 : i32
      %dma_start3A_141 = arith.constant 0 : i32
      %dma_start3A_142 = tpu.memref_slice %arg56[%dma_start3A_140, %dma_start3A_141] : memref<10240x1xf32, #tpu.memory_space<vmem_shared>> -> memref<10240x1xf32, #tpu.memory_space<vmem_shared>>
      tpu.enqueue_indirect_dma source(%arg43 : memref<128x1xf32, #tpu.memory_space<vmem>>) target(%dma_start3A_142 : memref<10240x1xf32, #tpu.memory_space<vmem_shared>>) offsets(%arg27 : memref<128xi32, #tpu.memory_space<vmem>>) semaphore(%arg58 : memref<!tpu.dma_semaphore, #tpu.memory_space<semaphore_mem>>) {add = true}
      %dma_start3A_143 = arith.constant 0 : i32
      %dma_start3A_144 = arith.constant 0 : i32
      %dma_start3A_145 = tpu.memref_slice %arg56[%dma_start3A_143, %dma_start3A_144] : memref<10240x1xf32, #tpu.memory_space<vmem_shared>> -> memref<10240x1xf32, #tpu.memory_space<vmem_shared>>
      tpu.enqueue_indirect_dma source(%arg44 : memref<128x1xf32, #tpu.memory_space<vmem>>) target(%dma_start3A_145 : memref<10240x1xf32, #tpu.memory_space<vmem_shared>>) offsets(%arg28 : memref<128xi32, #tpu.memory_space<vmem>>) semaphore(%arg58 : memref<!tpu.dma_semaphore, #tpu.memory_space<semaphore_mem>>) {add = true}
      %dma_start3A_146 = arith.constant 0 : i32
      %dma_start3A_147 = arith.constant 0 : i32
      %dma_start3A_148 = tpu.memref_slice %arg56[%dma_start3A_146, %dma_start3A_147] : memref<10240x1xf32, #tpu.memory_space<vmem_shared>> -> memref<10240x1xf32, #tpu.memory_space<vmem_shared>>
      tpu.enqueue_indirect_dma source(%arg45 : memref<128x1xf32, #tpu.memory_space<vmem>>) target(%dma_start3A_148 : memref<10240x1xf32, #tpu.memory_space<vmem_shared>>) offsets(%arg29 : memref<128xi32, #tpu.memory_space<vmem>>) semaphore(%arg58 : memref<!tpu.dma_semaphore, #tpu.memory_space<semaphore_mem>>) {add = true}
      %dma_start3A_149 = arith.constant 0 : i32
      %dma_start3A_150 = arith.constant 0 : i32
      %dma_start3A_151 = tpu.memref_slice %arg56[%dma_start3A_149, %dma_start3A_150] : memref<10240x1xf32, #tpu.memory_space<vmem_shared>> -> memref<10240x1xf32, #tpu.memory_space<vmem_shared>>
      tpu.enqueue_indirect_dma source(%arg46 : memref<128x1xf32, #tpu.memory_space<vmem>>) target(%dma_start3A_151 : memref<10240x1xf32, #tpu.memory_space<vmem_shared>>) offsets(%arg30 : memref<128xi32, #tpu.memory_space<vmem>>) semaphore(%arg58 : memref<!tpu.dma_semaphore, #tpu.memory_space<semaphore_mem>>) {add = true}
      %mul3A_152 = arith.constant 2 : i32
      %mul3A_153 = arith.muli %mul3A_152, %add3A_39 : i32
      %add3A_154 = arith.constant 1 : i32
      %add3A_155 = arith.addi %mul3A_153, %add3A_154 : i32
      %mul3A_156 = arith.constant 10240 : i32
      %mul3A_157 = arith.muli %add3A, %mul3A_156 : i32
      %mul3A_158 = arith.constant 1024 : i32
      %mul3A_159 = arith.muli %add3A_155, %mul3A_158 : i32
      %add3A_160 = arith.addi %mul3A_157, %mul3A_159 : i32
      %add3A_161 = arith.constant 0 : i32
      %add3A_162 = arith.addi %add3A_160, %add3A_161 : i32
      "tpu.region"() ({
        %run_scoped3A = tpu.sem_alloc : memref<!tpu.dma_semaphore, #tpu.memory_space<semaphore_mem>>
        %dma_start3A_289 = tpu.memref_slice %arg3[%add3A_162] : memref<327680xi32, #tpu.memory_space<hbm>> -> memref<128xi32, #tpu.memory_space<hbm>>
        %dma_start3A_290 = tpu.memref_slice %arg3[%add3A_162] : memref<327680xi32, #tpu.memory_space<hbm>> -> memref<128xi32, #tpu.memory_space<hbm>>
        tpu.enqueue_dma source(%dma_start3A_290 : memref<128xi32, #tpu.memory_space<hbm>>) target(%arg15 : memref<128xi32, #tpu.memory_space<vmem>>) target_semaphore(%run_scoped3A : memref<!tpu.dma_semaphore, #tpu.memory_space<semaphore_mem>>)
        %dma_wait3A_291 = tpu.memref_slice %arg3[%add3A_162] : memref<327680xi32, #tpu.memory_space<hbm>> -> memref<128xi32, #tpu.memory_space<hbm>>
        %dma_wait3A_292 = tpu.memref_slice %arg3[%add3A_162] : memref<327680xi32, #tpu.memory_space<hbm>> -> memref<128xi32, #tpu.memory_space<hbm>>
        tpu.wait_dma2 semaphore(%run_scoped3A : memref<!tpu.dma_semaphore, #tpu.memory_space<semaphore_mem>>) src(%dma_wait3A_292 : memref<128xi32, #tpu.memory_space<hbm>>) dst(%arg15 : memref<128xi32, #tpu.memory_space<vmem>>)
        tpu.yield
      }) : () -> ()
      %add3A_163 = arith.constant 128 : i32
      %add3A_164 = arith.addi %add3A_160, %add3A_163 : i32
      "tpu.region"() ({
        %run_scoped3A = tpu.sem_alloc : memref<!tpu.dma_semaphore, #tpu.memory_space<semaphore_mem>>
        %dma_start3A_289 = tpu.memref_slice %arg3[%add3A_164] : memref<327680xi32, #tpu.memory_space<hbm>> -> memref<128xi32, #tpu.memory_space<hbm>>
        %dma_start3A_290 = tpu.memref_slice %arg3[%add3A_164] : memref<327680xi32, #tpu.memory_space<hbm>> -> memref<128xi32, #tpu.memory_space<hbm>>
        tpu.enqueue_dma source(%dma_start3A_290 : memref<128xi32, #tpu.memory_space<hbm>>) target(%arg16 : memref<128xi32, #tpu.memory_space<vmem>>) target_semaphore(%run_scoped3A : memref<!tpu.dma_semaphore, #tpu.memory_space<semaphore_mem>>)
        %dma_wait3A_291 = tpu.memref_slice %arg3[%add3A_164] : memref<327680xi32, #tpu.memory_space<hbm>> -> memref<128xi32, #tpu.memory_space<hbm>>
        %dma_wait3A_292 = tpu.memref_slice %arg3[%add3A_164] : memref<327680xi32, #tpu.memory_space<hbm>> -> memref<128xi32, #tpu.memory_space<hbm>>
        tpu.wait_dma2 semaphore(%run_scoped3A : memref<!tpu.dma_semaphore, #tpu.memory_space<semaphore_mem>>) src(%dma_wait3A_292 : memref<128xi32, #tpu.memory_space<hbm>>) dst(%arg16 : memref<128xi32, #tpu.memory_space<vmem>>)
        tpu.yield
      }) : () -> ()
      %add3A_165 = arith.constant 256 : i32
      %add3A_166 = arith.addi %add3A_160, %add3A_165 : i32
      "tpu.region"() ({
        %run_scoped3A = tpu.sem_alloc : memref<!tpu.dma_semaphore, #tpu.memory_space<semaphore_mem>>
        %dma_start3A_289 = tpu.memref_slice %arg3[%add3A_166] : memref<327680xi32, #tpu.memory_space<hbm>> -> memref<128xi32, #tpu.memory_space<hbm>>
        %dma_start3A_290 = tpu.memref_slice %arg3[%add3A_166] : memref<327680xi32, #tpu.memory_space<hbm>> -> memref<128xi32, #tpu.memory_space<hbm>>
        tpu.enqueue_dma source(%dma_start3A_290 : memref<128xi32, #tpu.memory_space<hbm>>) target(%arg17 : memref<128xi32, #tpu.memory_space<vmem>>) target_semaphore(%run_scoped3A : memref<!tpu.dma_semaphore, #tpu.memory_space<semaphore_mem>>)
        %dma_wait3A_291 = tpu.memref_slice %arg3[%add3A_166] : memref<327680xi32, #tpu.memory_space<hbm>> -> memref<128xi32, #tpu.memory_space<hbm>>
        %dma_wait3A_292 = tpu.memref_slice %arg3[%add3A_166] : memref<327680xi32, #tpu.memory_space<hbm>> -> memref<128xi32, #tpu.memory_space<hbm>>
        tpu.wait_dma2 semaphore(%run_scoped3A : memref<!tpu.dma_semaphore, #tpu.memory_space<semaphore_mem>>) src(%dma_wait3A_292 : memref<128xi32, #tpu.memory_space<hbm>>) dst(%arg17 : memref<128xi32, #tpu.memory_space<vmem>>)
        tpu.yield
      }) : () -> ()
      %add3A_167 = arith.constant 384 : i32
      %add3A_168 = arith.addi %add3A_160, %add3A_167 : i32
      "tpu.region"() ({
        %run_scoped3A = tpu.sem_alloc : memref<!tpu.dma_semaphore, #tpu.memory_space<semaphore_mem>>
        %dma_start3A_289 = tpu.memref_slice %arg3[%add3A_168] : memref<327680xi32, #tpu.memory_space<hbm>> -> memref<128xi32, #tpu.memory_space<hbm>>
        %dma_start3A_290 = tpu.memref_slice %arg3[%add3A_168] : memref<327680xi32, #tpu.memory_space<hbm>> -> memref<128xi32, #tpu.memory_space<hbm>>
        tpu.enqueue_dma source(%dma_start3A_290 : memref<128xi32, #tpu.memory_space<hbm>>) target(%arg18 : memref<128xi32, #tpu.memory_space<vmem>>) target_semaphore(%run_scoped3A : memref<!tpu.dma_semaphore, #tpu.memory_space<semaphore_mem>>)
        %dma_wait3A_291 = tpu.memref_slice %arg3[%add3A_168] : memref<327680xi32, #tpu.memory_space<hbm>> -> memref<128xi32, #tpu.memory_space<hbm>>
        %dma_wait3A_292 = tpu.memref_slice %arg3[%add3A_168] : memref<327680xi32, #tpu.memory_space<hbm>> -> memref<128xi32, #tpu.memory_space<hbm>>
        tpu.wait_dma2 semaphore(%run_scoped3A : memref<!tpu.dma_semaphore, #tpu.memory_space<semaphore_mem>>) src(%dma_wait3A_292 : memref<128xi32, #tpu.memory_space<hbm>>) dst(%arg18 : memref<128xi32, #tpu.memory_space<vmem>>)
        tpu.yield
      }) : () -> ()
      %add3A_169 = arith.constant 512 : i32
      %add3A_170 = arith.addi %add3A_160, %add3A_169 : i32
      "tpu.region"() ({
        %run_scoped3A = tpu.sem_alloc : memref<!tpu.dma_semaphore, #tpu.memory_space<semaphore_mem>>
        %dma_start3A_289 = tpu.memref_slice %arg3[%add3A_170] : memref<327680xi32, #tpu.memory_space<hbm>> -> memref<128xi32, #tpu.memory_space<hbm>>
        %dma_start3A_290 = tpu.memref_slice %arg3[%add3A_170] : memref<327680xi32, #tpu.memory_space<hbm>> -> memref<128xi32, #tpu.memory_space<hbm>>
        tpu.enqueue_dma source(%dma_start3A_290 : memref<128xi32, #tpu.memory_space<hbm>>) target(%arg19 : memref<128xi32, #tpu.memory_space<vmem>>) target_semaphore(%run_scoped3A : memref<!tpu.dma_semaphore, #tpu.memory_space<semaphore_mem>>)
        %dma_wait3A_291 = tpu.memref_slice %arg3[%add3A_170] : memref<327680xi32, #tpu.memory_space<hbm>> -> memref<128xi32, #tpu.memory_space<hbm>>
        %dma_wait3A_292 = tpu.memref_slice %arg3[%add3A_170] : memref<327680xi32, #tpu.memory_space<hbm>> -> memref<128xi32, #tpu.memory_space<hbm>>
        tpu.wait_dma2 semaphore(%run_scoped3A : memref<!tpu.dma_semaphore, #tpu.memory_space<semaphore_mem>>) src(%dma_wait3A_292 : memref<128xi32, #tpu.memory_space<hbm>>) dst(%arg19 : memref<128xi32, #tpu.memory_space<vmem>>)
        tpu.yield
      }) : () -> ()
      %add3A_171 = arith.constant 640 : i32
      %add3A_172 = arith.addi %add3A_160, %add3A_171 : i32
      "tpu.region"() ({
        %run_scoped3A = tpu.sem_alloc : memref<!tpu.dma_semaphore, #tpu.memory_space<semaphore_mem>>
        %dma_start3A_289 = tpu.memref_slice %arg3[%add3A_172] : memref<327680xi32, #tpu.memory_space<hbm>> -> memref<128xi32, #tpu.memory_space<hbm>>
        %dma_start3A_290 = tpu.memref_slice %arg3[%add3A_172] : memref<327680xi32, #tpu.memory_space<hbm>> -> memref<128xi32, #tpu.memory_space<hbm>>
        tpu.enqueue_dma source(%dma_start3A_290 : memref<128xi32, #tpu.memory_space<hbm>>) target(%arg20 : memref<128xi32, #tpu.memory_space<vmem>>) target_semaphore(%run_scoped3A : memref<!tpu.dma_semaphore, #tpu.memory_space<semaphore_mem>>)
        %dma_wait3A_291 = tpu.memref_slice %arg3[%add3A_172] : memref<327680xi32, #tpu.memory_space<hbm>> -> memref<128xi32, #tpu.memory_space<hbm>>
        %dma_wait3A_292 = tpu.memref_slice %arg3[%add3A_172] : memref<327680xi32, #tpu.memory_space<hbm>> -> memref<128xi32, #tpu.memory_space<hbm>>
        tpu.wait_dma2 semaphore(%run_scoped3A : memref<!tpu.dma_semaphore, #tpu.memory_space<semaphore_mem>>) src(%dma_wait3A_292 : memref<128xi32, #tpu.memory_space<hbm>>) dst(%arg20 : memref<128xi32, #tpu.memory_space<vmem>>)
        tpu.yield
      }) : () -> ()
      %add3A_173 = arith.constant 768 : i32
      %add3A_174 = arith.addi %add3A_160, %add3A_173 : i32
      "tpu.region"() ({
        %run_scoped3A = tpu.sem_alloc : memref<!tpu.dma_semaphore, #tpu.memory_space<semaphore_mem>>
        %dma_start3A_289 = tpu.memref_slice %arg3[%add3A_174] : memref<327680xi32, #tpu.memory_space<hbm>> -> memref<128xi32, #tpu.memory_space<hbm>>
        %dma_start3A_290 = tpu.memref_slice %arg3[%add3A_174] : memref<327680xi32, #tpu.memory_space<hbm>> -> memref<128xi32, #tpu.memory_space<hbm>>
        tpu.enqueue_dma source(%dma_start3A_290 : memref<128xi32, #tpu.memory_space<hbm>>) target(%arg21 : memref<128xi32, #tpu.memory_space<vmem>>) target_semaphore(%run_scoped3A : memref<!tpu.dma_semaphore, #tpu.memory_space<semaphore_mem>>)
        %dma_wait3A_291 = tpu.memref_slice %arg3[%add3A_174] : memref<327680xi32, #tpu.memory_space<hbm>> -> memref<128xi32, #tpu.memory_space<hbm>>
        %dma_wait3A_292 = tpu.memref_slice %arg3[%add3A_174] : memref<327680xi32, #tpu.memory_space<hbm>> -> memref<128xi32, #tpu.memory_space<hbm>>
        tpu.wait_dma2 semaphore(%run_scoped3A : memref<!tpu.dma_semaphore, #tpu.memory_space<semaphore_mem>>) src(%dma_wait3A_292 : memref<128xi32, #tpu.memory_space<hbm>>) dst(%arg21 : memref<128xi32, #tpu.memory_space<vmem>>)
        tpu.yield
      }) : () -> ()
      %add3A_175 = arith.constant 896 : i32
      %add3A_176 = arith.addi %add3A_160, %add3A_175 : i32
      "tpu.region"() ({
        %run_scoped3A = tpu.sem_alloc : memref<!tpu.dma_semaphore, #tpu.memory_space<semaphore_mem>>
        %dma_start3A_289 = tpu.memref_slice %arg3[%add3A_176] : memref<327680xi32, #tpu.memory_space<hbm>> -> memref<128xi32, #tpu.memory_space<hbm>>
        %dma_start3A_290 = tpu.memref_slice %arg3[%add3A_176] : memref<327680xi32, #tpu.memory_space<hbm>> -> memref<128xi32, #tpu.memory_space<hbm>>
        tpu.enqueue_dma source(%dma_start3A_290 : memref<128xi32, #tpu.memory_space<hbm>>) target(%arg22 : memref<128xi32, #tpu.memory_space<vmem>>) target_semaphore(%run_scoped3A : memref<!tpu.dma_semaphore, #tpu.memory_space<semaphore_mem>>)
        %dma_wait3A_291 = tpu.memref_slice %arg3[%add3A_176] : memref<327680xi32, #tpu.memory_space<hbm>> -> memref<128xi32, #tpu.memory_space<hbm>>
        %dma_wait3A_292 = tpu.memref_slice %arg3[%add3A_176] : memref<327680xi32, #tpu.memory_space<hbm>> -> memref<128xi32, #tpu.memory_space<hbm>>
        tpu.wait_dma2 semaphore(%run_scoped3A : memref<!tpu.dma_semaphore, #tpu.memory_space<semaphore_mem>>) src(%dma_wait3A_292 : memref<128xi32, #tpu.memory_space<hbm>>) dst(%arg22 : memref<128xi32, #tpu.memory_space<vmem>>)
        tpu.yield
      }) : () -> ()
      %dma_start3A_177 = arith.constant 0 : i32
      %dma_start3A_178 = arith.constant 0 : i32
      %dma_start3A_179 = tpu.memref_slice %arg2[%dma_start3A_177, %dma_start3A_178] : memref<10240x1xf32, #tpu.memory_space<hbm>> -> memref<10240x1xf32, #tpu.memory_space<hbm>>
      tpu.enqueue_indirect_dma source(%dma_start3A_179 : memref<10240x1xf32, #tpu.memory_space<hbm>>) target(%arg47 : memref<128x1xf32, #tpu.memory_space<vmem>>) offsets(%arg15 : memref<128xi32, #tpu.memory_space<vmem>>) semaphore(%arg57 : memref<!tpu.dma_semaphore, #tpu.memory_space<semaphore_mem>>)
      %dma_start3A_180 = arith.constant 0 : i32
      %dma_start3A_181 = arith.constant 0 : i32
      %dma_start3A_182 = tpu.memref_slice %arg2[%dma_start3A_180, %dma_start3A_181] : memref<10240x1xf32, #tpu.memory_space<hbm>> -> memref<10240x1xf32, #tpu.memory_space<hbm>>
      tpu.enqueue_indirect_dma source(%dma_start3A_182 : memref<10240x1xf32, #tpu.memory_space<hbm>>) target(%arg48 : memref<128x1xf32, #tpu.memory_space<vmem>>) offsets(%arg16 : memref<128xi32, #tpu.memory_space<vmem>>) semaphore(%arg57 : memref<!tpu.dma_semaphore, #tpu.memory_space<semaphore_mem>>)
      %dma_start3A_183 = arith.constant 0 : i32
      %dma_start3A_184 = arith.constant 0 : i32
      %dma_start3A_185 = tpu.memref_slice %arg2[%dma_start3A_183, %dma_start3A_184] : memref<10240x1xf32, #tpu.memory_space<hbm>> -> memref<10240x1xf32, #tpu.memory_space<hbm>>
      tpu.enqueue_indirect_dma source(%dma_start3A_185 : memref<10240x1xf32, #tpu.memory_space<hbm>>) target(%arg49 : memref<128x1xf32, #tpu.memory_space<vmem>>) offsets(%arg17 : memref<128xi32, #tpu.memory_space<vmem>>) semaphore(%arg57 : memref<!tpu.dma_semaphore, #tpu.memory_space<semaphore_mem>>)
      %dma_start3A_186 = arith.constant 0 : i32
      %dma_start3A_187 = arith.constant 0 : i32
      %dma_start3A_188 = tpu.memref_slice %arg2[%dma_start3A_186, %dma_start3A_187] : memref<10240x1xf32, #tpu.memory_space<hbm>> -> memref<10240x1xf32, #tpu.memory_space<hbm>>
      tpu.enqueue_indirect_dma source(%dma_start3A_188 : memref<10240x1xf32, #tpu.memory_space<hbm>>) target(%arg50 : memref<128x1xf32, #tpu.memory_space<vmem>>) offsets(%arg18 : memref<128xi32, #tpu.memory_space<vmem>>) semaphore(%arg57 : memref<!tpu.dma_semaphore, #tpu.memory_space<semaphore_mem>>)
      %dma_start3A_189 = arith.constant 0 : i32
      %dma_start3A_190 = arith.constant 0 : i32
      %dma_start3A_191 = tpu.memref_slice %arg2[%dma_start3A_189, %dma_start3A_190] : memref<10240x1xf32, #tpu.memory_space<hbm>> -> memref<10240x1xf32, #tpu.memory_space<hbm>>
      tpu.enqueue_indirect_dma source(%dma_start3A_191 : memref<10240x1xf32, #tpu.memory_space<hbm>>) target(%arg51 : memref<128x1xf32, #tpu.memory_space<vmem>>) offsets(%arg19 : memref<128xi32, #tpu.memory_space<vmem>>) semaphore(%arg57 : memref<!tpu.dma_semaphore, #tpu.memory_space<semaphore_mem>>)
      %dma_start3A_192 = arith.constant 0 : i32
      %dma_start3A_193 = arith.constant 0 : i32
      %dma_start3A_194 = tpu.memref_slice %arg2[%dma_start3A_192, %dma_start3A_193] : memref<10240x1xf32, #tpu.memory_space<hbm>> -> memref<10240x1xf32, #tpu.memory_space<hbm>>
      tpu.enqueue_indirect_dma source(%dma_start3A_194 : memref<10240x1xf32, #tpu.memory_space<hbm>>) target(%arg52 : memref<128x1xf32, #tpu.memory_space<vmem>>) offsets(%arg20 : memref<128xi32, #tpu.memory_space<vmem>>) semaphore(%arg57 : memref<!tpu.dma_semaphore, #tpu.memory_space<semaphore_mem>>)
      %dma_start3A_195 = arith.constant 0 : i32
      %dma_start3A_196 = arith.constant 0 : i32
      %dma_start3A_197 = tpu.memref_slice %arg2[%dma_start3A_195, %dma_start3A_196] : memref<10240x1xf32, #tpu.memory_space<hbm>> -> memref<10240x1xf32, #tpu.memory_space<hbm>>
      tpu.enqueue_indirect_dma source(%dma_start3A_197 : memref<10240x1xf32, #tpu.memory_space<hbm>>) target(%arg53 : memref<128x1xf32, #tpu.memory_space<vmem>>) offsets(%arg21 : memref<128xi32, #tpu.memory_space<vmem>>) semaphore(%arg57 : memref<!tpu.dma_semaphore, #tpu.memory_space<semaphore_mem>>)
      %dma_start3A_198 = arith.constant 0 : i32
      %dma_start3A_199 = arith.constant 0 : i32
      %dma_start3A_200 = tpu.memref_slice %arg2[%dma_start3A_198, %dma_start3A_199] : memref<10240x1xf32, #tpu.memory_space<hbm>> -> memref<10240x1xf32, #tpu.memory_space<hbm>>
      tpu.enqueue_indirect_dma source(%dma_start3A_200 : memref<10240x1xf32, #tpu.memory_space<hbm>>) target(%arg54 : memref<128x1xf32, #tpu.memory_space<vmem>>) offsets(%arg22 : memref<128xi32, #tpu.memory_space<vmem>>) semaphore(%arg57 : memref<!tpu.dma_semaphore, #tpu.memory_space<semaphore_mem>>)
      %add3A_201 = arith.constant 0 : i32
      %add3A_202 = arith.addi %add3A_160, %add3A_201 : i32
      "tpu.region"() ({
        %run_scoped3A = tpu.sem_alloc : memref<!tpu.dma_semaphore, #tpu.memory_space<semaphore_mem>>
        %dma_start3A_289 = tpu.memref_slice %arg4[%add3A_202] : memref<327680xi32, #tpu.memory_space<hbm>> -> memref<128xi32, #tpu.memory_space<hbm>>
        %dma_start3A_290 = tpu.memref_slice %arg4[%add3A_202] : memref<327680xi32, #tpu.memory_space<hbm>> -> memref<128xi32, #tpu.memory_space<hbm>>
        tpu.enqueue_dma source(%dma_start3A_290 : memref<128xi32, #tpu.memory_space<hbm>>) target(%arg31 : memref<128xi32, #tpu.memory_space<vmem>>) target_semaphore(%run_scoped3A : memref<!tpu.dma_semaphore, #tpu.memory_space<semaphore_mem>>)
        %dma_wait3A_291 = tpu.memref_slice %arg4[%add3A_202] : memref<327680xi32, #tpu.memory_space<hbm>> -> memref<128xi32, #tpu.memory_space<hbm>>
        %dma_wait3A_292 = tpu.memref_slice %arg4[%add3A_202] : memref<327680xi32, #tpu.memory_space<hbm>> -> memref<128xi32, #tpu.memory_space<hbm>>
        tpu.wait_dma2 semaphore(%run_scoped3A : memref<!tpu.dma_semaphore, #tpu.memory_space<semaphore_mem>>) src(%dma_wait3A_292 : memref<128xi32, #tpu.memory_space<hbm>>) dst(%arg31 : memref<128xi32, #tpu.memory_space<vmem>>)
        tpu.yield
      }) : () -> ()
      %add3A_203 = arith.constant 128 : i32
      %add3A_204 = arith.addi %add3A_160, %add3A_203 : i32
      "tpu.region"() ({
        %run_scoped3A = tpu.sem_alloc : memref<!tpu.dma_semaphore, #tpu.memory_space<semaphore_mem>>
        %dma_start3A_289 = tpu.memref_slice %arg4[%add3A_204] : memref<327680xi32, #tpu.memory_space<hbm>> -> memref<128xi32, #tpu.memory_space<hbm>>
        %dma_start3A_290 = tpu.memref_slice %arg4[%add3A_204] : memref<327680xi32, #tpu.memory_space<hbm>> -> memref<128xi32, #tpu.memory_space<hbm>>
        tpu.enqueue_dma source(%dma_start3A_290 : memref<128xi32, #tpu.memory_space<hbm>>) target(%arg32 : memref<128xi32, #tpu.memory_space<vmem>>) target_semaphore(%run_scoped3A : memref<!tpu.dma_semaphore, #tpu.memory_space<semaphore_mem>>)
        %dma_wait3A_291 = tpu.memref_slice %arg4[%add3A_204] : memref<327680xi32, #tpu.memory_space<hbm>> -> memref<128xi32, #tpu.memory_space<hbm>>
        %dma_wait3A_292 = tpu.memref_slice %arg4[%add3A_204] : memref<327680xi32, #tpu.memory_space<hbm>> -> memref<128xi32, #tpu.memory_space<hbm>>
        tpu.wait_dma2 semaphore(%run_scoped3A : memref<!tpu.dma_semaphore, #tpu.memory_space<semaphore_mem>>) src(%dma_wait3A_292 : memref<128xi32, #tpu.memory_space<hbm>>) dst(%arg32 : memref<128xi32, #tpu.memory_space<vmem>>)
        tpu.yield
      }) : () -> ()
      %add3A_205 = arith.constant 256 : i32
      %add3A_206 = arith.addi %add3A_160, %add3A_205 : i32
      "tpu.region"() ({
        %run_scoped3A = tpu.sem_alloc : memref<!tpu.dma_semaphore, #tpu.memory_space<semaphore_mem>>
        %dma_start3A_289 = tpu.memref_slice %arg4[%add3A_206] : memref<327680xi32, #tpu.memory_space<hbm>> -> memref<128xi32, #tpu.memory_space<hbm>>
        %dma_start3A_290 = tpu.memref_slice %arg4[%add3A_206] : memref<327680xi32, #tpu.memory_space<hbm>> -> memref<128xi32, #tpu.memory_space<hbm>>
        tpu.enqueue_dma source(%dma_start3A_290 : memref<128xi32, #tpu.memory_space<hbm>>) target(%arg33 : memref<128xi32, #tpu.memory_space<vmem>>) target_semaphore(%run_scoped3A : memref<!tpu.dma_semaphore, #tpu.memory_space<semaphore_mem>>)
        %dma_wait3A_291 = tpu.memref_slice %arg4[%add3A_206] : memref<327680xi32, #tpu.memory_space<hbm>> -> memref<128xi32, #tpu.memory_space<hbm>>
        %dma_wait3A_292 = tpu.memref_slice %arg4[%add3A_206] : memref<327680xi32, #tpu.memory_space<hbm>> -> memref<128xi32, #tpu.memory_space<hbm>>
        tpu.wait_dma2 semaphore(%run_scoped3A : memref<!tpu.dma_semaphore, #tpu.memory_space<semaphore_mem>>) src(%dma_wait3A_292 : memref<128xi32, #tpu.memory_space<hbm>>) dst(%arg33 : memref<128xi32, #tpu.memory_space<vmem>>)
        tpu.yield
      }) : () -> ()
      %add3A_207 = arith.constant 384 : i32
      %add3A_208 = arith.addi %add3A_160, %add3A_207 : i32
      "tpu.region"() ({
        %run_scoped3A = tpu.sem_alloc : memref<!tpu.dma_semaphore, #tpu.memory_space<semaphore_mem>>
        %dma_start3A_289 = tpu.memref_slice %arg4[%add3A_208] : memref<327680xi32, #tpu.memory_space<hbm>> -> memref<128xi32, #tpu.memory_space<hbm>>
        %dma_start3A_290 = tpu.memref_slice %arg4[%add3A_208] : memref<327680xi32, #tpu.memory_space<hbm>> -> memref<128xi32, #tpu.memory_space<hbm>>
        tpu.enqueue_dma source(%dma_start3A_290 : memref<128xi32, #tpu.memory_space<hbm>>) target(%arg34 : memref<128xi32, #tpu.memory_space<vmem>>) target_semaphore(%run_scoped3A : memref<!tpu.dma_semaphore, #tpu.memory_space<semaphore_mem>>)
        %dma_wait3A_291 = tpu.memref_slice %arg4[%add3A_208] : memref<327680xi32, #tpu.memory_space<hbm>> -> memref<128xi32, #tpu.memory_space<hbm>>
        %dma_wait3A_292 = tpu.memref_slice %arg4[%add3A_208] : memref<327680xi32, #tpu.memory_space<hbm>> -> memref<128xi32, #tpu.memory_space<hbm>>
        tpu.wait_dma2 semaphore(%run_scoped3A : memref<!tpu.dma_semaphore, #tpu.memory_space<semaphore_mem>>) src(%dma_wait3A_292 : memref<128xi32, #tpu.memory_space<hbm>>) dst(%arg34 : memref<128xi32, #tpu.memory_space<vmem>>)
        tpu.yield
      }) : () -> ()
      %add3A_209 = arith.constant 512 : i32
      %add3A_210 = arith.addi %add3A_160, %add3A_209 : i32
      "tpu.region"() ({
        %run_scoped3A = tpu.sem_alloc : memref<!tpu.dma_semaphore, #tpu.memory_space<semaphore_mem>>
        %dma_start3A_289 = tpu.memref_slice %arg4[%add3A_210] : memref<327680xi32, #tpu.memory_space<hbm>> -> memref<128xi32, #tpu.memory_space<hbm>>
        %dma_start3A_290 = tpu.memref_slice %arg4[%add3A_210] : memref<327680xi32, #tpu.memory_space<hbm>> -> memref<128xi32, #tpu.memory_space<hbm>>
        tpu.enqueue_dma source(%dma_start3A_290 : memref<128xi32, #tpu.memory_space<hbm>>) target(%arg35 : memref<128xi32, #tpu.memory_space<vmem>>) target_semaphore(%run_scoped3A : memref<!tpu.dma_semaphore, #tpu.memory_space<semaphore_mem>>)
        %dma_wait3A_291 = tpu.memref_slice %arg4[%add3A_210] : memref<327680xi32, #tpu.memory_space<hbm>> -> memref<128xi32, #tpu.memory_space<hbm>>
        %dma_wait3A_292 = tpu.memref_slice %arg4[%add3A_210] : memref<327680xi32, #tpu.memory_space<hbm>> -> memref<128xi32, #tpu.memory_space<hbm>>
        tpu.wait_dma2 semaphore(%run_scoped3A : memref<!tpu.dma_semaphore, #tpu.memory_space<semaphore_mem>>) src(%dma_wait3A_292 : memref<128xi32, #tpu.memory_space<hbm>>) dst(%arg35 : memref<128xi32, #tpu.memory_space<vmem>>)
        tpu.yield
      }) : () -> ()
      %add3A_211 = arith.constant 640 : i32
      %add3A_212 = arith.addi %add3A_160, %add3A_211 : i32
      "tpu.region"() ({
        %run_scoped3A = tpu.sem_alloc : memref<!tpu.dma_semaphore, #tpu.memory_space<semaphore_mem>>
        %dma_start3A_289 = tpu.memref_slice %arg4[%add3A_212] : memref<327680xi32, #tpu.memory_space<hbm>> -> memref<128xi32, #tpu.memory_space<hbm>>
        %dma_start3A_290 = tpu.memref_slice %arg4[%add3A_212] : memref<327680xi32, #tpu.memory_space<hbm>> -> memref<128xi32, #tpu.memory_space<hbm>>
        tpu.enqueue_dma source(%dma_start3A_290 : memref<128xi32, #tpu.memory_space<hbm>>) target(%arg36 : memref<128xi32, #tpu.memory_space<vmem>>) target_semaphore(%run_scoped3A : memref<!tpu.dma_semaphore, #tpu.memory_space<semaphore_mem>>)
        %dma_wait3A_291 = tpu.memref_slice %arg4[%add3A_212] : memref<327680xi32, #tpu.memory_space<hbm>> -> memref<128xi32, #tpu.memory_space<hbm>>
        %dma_wait3A_292 = tpu.memref_slice %arg4[%add3A_212] : memref<327680xi32, #tpu.memory_space<hbm>> -> memref<128xi32, #tpu.memory_space<hbm>>
        tpu.wait_dma2 semaphore(%run_scoped3A : memref<!tpu.dma_semaphore, #tpu.memory_space<semaphore_mem>>) src(%dma_wait3A_292 : memref<128xi32, #tpu.memory_space<hbm>>) dst(%arg36 : memref<128xi32, #tpu.memory_space<vmem>>)
        tpu.yield
      }) : () -> ()
      %add3A_213 = arith.constant 768 : i32
      %add3A_214 = arith.addi %add3A_160, %add3A_213 : i32
      "tpu.region"() ({
        %run_scoped3A = tpu.sem_alloc : memref<!tpu.dma_semaphore, #tpu.memory_space<semaphore_mem>>
        %dma_start3A_289 = tpu.memref_slice %arg4[%add3A_214] : memref<327680xi32, #tpu.memory_space<hbm>> -> memref<128xi32, #tpu.memory_space<hbm>>
        %dma_start3A_290 = tpu.memref_slice %arg4[%add3A_214] : memref<327680xi32, #tpu.memory_space<hbm>> -> memref<128xi32, #tpu.memory_space<hbm>>
        tpu.enqueue_dma source(%dma_start3A_290 : memref<128xi32, #tpu.memory_space<hbm>>) target(%arg37 : memref<128xi32, #tpu.memory_space<vmem>>) target_semaphore(%run_scoped3A : memref<!tpu.dma_semaphore, #tpu.memory_space<semaphore_mem>>)
        %dma_wait3A_291 = tpu.memref_slice %arg4[%add3A_214] : memref<327680xi32, #tpu.memory_space<hbm>> -> memref<128xi32, #tpu.memory_space<hbm>>
        %dma_wait3A_292 = tpu.memref_slice %arg4[%add3A_214] : memref<327680xi32, #tpu.memory_space<hbm>> -> memref<128xi32, #tpu.memory_space<hbm>>
        tpu.wait_dma2 semaphore(%run_scoped3A : memref<!tpu.dma_semaphore, #tpu.memory_space<semaphore_mem>>) src(%dma_wait3A_292 : memref<128xi32, #tpu.memory_space<hbm>>) dst(%arg37 : memref<128xi32, #tpu.memory_space<vmem>>)
        tpu.yield
      }) : () -> ()
      %add3A_215 = arith.constant 896 : i32
      %add3A_216 = arith.addi %add3A_160, %add3A_215 : i32
      "tpu.region"() ({
        %run_scoped3A = tpu.sem_alloc : memref<!tpu.dma_semaphore, #tpu.memory_space<semaphore_mem>>
        %dma_start3A_289 = tpu.memref_slice %arg4[%add3A_216] : memref<327680xi32, #tpu.memory_space<hbm>> -> memref<128xi32, #tpu.memory_space<hbm>>
        %dma_start3A_290 = tpu.memref_slice %arg4[%add3A_216] : memref<327680xi32, #tpu.memory_space<hbm>> -> memref<128xi32, #tpu.memory_space<hbm>>
        tpu.enqueue_dma source(%dma_start3A_290 : memref<128xi32, #tpu.memory_space<hbm>>) target(%arg38 : memref<128xi32, #tpu.memory_space<vmem>>) target_semaphore(%run_scoped3A : memref<!tpu.dma_semaphore, #tpu.memory_space<semaphore_mem>>)
        %dma_wait3A_291 = tpu.memref_slice %arg4[%add3A_216] : memref<327680xi32, #tpu.memory_space<hbm>> -> memref<128xi32, #tpu.memory_space<hbm>>
        %dma_wait3A_292 = tpu.memref_slice %arg4[%add3A_216] : memref<327680xi32, #tpu.memory_space<hbm>> -> memref<128xi32, #tpu.memory_space<hbm>>
        tpu.wait_dma2 semaphore(%run_scoped3A : memref<!tpu.dma_semaphore, #tpu.memory_space<semaphore_mem>>) src(%dma_wait3A_292 : memref<128xi32, #tpu.memory_space<hbm>>) dst(%arg38 : memref<128xi32, #tpu.memory_space<vmem>>)
        tpu.yield
      }) : () -> ()
      %dma_wait3A_217 = arith.constant 0 : i32
      %dma_wait3A_218 = arith.constant 0 : i32
      %dma_wait3A_219 = tpu.memref_slice %arg2[%dma_wait3A_217, %dma_wait3A_218] : memref<10240x1xf32, #tpu.memory_space<hbm>> -> memref<10240x1xf32, #tpu.memory_space<hbm>>
      tpu.wait_indirect_dma semaphore(%arg57 : memref<!tpu.dma_semaphore, #tpu.memory_space<semaphore_mem>>) src(%dma_wait3A_219 : memref<10240x1xf32, #tpu.memory_space<hbm>>) dst(%arg47 : memref<128x1xf32, #tpu.memory_space<vmem>>)
      %dma_wait3A_220 = arith.constant 0 : i32
      %dma_wait3A_221 = arith.constant 0 : i32
      %dma_wait3A_222 = tpu.memref_slice %arg2[%dma_wait3A_220, %dma_wait3A_221] : memref<10240x1xf32, #tpu.memory_space<hbm>> -> memref<10240x1xf32, #tpu.memory_space<hbm>>
      tpu.wait_indirect_dma semaphore(%arg57 : memref<!tpu.dma_semaphore, #tpu.memory_space<semaphore_mem>>) src(%dma_wait3A_222 : memref<10240x1xf32, #tpu.memory_space<hbm>>) dst(%arg48 : memref<128x1xf32, #tpu.memory_space<vmem>>)
      %dma_wait3A_223 = arith.constant 0 : i32
      %dma_wait3A_224 = arith.constant 0 : i32
      %dma_wait3A_225 = tpu.memref_slice %arg2[%dma_wait3A_223, %dma_wait3A_224] : memref<10240x1xf32, #tpu.memory_space<hbm>> -> memref<10240x1xf32, #tpu.memory_space<hbm>>
      tpu.wait_indirect_dma semaphore(%arg57 : memref<!tpu.dma_semaphore, #tpu.memory_space<semaphore_mem>>) src(%dma_wait3A_225 : memref<10240x1xf32, #tpu.memory_space<hbm>>) dst(%arg49 : memref<128x1xf32, #tpu.memory_space<vmem>>)
      %dma_wait3A_226 = arith.constant 0 : i32
      %dma_wait3A_227 = arith.constant 0 : i32
      %dma_wait3A_228 = tpu.memref_slice %arg2[%dma_wait3A_226, %dma_wait3A_227] : memref<10240x1xf32, #tpu.memory_space<hbm>> -> memref<10240x1xf32, #tpu.memory_space<hbm>>
      tpu.wait_indirect_dma semaphore(%arg57 : memref<!tpu.dma_semaphore, #tpu.memory_space<semaphore_mem>>) src(%dma_wait3A_228 : memref<10240x1xf32, #tpu.memory_space<hbm>>) dst(%arg50 : memref<128x1xf32, #tpu.memory_space<vmem>>)
      %dma_wait3A_229 = arith.constant 0 : i32
      %dma_wait3A_230 = arith.constant 0 : i32
      %dma_wait3A_231 = tpu.memref_slice %arg2[%dma_wait3A_229, %dma_wait3A_230] : memref<10240x1xf32, #tpu.memory_space<hbm>> -> memref<10240x1xf32, #tpu.memory_space<hbm>>
      tpu.wait_indirect_dma semaphore(%arg57 : memref<!tpu.dma_semaphore, #tpu.memory_space<semaphore_mem>>) src(%dma_wait3A_231 : memref<10240x1xf32, #tpu.memory_space<hbm>>) dst(%arg51 : memref<128x1xf32, #tpu.memory_space<vmem>>)
      %dma_wait3A_232 = arith.constant 0 : i32
      %dma_wait3A_233 = arith.constant 0 : i32
      %dma_wait3A_234 = tpu.memref_slice %arg2[%dma_wait3A_232, %dma_wait3A_233] : memref<10240x1xf32, #tpu.memory_space<hbm>> -> memref<10240x1xf32, #tpu.memory_space<hbm>>
      tpu.wait_indirect_dma semaphore(%arg57 : memref<!tpu.dma_semaphore, #tpu.memory_space<semaphore_mem>>) src(%dma_wait3A_234 : memref<10240x1xf32, #tpu.memory_space<hbm>>) dst(%arg52 : memref<128x1xf32, #tpu.memory_space<vmem>>)
      %dma_wait3A_235 = arith.constant 0 : i32
      %dma_wait3A_236 = arith.constant 0 : i32
      %dma_wait3A_237 = tpu.memref_slice %arg2[%dma_wait3A_235, %dma_wait3A_236] : memref<10240x1xf32, #tpu.memory_space<hbm>> -> memref<10240x1xf32, #tpu.memory_space<hbm>>
      tpu.wait_indirect_dma semaphore(%arg57 : memref<!tpu.dma_semaphore, #tpu.memory_space<semaphore_mem>>) src(%dma_wait3A_237 : memref<10240x1xf32, #tpu.memory_space<hbm>>) dst(%arg53 : memref<128x1xf32, #tpu.memory_space<vmem>>)
      %dma_wait3A_238 = arith.constant 0 : i32
      %dma_wait3A_239 = arith.constant 0 : i32
      %dma_wait3A_240 = tpu.memref_slice %arg2[%dma_wait3A_238, %dma_wait3A_239] : memref<10240x1xf32, #tpu.memory_space<hbm>> -> memref<10240x1xf32, #tpu.memory_space<hbm>>
      tpu.wait_indirect_dma semaphore(%arg57 : memref<!tpu.dma_semaphore, #tpu.memory_space<semaphore_mem>>) src(%dma_wait3A_240 : memref<10240x1xf32, #tpu.memory_space<hbm>>) dst(%arg54 : memref<128x1xf32, #tpu.memory_space<vmem>>)
      %dma_wait3A_241 = arith.constant 0 : i32
      %dma_wait3A_242 = arith.constant 0 : i32
      %dma_wait3A_243 = tpu.memref_slice %arg56[%dma_wait3A_241, %dma_wait3A_242] : memref<10240x1xf32, #tpu.memory_space<vmem_shared>> -> memref<10240x1xf32, #tpu.memory_space<vmem_shared>>
      tpu.wait_indirect_dma semaphore(%arg58 : memref<!tpu.dma_semaphore, #tpu.memory_space<semaphore_mem>>) src(%arg39 : memref<128x1xf32, #tpu.memory_space<vmem>>) dst(%dma_wait3A_243 : memref<10240x1xf32, #tpu.memory_space<vmem_shared>>)
      %dma_wait3A_244 = arith.constant 0 : i32
      %dma_wait3A_245 = arith.constant 0 : i32
      %dma_wait3A_246 = tpu.memref_slice %arg56[%dma_wait3A_244, %dma_wait3A_245] : memref<10240x1xf32, #tpu.memory_space<vmem_shared>> -> memref<10240x1xf32, #tpu.memory_space<vmem_shared>>
      tpu.wait_indirect_dma semaphore(%arg58 : memref<!tpu.dma_semaphore, #tpu.memory_space<semaphore_mem>>) src(%arg40 : memref<128x1xf32, #tpu.memory_space<vmem>>) dst(%dma_wait3A_246 : memref<10240x1xf32, #tpu.memory_space<vmem_shared>>)
      %dma_wait3A_247 = arith.constant 0 : i32
      %dma_wait3A_248 = arith.constant 0 : i32
      %dma_wait3A_249 = tpu.memref_slice %arg56[%dma_wait3A_247, %dma_wait3A_248] : memref<10240x1xf32, #tpu.memory_space<vmem_shared>> -> memref<10240x1xf32, #tpu.memory_space<vmem_shared>>
      tpu.wait_indirect_dma semaphore(%arg58 : memref<!tpu.dma_semaphore, #tpu.memory_space<semaphore_mem>>) src(%arg41 : memref<128x1xf32, #tpu.memory_space<vmem>>) dst(%dma_wait3A_249 : memref<10240x1xf32, #tpu.memory_space<vmem_shared>>)
      %dma_wait3A_250 = arith.constant 0 : i32
      %dma_wait3A_251 = arith.constant 0 : i32
      %dma_wait3A_252 = tpu.memref_slice %arg56[%dma_wait3A_250, %dma_wait3A_251] : memref<10240x1xf32, #tpu.memory_space<vmem_shared>> -> memref<10240x1xf32, #tpu.memory_space<vmem_shared>>
      tpu.wait_indirect_dma semaphore(%arg58 : memref<!tpu.dma_semaphore, #tpu.memory_space<semaphore_mem>>) src(%arg42 : memref<128x1xf32, #tpu.memory_space<vmem>>) dst(%dma_wait3A_252 : memref<10240x1xf32, #tpu.memory_space<vmem_shared>>)
      %dma_wait3A_253 = arith.constant 0 : i32
      %dma_wait3A_254 = arith.constant 0 : i32
      %dma_wait3A_255 = tpu.memref_slice %arg56[%dma_wait3A_253, %dma_wait3A_254] : memref<10240x1xf32, #tpu.memory_space<vmem_shared>> -> memref<10240x1xf32, #tpu.memory_space<vmem_shared>>
      tpu.wait_indirect_dma semaphore(%arg58 : memref<!tpu.dma_semaphore, #tpu.memory_space<semaphore_mem>>) src(%arg43 : memref<128x1xf32, #tpu.memory_space<vmem>>) dst(%dma_wait3A_255 : memref<10240x1xf32, #tpu.memory_space<vmem_shared>>)
      %dma_wait3A_256 = arith.constant 0 : i32
      %dma_wait3A_257 = arith.constant 0 : i32
      %dma_wait3A_258 = tpu.memref_slice %arg56[%dma_wait3A_256, %dma_wait3A_257] : memref<10240x1xf32, #tpu.memory_space<vmem_shared>> -> memref<10240x1xf32, #tpu.memory_space<vmem_shared>>
      tpu.wait_indirect_dma semaphore(%arg58 : memref<!tpu.dma_semaphore, #tpu.memory_space<semaphore_mem>>) src(%arg44 : memref<128x1xf32, #tpu.memory_space<vmem>>) dst(%dma_wait3A_258 : memref<10240x1xf32, #tpu.memory_space<vmem_shared>>)
      %dma_wait3A_259 = arith.constant 0 : i32
      %dma_wait3A_260 = arith.constant 0 : i32
      %dma_wait3A_261 = tpu.memref_slice %arg56[%dma_wait3A_259, %dma_wait3A_260] : memref<10240x1xf32, #tpu.memory_space<vmem_shared>> -> memref<10240x1xf32, #tpu.memory_space<vmem_shared>>
      tpu.wait_indirect_dma semaphore(%arg58 : memref<!tpu.dma_semaphore, #tpu.memory_space<semaphore_mem>>) src(%arg45 : memref<128x1xf32, #tpu.memory_space<vmem>>) dst(%dma_wait3A_261 : memref<10240x1xf32, #tpu.memory_space<vmem_shared>>)
      %dma_wait3A_262 = arith.constant 0 : i32
      %dma_wait3A_263 = arith.constant 0 : i32
      %dma_wait3A_264 = tpu.memref_slice %arg56[%dma_wait3A_262, %dma_wait3A_263] : memref<10240x1xf32, #tpu.memory_space<vmem_shared>> -> memref<10240x1xf32, #tpu.memory_space<vmem_shared>>
      tpu.wait_indirect_dma semaphore(%arg58 : memref<!tpu.dma_semaphore, #tpu.memory_space<semaphore_mem>>) src(%arg46 : memref<128x1xf32, #tpu.memory_space<vmem>>) dst(%dma_wait3A_264 : memref<10240x1xf32, #tpu.memory_space<vmem_shared>>)
      %dma_start3A_265 = arith.constant 0 : i32
      %dma_start3A_266 = arith.constant 0 : i32
      %dma_start3A_267 = tpu.memref_slice %arg56[%dma_start3A_265, %dma_start3A_266] : memref<10240x1xf32, #tpu.memory_space<vmem_shared>> -> memref<10240x1xf32, #tpu.memory_space<vmem_shared>>
      tpu.enqueue_indirect_dma source(%arg47 : memref<128x1xf32, #tpu.memory_space<vmem>>) target(%dma_start3A_267 : memref<10240x1xf32, #tpu.memory_space<vmem_shared>>) offsets(%arg31 : memref<128xi32, #tpu.memory_space<vmem>>) semaphore(%arg59 : memref<!tpu.dma_semaphore, #tpu.memory_space<semaphore_mem>>) {add = true}
      %dma_start3A_268 = arith.constant 0 : i32
      %dma_start3A_269 = arith.constant 0 : i32
      %dma_start3A_270 = tpu.memref_slice %arg56[%dma_start3A_268, %dma_start3A_269] : memref<10240x1xf32, #tpu.memory_space<vmem_shared>> -> memref<10240x1xf32, #tpu.memory_space<vmem_shared>>
      tpu.enqueue_indirect_dma source(%arg48 : memref<128x1xf32, #tpu.memory_space<vmem>>) target(%dma_start3A_270 : memref<10240x1xf32, #tpu.memory_space<vmem_shared>>) offsets(%arg32 : memref<128xi32, #tpu.memory_space<vmem>>) semaphore(%arg59 : memref<!tpu.dma_semaphore, #tpu.memory_space<semaphore_mem>>) {add = true}
      %dma_start3A_271 = arith.constant 0 : i32
      %dma_start3A_272 = arith.constant 0 : i32
      %dma_start3A_273 = tpu.memref_slice %arg56[%dma_start3A_271, %dma_start3A_272] : memref<10240x1xf32, #tpu.memory_space<vmem_shared>> -> memref<10240x1xf32, #tpu.memory_space<vmem_shared>>
      tpu.enqueue_indirect_dma source(%arg49 : memref<128x1xf32, #tpu.memory_space<vmem>>) target(%dma_start3A_273 : memref<10240x1xf32, #tpu.memory_space<vmem_shared>>) offsets(%arg33 : memref<128xi32, #tpu.memory_space<vmem>>) semaphore(%arg59 : memref<!tpu.dma_semaphore, #tpu.memory_space<semaphore_mem>>) {add = true}
      %dma_start3A_274 = arith.constant 0 : i32
      %dma_start3A_275 = arith.constant 0 : i32
      %dma_start3A_276 = tpu.memref_slice %arg56[%dma_start3A_274, %dma_start3A_275] : memref<10240x1xf32, #tpu.memory_space<vmem_shared>> -> memref<10240x1xf32, #tpu.memory_space<vmem_shared>>
      tpu.enqueue_indirect_dma source(%arg50 : memref<128x1xf32, #tpu.memory_space<vmem>>) target(%dma_start3A_276 : memref<10240x1xf32, #tpu.memory_space<vmem_shared>>) offsets(%arg34 : memref<128xi32, #tpu.memory_space<vmem>>) semaphore(%arg59 : memref<!tpu.dma_semaphore, #tpu.memory_space<semaphore_mem>>) {add = true}
      %dma_start3A_277 = arith.constant 0 : i32
      %dma_start3A_278 = arith.constant 0 : i32
      %dma_start3A_279 = tpu.memref_slice %arg56[%dma_start3A_277, %dma_start3A_278] : memref<10240x1xf32, #tpu.memory_space<vmem_shared>> -> memref<10240x1xf32, #tpu.memory_space<vmem_shared>>
      tpu.enqueue_indirect_dma source(%arg51 : memref<128x1xf32, #tpu.memory_space<vmem>>) target(%dma_start3A_279 : memref<10240x1xf32, #tpu.memory_space<vmem_shared>>) offsets(%arg35 : memref<128xi32, #tpu.memory_space<vmem>>) semaphore(%arg59 : memref<!tpu.dma_semaphore, #tpu.memory_space<semaphore_mem>>) {add = true}
      %dma_start3A_280 = arith.constant 0 : i32
      %dma_start3A_281 = arith.constant 0 : i32
      %dma_start3A_282 = tpu.memref_slice %arg56[%dma_start3A_280, %dma_start3A_281] : memref<10240x1xf32, #tpu.memory_space<vmem_shared>> -> memref<10240x1xf32, #tpu.memory_space<vmem_shared>>
      tpu.enqueue_indirect_dma source(%arg52 : memref<128x1xf32, #tpu.memory_space<vmem>>) target(%dma_start3A_282 : memref<10240x1xf32, #tpu.memory_space<vmem_shared>>) offsets(%arg36 : memref<128xi32, #tpu.memory_space<vmem>>) semaphore(%arg59 : memref<!tpu.dma_semaphore, #tpu.memory_space<semaphore_mem>>) {add = true}
      %dma_start3A_283 = arith.constant 0 : i32
      %dma_start3A_284 = arith.constant 0 : i32
      %dma_start3A_285 = tpu.memref_slice %arg56[%dma_start3A_283, %dma_start3A_284] : memref<10240x1xf32, #tpu.memory_space<vmem_shared>> -> memref<10240x1xf32, #tpu.memory_space<vmem_shared>>
      tpu.enqueue_indirect_dma source(%arg53 : memref<128x1xf32, #tpu.memory_space<vmem>>) target(%dma_start3A_285 : memref<10240x1xf32, #tpu.memory_space<vmem_shared>>) offsets(%arg37 : memref<128xi32, #tpu.memory_space<vmem>>) semaphore(%arg59 : memref<!tpu.dma_semaphore, #tpu.memory_space<semaphore_mem>>) {add = true}
      %dma_start3A_286 = arith.constant 0 : i32
      %dma_start3A_287 = arith.constant 0 : i32
      %dma_start3A_288 = tpu.memref_slice %arg56[%dma_start3A_286, %dma_start3A_287] : memref<10240x1xf32, #tpu.memory_space<vmem_shared>> -> memref<10240x1xf32, #tpu.memory_space<vmem_shared>>
      tpu.enqueue_indirect_dma source(%arg54 : memref<128x1xf32, #tpu.memory_space<vmem>>) target(%dma_start3A_288 : memref<10240x1xf32, #tpu.memory_space<vmem_shared>>) offsets(%arg38 : memref<128xi32, #tpu.memory_space<vmem>>) semaphore(%arg59 : memref<!tpu.dma_semaphore, #tpu.memory_space<semaphore_mem>>) {add = true}
    }
    %scan3A_6 = arith.constant 5 : i32
    %dma_wait3A = arith.constant 0 : i32
    %dma_wait3A_7 = arith.constant 0 : i32
    %dma_wait3A_8 = tpu.memref_slice %arg56[%dma_wait3A, %dma_wait3A_7] : memref<10240x1xf32, #tpu.memory_space<vmem_shared>> -> memref<10240x1xf32, #tpu.memory_space<vmem_shared>>
    tpu.wait_indirect_dma semaphore(%arg59 : memref<!tpu.dma_semaphore, #tpu.memory_space<semaphore_mem>>) src(%arg47 : memref<128x1xf32, #tpu.memory_space<vmem>>) dst(%dma_wait3A_8 : memref<10240x1xf32, #tpu.memory_space<vmem_shared>>)
    %dma_wait3A_9 = arith.constant 0 : i32
    %dma_wait3A_10 = arith.constant 0 : i32
    %dma_wait3A_11 = tpu.memref_slice %arg56[%dma_wait3A_9, %dma_wait3A_10] : memref<10240x1xf32, #tpu.memory_space<vmem_shared>> -> memref<10240x1xf32, #tpu.memory_space<vmem_shared>>
    tpu.wait_indirect_dma semaphore(%arg59 : memref<!tpu.dma_semaphore, #tpu.memory_space<semaphore_mem>>) src(%arg48 : memref<128x1xf32, #tpu.memory_space<vmem>>) dst(%dma_wait3A_11 : memref<10240x1xf32, #tpu.memory_space<vmem_shared>>)
    %dma_wait3A_12 = arith.constant 0 : i32
    %dma_wait3A_13 = arith.constant 0 : i32
    %dma_wait3A_14 = tpu.memref_slice %arg56[%dma_wait3A_12, %dma_wait3A_13] : memref<10240x1xf32, #tpu.memory_space<vmem_shared>> -> memref<10240x1xf32, #tpu.memory_space<vmem_shared>>
    tpu.wait_indirect_dma semaphore(%arg59 : memref<!tpu.dma_semaphore, #tpu.memory_space<semaphore_mem>>) src(%arg49 : memref<128x1xf32, #tpu.memory_space<vmem>>) dst(%dma_wait3A_14 : memref<10240x1xf32, #tpu.memory_space<vmem_shared>>)
    %dma_wait3A_15 = arith.constant 0 : i32
    %dma_wait3A_16 = arith.constant 0 : i32
    %dma_wait3A_17 = tpu.memref_slice %arg56[%dma_wait3A_15, %dma_wait3A_16] : memref<10240x1xf32, #tpu.memory_space<vmem_shared>> -> memref<10240x1xf32, #tpu.memory_space<vmem_shared>>
    tpu.wait_indirect_dma semaphore(%arg59 : memref<!tpu.dma_semaphore, #tpu.memory_space<semaphore_mem>>) src(%arg50 : memref<128x1xf32, #tpu.memory_space<vmem>>) dst(%dma_wait3A_17 : memref<10240x1xf32, #tpu.memory_space<vmem_shared>>)
    %dma_wait3A_18 = arith.constant 0 : i32
    %dma_wait3A_19 = arith.constant 0 : i32
    %dma_wait3A_20 = tpu.memref_slice %arg56[%dma_wait3A_18, %dma_wait3A_19] : memref<10240x1xf32, #tpu.memory_space<vmem_shared>> -> memref<10240x1xf32, #tpu.memory_space<vmem_shared>>
    tpu.wait_indirect_dma semaphore(%arg59 : memref<!tpu.dma_semaphore, #tpu.memory_space<semaphore_mem>>) src(%arg51 : memref<128x1xf32, #tpu.memory_space<vmem>>) dst(%dma_wait3A_20 : memref<10240x1xf32, #tpu.memory_space<vmem_shared>>)
    %dma_wait3A_21 = arith.constant 0 : i32
    %dma_wait3A_22 = arith.constant 0 : i32
    %dma_wait3A_23 = tpu.memref_slice %arg56[%dma_wait3A_21, %dma_wait3A_22] : memref<10240x1xf32, #tpu.memory_space<vmem_shared>> -> memref<10240x1xf32, #tpu.memory_space<vmem_shared>>
    tpu.wait_indirect_dma semaphore(%arg59 : memref<!tpu.dma_semaphore, #tpu.memory_space<semaphore_mem>>) src(%arg52 : memref<128x1xf32, #tpu.memory_space<vmem>>) dst(%dma_wait3A_23 : memref<10240x1xf32, #tpu.memory_space<vmem_shared>>)
    %dma_wait3A_24 = arith.constant 0 : i32
    %dma_wait3A_25 = arith.constant 0 : i32
    %dma_wait3A_26 = tpu.memref_slice %arg56[%dma_wait3A_24, %dma_wait3A_25] : memref<10240x1xf32, #tpu.memory_space<vmem_shared>> -> memref<10240x1xf32, #tpu.memory_space<vmem_shared>>
    tpu.wait_indirect_dma semaphore(%arg59 : memref<!tpu.dma_semaphore, #tpu.memory_space<semaphore_mem>>) src(%arg53 : memref<128x1xf32, #tpu.memory_space<vmem>>) dst(%dma_wait3A_26 : memref<10240x1xf32, #tpu.memory_space<vmem_shared>>)
    %dma_wait3A_27 = arith.constant 0 : i32
    %dma_wait3A_28 = arith.constant 0 : i32
    %dma_wait3A_29 = tpu.memref_slice %arg56[%dma_wait3A_27, %dma_wait3A_28] : memref<10240x1xf32, #tpu.memory_space<vmem_shared>> -> memref<10240x1xf32, #tpu.memory_space<vmem_shared>>
    tpu.wait_indirect_dma semaphore(%arg59 : memref<!tpu.dma_semaphore, #tpu.memory_space<semaphore_mem>>) src(%arg54 : memref<128x1xf32, #tpu.memory_space<vmem>>) dst(%dma_wait3A_29 : memref<10240x1xf32, #tpu.memory_space<vmem_shared>>)
    %barrier3A_30 = arith.constant 0 : index
    tpu.barrier barrier_id(%barrier3A_30)
    %mul3A_31 = arith.constant 640 : i32
    %mul3A_32 = arith.muli %arg1, %mul3A_31 : i32
    %mul3A_33 = arith.constant 640 : i32
    %mul3A_34 = arith.muli %arg1, %mul3A_33 : i32
    "tpu.region"() ({
      %run_scoped3A = tpu.sem_alloc : memref<!tpu.dma_semaphore, #tpu.memory_space<semaphore_mem>>
      %dma_start3A = arith.constant 0 : i32
      %dma_start3A_35 = tpu.memref_slice %arg6[%arg0, %mul3A_34, %dma_start3A] : memref<2x10240x1xf32, #tpu.memory_space<hbm>> -> memref<1x640x1xf32, #tpu.memory_space<hbm>>
      %dma_start3A_36 = tpu.memref_squeeze %dma_start3A_35 : memref<1x640x1xf32, #tpu.memory_space<hbm>> -> memref<640x1xf32, #tpu.memory_space<hbm>>
      %dma_start3A_37 = arith.constant 0 : i32
      %dma_start3A_38 = tpu.memref_slice %arg56[%mul3A_32, %dma_start3A_37] : memref<10240x1xf32, #tpu.memory_space<vmem_shared>> -> memref<640x1xf32, #tpu.memory_space<vmem_shared>>
      tpu.enqueue_dma source(%dma_start3A_38 : memref<640x1xf32, #tpu.memory_space<vmem_shared>>) target(%dma_start3A_36 : memref<640x1xf32, #tpu.memory_space<hbm>>) target_semaphore(%run_scoped3A : memref<!tpu.dma_semaphore, #tpu.memory_space<semaphore_mem>>)
      %dma_wait3A_39 = arith.constant 0 : i32
      %dma_wait3A_40 = tpu.memref_slice %arg6[%arg0, %mul3A_34, %dma_wait3A_39] : memref<2x10240x1xf32, #tpu.memory_space<hbm>> -> memref<1x640x1xf32, #tpu.memory_space<hbm>>
      %dma_wait3A_41 = tpu.memref_squeeze %dma_wait3A_40 : memref<1x640x1xf32, #tpu.memory_space<hbm>> -> memref<640x1xf32, #tpu.memory_space<hbm>>
      %dma_wait3A_42 = arith.constant 0 : i32
      %dma_wait3A_43 = tpu.memref_slice %arg56[%mul3A_32, %dma_wait3A_42] : memref<10240x1xf32, #tpu.memory_space<vmem_shared>> -> memref<640x1xf32, #tpu.memory_space<vmem_shared>>
      tpu.wait_dma2 semaphore(%run_scoped3A : memref<!tpu.dma_semaphore, #tpu.memory_space<semaphore_mem>>) src(%dma_wait3A_43 : memref<640x1xf32, #tpu.memory_space<vmem_shared>>) dst(%dma_wait3A_41 : memref<640x1xf32, #tpu.memory_space<hbm>>)
      tpu.yield
    }) : () -> ()
    return
  }
}

module attributes {stable_mosaic.version = 14 : i64} {
  func.func @_mm_norm_body(%arg0: i32, %arg1: memref<1000x128xf32, #tpu.memory_space<vmem>>, %arg2: memref<128x16xf32, #tpu.memory_space<vmem>>, %arg3: memref<1000x1xf32, #tpu.memory_space<vmem>>, %arg4: memref<1000x1xf32, #tpu.memory_space<vmem>>, %arg5: memref<1000x1xf32, #tpu.memory_space<vmem>>, %arg6: memref<1000x16xf32, #tpu.memory_space<vmem>>) attributes {dimension_semantics = [#tpu.dimension_semantics<arbitrary>], iteration_bounds = array<i64: 10>, scalar_prefetch = 0 : i64, scratch_operands = 0 : i64, tpu.core_type = #tpu.core_type<tc>, window_params = [{transform_indices = @transform_0, window_bounds = array<i64: 1000, 128>}, {pipeline_mode = #tpu.pipeline_mode<synchronous>, transform_indices = @transform_1, window_bounds = array<i64: 128, 16>}, {transform_indices = @transform_2, window_bounds = array<i64: 1000, 1>}, {transform_indices = @transform_3, window_bounds = array<i64: 1000, 1>}, {transform_indices = @transform_4, window_bounds = array<i64: 1000, 1>}, {transform_indices = @transform_5, window_bounds = array<i64: 1000, 16>}]} {
    %get3A = arith.constant 0 : index
    %get3A_0 = arith.constant 0 : index
    %get3A_1 = vector.load %arg1[%get3A, %get3A_0] : memref<1000x128xf32, #tpu.memory_space<vmem>>, vector<1000x128xf32>
    %get3A_2 = arith.constant 0 : index
    %get3A_3 = arith.constant 0 : index
    %get3A_4 = vector.load %arg2[%get3A_2, %get3A_3] : memref<128x16xf32, #tpu.memory_space<vmem>>, vector<128x16xf32>
    %dot_general3A = arith.constant dense<0.000000e+00> : vector<1000x16xf32>
    %dot_general3A_5 = tpu.matmul %get3A_1, %get3A_4, %dot_general3A {dimension_numbers = #tpu.dot_dimension_numbers<[1], [0], [0], [1], [0, 0, 1, 1], [], []>, transpose_lhs_hint = false} : vector<1000x128xf32>, vector<128x16xf32>, vector<1000x16xf32> -> vector<1000x16xf32>
    %get3A_6 = arith.constant 0 : index
    %get3A_7 = arith.constant 0 : index
    %get3A_8 = vector.load %arg3[%get3A_6, %get3A_7] : memref<1000x1xf32, #tpu.memory_space<vmem>>, vector<1000x1xf32>
    %get3A_9 = arith.constant 0 : index
    %get3A_10 = arith.constant 0 : index
    %get3A_11 = vector.load %arg4[%get3A_9, %get3A_10] : memref<1000x1xf32, #tpu.memory_space<vmem>>, vector<1000x1xf32>
    %add3A = arith.addf %get3A_8, %get3A_11 : vector<1000x1xf32>
    %add3A_12 = arith.constant 1.000000e+00 : f32
    %add3A_13 = vector.broadcast %add3A_12 : f32 to vector<1000x1xf32>
    %add3A_14 = arith.addf %add3A, %add3A_13 : vector<1000x1xf32>
    %rsqrt3A = math.rsqrt %add3A_14 : vector<1000x1xf32>
    %swap3A = arith.constant 0 : index
    %swap3A_15 = arith.constant 0 : index
    %swap3A_16 = vector.load %arg5[%swap3A, %swap3A_15] : memref<1000x1xf32, #tpu.memory_space<vmem>>, vector<1000x1xf32>
    tpu.vector_store %arg5[%swap3A, %swap3A_15], %rsqrt3A {strides = array<i32>} : memref<1000x1xf32, #tpu.memory_space<vmem>>, vector<1000x1xf32>,
    %mul3A = vector.broadcast %rsqrt3A : vector<1000x1xf32> to vector<1000x16xf32>
    %mul3A_17 = arith.mulf %dot_general3A_5, %mul3A : vector<1000x16xf32>
    %swap3A_18 = arith.constant 0 : index
    %swap3A_19 = arith.constant 0 : index
    %swap3A_20 = vector.load %arg6[%swap3A_18, %swap3A_19] : memref<1000x16xf32, #tpu.memory_space<vmem>>, vector<1000x16xf32>
    tpu.vector_store %arg6[%swap3A_18, %swap3A_19], %mul3A_17 {strides = array<i32>} : memref<1000x16xf32, #tpu.memory_space<vmem>>, vector<1000x16xf32>,
    return
  }
  func.func @transform_0(%arg0: i32) -> (i32, i32) {
    %c0_i32 = arith.constant 0 : i32
    %c0_i32_0 = arith.constant 0 : i32
    return %arg0, %c0_i32 : i32, i32
  }
  func.func @transform_1(%arg0: i32) -> (i32, i32) {
    %c0_i32 = arith.constant 0 : i32
    %c0_i32_0 = arith.constant 0 : i32
    %c0_i32_1 = arith.constant 0 : i32
    return %c0_i32, %c0_i32_0 : i32, i32
  }
  func.func @transform_2(%arg0: i32) -> (i32, i32) {
    %c0_i32 = arith.constant 0 : i32
    %c0_i32_0 = arith.constant 0 : i32
    return %arg0, %c0_i32 : i32, i32
  }
  func.func @transform_3(%arg0: i32) -> (i32, i32) {
    %c0_i32 = arith.constant 0 : i32
    %c0_i32_0 = arith.constant 0 : i32
    return %arg0, %c0_i32 : i32, i32
  }
  func.func @transform_4(%arg0: i32) -> (i32, i32) {
    %c0_i32 = arith.constant 0 : i32
    %c0_i32_0 = arith.constant 0 : i32
    return %arg0, %c0_i32 : i32, i32
  }
  func.func @transform_5(%arg0: i32) -> (i32, i32) {
    %c0_i32 = arith.constant 0 : i32
    %c0_i32_0 = arith.constant 0 : i32
    return %arg0, %c0_i32 : i32, i32
  }
}

module attributes {stable_mosaic.version = 14 : i64} {
  func.func @_layer1_out_body(%arg0: i32, %arg1: memref<1000x16xf32, #tpu.memory_space<vmem>>, %arg2: memref<1000x16xf32, #tpu.memory_space<vmem>>, %arg3: memref<1000x16xf32, #tpu.memory_space<vmem>>, %arg4: memref<1000x1xf32, #tpu.memory_space<vmem>>, %arg5: memref<1x16xf32, #tpu.memory_space<vmem>>, %arg6: memref<1x16xf32, #tpu.memory_space<vmem>>, %arg7: memref<1000x1xf32, #tpu.memory_space<vmem>>) attributes {dimension_semantics = [#tpu.dimension_semantics<arbitrary>], iteration_bounds = array<i64: 10>, scalar_prefetch = 0 : i64, scratch_operands = 0 : i64, tpu.core_type = #tpu.core_type<tc>, window_params = [{transform_indices = @transform_0, window_bounds = array<i64: 1000, 16>}, {transform_indices = @transform_1, window_bounds = array<i64: 1000, 16>}, {transform_indices = @transform_2, window_bounds = array<i64: 1000, 16>}, {transform_indices = @transform_3, window_bounds = array<i64: 1000, 1>}, {pipeline_mode = #tpu.pipeline_mode<synchronous>, transform_indices = @transform_4, window_bounds = array<i64: 1, 16>}, {pipeline_mode = #tpu.pipeline_mode<synchronous>, transform_indices = @transform_5, window_bounds = array<i64: 1, 16>}, {transform_indices = @transform_6, window_bounds = array<i64: 1000, 1>}]} {
    %get3A = arith.constant 0 : index
    %get3A_0 = arith.constant 0 : index
    %get3A_1 = vector.load %arg1[%get3A, %get3A_0] : memref<1000x16xf32, #tpu.memory_space<vmem>>, vector<1000x16xf32>
    %get3A_2 = arith.constant 0 : index
    %get3A_3 = arith.constant 0 : index
    %get3A_4 = vector.load %arg2[%get3A_2, %get3A_3] : memref<1000x16xf32, #tpu.memory_space<vmem>>, vector<1000x16xf32>
    %add3A = arith.addf %get3A_1, %get3A_4 : vector<1000x16xf32>
    %get3A_5 = arith.constant 0 : index
    %get3A_6 = arith.constant 0 : index
    %get3A_7 = vector.load %arg3[%get3A_5, %get3A_6] : memref<1000x16xf32, #tpu.memory_space<vmem>>, vector<1000x16xf32>
    %add3A_8 = arith.addf %add3A, %get3A_7 : vector<1000x16xf32>
    %get3A_9 = arith.constant 0 : index
    %get3A_10 = arith.constant 0 : index
    %get3A_11 = vector.load %arg4[%get3A_9, %get3A_10] : memref<1000x1xf32, #tpu.memory_space<vmem>>, vector<1000x1xf32>
    %mul3A = vector.broadcast %get3A_11 : vector<1000x1xf32> to vector<1000x16xf32>
    %mul3A_12 = arith.mulf %mul3A, %add3A_8 : vector<1000x16xf32>
    %get3A_13 = arith.constant 0 : index
    %get3A_14 = arith.constant 0 : index
    %get3A_15 = vector.load %arg5[%get3A_13, %get3A_14] : memref<1x16xf32, #tpu.memory_space<vmem>>, vector<1x16xf32>
    %add3A_16 = vector.broadcast %get3A_15 : vector<1x16xf32> to vector<1000x16xf32>
    %add3A_17 = arith.addf %mul3A_12, %add3A_16 : vector<1000x16xf32>
    %max3A = arith.constant 0.000000e+00 : f32
    %max3A_18 = vector.broadcast %max3A : f32 to vector<1000x16xf32>
    %max3A_19 = arith.maximumf %add3A_17, %max3A_18 : vector<1000x16xf32>
    %get3A_20 = arith.constant 0 : index
    %get3A_21 = arith.constant 0 : index
    %get3A_22 = vector.load %arg6[%get3A_20, %get3A_21] : memref<1x16xf32, #tpu.memory_space<vmem>>, vector<1x16xf32>
    %mul3A_23 = vector.broadcast %get3A_22 : vector<1x16xf32> to vector<1000x16xf32>
    %mul3A_24 = arith.mulf %max3A_19, %mul3A_23 : vector<1000x16xf32>
    %reduce_sum3A = arith.constant dense<0.000000e+00> : vector<1000xf32>
    %reduce_sum3A_25 = vector.multi_reduction <add>, %mul3A_24, %reduce_sum3A [1] : vector<1000x16xf32> to vector<1000xf32>
    %broadcast_in_dim3A = vector.shape_cast %reduce_sum3A_25 : vector<1000xf32> to vector<1000x1xf32>
    %get3A_26 = arith.constant 0 : index
    %get3A_27 = arith.constant 0 : index
    %get3A_28 = vector.load %arg4[%get3A_26, %get3A_27] : memref<1000x1xf32, #tpu.memory_space<vmem>>, vector<1000x1xf32>
    %mul3A_29 = arith.mulf %get3A_28, %broadcast_in_dim3A : vector<1000x1xf32>
    %swap3A = arith.constant 0 : index
    %swap3A_30 = arith.constant 0 : index
    %swap3A_31 = vector.load %arg7[%swap3A, %swap3A_30] : memref<1000x1xf32, #tpu.memory_space<vmem>>, vector<1000x1xf32>
    tpu.vector_store %arg7[%swap3A, %swap3A_30], %mul3A_29 {strides = array<i32>} : memref<1000x1xf32, #tpu.memory_space<vmem>>, vector<1000x1xf32>,
    return
  }
  func.func @transform_0(%arg0: i32) -> (i32, i32) {
    %c0_i32 = arith.constant 0 : i32
    %c0_i32_0 = arith.constant 0 : i32
    return %arg0, %c0_i32 : i32, i32
  }
  func.func @transform_1(%arg0: i32) -> (i32, i32) {
    %c0_i32 = arith.constant 0 : i32
    %c0_i32_0 = arith.constant 0 : i32
    return %arg0, %c0_i32 : i32, i32
  }
  func.func @transform_2(%arg0: i32) -> (i32, i32) {
    %c0_i32 = arith.constant 0 : i32
    %c0_i32_0 = arith.constant 0 : i32
    return %arg0, %c0_i32 : i32, i32
  }
  func.func @transform_3(%arg0: i32) -> (i32, i32) {
    %c0_i32 = arith.constant 0 : i32
    %c0_i32_0 = arith.constant 0 : i32
    return %arg0, %c0_i32 : i32, i32
  }
  func.func @transform_4(%arg0: i32) -> (i32, i32) {
    %c0_i32 = arith.constant 0 : i32
    %c0_i32_0 = arith.constant 0 : i32
    %c0_i32_1 = arith.constant 0 : i32
    return %c0_i32, %c0_i32_0 : i32, i32
  }
  func.func @transform_5(%arg0: i32) -> (i32, i32) {
    %c0_i32 = arith.constant 0 : i32
    %c0_i32_0 = arith.constant 0 : i32
    %c0_i32_1 = arith.constant 0 : i32
    return %c0_i32, %c0_i32_0 : i32, i32
  }
  func.func @transform_6(%arg0: i32) -> (i32, i32) {
    %c0_i32 = arith.constant 0 : i32
    %c0_i32_0 = arith.constant 0 : i32
    return %arg0, %c0_i32 : i32, i32
  }
}

module attributes {stable_mosaic.version = 14 : i64} {
  func.func @_layer2_out_body(%arg0: i32, %arg1: memref<1000x1xf32, #tpu.memory_space<vmem>>, %arg2: memref<1000x1xf32, #tpu.memory_space<vmem>>, %arg3: memref<1000x1xf32, #tpu.memory_space<vmem>>, %arg4: memref<1000x1xf32, #tpu.memory_space<vmem>>, %arg5: memref<1x1xf32, #tpu.memory_space<vmem>>, %arg6: memref<1000x1xf32, #tpu.memory_space<vmem>>) attributes {dimension_semantics = [#tpu.dimension_semantics<arbitrary>], iteration_bounds = array<i64: 10>, scalar_prefetch = 0 : i64, scratch_operands = 0 : i64, tpu.core_type = #tpu.core_type<tc>, window_params = [{transform_indices = @transform_0, window_bounds = array<i64: 1000, 1>}, {transform_indices = @transform_1, window_bounds = array<i64: 1000, 1>}, {transform_indices = @transform_2, window_bounds = array<i64: 1000, 1>}, {transform_indices = @transform_3, window_bounds = array<i64: 1000, 1>}, {pipeline_mode = #tpu.pipeline_mode<synchronous>, transform_indices = @transform_4, window_bounds = array<i64: 1, 1>}, {transform_indices = @transform_5, window_bounds = array<i64: 1000, 1>}]} {
    %get3A = arith.constant 0 : index
    %get3A_0 = arith.constant 0 : index
    %get3A_1 = vector.load %arg1[%get3A, %get3A_0] : memref<1000x1xf32, #tpu.memory_space<vmem>>, vector<1000x1xf32>
    %get3A_2 = arith.constant 0 : index
    %get3A_3 = arith.constant 0 : index
    %get3A_4 = vector.load %arg2[%get3A_2, %get3A_3] : memref<1000x1xf32, #tpu.memory_space<vmem>>, vector<1000x1xf32>
    %add3A = arith.addf %get3A_1, %get3A_4 : vector<1000x1xf32>
    %get3A_5 = arith.constant 0 : index
    %get3A_6 = arith.constant 0 : index
    %get3A_7 = vector.load %arg3[%get3A_5, %get3A_6] : memref<1000x1xf32, #tpu.memory_space<vmem>>, vector<1000x1xf32>
    %add3A_8 = arith.addf %add3A, %get3A_7 : vector<1000x1xf32>
    %get3A_9 = arith.constant 0 : index
    %get3A_10 = arith.constant 0 : index
    %get3A_11 = vector.load %arg4[%get3A_9, %get3A_10] : memref<1000x1xf32, #tpu.memory_space<vmem>>, vector<1000x1xf32>
    %mul3A = arith.mulf %get3A_11, %add3A_8 : vector<1000x1xf32>
    %get3A_12 = arith.constant 0 : index
    %get3A_13 = arith.constant 0 : index
    %get3A_14 = vector.load %arg5[%get3A_12, %get3A_13] : memref<1x1xf32, #tpu.memory_space<vmem>>, vector<1x1xf32>
    %add3A_15 = vector.broadcast %get3A_14 : vector<1x1xf32> to vector<1000x1xf32>
    %add3A_16 = arith.addf %mul3A, %add3A_15 : vector<1000x1xf32>
    %swap3A = arith.constant 0 : index
    %swap3A_17 = arith.constant 0 : index
    %swap3A_18 = vector.load %arg6[%swap3A, %swap3A_17] : memref<1000x1xf32, #tpu.memory_space<vmem>>, vector<1000x1xf32>
    tpu.vector_store %arg6[%swap3A, %swap3A_17], %add3A_16 {strides = array<i32>} : memref<1000x1xf32, #tpu.memory_space<vmem>>, vector<1000x1xf32>,
    return
  }
  func.func @transform_0(%arg0: i32) -> (i32, i32) {
    %c0_i32 = arith.constant 0 : i32
    %c0_i32_0 = arith.constant 0 : i32
    return %arg0, %c0_i32 : i32, i32
  }
  func.func @transform_1(%arg0: i32) -> (i32, i32) {
    %c0_i32 = arith.constant 0 : i32
    %c0_i32_0 = arith.constant 0 : i32
    return %arg0, %c0_i32 : i32, i32
  }
  func.func @transform_2(%arg0: i32) -> (i32, i32) {
    %c0_i32 = arith.constant 0 : i32
    %c0_i32_0 = arith.constant 0 : i32
    return %arg0, %c0_i32 : i32, i32
  }
  func.func @transform_3(%arg0: i32) -> (i32, i32) {
    %c0_i32 = arith.constant 0 : i32
    %c0_i32_0 = arith.constant 0 : i32
    return %arg0, %c0_i32 : i32, i32
  }
  func.func @transform_4(%arg0: i32) -> (i32, i32) {
    %c0_i32 = arith.constant 0 : i32
    %c0_i32_0 = arith.constant 0 : i32
    %c0_i32_1 = arith.constant 0 : i32
    return %c0_i32, %c0_i32_0 : i32, i32
  }
  func.func @transform_5(%arg0: i32) -> (i32, i32) {
    %c0_i32 = arith.constant 0 : i32
    %c0_i32_0 = arith.constant 0 : i32
    return %arg0, %c0_i32 : i32, i32
  }
}

</mosaic_0001>

<sc_bundles>
// kernel: kernel.11.cloned.1.call-start
scs
__scs_entry_jumppad:
0x0: {  	(pc) =	sbr.rel $0x88, $3  }
0x1: {  	(tag) =	ssettag $0x0;
	lr =	simm.s32 $0x1  }
0x2: {  	[smem:$0x3F9B] =	sst lr;
	_ =	strace $0xD0000000  }
0x3: {  	_ = 	snop  }
0x4: {  	_ = 	snop  }
0x5: {  	_ = 	snop  }
0x6: {  	_ = 	snop  }
0x7: {  	_ = 	snop  }
__scs_overlays_trampoline_lowered:
0x8: {  	[smem:$0x3FAA] =	sst s0  }
0x9: {  	[smem:$0x3FAB] =	sst s1  }
0xa: {  	[smem:$0x3FAC] =	sst s2  }
0xb: {  	[smem:$0x3FAD] =	sst s3  }
0xc: {  	[smem:$0x3FAE] =	sst s4  }
0xd: {  	[smem:$0x3FAF] =	sst s5  }
0xe: {  	[smem:$0x3FB0] =	sst s6  }
0xf: {  	[smem:$0x3FB1] =	sst s7  }
0x10: {  	[smem:$0x3FB2] =	sst s8  }
0x11: {  	[smem:$0x3FB3] =	sst s9;
	s0 =	simm.s32 @!p0 $0x0  }
0x12: {  	s1 =	sld [smem:$0x3F99];
	s0 =	simm.s32 @p0 $0x1  }
0x13: {  	[smem:$0x3FB4] =	sst s0;
	s0 =	simm.s32 @!p1 $0x0  }
0x14: {  	s2 =	sld [smem:$0x3F98];
	s0 =	simm.s32 @p1 $0x1  }
0x15: {  	[smem:$0x3FB5] =	sst s0;
	s0 =	simm.s32 @!p2 $0x0  }
0x16: {  	s3 =	sld [smem:$0x3FDB];
	s0 =	simm.s32 @p2 $0x1  }
0x17: {  	s4 =	simm.s32 $0x1BF5;
	[smem:$0x3FB7] =	sst s0  }
0x18: {  	s0 =	sld [smem:$0x3F9A];
	_ =	swait.ge [sflag:s4], $0x0  }
0x19: {  	s7 =	sld [smem:$0x3F9B]  }
0x1a: {  	s8 =	sadd.s32 $0xFFFFE003, lr  }
0x1b: {  	s9 =	sadd.s32 $0xFFFFFEF7, lr;
	s5 =	simm.s32 $0xFFFFFFFF;
	p2 =	slt.u32 s8, $0xFFFFF086  }
0x1c: {  	p1 =	slt.u32 s9, $0xF7A;
	s5 =	simm.s32 @!p2 $0x0  }
0x1d: {  	s5 =	simm.s32 @p1 $0x1;
	p0 =	seq.s32 s7, s2  }
0x1e: {  	s7 =	smul.u32 @!p0 $0xF7A, s2;
	p2 =	seq.s32 @!p0 s5, $0x0  }
0x1f: {  	s9 =	smul.u32 $0xF7A, s1;
	s8 =	simm.s32 @!p0 $0x1BF5;
	p2 =	por !p2, p0  }
0x20: {  	[sflag:s8] =	ssyncset.s32 @!p0 $0xFFFFF086;
	s6 =	sadd.s32 @!p0 s3, s7;
	s7 =	simm.s32 @!p0 $0x108  }
0x21: {  	s3 =	sadd.s32 s3, s9;
	s6 =	sadd.s32 @!p0 $0x88, s6;
	s7 =	simm.s32 @p2 $0x1082  }
0x22: {  	[simem:s7], [sflag:s8] =	dma.local @!p0 [hbm:s6], $0xF7A  }
0x23: {  	s9 =	sor.u32 $0xD0000000, s2;
	s6 =	simm.s32 $0x108;
	_ =	swait.ge @!p0 [sflag:s8], $0x0  }
0x24: {  	s3 =	sadd.s32 $0x88, s3;
	s6 =	simm.s32 @!p1 $0x1082;
	[sflag:s4] =	ssyncset.s32 $0xFFFFF086  }
0x25: {  	[simem:s6], [sflag:s4] =	dma.local [hbm:s3], $0xF7A  }
0x26: {  	[smem:$0x3F9B] =	sst s1;
	(tag) =	ssettag s2;
	_ =	strace s9  }
0x27: {  	s1 =	sld [smem:$0x3FAB]  }
0x28: {  	s2 =	sld [smem:$0x3FAC]  }
0x29: {  	s4 =	sld [smem:$0x3FAE]  }
0x2a: {  	p0 =	seq.s32 s5, $0x0;
	s5 =	sld [smem:$0x3FAF]  }
0x2b: {  	s6 =	sld [smem:$0x3FB0]  }
0x2c: {  	s7 =	sld [smem:$0x3FB1]  }
0x2d: {  	s3 =	simm.s32 $0x108;
	s8 =	sld [smem:$0x3FB2]  }
0x2e: {  	s3 =	simm.s32 @!p0 $0x1082;
	s9 =	sld [smem:$0x3FB3]  }
0x2f: {  	lr =	sadd.s32 s0, s3;
	s0 =	sld [smem:$0x3FAA]  }
0x30: {  	s3 =	sld [smem:$0x3FAD]  }
0x31: {  	[smem:$0x3FB6] =	sst s10  }
0x32: {  	s10 =	sld [smem:$0x3FB4];
	_ =	sdelay $0x3  }
0x33: {  	p0 =	seq.s32 s10, $0x1;
	s10 =	sld [smem:$0x3FB6];
	_ =	sdelay $0x3  }
0x34: {  	[smem:$0x3FB6] =	sst s10  }
0x35: {  	s10 =	sld [smem:$0x3FB5];
	_ =	sdelay $0x3  }
0x36: {  	p1 =	seq.s32 s10, $0x1;
	s10 =	sld [smem:$0x3FB6];
	_ =	sdelay $0x3  }
0x37: {  	[smem:$0x3FB6] =	sst s10  }
0x38: {  	s10 =	sld [smem:$0x3FB7]  }
0x39: {  	_ = 	snop;
	(pc) =	sbr.ind lr, $3  }
0x3a: {  	_ = 	snop  }
0x3b: {  	_ = 	snop  }
0x3c: {  	p2 =	seq.s32 s10, $0x1;
	s10 =	sld [smem:$0x3FB6]  }
0x3d: {  	_ =	shalt  }
0x3e: {  	_ =	shalt  }
0x3f: {  	_ =	shalt  }
0x40: {  	_ =	shalt  }
0x41: {  	_ =	shalt  }
0x42: {  	_ =	shalt  }
0x43: {  	_ =	shalt  }
0x44: {  	_ =	shalt  }
0x45: {  	_ =	shalt  }
0x46: {  	_ =	shalt  }
0x47: {  	_ =	shalt  }
0x48: {  	_ =	shalt  }
0x49: {  	_ =	shalt  }
0x4a: {  	_ =	shalt  }
0x4b: {  	_ =	shalt  }
0x4c: {  	_ =	shalt  }
0x4d: {  	_ =	shalt  }
0x4e: {  	_ =	shalt  }
0x4f: {  	_ =	shalt  }
0x50: {  	_ =	shalt  }
0x51: {  	_ =	shalt  }
0x52: {  	_ =	shalt  }
0x53: {  	_ =	shalt  }
0x54: {  	_ =	shalt  }
0x55: {  	_ =	shalt  }
0x56: {  	_ =	shalt  }
0x57: {  	_ =	shalt  }
0x58: {  	_ =	shalt  }
0x59: {  	_ =	shalt  }
0x5a: {  	_ =	shalt  }
0x5b: {  	_ =	shalt  }
0x5c: {  	_ =	shalt  }
0x5d: {  	_ =	shalt  }
0x5e: {  	_ =	shalt  }
0x5f: {  	_ =	shalt  }
0x60: {  	_ =	shalt  }
0x61: {  	_ =	shalt  }
0x62: {  	_ =	shalt  }
0x63: {  	_ =	shalt  }
0x64: {  	_ =	shalt  }
0x65: {  	_ =	shalt  }
0x66: {  	_ =	shalt  }
0x67: {  	_ =	shalt  }
0x68: {  	_ =	shalt  }
0x69: {  	_ =	shalt  }
0x6a: {  	_ =	shalt  }
0x6b: {  	_ =	shalt  }
0x6c: {  	_ =	shalt  }
0x6d: {  	_ =	shalt  }
0x6e: {  	_ =	shalt  }
0x6f: {  	_ =	shalt  }
0x70: {  	_ =	shalt  }
0x71: {  	_ =	shalt  }
0x72: {  	_ =	shalt  }
0x73: {  	_ =	shalt  }
0x74: {  	_ =	shalt  }
0x75: {  	_ =	shalt  }
0x76: {  	_ =	shalt  }
0x77: {  	_ =	shalt  }
0x78: {  	_ =	shalt  }
0x79: {  	_ =	shalt  }
0x7a: {  	_ =	shalt  }
0x7b: {  	_ =	shalt  }
0x7c: {  	_ =	shalt  }
0x7d: {  	_ =	shalt  }
0x7e: {  	_ =	shalt  }
0x7f: {  	_ =	shalt  }
0x80: {  	_ =	shalt  }
0x81: {  	_ =	shalt  }
0x82: {  	_ =	shalt  }
0x83: {  	_ =	shalt  }
0x84: {  	_ =	shalt  }
0x85: {  	_ =	shalt  }
0x86: {  	_ =	shalt  }
0x87: {  	_ =	shalt  }
.Lfunc_end0:
.L_simem_size_0:
called_computation.1_lowered:
.L_overlay_start_0:
0x88: {  	s2 =	sld [smem:$0x3FD9]  }
0x89: {  	s3 =	sld [smem:$0x3FFE];
	_ =	sdelay $0x1  }
0x8a: {  	s1 =	srdreg.scid  }
0x8b: {  	s0 =	sand.u32 $0x1, s1  }
0x8c: {  	s16 =	sshll.u32 s0, $0xA;
	s2 =	sadd.s32 s3, s2  }
0x8d: {  	s2 =	sadd.s32 s2, s16  }
0x8e: {  	[smem:$0x3FC2] =	sst s2  }
0x8f: {  	_ = 	snop  }
0x90: {  	(tm) =	ssettm $0x1  }
0x91: {  	s17 =	sld [smem:$0x3FFB];
	_ =	sdelay $0x3  }
0x92: {  	_ =	strace s17  }
0x93: {  	s2 =	sld [smem:$0x3FFC];
	_ =	sdelay $0x3  }
0x94: {  	_ =	strace s2  }
0x95: {  	s2 =	sld [smem:$0x3FFD];
	_ =	sdelay $0x3  }
0x96: {  	_ =	strace s2  }
0x97: {  	_ =	strace $0x8FFFFFFF  }
0x98: {  	s18 =	sld [smem:$0x3FDB];
	_ =	sdelay $0x1  }
0x99: {  	s19 =	simm.s32 $_scs_section_size  }
0x9a: {  	s4 =	simm.s32 $_size__tile_overlayer_lowered;
	s5 =	simm.s32 $_tile_overlayer_lowered  }
0x9b: {  	s22 =	simm.s32 $0x1BFF;
	s21 =	sshll.u32 s5, $0x1;
	s2 =	sadd.s32 s19, s18  }
0x9c: {  	s6 =	simm.s32 $0x0;
	s20 =	sshll.u32 s4, $0x1;
	s4 =	sadd.s32 s21, s2  }
0x9d: {  	[timem:s6], [sflag:s22] =	dma.local [hbm:s4], s20  }
0x9e: {  	_ =	swait.ge [sflag:s22], s20  }
0x9f: {  	s3 =	ssub.s32 $0x0, s20;
	[sflag:s22] =	ssyncset.done $0x0  }
0xa0: {  	[sflag:s22] =	ssyncadd.s32 s3;
	_ =	sdelay $0x1  }
0xa1: {  	s23 =	simm.s32 $0x1B8B  }
0xa2: {  	_ =	swait.ge [sflag:s23], $0x1  }
0xa3: {  	[sflag:s23] =	ssyncset.done $0x0  }
0xa4: {  	s25 =	simm.s32 $0x1B8E;
	s24 =	sld [smem:$0x3FFE];
	[sflag:s23] =	ssyncadd.s32 $0xFFFFFFFF  }
0xa5: {  	s26 =	simm.s32 $execute0_lowered;
	[smem:$0x3FD2] =	sst s25  }
0xa6: {  	s4 =	sshll.u32 s26, $0x1;
	_ =	strace $0x80000049;
	[dreg:$0x1] =	wrdreg $0xFFFFFFFF  }
0xa7: {  	s28 =	simm.s32 $_size_execute0_lowered;
	s2 =	sadd.s32 s2, s4;
	[dreg:$0x0] =	wrdreg $0x0  }
0xa8: {  	s4 =	sshll.u32 s28, $0x1;
	[dreg:$0x2] =	wrdreg s2  }
0xa9: {  	[dreg:$0x3] =	wrdreg s4  }
0xaa: {  	[dreg:$0x4] =	wrdreg $0xC0  }
0xab: {  	_ =	task [dreg:s6], $0x5FFFF  }
0xac: {  	[dreg:$0x1] =	wrdreg $0xFFFFFFFF  }
0xad: {  	[dreg:$0x0] =	wrdreg $0x60  }
0xae: {  	[dreg:$0x2] =	wrdreg s24  }
0xaf: {  	[dreg:$0x3] =	wrdreg $0xB8000  }
0xb0: {  	[dreg:$0x4] =	wrdreg $0x9  }
0xb1: {  	_ =	task.clear_ibuf [dreg:s6], $0x5FFFF;
	_ =	strace $0x90000049  }
0xb2: {  	s29 =	simm.s32 $0x9;
	_ =	strace $0x8000004B  }
0xb3: {  	_ =	swait.ge [sflag:s29], $0x1  }
0xb4: {  	[sflag:s29] =	ssyncadd.s32 $0xFFFFFFFF  }
0xb5: {  	_ =	strace $0x9000004B  }
0xb6: {  	_ =	sfence  }
0xb7: {  	s30 =	sld [smem:$0x0];
	_ =	sdelay $0x2  }
0xb8: {  	s31 =	sshll.u32 s1, $0xD;
	s1 =	sshrl.u32 s1, $0x2  }
0xb9: {  	s3 =	sand.u32 $0x4000, s31;
	s1 =	sadd.s32 s1, s30  }
0xba: {  	s0 =	sor.u32 s3, s0;
	s1 =	sshll.u32 s1, $0x11  }
0xbb: {  	s0 =	sor.u32 s1, s0  }
0xbc: {  	s0 =	sadd.s32 $0x8F2B, s0  }
0xbd: {  	[sflag:s0] =	ssyncadd.remote.s32 $0x1  }
0xbe: {  	_ =	sfence.sel $0xFFFF  }
0xbf: {  	[dreg:$0x0] =	wrdreg $0xFFFFFFFF;
	(pc) =	sbr.abs _section_cstart, $3  }
0xc0: {  	[dreg:$0x1] =	wrdreg $0xFFFFFFFF  }
0xc1: {  	_ =	task.clear_ibuf [dreg:s6], $0x2FFFF;
	_ =	strace $0x9FFFFFFF  }
0xc2: {  	(tm) =	ssettm $0x7FFFFFFF  }
0xc3: {  	_ =	shalt  }
tec
execute0_lowered:
.L_overlay_start_1:
0x0: {  	(tag) =	ssettag $0x1  }
0x1: {  	s0 =	rddreg [dreg:$0x0];
	s1 =	srdreg.scid  }
0x2: {  	s4 =	stileid.u32;
	s2 =	rddreg [dreg:$0x1]  }
0x3: {  	s3 =	simm.s32 $0x0;
	s31 =	simm.s32 $0xE80;
	s30 =	simm.s32 $0x8800  }
0x4: {  	s29 =	simm.s32 $0xB00;
	s1 =	sand.u32 $0x1, s1;
	s5 =	smul.u32 $0x2800, s4  }
0x5: {  	[smem:$0x7FF] =	sst s3;
	s7 =	smul.u32 $0x5000, s4;
	s4 =	sadd.s32 $0xBE00, s0  }
0x6: {  	s9 =	sadd.s32 $0x10E00, s0;
	s10 =	sadd.s32 $0x1E00, s0;
	s6 =	smul.u32 $0x28000, s1  }
0x7: {  	s11 =	sadd.s32 $0x42E00, s0;
	_ =	strace $0x8000004A;
	s8 =	smul.u32 $0x2800, s1  }
0x8: {  	[dreg:$0x7] =	wrdreg s11;
	s1 =	ssub.s32 $0x2, s1;
	s11 =	simm.s32 $0x80  }
0x9: {  	s22 =	sshrl.u32 s1, $0x1;
	s12 =	sadd.s32 s5, s2;
	s6 =	sadd.s32 s5, s6  }
0xa: {  	s7 =	sadd.s32 s8, s7;
	s1 =	ssub.s32 s1, s22;
	s5 =	simm.s32 $0x2  }
0xb: {  	[dreg:$0x8] =	wrdreg s12;
	s6 =	sshrl.u32 s6, $0x3;
	s8 =	sor.u32 $0x400, s7  }
0xc: {  	s25 =	sshrl.u32 s7, $0x3;
	s1 =	smax.u32 s1, $0x1;
	s7 =	simm.s32 $0x0  }
0xd: {  	s0 =	sadd.s32 s6, s0;
	s26 =	sadd.s32 s25, s9;
	[dreg:$0xa] =	wrdreg s1  }
0xe: {  	s8 =	sshrl.u32 s8, $0x3;
	s28 =	sadd.s32 s25, s10;
	[dreg:$0x5] =	wrdreg s26  }
0xf: {  	s1 =	simm.s32 $0xF00;
	s23 =	sadd.s32 s8, s9;
	[dreg:$0x6] =	wrdreg s28  }
0x10: {  	s24 =	sadd.s32 s8, s10;
	s0 =	sadd.s32 $0x43400, s0;
	[dreg:$0x3] =	wrdreg s23  }
0x11: {  	s10 =	simm.s32 $0x4;
	s9 =	simm.s32 $0x1;
	[dreg:$0x9] =	wrdreg s0  }
0x12: {  	s26 =	simm.s32 $0x8800;
	[dreg:$0x4] =	wrdreg s24;
	s0 =	simm.s32 $0xF80  }
.LBB2_1:
0x13: {  	[dreg:$0xb] =	wrdreg s7  }
0x14: {  	s6 =	rddreg [dreg:$0x7];
	s21 =	simm.s32 $0x9000  }
0x15: {  	[tilespmem:s21], [sflag:$0x4] =	stream.linear.gather [hbm4b:s6+s3], $0x2800, $0x38;
	[tilespmem:$0xE000] =	vst v63  }
0x16: {  	_ =	swait.ge [sflag:s10], $0x2800  }
0x17: {  	[sflag:s10] =	ssyncset.done $0x0  }
0x18: {  	[sflag:s10] =	ssyncadd.s32 $0xFFFFD800  }
0x19: {  	[spmem:s12] =	stream.linear.scatter [tilespmem:s21], [sflag:$0x4], $0x2800, $0x38;
	[tilespmem:$0xE000] =	vst v63  }
0x1a: {  	_ =	swait.ge [sflag:s10], $0x2800  }
0x1b: {  	[sflag:s10] =	ssyncset.done $0x0  }
0x1c: {  	[sflag:s10] =	ssyncadd.s32 $0xFFFFD800  }
0x1d: {  	[bflag:$0x0] =	sbarrier.arrive $0xFFFF  }
0x1e: {  	s22 =	rddreg [dreg:$0x5]  }
0x1f: {  	s6 =	sadd.s32 $0x0, s22  }
0x20: {  	[tilespmem:s3], [sflag:$0x4] =	stream.linear.gather [hbm4b:s6+s3], $0x80, $0x38;
	[tilespmem:$0xE000] =	vst v63  }
0x21: {  	_ =	swait.ge [sflag:s10], $0x80  }
0x22: {  	[sflag:s10] =	ssyncset.done $0x0  }
0x23: {  	s23 =	sadd.s32 $0x10, s6;
	[sflag:s10] =	ssyncadd.s32 $0xFFFFFF80  }
0x24: {  	[tilespmem:s11], [sflag:$0x4] =	stream.linear.gather [hbm4b:s23+s3], $0x80, $0x38;
	[tilespmem:$0xE000] =	vst v63  }
0x25: {  	_ =	swait.ge [sflag:s10], $0x80  }
0x26: {  	[sflag:s10] =	ssyncset.done $0x0  }
0x27: {  	s8 =	simm.s32 $0x100;
	s24 =	sadd.s32 $0x20, s6;
	[sflag:s10] =	ssyncadd.s32 $0xFFFFFF80  }
0x28: {  	[tilespmem:s8], [sflag:$0x4] =	stream.linear.gather [hbm4b:s24+s3], $0x80, $0x38;
	[tilespmem:$0xE000] =	vst v63  }
0x29: {  	_ =	swait.ge [sflag:s10], $0x80  }
0x2a: {  	[sflag:s10] =	ssyncset.done $0x0  }
0x2b: {  	s28 =	simm.s32 $0x180;
	s25 =	sadd.s32 $0x30, s6;
	[sflag:s10] =	ssyncadd.s32 $0xFFFFFF80  }
0x2c: {  	[tilespmem:s28], [sflag:$0x4] =	stream.linear.gather [hbm4b:s25+s3], $0x80, $0x38;
	[tilespmem:$0xE000] =	vst v63  }
0x2d: {  	_ =	swait.ge [sflag:s10], $0x80  }
0x2e: {  	[sflag:s10] =	ssyncset.done $0x0  }
0x2f: {  	s13 =	simm.s32 $0x200;
	s16 =	sadd.s32 $0x40, s6;
	[sflag:s10] =	ssyncadd.s32 $0xFFFFFF80  }
0x30: {  	[tilespmem:s13], [sflag:$0x4] =	stream.linear.gather [hbm4b:s16+s3], $0x80, $0x38;
	[tilespmem:$0xE000] =	vst v63  }
0x31: {  	_ =	swait.ge [sflag:s10], $0x80  }
0x32: {  	[sflag:s10] =	ssyncset.done $0x0  }
0x33: {  	s14 =	simm.s32 $0x280;
	s17 =	sadd.s32 $0x50, s6;
	[sflag:s10] =	ssyncadd.s32 $0xFFFFFF80  }
0x34: {  	[tilespmem:s14], [sflag:$0x4] =	stream.linear.gather [hbm4b:s17+s3], $0x80, $0x38;
	[tilespmem:$0xE000] =	vst v63  }
0x35: {  	_ =	swait.ge [sflag:s10], $0x80  }
0x36: {  	[sflag:s10] =	ssyncset.done $0x0  }
0x37: {  	s15 =	simm.s32 $0x300;
	s18 =	sadd.s32 $0x60, s6;
	[sflag:s10] =	ssyncadd.s32 $0xFFFFFF80  }
0x38: {  	[tilespmem:s15], [sflag:$0x4] =	stream.linear.gather [hbm4b:s18+s3], $0x80, $0x38;
	[tilespmem:$0xE000] =	vst v63  }
0x39: {  	_ =	swait.ge [sflag:s10], $0x80  }
0x3a: {  	[sflag:s10] =	ssyncset.done $0x0  }
0x3b: {  	s19 =	simm.s32 $0x380;
	s6 =	sadd.s32 $0x70, s6;
	[sflag:s10] =	ssyncadd.s32 $0xFFFFFF80  }
0x3c: {  	[tilespmem:s19], [sflag:$0x4] =	stream.linear.gather [hbm4b:s6+s3], $0x80, $0x38;
	[tilespmem:$0xE000] =	vst v63  }
0x3d: {  	_ =	swait.ge [sflag:s10], $0x80  }
0x3e: {  	[sflag:s10] =	ssyncset.done $0x0  }
0x3f: {  	s16 =	simm.s32 $0x1000;
	[sflag:s10] =	ssyncadd.s32 $0xFFFFFF80  }
0x40: {  	[tilespmem:s16], [sflag:$0x1] =	stream.indirect.gather [hbm4b:s4+s11], $0x10, s3, s11, $0xb8;
	[tilespmem:$0xE000] =	vst v63  }
0x41: {  	s17 =	simm.s32 $0x1800  }
0x42: {  	[tilespmem:s17], [sflag:$0x1] =	stream.indirect.gather [hbm4b:s4+s11], $0x10, s11, s11, $0xb8;
	[tilespmem:$0xE000] =	vst v63  }
0x43: {  	s18 =	simm.s32 $0x2000  }
0x44: {  	[tilespmem:s18], [sflag:$0x1] =	stream.indirect.gather [hbm4b:s4+s11], $0x10, s8, s11, $0xb8;
	[tilespmem:$0xE000] =	vst v63  }
0x45: {  	s8 =	simm.s32 $0x2800  }
0x46: {  	[tilespmem:s8], [sflag:$0x1] =	stream.indirect.gather [hbm4b:s4+s11], $0x10, s28, s11, $0xb8;
	[tilespmem:$0xE000] =	vst v63  }
0x47: {  	s12 =	simm.s32 $0x3000  }
0x48: {  	[tilespmem:s12], [sflag:$0x1] =	stream.indirect.gather [hbm4b:s4+s11], $0x10, s13, s11, $0xb8;
	[tilespmem:$0xE000] =	vst v63  }
0x49: {  	s13 =	simm.s32 $0x3800  }
0x4a: {  	[tilespmem:s13], [sflag:$0x1] =	stream.indirect.gather [hbm4b:s4+s11], $0x10, s14, s11, $0xb8;
	[tilespmem:$0xE000] =	vst v63  }
0x4b: {  	s14 =	simm.s32 $0x4000  }
0x4c: {  	[tilespmem:s14], [sflag:$0x1] =	stream.indirect.gather [hbm4b:s4+s11], $0x10, s15, s11, $0xb8;
	[tilespmem:$0xE000] =	vst v63  }
0x4d: {  	s20 =	rddreg [dreg:$0x6];
	s15 =	simm.s32 $0x4800  }
0x4e: {  	[tilespmem:s15], [sflag:$0x1] =	stream.indirect.gather [hbm4b:s4+s11], $0x10, s19, s11, $0xb8;
	[tilespmem:$0xE000] =	vst v63  }
0x4f: {  	s6 =	sadd.s32 $0x0, s20;
	s19 =	simm.s32 $0x800  }
0x50: {  	[tilespmem:s19], [sflag:$0x4] =	stream.linear.gather [hbm4b:s6+s3], $0x80, $0x38;
	[tilespmem:$0xE000] =	vst v63  }
0x51: {  	_ =	swait.ge [sflag:s10], $0x80  }
0x52: {  	[sflag:s10] =	ssyncset.done $0x0  }
0x53: {  	s20 =	simm.s32 $0x880;
	s21 =	sadd.s32 $0x10, s6;
	[sflag:s10] =	ssyncadd.s32 $0xFFFFFF80  }
0x54: {  	[tilespmem:s20], [sflag:$0x4] =	stream.linear.gather [hbm4b:s21+s3], $0x80, $0x38;
	[tilespmem:$0xE000] =	vst v63  }
0x55: {  	_ =	swait.ge [sflag:s10], $0x80  }
0x56: {  	[sflag:s10] =	ssyncset.done $0x0  }
0x57: {  	s22 =	sadd.s32 $0x20, s6;
	s21 =	simm.s32 $0x900;
	[sflag:s10] =	ssyncadd.s32 $0xFFFFFF80  }
0x58: {  	[tilespmem:s21], [sflag:$0x4] =	stream.linear.gather [hbm4b:s22+s3], $0x80, $0x38;
	[tilespmem:$0xE000] =	vst v63  }
0x59: {  	_ =	swait.ge [sflag:s10], $0x80  }
0x5a: {  	[sflag:s10] =	ssyncset.done $0x0  }
0x5b: {  	s23 =	sadd.s32 $0x30, s6;
	s22 =	simm.s32 $0x980;
	[sflag:s10] =	ssyncadd.s32 $0xFFFFFF80  }
0x5c: {  	[tilespmem:s22], [sflag:$0x4] =	stream.linear.gather [hbm4b:s23+s3], $0x80, $0x38;
	[tilespmem:$0xE000] =	vst v63  }
0x5d: {  	_ =	swait.ge [sflag:s10], $0x80  }
0x5e: {  	[sflag:s10] =	ssyncset.done $0x0  }
0x5f: {  	s24 =	sadd.s32 $0x40, s6;
	s23 =	simm.s32 $0xA00;
	[sflag:s10] =	ssyncadd.s32 $0xFFFFFF80  }
0x60: {  	[tilespmem:s23], [sflag:$0x4] =	stream.linear.gather [hbm4b:s24+s3], $0x80, $0x38;
	[tilespmem:$0xE000] =	vst v63  }
0x61: {  	_ =	swait.ge [sflag:s10], $0x80  }
0x62: {  	[sflag:s10] =	ssyncset.done $0x0  }
0x63: {  	s25 =	sadd.s32 $0x50, s6;
	s24 =	simm.s32 $0xA80;
	[sflag:s10] =	ssyncadd.s32 $0xFFFFFF80  }
0x64: {  	[tilespmem:s24], [sflag:$0x4] =	stream.linear.gather [hbm4b:s25+s3], $0x80, $0x38;
	[tilespmem:$0xE000] =	vst v63  }
0x65: {  	_ =	swait.ge [sflag:s10], $0x80  }
0x66: {  	[sflag:s10] =	ssyncset.done $0x0  }
0x67: {  	s28 =	sadd.s32 $0x60, s6;
	s25 =	simm.s32 $0xB00;
	[sflag:s10] =	ssyncadd.s32 $0xFFFFFF80  }
0x68: {  	[tilespmem:s25], [sflag:$0x4] =	stream.linear.gather [hbm4b:s28+s3], $0x80, $0x38;
	[tilespmem:$0xE000] =	vst v63  }
0x69: {  	_ =	swait.ge [sflag:s10], $0x80  }
0x6a: {  	[sflag:s10] =	ssyncset.done $0x0  }
0x6b: {  	s6 =	sadd.s32 $0x70, s6;
	s28 =	simm.s32 $0xB80;
	[sflag:s10] =	ssyncadd.s32 $0xFFFFFF80  }
0x6c: {  	[tilespmem:s28], [sflag:$0x4] =	stream.linear.gather [hbm4b:s6+s3], $0x80, $0x38;
	[tilespmem:$0xE000] =	vst v63  }
0x6d: {  	_ =	swait.ge [sflag:s10], $0x80  }
0x6e: {  	[sflag:s10] =	ssyncset.done $0x0  }
0x6f: {  	[sflag:s10] =	ssyncadd.s32 $0xFFFFFF80  }
0x70: {  	_ =	swait.ge [sflag:s9], $0x800  }
0x71: {  	[sflag:s9] =	ssyncset.done $0x0  }
0x72: {  	[sflag:s9] =	ssyncadd.s32 $0xFFFFF800  }
0x73: {  	_ =	swait.ge [sflag:s9], $0x800  }
0x74: {  	[sflag:s9] =	ssyncset.done $0x0  }
0x75: {  	[sflag:s9] =	ssyncadd.s32 $0xFFFFF800  }
0x76: {  	_ =	swait.ge [sflag:s9], $0x800  }
0x77: {  	[sflag:s9] =	ssyncset.done $0x0  }
0x78: {  	[sflag:s9] =	ssyncadd.s32 $0xFFFFF800  }
0x79: {  	_ =	swait.ge [sflag:s9], $0x800  }
0x7a: {  	[sflag:s9] =	ssyncset.done $0x0  }
0x7b: {  	[sflag:s9] =	ssyncadd.s32 $0xFFFFF800  }
0x7c: {  	_ =	swait.ge [sflag:s9], $0x800  }
0x7d: {  	[sflag:s9] =	ssyncset.done $0x0  }
0x7e: {  	[sflag:s9] =	ssyncadd.s32 $0xFFFFF800  }
0x7f: {  	_ =	swait.ge [sflag:s9], $0x800  }
0x80: {  	[sflag:s9] =	ssyncset.done $0x0  }
0x81: {  	[sflag:s9] =	ssyncadd.s32 $0xFFFFF800  }
0x82: {  	_ =	swait.ge [sflag:s9], $0x800  }
0x83: {  	[sflag:s9] =	ssyncset.done $0x0  }
0x84: {  	[sflag:s9] =	ssyncadd.s32 $0xFFFFF800  }
0x85: {  	_ =	swait.ge [sflag:s9], $0x800  }
0x86: {  	p0 =	por $0x1, $0x1;
	[sflag:s9] =	ssyncset.done $0x0  }
0x87: {  	s6 =	simm.s32 @!p0 $0x3;
	[sflag:s9] =	ssyncadd.s32 $0xFFFFF800  }
0x88: {  	_ =	swait.ge @!p0 [sflag:s6], $0x800  }
0x89: {  	[sflag:s6] =	ssyncset.done @!p0 $0x0  }
0x8a: {  	[sflag:s6] =	ssyncadd.s32 @!p0 $0xFFFFF800  }
0x8b: {  	_ =	swait.ge @!p0 [sflag:s6], $0x800  }
0x8c: {  	[sflag:s6] =	ssyncset.done @!p0 $0x0  }
0x8d: {  	[sflag:s6] =	ssyncadd.s32 @!p0 $0xFFFFF800  }
0x8e: {  	_ =	swait.ge @!p0 [sflag:s6], $0x800  }
0x8f: {  	[sflag:s6] =	ssyncset.done @!p0 $0x0  }
0x90: {  	[sflag:s6] =	ssyncadd.s32 @!p0 $0xFFFFF800  }
0x91: {  	_ =	swait.ge @!p0 [sflag:s6], $0x800  }
0x92: {  	[sflag:s6] =	ssyncset.done @!p0 $0x0  }
0x93: {  	[sflag:s6] =	ssyncadd.s32 @!p0 $0xFFFFF800  }
0x94: {  	_ =	swait.ge @!p0 [sflag:s6], $0x800  }
0x95: {  	[sflag:s6] =	ssyncset.done @!p0 $0x0  }
0x96: {  	[sflag:s6] =	ssyncadd.s32 @!p0 $0xFFFFF800  }
0x97: {  	_ =	swait.ge @!p0 [sflag:s6], $0x800  }
0x98: {  	[sflag:s6] =	ssyncset.done @!p0 $0x0  }
0x99: {  	[sflag:s6] =	ssyncadd.s32 @!p0 $0xFFFFF800  }
0x9a: {  	_ =	swait.ge @!p0 [sflag:s6], $0x800  }
0x9b: {  	[sflag:s6] =	ssyncset.done @!p0 $0x0  }
0x9c: {  	[sflag:s6] =	ssyncadd.s32 @!p0 $0xFFFFF800  }
0x9d: {  	_ =	swait.ge @!p0 [sflag:s6], $0x800  }
0x9e: {  	[sflag:s6] =	ssyncset.done @!p0 $0x0  }
0x9f: {  	[sflag:s6] =	ssyncadd.s32 @!p0 $0xFFFFF800  }
0xa0: {  	[spmem:s2] =	stream.indirect.scatter.add.f32 [tilespmem:s16], [sflag:$0x2], $0x10, s19, s11, $0xb8;
	[tilespmem:$0xE000] =	vst v63  }
0xa1: {  	_ = 	snop  }
0xa2: {  	[spmem:s2] =	stream.indirect.scatter.add.f32 [tilespmem:s17], [sflag:$0x2], $0x10, s20, s11, $0xb8;
	[tilespmem:$0xE000] =	vst v63  }
0xa3: {  	_ = 	snop  }
0xa4: {  	[spmem:s2] =	stream.indirect.scatter.add.f32 [tilespmem:s18], [sflag:$0x2], $0x10, s21, s11, $0xb8;
	[tilespmem:$0xE000] =	vst v63  }
0xa5: {  	_ = 	snop  }
0xa6: {  	[spmem:s2] =	stream.indirect.scatter.add.f32 [tilespmem:s8], [sflag:$0x2], $0x10, s22, s11, $0xb8;
	[tilespmem:$0xE000] =	vst v63  }
0xa7: {  	_ = 	snop  }
0xa8: {  	[spmem:s2] =	stream.indirect.scatter.add.f32 [tilespmem:s12], [sflag:$0x2], $0x10, s23, s11, $0xb8;
	[tilespmem:$0xE000] =	vst v63  }
0xa9: {  	_ = 	snop  }
0xaa: {  	[spmem:s2] =	stream.indirect.scatter.add.f32 [tilespmem:s13], [sflag:$0x2], $0x10, s24, s11, $0xb8;
	[tilespmem:$0xE000] =	vst v63  }
0xab: {  	_ = 	snop  }
0xac: {  	[spmem:s2] =	stream.indirect.scatter.add.f32 [tilespmem:s14], [sflag:$0x2], $0x10, s25, s11, $0xb8;
	[tilespmem:$0xE000] =	vst v63  }
0xad: {  	s24 =	rddreg [dreg:$0x3]  }
0xae: {  	[spmem:s2] =	stream.indirect.scatter.add.f32 [tilespmem:s15], [sflag:$0x2], $0x10, s28, s11, $0xb8;
	[tilespmem:$0xE000] =	vst v63  }
0xaf: {  	s6 =	sadd.s32 $0x0, s24;
	s28 =	simm.s32 $0x400  }
0xb0: {  	[tilespmem:s28], [sflag:$0x4] =	stream.linear.gather [hbm4b:s6+s3], $0x80, $0x38;
	[tilespmem:$0xE000] =	vst v63  }
0xb1: {  	_ =	swait.ge [sflag:s10], $0x80  }
0xb2: {  	[sflag:s10] =	ssyncset.done $0x0  }
0xb3: {  	s13 =	simm.s32 $0x480;
	s12 =	sadd.s32 $0x10, s6;
	[sflag:s10] =	ssyncadd.s32 $0xFFFFFF80  }
0xb4: {  	[tilespmem:s13], [sflag:$0x4] =	stream.linear.gather [hbm4b:s12+s3], $0x80, $0x38;
	[tilespmem:$0xE000] =	vst v63  }
0xb5: {  	_ =	swait.ge [sflag:s10], $0x80  }
0xb6: {  	[sflag:s10] =	ssyncset.done $0x0  }
0xb7: {  	s14 =	sadd.s32 $0x20, s6;
	s15 =	simm.s32 $0x500;
	[sflag:s10] =	ssyncadd.s32 $0xFFFFFF80  }
0xb8: {  	[tilespmem:s15], [sflag:$0x4] =	stream.linear.gather [hbm4b:s14+s3], $0x80, $0x38;
	[tilespmem:$0xE000] =	vst v63  }
0xb9: {  	_ =	swait.ge [sflag:s10], $0x80  }
0xba: {  	[sflag:s10] =	ssyncset.done $0x0  }
0xbb: {  	s17 =	simm.s32 $0x580;
	s16 =	sadd.s32 $0x30, s6;
	[sflag:s10] =	ssyncadd.s32 $0xFFFFFF80  }
0xbc: {  	[tilespmem:s17], [sflag:$0x4] =	stream.linear.gather [hbm4b:s16+s3], $0x80, $0x38;
	[tilespmem:$0xE000] =	vst v63  }
0xbd: {  	_ =	swait.ge [sflag:s10], $0x80  }
0xbe: {  	[sflag:s10] =	ssyncset.done $0x0  }
0xbf: {  	s19 =	simm.s32 $0x600;
	s18 =	sadd.s32 $0x40, s6;
	[sflag:s10] =	ssyncadd.s32 $0xFFFFFF80  }
0xc0: {  	[tilespmem:s19], [sflag:$0x4] =	stream.linear.gather [hbm4b:s18+s3], $0x80, $0x38;
	[tilespmem:$0xE000] =	vst v63  }
0xc1: {  	_ =	swait.ge [sflag:s10], $0x80  }
0xc2: {  	[sflag:s10] =	ssyncset.done $0x0  }
0xc3: {  	s21 =	simm.s32 $0x680;
	s20 =	sadd.s32 $0x50, s6;
	[sflag:s10] =	ssyncadd.s32 $0xFFFFFF80  }
0xc4: {  	[tilespmem:s21], [sflag:$0x4] =	stream.linear.gather [hbm4b:s20+s3], $0x80, $0x38;
	[tilespmem:$0xE000] =	vst v63  }
0xc5: {  	_ =	swait.ge [sflag:s10], $0x80  }
0xc6: {  	[sflag:s10] =	ssyncset.done $0x0  }
0xc7: {  	s23 =	simm.s32 $0x700;
	s22 =	sadd.s32 $0x60, s6;
	[sflag:s10] =	ssyncadd.s32 $0xFFFFFF80  }
0xc8: {  	[tilespmem:s23], [sflag:$0x4] =	stream.linear.gather [hbm4b:s22+s3], $0x80, $0x38;
	[tilespmem:$0xE000] =	vst v63  }
0xc9: {  	_ =	swait.ge [sflag:s10], $0x80  }
0xca: {  	[sflag:s10] =	ssyncset.done $0x0  }
0xcb: {  	s24 =	simm.s32 $0x780;
	s6 =	sadd.s32 $0x70, s6;
	[sflag:s10] =	ssyncadd.s32 $0xFFFFFF80  }
0xcc: {  	[tilespmem:s24], [sflag:$0x4] =	stream.linear.gather [hbm4b:s6+s3], $0x80, $0x38;
	[tilespmem:$0xE000] =	vst v63  }
0xcd: {  	_ =	swait.ge [sflag:s10], $0x80  }
0xce: {  	[sflag:s10] =	ssyncset.done $0x0  }
0xcf: {  	s18 =	simm.s32 $0x5000;
	[sflag:s10] =	ssyncadd.s32 $0xFFFFFF80  }
0xd0: {  	[tilespmem:s18], [sflag:$0x1] =	stream.indirect.gather [hbm4b:s4+s11], $0x10, s28, s11, $0xb8;
	[tilespmem:$0xE000] =	vst v63  }
0xd1: {  	s8 =	simm.s32 $0x5800  }
0xd2: {  	[tilespmem:s8], [sflag:$0x1] =	stream.indirect.gather [hbm4b:s4+s11], $0x10, s13, s11, $0xb8;
	[tilespmem:$0xE000] =	vst v63  }
0xd3: {  	s12 =	simm.s32 $0x6000  }
0xd4: {  	[tilespmem:s12], [sflag:$0x1] =	stream.indirect.gather [hbm4b:s4+s11], $0x10, s15, s11, $0xb8;
	[tilespmem:$0xE000] =	vst v63  }
0xd5: {  	s13 =	simm.s32 $0x6800  }
0xd6: {  	[tilespmem:s13], [sflag:$0x1] =	stream.indirect.gather [hbm4b:s4+s11], $0x10, s17, s11, $0xb8;
	[tilespmem:$0xE000] =	vst v63  }
0xd7: {  	s14 =	simm.s32 $0x7000  }
0xd8: {  	[tilespmem:s14], [sflag:$0x1] =	stream.indirect.gather [hbm4b:s4+s11], $0x10, s19, s11, $0xb8;
	[tilespmem:$0xE000] =	vst v63  }
0xd9: {  	s15 =	simm.s32 $0x7800  }
0xda: {  	[tilespmem:s15], [sflag:$0x1] =	stream.indirect.gather [hbm4b:s4+s11], $0x10, s21, s11, $0xb8;
	[tilespmem:$0xE000] =	vst v63  }
0xdb: {  	s16 =	simm.s32 $0x8000  }
0xdc: {  	[tilespmem:s16], [sflag:$0x1] =	stream.indirect.gather [hbm4b:s4+s11], $0x10, s23, s11, $0xb8;
	[tilespmem:$0xE000] =	vst v63  }
0xdd: {  	s25 =	rddreg [dreg:$0x4]  }
0xde: {  	[tilespmem:s26], [sflag:$0x1] =	stream.indirect.gather [hbm4b:s4+s11], $0x10, s24, s11, $0xb8;
	[tilespmem:$0xE000] =	vst v63  }
0xdf: {  	s6 =	sadd.s32 $0x0, s25;
	s17 =	simm.s32 $0xC00  }
0xe0: {  	[tilespmem:s17], [sflag:$0x4] =	stream.linear.gather [hbm4b:s6+s3], $0x80, $0x38;
	[tilespmem:$0xE000] =	vst v63  }
0xe1: {  	_ =	swait.ge [sflag:s10], $0x80  }
0xe2: {  	[sflag:s10] =	ssyncset.done $0x0  }
0xe3: {  	s28 =	sadd.s32 $0x10, s6;
	s19 =	simm.s32 $0xC80;
	[sflag:s10] =	ssyncadd.s32 $0xFFFFFF80  }
0xe4: {  	[tilespmem:s19], [sflag:$0x4] =	stream.linear.gather [hbm4b:s28+s3], $0x80, $0x38;
	[tilespmem:$0xE000] =	vst v63  }
0xe5: {  	_ =	swait.ge [sflag:s10], $0x80  }
0xe6: {  	[sflag:s10] =	ssyncset.done $0x0  }
0xe7: {  	s20 =	sadd.s32 $0x20, s6;
	s21 =	simm.s32 $0xD00;
	[sflag:s10] =	ssyncadd.s32 $0xFFFFFF80  }
0xe8: {  	[tilespmem:s21], [sflag:$0x4] =	stream.linear.gather [hbm4b:s20+s3], $0x80, $0x38;
	[tilespmem:$0xE000] =	vst v63  }
0xe9: {  	_ =	swait.ge [sflag:s10], $0x80  }
0xea: {  	[sflag:s10] =	ssyncset.done $0x0  }
0xeb: {  	s22 =	sadd.s32 $0x30, s6;
	s23 =	simm.s32 $0xD80;
	[sflag:s10] =	ssyncadd.s32 $0xFFFFFF80  }
0xec: {  	[tilespmem:s23], [sflag:$0x4] =	stream.linear.gather [hbm4b:s22+s3], $0x80, $0x38;
	[tilespmem:$0xE000] =	vst v63  }
0xed: {  	_ =	swait.ge [sflag:s10], $0x80  }
0xee: {  	[sflag:s10] =	ssyncset.done $0x0  }
0xef: {  	s25 =	simm.s32 $0xE00;
	s24 =	sadd.s32 $0x40, s6;
	[sflag:s10] =	ssyncadd.s32 $0xFFFFFF80  }
0xf0: {  	[tilespmem:s25], [sflag:$0x4] =	stream.linear.gather [hbm4b:s24+s3], $0x80, $0x38;
	[tilespmem:$0xE000] =	vst v63  }
0xf1: {  	_ =	swait.ge [sflag:s10], $0x80  }
0xf2: {  	[sflag:s10] =	ssyncset.done $0x0  }
0xf3: {  	s26 =	sadd.s32 $0x50, s6;
	[sflag:s10] =	ssyncadd.s32 $0xFFFFFF80  }
0xf4: {  	[tilespmem:s31], [sflag:$0x4] =	stream.linear.gather [hbm4b:s26+s3], $0x80, $0x38;
	[tilespmem:$0xE000] =	vst v63  }
0xf5: {  	_ =	swait.ge [sflag:s10], $0x80  }
0xf6: {  	[sflag:s10] =	ssyncset.done $0x0  }
0xf7: {  	s28 =	sadd.s32 $0x60, s6;
	[sflag:s10] =	ssyncadd.s32 $0xFFFFFF80  }
0xf8: {  	[tilespmem:s1], [sflag:$0x4] =	stream.linear.gather [hbm4b:s28+s3], $0x80, $0x38;
	[tilespmem:$0xE000] =	vst v63  }
0xf9: {  	_ =	swait.ge [sflag:s10], $0x80  }
0xfa: {  	[sflag:s10] =	ssyncset.done $0x0  }
0xfb: {  	s6 =	sadd.s32 $0x70, s6;
	[sflag:s10] =	ssyncadd.s32 $0xFFFFFF80  }
0xfc: {  	[tilespmem:s0], [sflag:$0x4] =	stream.linear.gather [hbm4b:s6+s3], $0x80, $0x38;
	[tilespmem:$0xE000] =	vst v63  }
0xfd: {  	_ =	swait.ge [sflag:s10], $0x80  }
0xfe: {  	[sflag:s10] =	ssyncset.done $0x0  }
0xff: {  	[sflag:s10] =	ssyncadd.s32 $0xFFFFFF80  }
0x100: {  	_ =	swait.ge [sflag:s9], $0x800  }
0x101: {  	[sflag:s9] =	ssyncset.done $0x0  }
0x102: {  	[sflag:s9] =	ssyncadd.s32 $0xFFFFF800  }
0x103: {  	_ =	swait.ge [sflag:s9], $0x800  }
0x104: {  	[sflag:s9] =	ssyncset.done $0x0  }
0x105: {  	[sflag:s9] =	ssyncadd.s32 $0xFFFFF800  }
0x106: {  	_ =	swait.ge [sflag:s9], $0x800  }
0x107: {  	[sflag:s9] =	ssyncset.done $0x0  }
0x108: {  	[sflag:s9] =	ssyncadd.s32 $0xFFFFF800  }
0x109: {  	_ =	swait.ge [sflag:s9], $0x800  }
0x10a: {  	[sflag:s9] =	ssyncset.done $0x0  }
0x10b: {  	[sflag:s9] =	ssyncadd.s32 $0xFFFFF800  }
0x10c: {  	_ =	swait.ge [sflag:s9], $0x800  }
0x10d: {  	[sflag:s9] =	ssyncset.done $0x0  }
0x10e: {  	[sflag:s9] =	ssyncadd.s32 $0xFFFFF800  }
0x10f: {  	_ =	swait.ge [sflag:s9], $0x800  }
0x110: {  	[sflag:s9] =	ssyncset.done $0x0  }
0x111: {  	[sflag:s9] =	ssyncadd.s32 $0xFFFFF800  }
0x112: {  	_ =	swait.ge [sflag:s9], $0x800  }
0x113: {  	[sflag:s9] =	ssyncset.done $0x0  }
0x114: {  	[sflag:s9] =	ssyncadd.s32 $0xFFFFF800  }
0x115: {  	_ =	swait.ge [sflag:s9], $0x800  }
0x116: {  	[sflag:s9] =	ssyncset.done $0x0  }
0x117: {  	[sflag:s9] =	ssyncadd.s32 $0xFFFFF800  }
0x118: {  	_ =	swait.ge [sflag:s5], $0x800  }
0x119: {  	[sflag:s5] =	ssyncset.done $0x0  }
0x11a: {  	[sflag:s5] =	ssyncadd.s32 $0xFFFFF800  }
0x11b: {  	_ =	swait.ge [sflag:s5], $0x800  }
0x11c: {  	[sflag:s5] =	ssyncset.done $0x0  }
0x11d: {  	[sflag:s5] =	ssyncadd.s32 $0xFFFFF800  }
0x11e: {  	_ =	swait.ge [sflag:s5], $0x800  }
0x11f: {  	[sflag:s5] =	ssyncset.done $0x0  }
0x120: {  	[sflag:s5] =	ssyncadd.s32 $0xFFFFF800  }
0x121: {  	_ =	swait.ge [sflag:s5], $0x800  }
0x122: {  	[sflag:s5] =	ssyncset.done $0x0  }
0x123: {  	[sflag:s5] =	ssyncadd.s32 $0xFFFFF800  }
0x124: {  	_ =	swait.ge [sflag:s5], $0x800  }
0x125: {  	[sflag:s5] =	ssyncset.done $0x0  }
0x126: {  	[sflag:s5] =	ssyncadd.s32 $0xFFFFF800  }
0x127: {  	_ =	swait.ge [sflag:s5], $0x800  }
0x128: {  	[sflag:s5] =	ssyncset.done $0x0  }
0x129: {  	[sflag:s5] =	ssyncadd.s32 $0xFFFFF800  }
0x12a: {  	_ =	swait.ge [sflag:s5], $0x800  }
0x12b: {  	[sflag:s5] =	ssyncset.done $0x0  }
0x12c: {  	[sflag:s5] =	ssyncadd.s32 $0xFFFFF800  }
0x12d: {  	_ =	swait.ge [sflag:s5], $0x800  }
0x12e: {  	[sflag:s5] =	ssyncset.done $0x0  }
0x12f: {  	[sflag:s5] =	ssyncadd.s32 $0xFFFFF800  }
0x130: {  	[spmem:s2] =	stream.indirect.scatter.add.f32 [tilespmem:s18], [sflag:$0x3], $0x10, s17, s11, $0xb8;
	[tilespmem:$0xE000] =	vst v63  }
0x131: {  	_ = 	snop  }
0x132: {  	[spmem:s2] =	stream.indirect.scatter.add.f32 [tilespmem:s8], [sflag:$0x3], $0x10, s19, s11, $0xb8;
	[tilespmem:$0xE000] =	vst v63  }
0x133: {  	_ = 	snop  }
0x134: {  	[spmem:s2] =	stream.indirect.scatter.add.f32 [tilespmem:s12], [sflag:$0x3], $0x10, s21, s11, $0xb8;
	[tilespmem:$0xE000] =	vst v63  }
0x135: {  	_ = 	snop  }
0x136: {  	[spmem:s2] =	stream.indirect.scatter.add.f32 [tilespmem:s13], [sflag:$0x3], $0x10, s23, s11, $0xb8;
	[tilespmem:$0xE000] =	vst v63  }
0x137: {  	_ = 	snop  }
0x138: {  	[spmem:s2] =	stream.indirect.scatter.add.f32 [tilespmem:s14], [sflag:$0x3], $0x10, s25, s11, $0xb8;
	[tilespmem:$0xE000] =	vst v63  }
0x139: {  	_ = 	snop  }
0x13a: {  	[spmem:s2] =	stream.indirect.scatter.add.f32 [tilespmem:s15], [sflag:$0x3], $0x10, s31, s11, $0xb8;
	[tilespmem:$0xE000] =	vst v63  }
0x13b: {  	s7 =	simm.s32 $0x100;
	s6 =	rddreg [dreg:$0x5];
	s8 =	simm.s32 $0x200  }
0x13c: {  	[spmem:s2] =	stream.indirect.scatter.add.f32 [tilespmem:s16], [sflag:$0x3], $0x10, s1, s11, $0xb8;
	[tilespmem:$0xE000] =	vst v63  }
.LBB2_2:
0x13d: {  	[spmem:s2] =	stream.indirect.scatter.add.f32 [tilespmem:s30], [sflag:$0x3], $0x10, s0, s11, $0xb8;
	[tilespmem:$0xE000] =	vst v63  }
0x13e: {  	s12 =	sadd.s32 s7, s6  }
0x13f: {  	[tilespmem:s3], [sflag:$0x4] =	stream.linear.gather [hbm4b:s12+s3], $0x80, $0x38;
	[tilespmem:$0xE000] =	vst v63  }
0x140: {  	_ =	swait.ge [sflag:s10], $0x80  }
0x141: {  	[sflag:s10] =	ssyncset.done $0x0  }
0x142: {  	s13 =	sadd.s32 $0x10, s12;
	[sflag:s10] =	ssyncadd.s32 $0xFFFFFF80  }
0x143: {  	[tilespmem:s11], [sflag:$0x4] =	stream.linear.gather [hbm4b:s13+s3], $0x80, $0x38;
	[tilespmem:$0xE000] =	vst v63  }
0x144: {  	_ =	swait.ge [sflag:s10], $0x80  }
0x145: {  	[sflag:s10] =	ssyncset.done $0x0  }
0x146: {  	s14 =	simm.s32 $0x100;
	s17 =	sadd.s32 $0x20, s12;
	[sflag:s10] =	ssyncadd.s32 $0xFFFFFF80  }
0x147: {  	[tilespmem:s14], [sflag:$0x4] =	stream.linear.gather [hbm4b:s17+s3], $0x80, $0x38;
	[tilespmem:$0xE000] =	vst v63  }
0x148: {  	_ =	swait.ge [sflag:s10], $0x80  }
0x149: {  	[sflag:s10] =	ssyncset.done $0x0  }
0x14a: {  	s15 =	simm.s32 $0x180;
	s18 =	sadd.s32 $0x30, s12;
	[sflag:s10] =	ssyncadd.s32 $0xFFFFFF80  }
0x14b: {  	[tilespmem:s15], [sflag:$0x4] =	stream.linear.gather [hbm4b:s18+s3], $0x80, $0x38;
	[tilespmem:$0xE000] =	vst v63  }
0x14c: {  	_ =	swait.ge [sflag:s10], $0x80  }
0x14d: {  	[sflag:s10] =	ssyncset.done $0x0  }
0x14e: {  	s16 =	simm.s32 $0x200;
	s19 =	sadd.s32 $0x40, s12;
	[sflag:s10] =	ssyncadd.s32 $0xFFFFFF80  }
0x14f: {  	[tilespmem:s16], [sflag:$0x4] =	stream.linear.gather [hbm4b:s19+s3], $0x80, $0x38;
	[tilespmem:$0xE000] =	vst v63  }
0x150: {  	_ =	swait.ge [sflag:s10], $0x80  }
0x151: {  	[sflag:s10] =	ssyncset.done $0x0  }
0x152: {  	s20 =	sadd.s32 $0x50, s12;
	s17 =	simm.s32 $0x280;
	[sflag:s10] =	ssyncadd.s32 $0xFFFFFF80  }
0x153: {  	[tilespmem:s17], [sflag:$0x4] =	stream.linear.gather [hbm4b:s20+s3], $0x80, $0x38;
	[tilespmem:$0xE000] =	vst v63  }
0x154: {  	_ =	swait.ge [sflag:s10], $0x80  }
0x155: {  	[sflag:s10] =	ssyncset.done $0x0  }
0x156: {  	s21 =	sadd.s32 $0x60, s12;
	s18 =	simm.s32 $0x300;
	[sflag:s10] =	ssyncadd.s32 $0xFFFFFF80  }
0x157: {  	[tilespmem:s18], [sflag:$0x4] =	stream.linear.gather [hbm4b:s21+s3], $0x80, $0x38;
	[tilespmem:$0xE000] =	vst v63  }
0x158: {  	_ =	swait.ge [sflag:s10], $0x80  }
0x159: {  	[sflag:s10] =	ssyncset.done $0x0  }
0x15a: {  	s22 =	simm.s32 $0x380;
	s12 =	sadd.s32 $0x70, s12;
	[sflag:s10] =	ssyncadd.s32 $0xFFFFFF80  }
0x15b: {  	[tilespmem:s22], [sflag:$0x4] =	stream.linear.gather [hbm4b:s12+s3], $0x80, $0x38;
	[tilespmem:$0xE000] =	vst v63  }
0x15c: {  	_ =	swait.ge [sflag:s10], $0x80  }
0x15d: {  	[sflag:s10] =	ssyncset.done $0x0  }
0x15e: {  	s19 =	simm.s32 $0x1000;
	[sflag:s10] =	ssyncadd.s32 $0xFFFFFF80  }
0x15f: {  	[tilespmem:s19], [sflag:$0x1] =	stream.indirect.gather [hbm4b:s4+s11], $0x10, s3, s11, $0xb8;
	[tilespmem:$0xE000] =	vst v63  }
0x160: {  	s20 =	simm.s32 $0x1800  }
0x161: {  	[tilespmem:s20], [sflag:$0x1] =	stream.indirect.gather [hbm4b:s4+s11], $0x10, s11, s11, $0xb8;
	[tilespmem:$0xE000] =	vst v63  }
0x162: {  	s21 =	simm.s32 $0x2000  }
0x163: {  	[tilespmem:s21], [sflag:$0x1] =	stream.indirect.gather [hbm4b:s4+s11], $0x10, s14, s11, $0xb8;
	[tilespmem:$0xE000] =	vst v63  }
0x164: {  	s14 =	simm.s32 $0x2800  }
0x165: {  	[tilespmem:s14], [sflag:$0x1] =	stream.indirect.gather [hbm4b:s4+s11], $0x10, s15, s11, $0xb8;
	[tilespmem:$0xE000] =	vst v63  }
0x166: {  	s15 =	simm.s32 $0x3000  }
0x167: {  	[tilespmem:s15], [sflag:$0x1] =	stream.indirect.gather [hbm4b:s4+s11], $0x10, s16, s11, $0xb8;
	[tilespmem:$0xE000] =	vst v63  }
0x168: {  	s16 =	simm.s32 $0x3800  }
0x169: {  	[tilespmem:s16], [sflag:$0x1] =	stream.indirect.gather [hbm4b:s4+s11], $0x10, s17, s11, $0xb8;
	[tilespmem:$0xE000] =	vst v63  }
0x16a: {  	s17 =	simm.s32 $0x4000  }
0x16b: {  	[tilespmem:s17], [sflag:$0x1] =	stream.indirect.gather [hbm4b:s4+s11], $0x10, s18, s11, $0xb8;
	[tilespmem:$0xE000] =	vst v63  }
0x16c: {  	s23 =	rddreg [dreg:$0x6];
	s18 =	simm.s32 $0x4800  }
0x16d: {  	[tilespmem:s18], [sflag:$0x1] =	stream.indirect.gather [hbm4b:s4+s11], $0x10, s22, s11, $0xb8;
	[tilespmem:$0xE000] =	vst v63  }
0x16e: {  	s12 =	sadd.s32 s7, s23;
	s22 =	simm.s32 $0x800  }
0x16f: {  	[tilespmem:s22], [sflag:$0x4] =	stream.linear.gather [hbm4b:s12+s3], $0x80, $0x38;
	[tilespmem:$0xE000] =	vst v63  }
0x170: {  	_ =	swait.ge [sflag:s10], $0x80  }
0x171: {  	[sflag:s10] =	ssyncset.done $0x0  }
0x172: {  	s23 =	simm.s32 $0x880;
	s24 =	sadd.s32 $0x10, s12;
	[sflag:s10] =	ssyncadd.s32 $0xFFFFFF80  }
0x173: {  	[tilespmem:s23], [sflag:$0x4] =	stream.linear.gather [hbm4b:s24+s3], $0x80, $0x38;
	[tilespmem:$0xE000] =	vst v63  }
0x174: {  	_ =	swait.ge [sflag:s10], $0x80  }
0x175: {  	[sflag:s10] =	ssyncset.done $0x0  }
0x176: {  	s25 =	sadd.s32 $0x20, s12;
	s24 =	simm.s32 $0x900;
	[sflag:s10] =	ssyncadd.s32 $0xFFFFFF80  }
0x177: {  	[tilespmem:s24], [sflag:$0x4] =	stream.linear.gather [hbm4b:s25+s3], $0x80, $0x38;
	[tilespmem:$0xE000] =	vst v63  }
0x178: {  	_ =	swait.ge [sflag:s10], $0x80  }
0x179: {  	[sflag:s10] =	ssyncset.done $0x0  }
0x17a: {  	s26 =	sadd.s32 $0x30, s12;
	s25 =	simm.s32 $0x980;
	[sflag:s10] =	ssyncadd.s32 $0xFFFFFF80  }
0x17b: {  	[tilespmem:s25], [sflag:$0x4] =	stream.linear.gather [hbm4b:s26+s3], $0x80, $0x38;
	[tilespmem:$0xE000] =	vst v63  }
0x17c: {  	_ =	swait.ge [sflag:s10], $0x80  }
0x17d: {  	[sflag:s10] =	ssyncset.done $0x0  }
0x17e: {  	s28 =	sadd.s32 $0x40, s12;
	s26 =	simm.s32 $0xA00;
	[sflag:s10] =	ssyncadd.s32 $0xFFFFFF80  }
0x17f: {  	[tilespmem:s26], [sflag:$0x4] =	stream.linear.gather [hbm4b:s28+s3], $0x80, $0x38;
	[tilespmem:$0xE000] =	vst v63  }
0x180: {  	_ =	swait.ge [sflag:s10], $0x80  }
0x181: {  	[sflag:s10] =	ssyncset.done $0x0  }
0x182: {  	s13 =	sadd.s32 $0x50, s12;
	s28 =	simm.s32 $0xA80;
	[sflag:s10] =	ssyncadd.s32 $0xFFFFFF80  }
0x183: {  	[tilespmem:s28], [sflag:$0x4] =	stream.linear.gather [hbm4b:s13+s3], $0x80, $0x38;
	[tilespmem:$0xE000] =	vst v63  }
0x184: {  	_ =	swait.ge [sflag:s10], $0x80  }
0x185: {  	[sflag:s10] =	ssyncset.done $0x0  }
0x186: {  	s13 =	sadd.s32 $0x60, s12;
	[sflag:s10] =	ssyncadd.s32 $0xFFFFFF80  }
0x187: {  	[tilespmem:s29], [sflag:$0x4] =	stream.linear.gather [hbm4b:s13+s3], $0x80, $0x38;
	[tilespmem:$0xE000] =	vst v63  }
0x188: {  	_ =	swait.ge [sflag:s10], $0x80  }
0x189: {  	[sflag:s10] =	ssyncset.done $0x0  }
0x18a: {  	s12 =	sadd.s32 $0x70, s12;
	s13 =	simm.s32 $0xB80;
	[sflag:s10] =	ssyncadd.s32 $0xFFFFFF80  }
0x18b: {  	[tilespmem:s13], [sflag:$0x4] =	stream.linear.gather [hbm4b:s12+s3], $0x80, $0x38;
	[tilespmem:$0xE000] =	vst v63  }
0x18c: {  	_ =	swait.ge [sflag:s10], $0x80  }
0x18d: {  	[sflag:s10] =	ssyncset.done $0x0  }
0x18e: {  	[sflag:s10] =	ssyncadd.s32 $0xFFFFFF80  }
0x18f: {  	_ =	swait.ge [sflag:s9], $0x800  }
0x190: {  	[sflag:s9] =	ssyncset.done $0x0  }
0x191: {  	[sflag:s9] =	ssyncadd.s32 $0xFFFFF800  }
0x192: {  	_ =	swait.ge [sflag:s9], $0x800  }
0x193: {  	[sflag:s9] =	ssyncset.done $0x0  }
0x194: {  	[sflag:s9] =	ssyncadd.s32 $0xFFFFF800  }
0x195: {  	_ =	swait.ge [sflag:s9], $0x800  }
0x196: {  	[sflag:s9] =	ssyncset.done $0x0  }
0x197: {  	[sflag:s9] =	ssyncadd.s32 $0xFFFFF800  }
0x198: {  	_ =	swait.ge [sflag:s9], $0x800  }
0x199: {  	[sflag:s9] =	ssyncset.done $0x0  }
0x19a: {  	[sflag:s9] =	ssyncadd.s32 $0xFFFFF800  }
0x19b: {  	_ =	swait.ge [sflag:s9], $0x800  }
0x19c: {  	[sflag:s9] =	ssyncset.done $0x0  }
0x19d: {  	[sflag:s9] =	ssyncadd.s32 $0xFFFFF800  }
0x19e: {  	_ =	swait.ge [sflag:s9], $0x800  }
0x19f: {  	[sflag:s9] =	ssyncset.done $0x0  }
0x1a0: {  	[sflag:s9] =	ssyncadd.s32 $0xFFFFF800  }
0x1a1: {  	_ =	swait.ge [sflag:s9], $0x800  }
0x1a2: {  	[sflag:s9] =	ssyncset.done $0x0  }
0x1a3: {  	[sflag:s9] =	ssyncadd.s32 $0xFFFFF800  }
0x1a4: {  	_ =	swait.ge [sflag:s9], $0x800  }
0x1a5: {  	p1 =	seq.s32 s7, $0x0;
	[sflag:s9] =	ssyncset.done $0x0  }
0x1a6: {  	s12 =	simm.s32 @!p1 $0x3;
	[sflag:s9] =	ssyncadd.s32 $0xFFFFF800  }
0x1a7: {  	_ =	swait.ge @!p1 [sflag:s12], $0x800  }
0x1a8: {  	[sflag:s12] =	ssyncset.done @!p1 $0x0  }
0x1a9: {  	[sflag:s12] =	ssyncadd.s32 @!p1 $0xFFFFF800  }
0x1aa: {  	_ =	swait.ge @!p1 [sflag:s12], $0x800  }
0x1ab: {  	[sflag:s12] =	ssyncset.done @!p1 $0x0  }
0x1ac: {  	[sflag:s12] =	ssyncadd.s32 @!p1 $0xFFFFF800  }
0x1ad: {  	_ =	swait.ge @!p1 [sflag:s12], $0x800  }
0x1ae: {  	[sflag:s12] =	ssyncset.done @!p1 $0x0  }
0x1af: {  	[sflag:s12] =	ssyncadd.s32 @!p1 $0xFFFFF800  }
0x1b0: {  	_ =	swait.ge @!p1 [sflag:s12], $0x800  }
0x1b1: {  	[sflag:s12] =	ssyncset.done @!p1 $0x0  }
0x1b2: {  	[sflag:s12] =	ssyncadd.s32 @!p1 $0xFFFFF800  }
0x1b3: {  	_ =	swait.ge @!p1 [sflag:s12], $0x800  }
0x1b4: {  	[sflag:s12] =	ssyncset.done @!p1 $0x0  }
0x1b5: {  	[sflag:s12] =	ssyncadd.s32 @!p1 $0xFFFFF800  }
0x1b6: {  	_ =	swait.ge @!p1 [sflag:s12], $0x800  }
0x1b7: {  	[sflag:s12] =	ssyncset.done @!p1 $0x0  }
0x1b8: {  	[sflag:s12] =	ssyncadd.s32 @!p1 $0xFFFFF800  }
0x1b9: {  	_ =	swait.ge @!p1 [sflag:s12], $0x800  }
0x1ba: {  	[sflag:s12] =	ssyncset.done @!p1 $0x0  }
0x1bb: {  	[sflag:s12] =	ssyncadd.s32 @!p1 $0xFFFFF800  }
0x1bc: {  	_ =	swait.ge @!p1 [sflag:s12], $0x800  }
0x1bd: {  	[sflag:s12] =	ssyncset.done @!p1 $0x0  }
0x1be: {  	[sflag:s12] =	ssyncadd.s32 @!p1 $0xFFFFF800  }
0x1bf: {  	[spmem:s2] =	stream.indirect.scatter.add.f32 [tilespmem:s19], [sflag:$0x2], $0x10, s22, s11, $0xb8;
	[tilespmem:$0xE000] =	vst v63  }
0x1c0: {  	_ = 	snop  }
0x1c1: {  	[spmem:s2] =	stream.indirect.scatter.add.f32 [tilespmem:s20], [sflag:$0x2], $0x10, s23, s11, $0xb8;
	[tilespmem:$0xE000] =	vst v63  }
0x1c2: {  	_ = 	snop  }
0x1c3: {  	[spmem:s2] =	stream.indirect.scatter.add.f32 [tilespmem:s21], [sflag:$0x2], $0x10, s24, s11, $0xb8;
	[tilespmem:$0xE000] =	vst v63  }
0x1c4: {  	_ = 	snop  }
0x1c5: {  	[spmem:s2] =	stream.indirect.scatter.add.f32 [tilespmem:s14], [sflag:$0x2], $0x10, s25, s11, $0xb8;
	[tilespmem:$0xE000] =	vst v63  }
0x1c6: {  	_ = 	snop  }
0x1c7: {  	[spmem:s2] =	stream.indirect.scatter.add.f32 [tilespmem:s15], [sflag:$0x2], $0x10, s26, s11, $0xb8;
	[tilespmem:$0xE000] =	vst v63  }
0x1c8: {  	_ = 	snop  }
0x1c9: {  	[spmem:s2] =	stream.indirect.scatter.add.f32 [tilespmem:s16], [sflag:$0x2], $0x10, s28, s11, $0xb8;
	[tilespmem:$0xE000] =	vst v63  }
0x1ca: {  	_ = 	snop  }
0x1cb: {  	[spmem:s2] =	stream.indirect.scatter.add.f32 [tilespmem:s17], [sflag:$0x2], $0x10, s29, s11, $0xb8;
	[tilespmem:$0xE000] =	vst v63  }
0x1cc: {  	s14 =	rddreg [dreg:$0x3]  }
0x1cd: {  	[spmem:s2] =	stream.indirect.scatter.add.f32 [tilespmem:s18], [sflag:$0x2], $0x10, s13, s11, $0xb8;
	[tilespmem:$0xE000] =	vst v63  }
0x1ce: {  	s12 =	sadd.s32 s7, s14;
	s14 =	simm.s32 $0x400  }
0x1cf: {  	[tilespmem:s14], [sflag:$0x4] =	stream.linear.gather [hbm4b:s12+s3], $0x80, $0x38;
	[tilespmem:$0xE000] =	vst v63  }
0x1d0: {  	_ =	swait.ge [sflag:s10], $0x80  }
0x1d1: {  	[sflag:s10] =	ssyncset.done $0x0  }
0x1d2: {  	s15 =	sadd.s32 $0x10, s12;
	s16 =	simm.s32 $0x480;
	[sflag:s10] =	ssyncadd.s32 $0xFFFFFF80  }
0x1d3: {  	[tilespmem:s16], [sflag:$0x4] =	stream.linear.gather [hbm4b:s15+s3], $0x80, $0x38;
	[tilespmem:$0xE000] =	vst v63  }
0x1d4: {  	_ =	swait.ge [sflag:s10], $0x80  }
0x1d5: {  	[sflag:s10] =	ssyncset.done $0x0  }
0x1d6: {  	s17 =	sadd.s32 $0x20, s12;
	s18 =	simm.s32 $0x500;
	[sflag:s10] =	ssyncadd.s32 $0xFFFFFF80  }
0x1d7: {  	[tilespmem:s18], [sflag:$0x4] =	stream.linear.gather [hbm4b:s17+s3], $0x80, $0x38;
	[tilespmem:$0xE000] =	vst v63  }
0x1d8: {  	_ =	swait.ge [sflag:s10], $0x80  }
0x1d9: {  	[sflag:s10] =	ssyncset.done $0x0  }
0x1da: {  	s20 =	simm.s32 $0x580;
	s19 =	sadd.s32 $0x30, s12;
	[sflag:s10] =	ssyncadd.s32 $0xFFFFFF80  }
0x1db: {  	[tilespmem:s20], [sflag:$0x4] =	stream.linear.gather [hbm4b:s19+s3], $0x80, $0x38;
	[tilespmem:$0xE000] =	vst v63  }
0x1dc: {  	_ =	swait.ge [sflag:s10], $0x80  }
0x1dd: {  	[sflag:s10] =	ssyncset.done $0x0  }
0x1de: {  	s23 =	simm.s32 $0x600;
	s22 =	sadd.s32 $0x40, s12;
	[sflag:s10] =	ssyncadd.s32 $0xFFFFFF80  }
0x1df: {  	[tilespmem:s23], [sflag:$0x4] =	stream.linear.gather [hbm4b:s22+s3], $0x80, $0x38;
	[tilespmem:$0xE000] =	vst v63  }
0x1e0: {  	_ =	swait.ge [sflag:s10], $0x80  }
0x1e1: {  	[sflag:s10] =	ssyncset.done $0x0  }
0x1e2: {  	s25 =	simm.s32 $0x680;
	s24 =	sadd.s32 $0x50, s12;
	[sflag:s10] =	ssyncadd.s32 $0xFFFFFF80  }
0x1e3: {  	[tilespmem:s25], [sflag:$0x4] =	stream.linear.gather [hbm4b:s24+s3], $0x80, $0x38;
	[tilespmem:$0xE000] =	vst v63  }
0x1e4: {  	_ =	swait.ge [sflag:s10], $0x80  }
0x1e5: {  	[sflag:s10] =	ssyncset.done $0x0  }
0x1e6: {  	s26 =	sadd.s32 $0x60, s12;
	s28 =	simm.s32 $0x700;
	[sflag:s10] =	ssyncadd.s32 $0xFFFFFF80  }
0x1e7: {  	[tilespmem:s28], [sflag:$0x4] =	stream.linear.gather [hbm4b:s26+s3], $0x80, $0x38;
	[tilespmem:$0xE000] =	vst v63  }
0x1e8: {  	_ =	swait.ge [sflag:s10], $0x80  }
0x1e9: {  	[sflag:s10] =	ssyncset.done $0x0  }
0x1ea: {  	s12 =	sadd.s32 $0x70, s12;
	s22 =	simm.s32 $0x780;
	[sflag:s10] =	ssyncadd.s32 $0xFFFFFF80  }
0x1eb: {  	[tilespmem:s22], [sflag:$0x4] =	stream.linear.gather [hbm4b:s12+s3], $0x80, $0x38;
	[tilespmem:$0xE000] =	vst v63  }
0x1ec: {  	_ =	swait.ge [sflag:s10], $0x80  }
0x1ed: {  	[sflag:s10] =	ssyncset.done $0x0  }
0x1ee: {  	s21 =	simm.s32 $0x5000;
	[sflag:s10] =	ssyncadd.s32 $0xFFFFFF80  }
0x1ef: {  	[tilespmem:s21], [sflag:$0x1] =	stream.indirect.gather [hbm4b:s4+s11], $0x10, s14, s11, $0xb8;
	[tilespmem:$0xE000] =	vst v63  }
0x1f0: {  	s14 =	simm.s32 $0x5800  }
0x1f1: {  	[tilespmem:s14], [sflag:$0x1] =	stream.indirect.gather [hbm4b:s4+s11], $0x10, s16, s11, $0xb8;
	[tilespmem:$0xE000] =	vst v63  }
0x1f2: {  	s15 =	simm.s32 $0x6000  }
0x1f3: {  	[tilespmem:s15], [sflag:$0x1] =	stream.indirect.gather [hbm4b:s4+s11], $0x10, s18, s11, $0xb8;
	[tilespmem:$0xE000] =	vst v63  }
0x1f4: {  	s16 =	simm.s32 $0x6800  }
0x1f5: {  	[tilespmem:s16], [sflag:$0x1] =	stream.indirect.gather [hbm4b:s4+s11], $0x10, s20, s11, $0xb8;
	[tilespmem:$0xE000] =	vst v63  }
0x1f6: {  	s17 =	simm.s32 $0x7000  }
0x1f7: {  	[tilespmem:s17], [sflag:$0x1] =	stream.indirect.gather [hbm4b:s4+s11], $0x10, s23, s11, $0xb8;
	[tilespmem:$0xE000] =	vst v63  }
0x1f8: {  	s18 =	simm.s32 $0x7800  }
0x1f9: {  	[tilespmem:s18], [sflag:$0x1] =	stream.indirect.gather [hbm4b:s4+s11], $0x10, s25, s11, $0xb8;
	[tilespmem:$0xE000] =	vst v63  }
0x1fa: {  	s19 =	simm.s32 $0x8000  }
0x1fb: {  	[tilespmem:s19], [sflag:$0x1] =	stream.indirect.gather [hbm4b:s4+s11], $0x10, s28, s11, $0xb8;
	[tilespmem:$0xE000] =	vst v63  }
0x1fc: {  	s23 =	rddreg [dreg:$0x4]  }
0x1fd: {  	[tilespmem:s30], [sflag:$0x1] =	stream.indirect.gather [hbm4b:s4+s11], $0x10, s22, s11, $0xb8;
	[tilespmem:$0xE000] =	vst v63  }
0x1fe: {  	s13 =	simm.s32 $0xC00;
	s12 =	sadd.s32 s7, s23  }
0x1ff: {  	[tilespmem:s13], [sflag:$0x4] =	stream.linear.gather [hbm4b:s12+s3], $0x80, $0x38;
	[tilespmem:$0xE000] =	vst v63  }
0x200: {  	_ =	swait.ge [sflag:s10], $0x80  }
0x201: {  	[sflag:s10] =	ssyncset.done $0x0  }
0x202: {  	s20 =	simm.s32 $0xC80;
	s24 =	sadd.s32 $0x10, s12;
	[sflag:s10] =	ssyncadd.s32 $0xFFFFFF80  }
0x203: {  	[tilespmem:s20], [sflag:$0x4] =	stream.linear.gather [hbm4b:s24+s3], $0x80, $0x38;
	[tilespmem:$0xE000] =	vst v63  }
0x204: {  	_ =	swait.ge [sflag:s10], $0x80  }
0x205: {  	[sflag:s10] =	ssyncset.done $0x0  }
0x206: {  	s25 =	sadd.s32 $0x20, s12;
	s22 =	simm.s32 $0xD00;
	[sflag:s10] =	ssyncadd.s32 $0xFFFFFF80  }
0x207: {  	[tilespmem:s22], [sflag:$0x4] =	stream.linear.gather [hbm4b:s25+s3], $0x80, $0x38;
	[tilespmem:$0xE000] =	vst v63  }
0x208: {  	_ =	swait.ge [sflag:s10], $0x80  }
0x209: {  	[sflag:s10] =	ssyncset.done $0x0  }
0x20a: {  	s23 =	simm.s32 $0xD80;
	s26 =	sadd.s32 $0x30, s12;
	[sflag:s10] =	ssyncadd.s32 $0xFFFFFF80  }
0x20b: {  	[tilespmem:s23], [sflag:$0x4] =	stream.linear.gather [hbm4b:s26+s3], $0x80, $0x38;
	[tilespmem:$0xE000] =	vst v63  }
0x20c: {  	_ =	swait.ge [sflag:s10], $0x80  }
0x20d: {  	[sflag:s10] =	ssyncset.done $0x0  }
0x20e: {  	s28 =	sadd.s32 $0x40, s12;
	s24 =	simm.s32 $0xE00;
	[sflag:s10] =	ssyncadd.s32 $0xFFFFFF80  }
0x20f: {  	[tilespmem:s24], [sflag:$0x4] =	stream.linear.gather [hbm4b:s28+s3], $0x80, $0x38;
	[tilespmem:$0xE000] =	vst v63  }
0x210: {  	_ =	swait.ge [sflag:s10], $0x80  }
0x211: {  	[sflag:s10] =	ssyncset.done $0x0  }
0x212: {  	s25 =	sadd.s32 $0x50, s12;
	[sflag:s10] =	ssyncadd.s32 $0xFFFFFF80  }
0x213: {  	[tilespmem:s31], [sflag:$0x4] =	stream.linear.gather [hbm4b:s25+s3], $0x80, $0x38;
	[tilespmem:$0xE000] =	vst v63  }
0x214: {  	_ =	swait.ge [sflag:s10], $0x80  }
0x215: {  	[sflag:s10] =	ssyncset.done $0x0  }
0x216: {  	s26 =	sadd.s32 $0x60, s12;
	[sflag:s10] =	ssyncadd.s32 $0xFFFFFF80  }
0x217: {  	[tilespmem:s1], [sflag:$0x4] =	stream.linear.gather [hbm4b:s26+s3], $0x80, $0x38;
	[tilespmem:$0xE000] =	vst v63  }
0x218: {  	_ =	swait.ge [sflag:s10], $0x80  }
0x219: {  	[sflag:s10] =	ssyncset.done $0x0  }
0x21a: {  	s28 =	sadd.s32 $0x70, s12;
	[sflag:s10] =	ssyncadd.s32 $0xFFFFFF80  }
0x21b: {  	[tilespmem:s0], [sflag:$0x4] =	stream.linear.gather [hbm4b:s28+s3], $0x80, $0x38;
	[tilespmem:$0xE000] =	vst v63  }
0x21c: {  	_ =	swait.ge [sflag:s10], $0x80  }
0x21d: {  	[sflag:s10] =	ssyncset.done $0x0  }
0x21e: {  	[sflag:s10] =	ssyncadd.s32 $0xFFFFFF80  }
0x21f: {  	_ =	swait.ge [sflag:s9], $0x800  }
0x220: {  	[sflag:s9] =	ssyncset.done $0x0  }
0x221: {  	[sflag:s9] =	ssyncadd.s32 $0xFFFFF800  }
0x222: {  	_ =	swait.ge [sflag:s9], $0x800  }
0x223: {  	[sflag:s9] =	ssyncset.done $0x0  }
0x224: {  	[sflag:s9] =	ssyncadd.s32 $0xFFFFF800  }
0x225: {  	_ =	swait.ge [sflag:s9], $0x800  }
0x226: {  	[sflag:s9] =	ssyncset.done $0x0  }
0x227: {  	[sflag:s9] =	ssyncadd.s32 $0xFFFFF800  }
0x228: {  	_ =	swait.ge [sflag:s9], $0x800  }
0x229: {  	[sflag:s9] =	ssyncset.done $0x0  }
0x22a: {  	[sflag:s9] =	ssyncadd.s32 $0xFFFFF800  }
0x22b: {  	_ =	swait.ge [sflag:s9], $0x800  }
0x22c: {  	[sflag:s9] =	ssyncset.done $0x0  }
0x22d: {  	[sflag:s9] =	ssyncadd.s32 $0xFFFFF800  }
0x22e: {  	_ =	swait.ge [sflag:s9], $0x800  }
0x22f: {  	[sflag:s9] =	ssyncset.done $0x0  }
0x230: {  	[sflag:s9] =	ssyncadd.s32 $0xFFFFF800  }
0x231: {  	_ =	swait.ge [sflag:s9], $0x800  }
0x232: {  	[sflag:s9] =	ssyncset.done $0x0  }
0x233: {  	[sflag:s9] =	ssyncadd.s32 $0xFFFFF800  }
0x234: {  	_ =	swait.ge [sflag:s9], $0x800  }
0x235: {  	[sflag:s9] =	ssyncset.done $0x0  }
0x236: {  	[sflag:s9] =	ssyncadd.s32 $0xFFFFF800  }
0x237: {  	_ =	swait.ge [sflag:s5], $0x800  }
0x238: {  	[sflag:s5] =	ssyncset.done $0x0  }
0x239: {  	[sflag:s5] =	ssyncadd.s32 $0xFFFFF800  }
0x23a: {  	_ =	swait.ge [sflag:s5], $0x800  }
0x23b: {  	[sflag:s5] =	ssyncset.done $0x0  }
0x23c: {  	[sflag:s5] =	ssyncadd.s32 $0xFFFFF800  }
0x23d: {  	_ =	swait.ge [sflag:s5], $0x800  }
0x23e: {  	[sflag:s5] =	ssyncset.done $0x0  }
0x23f: {  	[sflag:s5] =	ssyncadd.s32 $0xFFFFF800  }
0x240: {  	_ =	swait.ge [sflag:s5], $0x800  }
0x241: {  	[sflag:s5] =	ssyncset.done $0x0  }
0x242: {  	[sflag:s5] =	ssyncadd.s32 $0xFFFFF800  }
0x243: {  	_ =	swait.ge [sflag:s5], $0x800  }
0x244: {  	[sflag:s5] =	ssyncset.done $0x0  }
0x245: {  	[sflag:s5] =	ssyncadd.s32 $0xFFFFF800  }
0x246: {  	_ =	swait.ge [sflag:s5], $0x800  }
0x247: {  	[sflag:s5] =	ssyncset.done $0x0  }
0x248: {  	[sflag:s5] =	ssyncadd.s32 $0xFFFFF800  }
0x249: {  	_ =	swait.ge [sflag:s5], $0x800  }
0x24a: {  	[sflag:s5] =	ssyncset.done $0x0  }
0x24b: {  	[sflag:s5] =	ssyncadd.s32 $0xFFFFF800  }
0x24c: {  	_ =	swait.ge [sflag:s5], $0x800  }
0x24d: {  	[sflag:s5] =	ssyncset.done $0x0  }
0x24e: {  	[sflag:s5] =	ssyncadd.s32 $0xFFFFF800  }
0x24f: {  	[spmem:s2] =	stream.indirect.scatter.add.f32 [tilespmem:s21], [sflag:$0x3], $0x10, s13, s11, $0xb8;
	[tilespmem:$0xE000] =	vst v63  }
0x250: {  	_ = 	snop  }
0x251: {  	[spmem:s2] =	stream.indirect.scatter.add.f32 [tilespmem:s14], [sflag:$0x3], $0x10, s20, s11, $0xb8;
	[tilespmem:$0xE000] =	vst v63  }
0x252: {  	_ = 	snop  }
0x253: {  	[spmem:s2] =	stream.indirect.scatter.add.f32 [tilespmem:s15], [sflag:$0x3], $0x10, s22, s11, $0xb8;
	[tilespmem:$0xE000] =	vst v63  }
0x254: {  	s6 =	smov.u32 s8;
	s8 =	sadd.s32 $0x100, s8  }
0x255: {  	[spmem:s2] =	stream.indirect.scatter.add.f32 [tilespmem:s16], [sflag:$0x3], $0x10, s23, s11, $0xb8;
	[tilespmem:$0xE000] =	vst v63  }
0x256: {  	p0 =	sne.s32 s8, $0x500  }
0x257: {  	[spmem:s2] =	stream.indirect.scatter.add.f32 [tilespmem:s17], [sflag:$0x3], $0x10, s24, s11, $0xb8;
	[tilespmem:$0xE000] =	vst v63  }
.Ltmp0:
0x258: {  	_ = 	snop;
	(pc) =	sbr.rel @p0 .LBB2_2-.Ltmp0, $4  }
0x259: {  	_ = 	snop  }
0x25a: {  	[spmem:s2] =	stream.indirect.scatter.add.f32 [tilespmem:s18], [sflag:$0x3], $0x10, s31, s11, $0xb8;
	[tilespmem:$0xE000] =	vst v63  }
0x25b: {  	s7 =	smov.u32 s6;
	s6 =	rddreg [dreg:$0x5]  }
0x25c: {  	[spmem:s2] =	stream.indirect.scatter.add.f32 [tilespmem:s19], [sflag:$0x3], $0x10, s1, s11, $0xb8;
	[tilespmem:$0xE000] =	vst v63  }
0x25d: {  	s28 =	simm.s32 $0x8800  }
0x25e: {  	[spmem:s2] =	stream.indirect.scatter.add.f32 [tilespmem:s28], [sflag:$0x3], $0x10, s0, s11, $0xb8;
	[tilespmem:$0xE000] =	vst v63  }
0x25f: {  	s6 =	sadd.s32 s7, s6  }
0x260: {  	[tilespmem:s3], [sflag:$0x4] =	stream.linear.gather [hbm4b:s6+s3], $0x80, $0x38;
	[tilespmem:$0xE000] =	vst v63  }
0x261: {  	_ =	swait.ge [sflag:s10], $0x80  }
0x262: {  	[sflag:s10] =	ssyncset.done $0x0  }
0x263: {  	s8 =	sadd.s32 $0x10, s6;
	[sflag:s10] =	ssyncadd.s32 $0xFFFFFF80  }
0x264: {  	[tilespmem:s11], [sflag:$0x4] =	stream.linear.gather [hbm4b:s8+s3], $0x80, $0x38;
	[tilespmem:$0xE000] =	vst v63  }
0x265: {  	_ =	swait.ge [sflag:s10], $0x80  }
0x266: {  	[sflag:s10] =	ssyncset.done $0x0  }
0x267: {  	s12 =	simm.s32 $0x100;
	s15 =	sadd.s32 $0x20, s6;
	[sflag:s10] =	ssyncadd.s32 $0xFFFFFF80  }
0x268: {  	[tilespmem:s12], [sflag:$0x4] =	stream.linear.gather [hbm4b:s15+s3], $0x80, $0x38;
	[tilespmem:$0xE000] =	vst v63  }
0x269: {  	_ =	swait.ge [sflag:s10], $0x80  }
0x26a: {  	[sflag:s10] =	ssyncset.done $0x0  }
0x26b: {  	s13 =	simm.s32 $0x180;
	s16 =	sadd.s32 $0x30, s6;
	[sflag:s10] =	ssyncadd.s32 $0xFFFFFF80  }
0x26c: {  	[tilespmem:s13], [sflag:$0x4] =	stream.linear.gather [hbm4b:s16+s3], $0x80, $0x38;
	[tilespmem:$0xE000] =	vst v63  }
0x26d: {  	_ =	swait.ge [sflag:s10], $0x80  }
0x26e: {  	[sflag:s10] =	ssyncset.done $0x0  }
0x26f: {  	s14 =	simm.s32 $0x200;
	s17 =	sadd.s32 $0x40, s6;
	[sflag:s10] =	ssyncadd.s32 $0xFFFFFF80  }
0x270: {  	[tilespmem:s14], [sflag:$0x4] =	stream.linear.gather [hbm4b:s17+s3], $0x80, $0x38;
	[tilespmem:$0xE000] =	vst v63  }
0x271: {  	_ =	swait.ge [sflag:s10], $0x80  }
0x272: {  	[sflag:s10] =	ssyncset.done $0x0  }
0x273: {  	s18 =	sadd.s32 $0x50, s6;
	s15 =	simm.s32 $0x280;
	[sflag:s10] =	ssyncadd.s32 $0xFFFFFF80  }
0x274: {  	[tilespmem:s15], [sflag:$0x4] =	stream.linear.gather [hbm4b:s18+s3], $0x80, $0x38;
	[tilespmem:$0xE000] =	vst v63  }
0x275: {  	_ =	swait.ge [sflag:s10], $0x80  }
0x276: {  	[sflag:s10] =	ssyncset.done $0x0  }
0x277: {  	s19 =	sadd.s32 $0x60, s6;
	s16 =	simm.s32 $0x300;
	[sflag:s10] =	ssyncadd.s32 $0xFFFFFF80  }
0x278: {  	[tilespmem:s16], [sflag:$0x4] =	stream.linear.gather [hbm4b:s19+s3], $0x80, $0x38;
	[tilespmem:$0xE000] =	vst v63  }
0x279: {  	_ =	swait.ge [sflag:s10], $0x80  }
0x27a: {  	[sflag:s10] =	ssyncset.done $0x0  }
0x27b: {  	s20 =	simm.s32 $0x380;
	s6 =	sadd.s32 $0x70, s6;
	[sflag:s10] =	ssyncadd.s32 $0xFFFFFF80  }
0x27c: {  	[tilespmem:s20], [sflag:$0x4] =	stream.linear.gather [hbm4b:s6+s3], $0x80, $0x38;
	[tilespmem:$0xE000] =	vst v63  }
0x27d: {  	_ =	swait.ge [sflag:s10], $0x80  }
0x27e: {  	[sflag:s10] =	ssyncset.done $0x0  }
0x27f: {  	s17 =	simm.s32 $0x1000;
	[sflag:s10] =	ssyncadd.s32 $0xFFFFFF80  }
0x280: {  	[tilespmem:s17], [sflag:$0x1] =	stream.indirect.gather [hbm4b:s4+s11], $0x10, s3, s11, $0xb8;
	[tilespmem:$0xE000] =	vst v63  }
0x281: {  	s18 =	simm.s32 $0x1800  }
0x282: {  	[tilespmem:s18], [sflag:$0x1] =	stream.indirect.gather [hbm4b:s4+s11], $0x10, s11, s11, $0xb8;
	[tilespmem:$0xE000] =	vst v63  }
0x283: {  	s19 =	simm.s32 $0x2000  }
0x284: {  	[tilespmem:s19], [sflag:$0x1] =	stream.indirect.gather [hbm4b:s4+s11], $0x10, s12, s11, $0xb8;
	[tilespmem:$0xE000] =	vst v63  }
0x285: {  	s12 =	simm.s32 $0x2800  }
0x286: {  	[tilespmem:s12], [sflag:$0x1] =	stream.indirect.gather [hbm4b:s4+s11], $0x10, s13, s11, $0xb8;
	[tilespmem:$0xE000] =	vst v63  }
0x287: {  	s13 =	simm.s32 $0x3000  }
0x288: {  	[tilespmem:s13], [sflag:$0x1] =	stream.indirect.gather [hbm4b:s4+s11], $0x10, s14, s11, $0xb8;
	[tilespmem:$0xE000] =	vst v63  }
0x289: {  	s14 =	simm.s32 $0x3800  }
0x28a: {  	[tilespmem:s14], [sflag:$0x1] =	stream.indirect.gather [hbm4b:s4+s11], $0x10, s15, s11, $0xb8;
	[tilespmem:$0xE000] =	vst v63  }
0x28b: {  	s15 =	simm.s32 $0x4000  }
0x28c: {  	[tilespmem:s15], [sflag:$0x1] =	stream.indirect.gather [hbm4b:s4+s11], $0x10, s16, s11, $0xb8;
	[tilespmem:$0xE000] =	vst v63  }
0x28d: {  	s21 =	rddreg [dreg:$0x6];
	s16 =	simm.s32 $0x4800  }
0x28e: {  	[tilespmem:s16], [sflag:$0x1] =	stream.indirect.gather [hbm4b:s4+s11], $0x10, s20, s11, $0xb8;
	[tilespmem:$0xE000] =	vst v63  }
0x28f: {  	s6 =	sadd.s32 s7, s21;
	s20 =	simm.s32 $0x800  }
0x290: {  	[tilespmem:s20], [sflag:$0x4] =	stream.linear.gather [hbm4b:s6+s3], $0x80, $0x38;
	[tilespmem:$0xE000] =	vst v63  }
0x291: {  	_ =	swait.ge [sflag:s10], $0x80  }
0x292: {  	[sflag:s10] =	ssyncset.done $0x0  }
0x293: {  	s21 =	simm.s32 $0x880;
	s22 =	sadd.s32 $0x10, s6;
	[sflag:s10] =	ssyncadd.s32 $0xFFFFFF80  }
0x294: {  	[tilespmem:s21], [sflag:$0x4] =	stream.linear.gather [hbm4b:s22+s3], $0x80, $0x38;
	[tilespmem:$0xE000] =	vst v63  }
0x295: {  	_ =	swait.ge [sflag:s10], $0x80  }
0x296: {  	[sflag:s10] =	ssyncset.done $0x0  }
0x297: {  	s23 =	sadd.s32 $0x20, s6;
	s22 =	simm.s32 $0x900;
	[sflag:s10] =	ssyncadd.s32 $0xFFFFFF80  }
0x298: {  	[tilespmem:s22], [sflag:$0x4] =	stream.linear.gather [hbm4b:s23+s3], $0x80, $0x38;
	[tilespmem:$0xE000] =	vst v63  }
0x299: {  	_ =	swait.ge [sflag:s10], $0x80  }
0x29a: {  	[sflag:s10] =	ssyncset.done $0x0  }
0x29b: {  	s24 =	sadd.s32 $0x30, s6;
	s23 =	simm.s32 $0x980;
	[sflag:s10] =	ssyncadd.s32 $0xFFFFFF80  }
0x29c: {  	[tilespmem:s23], [sflag:$0x4] =	stream.linear.gather [hbm4b:s24+s3], $0x80, $0x38;
	[tilespmem:$0xE000] =	vst v63  }
0x29d: {  	_ =	swait.ge [sflag:s10], $0x80  }
0x29e: {  	[sflag:s10] =	ssyncset.done $0x0  }
0x29f: {  	s25 =	sadd.s32 $0x40, s6;
	s24 =	simm.s32 $0xA00;
	[sflag:s10] =	ssyncadd.s32 $0xFFFFFF80  }
0x2a0: {  	[tilespmem:s24], [sflag:$0x4] =	stream.linear.gather [hbm4b:s25+s3], $0x80, $0x38;
	[tilespmem:$0xE000] =	vst v63  }
0x2a1: {  	_ =	swait.ge [sflag:s10], $0x80  }
0x2a2: {  	[sflag:s10] =	ssyncset.done $0x0  }
0x2a3: {  	s26 =	sadd.s32 $0x50, s6;
	s25 =	simm.s32 $0xA80;
	[sflag:s10] =	ssyncadd.s32 $0xFFFFFF80  }
0x2a4: {  	[tilespmem:s25], [sflag:$0x4] =	stream.linear.gather [hbm4b:s26+s3], $0x80, $0x38;
	[tilespmem:$0xE000] =	vst v63  }
0x2a5: {  	_ =	swait.ge [sflag:s10], $0x80  }
0x2a6: {  	[sflag:s10] =	ssyncset.done $0x0  }
0x2a7: {  	s8 =	sadd.s32 $0x60, s6;
	s26 =	simm.s32 $0xB00;
	[sflag:s10] =	ssyncadd.s32 $0xFFFFFF80  }
0x2a8: {  	[tilespmem:s26], [sflag:$0x4] =	stream.linear.gather [hbm4b:s8+s3], $0x80, $0x38;
	[tilespmem:$0xE000] =	vst v63  }
0x2a9: {  	_ =	swait.ge [sflag:s10], $0x80  }
0x2aa: {  	[sflag:s10] =	ssyncset.done $0x0  }
0x2ab: {  	s6 =	sadd.s32 $0x70, s6;
	s8 =	simm.s32 $0xB80;
	[sflag:s10] =	ssyncadd.s32 $0xFFFFFF80  }
0x2ac: {  	[tilespmem:s8], [sflag:$0x4] =	stream.linear.gather [hbm4b:s6+s3], $0x80, $0x38;
	[tilespmem:$0xE000] =	vst v63  }
0x2ad: {  	_ =	swait.ge [sflag:s10], $0x80  }
0x2ae: {  	[sflag:s10] =	ssyncset.done $0x0  }
0x2af: {  	[sflag:s10] =	ssyncadd.s32 $0xFFFFFF80  }
0x2b0: {  	_ =	swait.ge [sflag:s9], $0x800  }
0x2b1: {  	[sflag:s9] =	ssyncset.done $0x0  }
0x2b2: {  	[sflag:s9] =	ssyncadd.s32 $0xFFFFF800  }
0x2b3: {  	_ =	swait.ge [sflag:s9], $0x800  }
0x2b4: {  	[sflag:s9] =	ssyncset.done $0x0  }
0x2b5: {  	[sflag:s9] =	ssyncadd.s32 $0xFFFFF800  }
0x2b6: {  	_ =	swait.ge [sflag:s9], $0x800  }
0x2b7: {  	[sflag:s9] =	ssyncset.done $0x0  }
0x2b8: {  	[sflag:s9] =	ssyncadd.s32 $0xFFFFF800  }
0x2b9: {  	_ =	swait.ge [sflag:s9], $0x800  }
0x2ba: {  	[sflag:s9] =	ssyncset.done $0x0  }
0x2bb: {  	[sflag:s9] =	ssyncadd.s32 $0xFFFFF800  }
0x2bc: {  	_ =	swait.ge [sflag:s9], $0x800  }
0x2bd: {  	[sflag:s9] =	ssyncset.done $0x0  }
0x2be: {  	[sflag:s9] =	ssyncadd.s32 $0xFFFFF800  }
0x2bf: {  	_ =	swait.ge [sflag:s9], $0x800  }
0x2c0: {  	[sflag:s9] =	ssyncset.done $0x0  }
0x2c1: {  	[sflag:s9] =	ssyncadd.s32 $0xFFFFF800  }
0x2c2: {  	_ =	swait.ge [sflag:s9], $0x800  }
0x2c3: {  	[sflag:s9] =	ssyncset.done $0x0  }
0x2c4: {  	[sflag:s9] =	ssyncadd.s32 $0xFFFFF800  }
0x2c5: {  	_ =	swait.ge [sflag:s9], $0x800  }
0x2c6: {  	p0 =	seq.s32 s7, $0x0;
	[sflag:s9] =	ssyncset.done $0x0  }
0x2c7: {  	s6 =	simm.s32 @!p0 $0x3;
	[sflag:s9] =	ssyncadd.s32 $0xFFFFF800  }
0x2c8: {  	_ =	swait.ge @!p0 [sflag:s6], $0x800  }
0x2c9: {  	[sflag:s6] =	ssyncset.done @!p0 $0x0  }
0x2ca: {  	[sflag:s6] =	ssyncadd.s32 @!p0 $0xFFFFF800  }
0x2cb: {  	_ =	swait.ge @!p0 [sflag:s6], $0x800  }
0x2cc: {  	[sflag:s6] =	ssyncset.done @!p0 $0x0  }
0x2cd: {  	[sflag:s6] =	ssyncadd.s32 @!p0 $0xFFFFF800  }
0x2ce: {  	_ =	swait.ge @!p0 [sflag:s6], $0x800  }
0x2cf: {  	[sflag:s6] =	ssyncset.done @!p0 $0x0  }
0x2d0: {  	[sflag:s6] =	ssyncadd.s32 @!p0 $0xFFFFF800  }
0x2d1: {  	_ =	swait.ge @!p0 [sflag:s6], $0x800  }
0x2d2: {  	[sflag:s6] =	ssyncset.done @!p0 $0x0  }
0x2d3: {  	[sflag:s6] =	ssyncadd.s32 @!p0 $0xFFFFF800  }
0x2d4: {  	_ =	swait.ge @!p0 [sflag:s6], $0x800  }
0x2d5: {  	[sflag:s6] =	ssyncset.done @!p0 $0x0  }
0x2d6: {  	[sflag:s6] =	ssyncadd.s32 @!p0 $0xFFFFF800  }
0x2d7: {  	_ =	swait.ge @!p0 [sflag:s6], $0x800  }
0x2d8: {  	[sflag:s6] =	ssyncset.done @!p0 $0x0  }
0x2d9: {  	[sflag:s6] =	ssyncadd.s32 @!p0 $0xFFFFF800  }
0x2da: {  	_ =	swait.ge @!p0 [sflag:s6], $0x800  }
0x2db: {  	[sflag:s6] =	ssyncset.done @!p0 $0x0  }
0x2dc: {  	[sflag:s6] =	ssyncadd.s32 @!p0 $0xFFFFF800  }
0x2dd: {  	_ =	swait.ge @!p0 [sflag:s6], $0x800  }
0x2de: {  	[sflag:s6] =	ssyncset.done @!p0 $0x0  }
0x2df: {  	[sflag:s6] =	ssyncadd.s32 @!p0 $0xFFFFF800  }
0x2e0: {  	[spmem:s2] =	stream.indirect.scatter.add.f32 [tilespmem:s17], [sflag:$0x2], $0x10, s20, s11, $0xb8;
	[tilespmem:$0xE000] =	vst v63  }
0x2e1: {  	_ = 	snop  }
0x2e2: {  	[spmem:s2] =	stream.indirect.scatter.add.f32 [tilespmem:s18], [sflag:$0x2], $0x10, s21, s11, $0xb8;
	[tilespmem:$0xE000] =	vst v63  }
0x2e3: {  	_ = 	snop  }
0x2e4: {  	[spmem:s2] =	stream.indirect.scatter.add.f32 [tilespmem:s19], [sflag:$0x2], $0x10, s22, s11, $0xb8;
	[tilespmem:$0xE000] =	vst v63  }
0x2e5: {  	_ = 	snop  }
0x2e6: {  	[spmem:s2] =	stream.indirect.scatter.add.f32 [tilespmem:s12], [sflag:$0x2], $0x10, s23, s11, $0xb8;
	[tilespmem:$0xE000] =	vst v63  }
0x2e7: {  	_ = 	snop  }
0x2e8: {  	[spmem:s2] =	stream.indirect.scatter.add.f32 [tilespmem:s13], [sflag:$0x2], $0x10, s24, s11, $0xb8;
	[tilespmem:$0xE000] =	vst v63  }
0x2e9: {  	_ = 	snop  }
0x2ea: {  	[spmem:s2] =	stream.indirect.scatter.add.f32 [tilespmem:s14], [sflag:$0x2], $0x10, s25, s11, $0xb8;
	[tilespmem:$0xE000] =	vst v63  }
0x2eb: {  	_ = 	snop  }
0x2ec: {  	[spmem:s2] =	stream.indirect.scatter.add.f32 [tilespmem:s15], [sflag:$0x2], $0x10, s26, s11, $0xb8;
	[tilespmem:$0xE000] =	vst v63  }
0x2ed: {  	s12 =	rddreg [dreg:$0x3]  }
0x2ee: {  	[spmem:s2] =	stream.indirect.scatter.add.f32 [tilespmem:s16], [sflag:$0x2], $0x10, s8, s11, $0xb8;
	[tilespmem:$0xE000] =	vst v63  }
0x2ef: {  	s6 =	sadd.s32 s7, s12;
	s12 =	simm.s32 $0x400  }
0x2f0: {  	[tilespmem:s12], [sflag:$0x4] =	stream.linear.gather [hbm4b:s6+s3], $0x80, $0x38;
	[tilespmem:$0xE000] =	vst v63  }
0x2f1: {  	_ =	swait.ge [sflag:s10], $0x80  }
0x2f2: {  	[sflag:s10] =	ssyncset.done $0x0  }
0x2f3: {  	s13 =	sadd.s32 $0x10, s6;
	s14 =	simm.s32 $0x480;
	[sflag:s10] =	ssyncadd.s32 $0xFFFFFF80  }
0x2f4: {  	[tilespmem:s14], [sflag:$0x4] =	stream.linear.gather [hbm4b:s13+s3], $0x80, $0x38;
	[tilespmem:$0xE000] =	vst v63  }
0x2f5: {  	_ =	swait.ge [sflag:s10], $0x80  }
0x2f6: {  	[sflag:s10] =	ssyncset.done $0x0  }
0x2f7: {  	s25 =	sadd.s32 $0x20, s6;
	s26 =	simm.s32 $0x500;
	[sflag:s10] =	ssyncadd.s32 $0xFFFFFF80  }
0x2f8: {  	[tilespmem:s26], [sflag:$0x4] =	stream.linear.gather [hbm4b:s25+s3], $0x80, $0x38;
	[tilespmem:$0xE000] =	vst v63  }
0x2f9: {  	_ =	swait.ge [sflag:s10], $0x80  }
0x2fa: {  	[sflag:s10] =	ssyncset.done $0x0  }
0x2fb: {  	s15 =	sadd.s32 $0x30, s6;
	s16 =	simm.s32 $0x580;
	[sflag:s10] =	ssyncadd.s32 $0xFFFFFF80  }
0x2fc: {  	[tilespmem:s16], [sflag:$0x4] =	stream.linear.gather [hbm4b:s15+s3], $0x80, $0x38;
	[tilespmem:$0xE000] =	vst v63  }
0x2fd: {  	_ =	swait.ge [sflag:s10], $0x80  }
0x2fe: {  	[sflag:s10] =	ssyncset.done $0x0  }
0x2ff: {  	s18 =	simm.s32 $0x600;
	s17 =	sadd.s32 $0x40, s6;
	[sflag:s10] =	ssyncadd.s32 $0xFFFFFF80  }
0x300: {  	[tilespmem:s18], [sflag:$0x4] =	stream.linear.gather [hbm4b:s17+s3], $0x80, $0x38;
	[tilespmem:$0xE000] =	vst v63  }
0x301: {  	_ =	swait.ge [sflag:s10], $0x80  }
0x302: {  	[sflag:s10] =	ssyncset.done $0x0  }
0x303: {  	s21 =	simm.s32 $0x680;
	s20 =	sadd.s32 $0x50, s6;
	[sflag:s10] =	ssyncadd.s32 $0xFFFFFF80  }
0x304: {  	[tilespmem:s21], [sflag:$0x4] =	stream.linear.gather [hbm4b:s20+s3], $0x80, $0x38;
	[tilespmem:$0xE000] =	vst v63  }
0x305: {  	_ =	swait.ge [sflag:s10], $0x80  }
0x306: {  	[sflag:s10] =	ssyncset.done $0x0  }
0x307: {  	s23 =	simm.s32 $0x700;
	s22 =	sadd.s32 $0x60, s6;
	[sflag:s10] =	ssyncadd.s32 $0xFFFFFF80  }
0x308: {  	[tilespmem:s23], [sflag:$0x4] =	stream.linear.gather [hbm4b:s22+s3], $0x80, $0x38;
	[tilespmem:$0xE000] =	vst v63  }
0x309: {  	_ =	swait.ge [sflag:s10], $0x80  }
0x30a: {  	[sflag:s10] =	ssyncset.done $0x0  }
0x30b: {  	s24 =	simm.s32 $0x780;
	s6 =	sadd.s32 $0x70, s6;
	[sflag:s10] =	ssyncadd.s32 $0xFFFFFF80  }
0x30c: {  	[tilespmem:s24], [sflag:$0x4] =	stream.linear.gather [hbm4b:s6+s3], $0x80, $0x38;
	[tilespmem:$0xE000] =	vst v63  }
0x30d: {  	_ =	swait.ge [sflag:s10], $0x80  }
0x30e: {  	[sflag:s10] =	ssyncset.done $0x0  }
0x30f: {  	s19 =	simm.s32 $0x5000;
	[sflag:s10] =	ssyncadd.s32 $0xFFFFFF80  }
0x310: {  	[tilespmem:s19], [sflag:$0x1] =	stream.indirect.gather [hbm4b:s4+s11], $0x10, s12, s11, $0xb8;
	[tilespmem:$0xE000] =	vst v63  }
0x311: {  	s12 =	simm.s32 $0x5800  }
0x312: {  	[tilespmem:s12], [sflag:$0x1] =	stream.indirect.gather [hbm4b:s4+s11], $0x10, s14, s11, $0xb8;
	[tilespmem:$0xE000] =	vst v63  }
0x313: {  	s13 =	simm.s32 $0x6000  }
0x314: {  	[tilespmem:s13], [sflag:$0x1] =	stream.indirect.gather [hbm4b:s4+s11], $0x10, s26, s11, $0xb8;
	[tilespmem:$0xE000] =	vst v63  }
0x315: {  	s14 =	simm.s32 $0x6800  }
0x316: {  	[tilespmem:s14], [sflag:$0x1] =	stream.indirect.gather [hbm4b:s4+s11], $0x10, s16, s11, $0xb8;
	[tilespmem:$0xE000] =	vst v63  }
0x317: {  	s15 =	simm.s32 $0x7000  }
0x318: {  	[tilespmem:s15], [sflag:$0x1] =	stream.indirect.gather [hbm4b:s4+s11], $0x10, s18, s11, $0xb8;
	[tilespmem:$0xE000] =	vst v63  }
0x319: {  	s16 =	simm.s32 $0x7800  }
0x31a: {  	[tilespmem:s16], [sflag:$0x1] =	stream.indirect.gather [hbm4b:s4+s11], $0x10, s21, s11, $0xb8;
	[tilespmem:$0xE000] =	vst v63  }
0x31b: {  	s17 =	simm.s32 $0x8000  }
0x31c: {  	[tilespmem:s17], [sflag:$0x1] =	stream.indirect.gather [hbm4b:s4+s11], $0x10, s23, s11, $0xb8;
	[tilespmem:$0xE000] =	vst v63  }
0x31d: {  	s25 =	rddreg [dreg:$0x4]  }
0x31e: {  	[tilespmem:s28], [sflag:$0x1] =	stream.indirect.gather [hbm4b:s4+s11], $0x10, s24, s11, $0xb8;
	[tilespmem:$0xE000] =	vst v63  }
0x31f: {  	s8 =	simm.s32 $0xC00;
	s6 =	sadd.s32 s7, s25  }
0x320: {  	[tilespmem:s8], [sflag:$0x4] =	stream.linear.gather [hbm4b:s6+s3], $0x80, $0x38;
	[tilespmem:$0xE000] =	vst v63  }
0x321: {  	_ =	swait.ge [sflag:s10], $0x80  }
0x322: {  	[sflag:s10] =	ssyncset.done $0x0  }
0x323: {  	s7 =	sadd.s32 $0x10, s6;
	s18 =	simm.s32 $0xC80;
	[sflag:s10] =	ssyncadd.s32 $0xFFFFFF80  }
0x324: {  	[tilespmem:s18], [sflag:$0x4] =	stream.linear.gather [hbm4b:s7+s3], $0x80, $0x38;
	[tilespmem:$0xE000] =	vst v63  }
0x325: {  	_ =	swait.ge [sflag:s10], $0x80  }
0x326: {  	[sflag:s10] =	ssyncset.done $0x0  }
0x327: {  	s20 =	simm.s32 $0xD00;
	s26 =	sadd.s32 $0x20, s6;
	[sflag:s10] =	ssyncadd.s32 $0xFFFFFF80  }
0x328: {  	[tilespmem:s20], [sflag:$0x4] =	stream.linear.gather [hbm4b:s26+s3], $0x80, $0x38;
	[tilespmem:$0xE000] =	vst v63  }
0x329: {  	_ =	swait.ge [sflag:s10], $0x80  }
0x32a: {  	[sflag:s10] =	ssyncset.done $0x0  }
0x32b: {  	s22 =	simm.s32 $0xD80;
	s21 =	sadd.s32 $0x30, s6;
	[sflag:s10] =	ssyncadd.s32 $0xFFFFFF80  }
0x32c: {  	[tilespmem:s22], [sflag:$0x4] =	stream.linear.gather [hbm4b:s21+s3], $0x80, $0x38;
	[tilespmem:$0xE000] =	vst v63  }
0x32d: {  	_ =	swait.ge [sflag:s10], $0x80  }
0x32e: {  	[sflag:s10] =	ssyncset.done $0x0  }
0x32f: {  	s23 =	sadd.s32 $0x40, s6;
	s24 =	simm.s32 $0xE00;
	[sflag:s10] =	ssyncadd.s32 $0xFFFFFF80  }
0x330: {  	[tilespmem:s24], [sflag:$0x4] =	stream.linear.gather [hbm4b:s23+s3], $0x80, $0x38;
	[tilespmem:$0xE000] =	vst v63  }
0x331: {  	_ =	swait.ge [sflag:s10], $0x80  }
0x332: {  	[sflag:s10] =	ssyncset.done $0x0  }
0x333: {  	s25 =	sadd.s32 $0x50, s6;
	[sflag:s10] =	ssyncadd.s32 $0xFFFFFF80  }
0x334: {  	[tilespmem:s31], [sflag:$0x4] =	stream.linear.gather [hbm4b:s25+s3], $0x80, $0x38;
	[tilespmem:$0xE000] =	vst v63  }
0x335: {  	_ =	swait.ge [sflag:s10], $0x80  }
0x336: {  	[sflag:s10] =	ssyncset.done $0x0  }
0x337: {  	s26 =	sadd.s32 $0x60, s6;
	[sflag:s10] =	ssyncadd.s32 $0xFFFFFF80  }
0x338: {  	[tilespmem:s1], [sflag:$0x4] =	stream.linear.gather [hbm4b:s26+s3], $0x80, $0x38;
	[tilespmem:$0xE000] =	vst v63  }
0x339: {  	_ =	swait.ge [sflag:s10], $0x80  }
0x33a: {  	[sflag:s10] =	ssyncset.done $0x0  }
0x33b: {  	s6 =	sadd.s32 $0x70, s6;
	[sflag:s10] =	ssyncadd.s32 $0xFFFFFF80  }
0x33c: {  	[tilespmem:s0], [sflag:$0x4] =	stream.linear.gather [hbm4b:s6+s3], $0x80, $0x38;
	[tilespmem:$0xE000] =	vst v63  }
0x33d: {  	_ =	swait.ge [sflag:s10], $0x80  }
0x33e: {  	[sflag:s10] =	ssyncset.done $0x0  }
0x33f: {  	[sflag:s10] =	ssyncadd.s32 $0xFFFFFF80  }
0x340: {  	_ =	swait.ge [sflag:s9], $0x800  }
0x341: {  	[sflag:s9] =	ssyncset.done $0x0  }
0x342: {  	[sflag:s9] =	ssyncadd.s32 $0xFFFFF800  }
0x343: {  	_ =	swait.ge [sflag:s9], $0x800  }
0x344: {  	[sflag:s9] =	ssyncset.done $0x0  }
0x345: {  	[sflag:s9] =	ssyncadd.s32 $0xFFFFF800  }
0x346: {  	_ =	swait.ge [sflag:s9], $0x800  }
0x347: {  	[sflag:s9] =	ssyncset.done $0x0  }
0x348: {  	[sflag:s9] =	ssyncadd.s32 $0xFFFFF800  }
0x349: {  	_ =	swait.ge [sflag:s9], $0x800  }
0x34a: {  	[sflag:s9] =	ssyncset.done $0x0  }
0x34b: {  	[sflag:s9] =	ssyncadd.s32 $0xFFFFF800  }
0x34c: {  	_ =	swait.ge [sflag:s9], $0x800  }
0x34d: {  	[sflag:s9] =	ssyncset.done $0x0  }
0x34e: {  	[sflag:s9] =	ssyncadd.s32 $0xFFFFF800  }
0x34f: {  	_ =	swait.ge [sflag:s9], $0x800  }
0x350: {  	[sflag:s9] =	ssyncset.done $0x0  }
0x351: {  	[sflag:s9] =	ssyncadd.s32 $0xFFFFF800  }
0x352: {  	_ =	swait.ge [sflag:s9], $0x800  }
0x353: {  	[sflag:s9] =	ssyncset.done $0x0  }
0x354: {  	[sflag:s9] =	ssyncadd.s32 $0xFFFFF800  }
0x355: {  	_ =	swait.ge [sflag:s9], $0x800  }
0x356: {  	[sflag:s9] =	ssyncset.done $0x0  }
0x357: {  	[sflag:s9] =	ssyncadd.s32 $0xFFFFF800  }
0x358: {  	_ =	swait.ge [sflag:s5], $0x800  }
0x359: {  	[sflag:s5] =	ssyncset.done $0x0  }
0x35a: {  	[sflag:s5] =	ssyncadd.s32 $0xFFFFF800  }
0x35b: {  	_ =	swait.ge [sflag:s5], $0x800  }
0x35c: {  	[sflag:s5] =	ssyncset.done $0x0  }
0x35d: {  	[sflag:s5] =	ssyncadd.s32 $0xFFFFF800  }
0x35e: {  	_ =	swait.ge [sflag:s5], $0x800  }
0x35f: {  	[sflag:s5] =	ssyncset.done $0x0  }
0x360: {  	[sflag:s5] =	ssyncadd.s32 $0xFFFFF800  }
0x361: {  	_ =	swait.ge [sflag:s5], $0x800  }
0x362: {  	[sflag:s5] =	ssyncset.done $0x0  }
0x363: {  	[sflag:s5] =	ssyncadd.s32 $0xFFFFF800  }
0x364: {  	_ =	swait.ge [sflag:s5], $0x800  }
0x365: {  	[sflag:s5] =	ssyncset.done $0x0  }
0x366: {  	[sflag:s5] =	ssyncadd.s32 $0xFFFFF800  }
0x367: {  	_ =	swait.ge [sflag:s5], $0x800  }
0x368: {  	[sflag:s5] =	ssyncset.done $0x0  }
0x369: {  	[sflag:s5] =	ssyncadd.s32 $0xFFFFF800  }
0x36a: {  	_ =	swait.ge [sflag:s5], $0x800  }
0x36b: {  	[sflag:s5] =	ssyncset.done $0x0  }
0x36c: {  	[sflag:s5] =	ssyncadd.s32 $0xFFFFF800  }
0x36d: {  	_ =	swait.ge [sflag:s5], $0x800  }
0x36e: {  	[sflag:s5] =	ssyncset.done $0x0  }
0x36f: {  	[sflag:s5] =	ssyncadd.s32 $0xFFFFF800  }
0x370: {  	[spmem:s2] =	stream.indirect.scatter.add.f32 [tilespmem:s19], [sflag:$0x3], $0x10, s8, s11, $0xb8;
	[tilespmem:$0xE000] =	vst v63  }
0x371: {  	_ = 	snop  }
0x372: {  	[spmem:s2] =	stream.indirect.scatter.add.f32 [tilespmem:s12], [sflag:$0x3], $0x10, s18, s11, $0xb8;
	[tilespmem:$0xE000] =	vst v63  }
0x373: {  	_ = 	snop  }
0x374: {  	[spmem:s2] =	stream.indirect.scatter.add.f32 [tilespmem:s13], [sflag:$0x3], $0x10, s20, s11, $0xb8;
	[tilespmem:$0xE000] =	vst v63  }
0x375: {  	_ = 	snop  }
0x376: {  	[spmem:s2] =	stream.indirect.scatter.add.f32 [tilespmem:s14], [sflag:$0x3], $0x10, s22, s11, $0xb8;
	[tilespmem:$0xE000] =	vst v63  }
0x377: {  	_ = 	snop  }
0x378: {  	[spmem:s2] =	stream.indirect.scatter.add.f32 [tilespmem:s15], [sflag:$0x3], $0x10, s24, s11, $0xb8;
	[tilespmem:$0xE000] =	vst v63  }
0x379: {  	_ = 	snop  }
0x37a: {  	[spmem:s2] =	stream.indirect.scatter.add.f32 [tilespmem:s16], [sflag:$0x3], $0x10, s31, s11, $0xb8;
	[tilespmem:$0xE000] =	vst v63  }
0x37b: {  	_ = 	snop  }
0x37c: {  	[spmem:s2] =	stream.indirect.scatter.add.f32 [tilespmem:s17], [sflag:$0x3], $0x10, s1, s11, $0xb8;
	[tilespmem:$0xE000] =	vst v63  }
0x37d: {  	s21 =	simm.s32 $0x3  }
0x37e: {  	[spmem:s2] =	stream.indirect.scatter.add.f32 [tilespmem:s28], [sflag:$0x3], $0x10, s0, s11, $0xb8;
	[tilespmem:$0xE000] =	vst v63  }
0x37f: {  	_ =	swait.ge [sflag:s21], $0x800  }
0x380: {  	[sflag:s21] =	ssyncset.done $0x0  }
0x381: {  	[sflag:s21] =	ssyncadd.s32 $0xFFFFF800  }
0x382: {  	_ =	swait.ge [sflag:s21], $0x800  }
0x383: {  	[sflag:s21] =	ssyncset.done $0x0  }
0x384: {  	[sflag:s21] =	ssyncadd.s32 $0xFFFFF800  }
0x385: {  	_ =	swait.ge [sflag:s21], $0x800  }
0x386: {  	[sflag:s21] =	ssyncset.done $0x0  }
0x387: {  	[sflag:s21] =	ssyncadd.s32 $0xFFFFF800  }
0x388: {  	_ =	swait.ge [sflag:s21], $0x800  }
0x389: {  	[sflag:s21] =	ssyncset.done $0x0  }
0x38a: {  	[sflag:s21] =	ssyncadd.s32 $0xFFFFF800  }
0x38b: {  	_ =	swait.ge [sflag:s21], $0x800  }
0x38c: {  	[sflag:s21] =	ssyncset.done $0x0  }
0x38d: {  	[sflag:s21] =	ssyncadd.s32 $0xFFFFF800  }
0x38e: {  	_ =	swait.ge [sflag:s21], $0x800  }
0x38f: {  	[sflag:s21] =	ssyncset.done $0x0  }
0x390: {  	[sflag:s21] =	ssyncadd.s32 $0xFFFFF800  }
0x391: {  	_ =	swait.ge [sflag:s21], $0x800  }
0x392: {  	[sflag:s21] =	ssyncset.done $0x0  }
0x393: {  	[sflag:s21] =	ssyncadd.s32 $0xFFFFF800  }
0x394: {  	_ =	swait.ge [sflag:s21], $0x800  }
0x395: {  	[sflag:s21] =	ssyncset.done $0x0  }
0x396: {  	[sflag:s21] =	ssyncadd.s32 $0xFFFFF800  }
0x397: {  	s22 =	stileid.u32;
	[bflag:$0x0] =	sbarrier.arrive $0xFFFF  }
0x398: {  	s6 =	sshll.u32 s22, $0x6;
	s12 =	rddreg [dreg:$0x8]  }
0x399: {  	s6 =	sor.u32 $0x1C04, s6;
	s24 =	rddreg [dreg:$0x9];
	s23 =	sshrl.u32 s12, $0x3  }
0x39a: {  	[hbm:s24], [sflag:s6] =	dma.local [spmem:s23], $0x500  }
0x39b: {  	_ =	swait.ge [sflag:s10], $0x500  }
0x39c: {  	s25 =	rddreg [dreg:$0xb]  }
0x39d: {  	s28 =	rddreg [dreg:$0xa];
	s7 =	sadd.s32 $0x1, s25  }
0x39e: {  	p0 =	sne.s32 s7, s28  }
.Ltmp1:
0x39f: {  	_ = 	snop;
	(pc) =	sbr.rel @p0 .LBB2_1-.Ltmp1, $3  }
0x3a0: {  	_ =	sdelay $0x1  }
0x3a1: {  	[sflag:s10] =	ssyncset.done $0x0  }
0x3a2: {  	s26 =	simm.s32 $0x8800;
	[sflag:s10] =	ssyncadd.s32 $0xFFFFFB00  }
0x3a3: {  	_ =	sfence.sel $0x180000  }
0x3a4: {  	[bflag:$0x0] =	sbarrier.arrive $0xFFFF  }
0x3a5: {  	_ =	strace $0x9000004A  }
0x3a6: {  	s0 =	stileid.u32;
	[bflag:$0x2] =	sbarrier.arrive $0xFFFF  }
0x3a7: {  	p0 =	sne.s32 s0, $0x0;
	s0 =	rddreg [dreg:$0x2]  }
0x3a8: {  	s0 =	sadd.s32 @!p0 $0x100000, s0  }
0x3a9: {  	[sflag:s0] =	ssyncadd.tile.s32 @!p0 $0x1;
	_ =	shalt  }
.Lfunc_end2:
_tile_overlayer_lowered:
.L_overlay_start_2:
0x3aa: {  	(tag) =	ssettag $0x2  }
0x3ab: {  	s0 =	rddreg [dreg:$0x0];
	s2 =	stileid.u32  }
0x3ac: {  	s1 =	rddreg [dreg:$0x1];
	p0 =	sne.s32 s2, $0x0  }
0x3ad: {  	s3 =	rddreg [dreg:$0x2];
	[bflag:$0x3] =	sbarrier.arrive $0xFFFF;
	s2 =	simm.s32 @!p0 $0x1C04  }
0x3ae: {  	[timem:s3], [sflag:s2] =	dma.local @!p0 [hbm:s0], s1  }
0x3af: {  	s0 =	simm.s32 @!p0 $0x4  }
0x3b0: {  	_ =	swait.ge @!p0 [sflag:s0], s1  }
0x3b1: {  	s1 =	ssub.s32 @!p0 $0x0, s1;
	[sflag:s0] =	ssyncset.done @!p0 $0x0  }
0x3b2: {  	[sflag:s0] =	ssyncadd.s32 @!p0 s1  }
0x3b3: {  	[bflag:$0x3] =	sbarrier.arrive $0xFFFF  }
0x3b4: {  	_ =	shalt  }

// kernel: kernel.14.cloned.1.call-start
scs
__scs_entry_jumppad:
0x0: {  	(pc) =	sbr.rel $0x88, $3  }
0x1: {  	(tag) =	ssettag $0x0;
	lr =	simm.s32 $0x1  }
0x2: {  	[smem:$0x3F9B] =	sst lr;
	_ =	strace $0xD0000000  }
0x3: {  	_ = 	snop  }
0x4: {  	_ = 	snop  }
0x5: {  	_ = 	snop  }
0x6: {  	_ = 	snop  }
0x7: {  	_ = 	snop  }
__scs_overlays_trampoline_lowered:
0x8: {  	[smem:$0x3FAA] =	sst s0  }
0x9: {  	[smem:$0x3FAB] =	sst s1  }
0xa: {  	[smem:$0x3FAC] =	sst s2  }
0xb: {  	[smem:$0x3FAD] =	sst s3  }
0xc: {  	[smem:$0x3FAE] =	sst s4  }
0xd: {  	[smem:$0x3FAF] =	sst s5  }
0xe: {  	[smem:$0x3FB0] =	sst s6  }
0xf: {  	[smem:$0x3FB1] =	sst s7  }
0x10: {  	[smem:$0x3FB2] =	sst s8  }
0x11: {  	[smem:$0x3FB3] =	sst s9;
	s0 =	simm.s32 @!p0 $0x0  }
0x12: {  	s1 =	sld [smem:$0x3F99];
	s0 =	simm.s32 @p0 $0x1  }
0x13: {  	[smem:$0x3FB4] =	sst s0;
	s0 =	simm.s32 @!p1 $0x0  }
0x14: {  	s2 =	sld [smem:$0x3F98];
	s0 =	simm.s32 @p1 $0x1  }
0x15: {  	[smem:$0x3FB5] =	sst s0;
	s0 =	simm.s32 @!p2 $0x0  }
0x16: {  	s3 =	sld [smem:$0x3FDB];
	s0 =	simm.s32 @p2 $0x1  }
0x17: {  	s4 =	simm.s32 $0x1BF5;
	[smem:$0x3FB7] =	sst s0  }
0x18: {  	s0 =	sld [smem:$0x3F9A];
	_ =	swait.ge [sflag:s4], $0x0  }
0x19: {  	s7 =	sld [smem:$0x3F9B]  }
0x1a: {  	s8 =	sadd.s32 $0xFFFFE003, lr  }
0x1b: {  	s9 =	sadd.s32 $0xFFFFFEF7, lr;
	s5 =	simm.s32 $0xFFFFFFFF;
	p2 =	slt.u32 s8, $0xFFFFF086  }
0x1c: {  	p1 =	slt.u32 s9, $0xF7A;
	s5 =	simm.s32 @!p2 $0x0  }
0x1d: {  	s5 =	simm.s32 @p1 $0x1;
	p0 =	seq.s32 s7, s2  }
0x1e: {  	s7 =	smul.u32 @!p0 $0xF7A, s2;
	p2 =	seq.s32 @!p0 s5, $0x0  }
0x1f: {  	s9 =	smul.u32 $0xF7A, s1;
	s8 =	simm.s32 @!p0 $0x1BF5;
	p2 =	por !p2, p0  }
0x20: {  	[sflag:s8] =	ssyncset.s32 @!p0 $0xFFFFF086;
	s6 =	sadd.s32 @!p0 s3, s7;
	s7 =	simm.s32 @!p0 $0x108  }
0x21: {  	s3 =	sadd.s32 s3, s9;
	s6 =	sadd.s32 @!p0 $0x88, s6;
	s7 =	simm.s32 @p2 $0x1082  }
0x22: {  	[simem:s7], [sflag:s8] =	dma.local @!p0 [hbm:s6], $0xF7A  }
0x23: {  	s9 =	sor.u32 $0xD0000000, s2;
	s6 =	simm.s32 $0x108;
	_ =	swait.ge @!p0 [sflag:s8], $0x0  }
0x24: {  	s3 =	sadd.s32 $0x88, s3;
	s6 =	simm.s32 @!p1 $0x1082;
	[sflag:s4] =	ssyncset.s32 $0xFFFFF086  }
0x25: {  	[simem:s6], [sflag:s4] =	dma.local [hbm:s3], $0xF7A  }
0x26: {  	[smem:$0x3F9B] =	sst s1;
	(tag) =	ssettag s2;
	_ =	strace s9  }
0x27: {  	s1 =	sld [smem:$0x3FAB]  }
0x28: {  	s2 =	sld [smem:$0x3FAC]  }
0x29: {  	s4 =	sld [smem:$0x3FAE]  }
0x2a: {  	p0 =	seq.s32 s5, $0x0;
	s5 =	sld [smem:$0x3FAF]  }
0x2b: {  	s6 =	sld [smem:$0x3FB0]  }
0x2c: {  	s7 =	sld [smem:$0x3FB1]  }
0x2d: {  	s3 =	simm.s32 $0x108;
	s8 =	sld [smem:$0x3FB2]  }
0x2e: {  	s3 =	simm.s32 @!p0 $0x1082;
	s9 =	sld [smem:$0x3FB3]  }
0x2f: {  	lr =	sadd.s32 s0, s3;
	s0 =	sld [smem:$0x3FAA]  }
0x30: {  	s3 =	sld [smem:$0x3FAD]  }
0x31: {  	[smem:$0x3FB6] =	sst s10  }
0x32: {  	s10 =	sld [smem:$0x3FB4];
	_ =	sdelay $0x3  }
0x33: {  	p0 =	seq.s32 s10, $0x1;
	s10 =	sld [smem:$0x3FB6];
	_ =	sdelay $0x3  }
0x34: {  	[smem:$0x3FB6] =	sst s10  }
0x35: {  	s10 =	sld [smem:$0x3FB5];
	_ =	sdelay $0x3  }
0x36: {  	p1 =	seq.s32 s10, $0x1;
	s10 =	sld [smem:$0x3FB6];
	_ =	sdelay $0x3  }
0x37: {  	[smem:$0x3FB6] =	sst s10  }
0x38: {  	s10 =	sld [smem:$0x3FB7]  }
0x39: {  	_ = 	snop;
	(pc) =	sbr.ind lr, $3  }
0x3a: {  	_ = 	snop  }
0x3b: {  	_ = 	snop  }
0x3c: {  	p2 =	seq.s32 s10, $0x1;
	s10 =	sld [smem:$0x3FB6]  }
0x3d: {  	_ =	shalt  }
0x3e: {  	_ =	shalt  }
0x3f: {  	_ =	shalt  }
0x40: {  	_ =	shalt  }
0x41: {  	_ =	shalt  }
0x42: {  	_ =	shalt  }
0x43: {  	_ =	shalt  }
0x44: {  	_ =	shalt  }
0x45: {  	_ =	shalt  }
0x46: {  	_ =	shalt  }
0x47: {  	_ =	shalt  }
0x48: {  	_ =	shalt  }
0x49: {  	_ =	shalt  }
0x4a: {  	_ =	shalt  }
0x4b: {  	_ =	shalt  }
0x4c: {  	_ =	shalt  }
0x4d: {  	_ =	shalt  }
0x4e: {  	_ =	shalt  }
0x4f: {  	_ =	shalt  }
0x50: {  	_ =	shalt  }
0x51: {  	_ =	shalt  }
0x52: {  	_ =	shalt  }
0x53: {  	_ =	shalt  }
0x54: {  	_ =	shalt  }
0x55: {  	_ =	shalt  }
0x56: {  	_ =	shalt  }
0x57: {  	_ =	shalt  }
0x58: {  	_ =	shalt  }
0x59: {  	_ =	shalt  }
0x5a: {  	_ =	shalt  }
0x5b: {  	_ =	shalt  }
0x5c: {  	_ =	shalt  }
0x5d: {  	_ =	shalt  }
0x5e: {  	_ =	shalt  }
0x5f: {  	_ =	shalt  }
0x60: {  	_ =	shalt  }
0x61: {  	_ =	shalt  }
0x62: {  	_ =	shalt  }
0x63: {  	_ =	shalt  }
0x64: {  	_ =	shalt  }
0x65: {  	_ =	shalt  }
0x66: {  	_ =	shalt  }
0x67: {  	_ =	shalt  }
0x68: {  	_ =	shalt  }
0x69: {  	_ =	shalt  }
0x6a: {  	_ =	shalt  }
0x6b: {  	_ =	shalt  }
0x6c: {  	_ =	shalt  }
0x6d: {  	_ =	shalt  }
0x6e: {  	_ =	shalt  }
0x6f: {  	_ =	shalt  }
0x70: {  	_ =	shalt  }
0x71: {  	_ =	shalt  }
0x72: {  	_ =	shalt  }
0x73: {  	_ =	shalt  }
0x74: {  	_ =	shalt  }
0x75: {  	_ =	shalt  }
0x76: {  	_ =	shalt  }
0x77: {  	_ =	shalt  }
0x78: {  	_ =	shalt  }
0x79: {  	_ =	shalt  }
0x7a: {  	_ =	shalt  }
0x7b: {  	_ =	shalt  }
0x7c: {  	_ =	shalt  }
0x7d: {  	_ =	shalt  }
0x7e: {  	_ =	shalt  }
0x7f: {  	_ =	shalt  }
0x80: {  	_ =	shalt  }
0x81: {  	_ =	shalt  }
0x82: {  	_ =	shalt  }
0x83: {  	_ =	shalt  }
0x84: {  	_ =	shalt  }
0x85: {  	_ =	shalt  }
0x86: {  	_ =	shalt  }
0x87: {  	_ =	shalt  }
.Lfunc_end0:
.L_simem_size_0:
called_computation.2_lowered:
.L_overlay_start_0:
0x88: {  	s2 =	sld [smem:$0x3FD9]  }
0x89: {  	s3 =	sld [smem:$0x3FFE];
	_ =	sdelay $0x1  }
0x8a: {  	s1 =	srdreg.scid  }
0x8b: {  	s0 =	sand.u32 $0x1, s1  }
0x8c: {  	s17 =	sshll.u32 s0, $0xA;
	s2 =	sadd.s32 s3, s2  }
0x8d: {  	s2 =	sadd.s32 s2, s17  }
0x8e: {  	[smem:$0x3FC2] =	sst s2  }
0x8f: {  	_ = 	snop  }
0x90: {  	s2 =	sld [smem:$0x3FD0];
	(tm) =	ssettm $0x1  }
0x91: {  	s18 =	sld [smem:$0x3FFB];
	_ =	sdelay $0x3  }
0x92: {  	_ =	strace s18  }
0x93: {  	s3 =	sld [smem:$0x3FFC];
	_ =	sdelay $0x3  }
0x94: {  	_ =	strace s3  }
0x95: {  	s3 =	sld [smem:$0x3FFD];
	_ =	sdelay $0x3  }
0x96: {  	_ =	strace s3  }
0x97: {  	_ =	strace $0x8FFFFFFF  }
0x98: {  	s19 =	sld [smem:$0x3FDB];
	_ =	sdelay $0x1  }
0x99: {  	s4 =	simm.s32 $_scs_section_size  }
0x9a: {  	s5 =	simm.s32 $_size__tile_overlayer_lowered;
	s6 =	simm.s32 $_tile_overlayer_lowered  }
0x9b: {  	s22 =	simm.s32 $0x1BFF;
	s21 =	sshll.u32 s6, $0x1;
	s3 =	sadd.s32 s4, s19  }
0x9c: {  	s7 =	simm.s32 $0x0;
	s20 =	sshll.u32 s5, $0x1;
	s5 =	sadd.s32 s21, s3  }
0x9d: {  	[timem:s7], [sflag:s22] =	dma.local [hbm:s5], s20  }
0x9e: {  	_ =	swait.ge [sflag:s22], s20  }
0x9f: {  	s4 =	ssub.s32 $0x0, s20;
	[sflag:s22] =	ssyncset.done $0x0  }
0xa0: {  	[sflag:s22] =	ssyncadd.s32 s4;
	_ =	sdelay $0x1  }
0xa1: {  	s23 =	simm.s32 $0x1B8B  }
0xa2: {  	_ =	swait.ge [sflag:s23], $0x1  }
0xa3: {  	[sflag:s23] =	ssyncset.done $0x0  }
0xa4: {  	s25 =	simm.s32 $0x1B8E;
	s24 =	sld [smem:$0x3FFE];
	[sflag:s23] =	ssyncadd.s32 $0xFFFFFFFF  }
0xa5: {  	s26 =	simm.s32 $execute0_lowered;
	[smem:$0x3FD2] =	sst s25  }
0xa6: {  	s5 =	sshll.u32 s26, $0x1;
	_ =	strace $0x8000004C;
	[dreg:$0x1] =	wrdreg $0xFFFFFFFF  }
0xa7: {  	s28 =	simm.s32 $_size_execute0_lowered;
	s3 =	sadd.s32 s3, s5;
	[dreg:$0x0] =	wrdreg $0x0  }
0xa8: {  	s5 =	sshll.u32 s28, $0x1;
	[dreg:$0x2] =	wrdreg s3  }
0xa9: {  	[dreg:$0x3] =	wrdreg s5  }
0xaa: {  	[dreg:$0x4] =	wrdreg $0xC0  }
0xab: {  	_ =	task [dreg:s7], $0x5FFFF  }
0xac: {  	[dreg:$0x1] =	wrdreg $0xFFFFFFFF  }
0xad: {  	[dreg:$0x0] =	wrdreg $0x60  }
0xae: {  	[dreg:$0x2] =	wrdreg s24  }
0xaf: {  	[dreg:$0x3] =	wrdreg s2  }
0xb0: {  	[dreg:$0x4] =	wrdreg $0x64000  }
0xb1: {  	[dreg:$0x5] =	wrdreg $0x9  }
0xb2: {  	_ =	task.clear_ibuf [dreg:s7], $0x6FFFF;
	_ =	strace $0x9000004C  }
0xb3: {  	s29 =	simm.s32 $0x9;
	_ =	strace $0x8000004E  }
0xb4: {  	_ =	swait.ge [sflag:s29], $0x1  }
0xb5: {  	[sflag:s29] =	ssyncadd.s32 $0xFFFFFFFF  }
0xb6: {  	_ =	strace $0x9000004E  }
0xb7: {  	_ =	sfence  }
0xb8: {  	s30 =	sld [smem:$0x0];
	_ =	sdelay $0x2  }
0xb9: {  	s31 =	sshll.u32 s1, $0xD;
	s1 =	sshrl.u32 s1, $0x2  }
0xba: {  	s3 =	sand.u32 $0x4000, s31;
	s1 =	sadd.s32 s1, s30  }
0xbb: {  	s0 =	sor.u32 s3, s0;
	s1 =	sshll.u32 s1, $0x11  }
0xbc: {  	s0 =	sor.u32 s1, s0  }
0xbd: {  	s0 =	sadd.s32 $0x8F2B, s0  }
0xbe: {  	[sflag:s0] =	ssyncadd.remote.s32 $0x1  }
0xbf: {  	_ =	sfence.sel $0xFFFF  }
0xc0: {  	[dreg:$0x0] =	wrdreg $0xFFFFFFFF;
	(pc) =	sbr.abs _section_cstart, $3  }
0xc1: {  	[dreg:$0x1] =	wrdreg $0xFFFFFFFF  }
0xc2: {  	_ =	task.clear_ibuf [dreg:s7], $0x2FFFF;
	_ =	strace $0x9FFFFFFF  }
0xc3: {  	(tm) =	ssettm $0x7FFFFFFF  }
tec
execute0_lowered:
.L_overlay_start_1:
0x0: {  	(tag) =	ssettag $0x1  }
0x1: {  	s0 =	rddreg [dreg:$0x0];
	s1 =	srdreg.scid  }
0x2: {  	s5 =	stileid.u32;
	s3 =	rddreg [dreg:$0x2];
	s4 =	simm.s32 $0x0  }
0x3: {  	s11 =	simm.s32 $0x80;
	s31 =	simm.s32 $0xE80;
	s30 =	simm.s32 $0x4C00  }
0x4: {  	s29 =	simm.s32 $0xB00;
	s1 =	sand.u32 $0x1, s1;
	s2 =	smul.u32 $0x1400, s5  }
0x5: {  	s7 =	smul.u32 $0x5000, s5;
	[smem:$0x7FF] =	sst s4;
	s5 =	sadd.s32 $0xBE00, s0  }
0x6: {  	s9 =	sadd.s32 $0x10E00, s0;
	s10 =	sadd.s32 $0x1E00, s0;
	s6 =	smul.u32 $0x14000, s1  }
0x7: {  	s8 =	smul.u32 $0x2800, s1;
	_ =	strace $0x8000004D;
	s1 =	ssub.s32 $0x2, s1  }
0x8: {  	s22 =	sshrl.u32 s1, $0x1;
	s12 =	sadd.s32 s2, s3;
	s6 =	sadd.s32 s2, s6  }
0x9: {  	s7 =	sadd.s32 s8, s7;
	s1 =	ssub.s32 s1, s22;
	s2 =	simm.s32 $0xF80  }
0xa: {  	[dreg:$0x8] =	wrdreg s12;
	s6 =	sshrl.u32 s6, $0x3;
	s8 =	sor.u32 $0x400, s7  }
0xb: {  	s25 =	sshrl.u32 s7, $0x3;
	s1 =	smax.u32 s1, $0x1;
	s7 =	simm.s32 $0x0  }
0xc: {  	s0 =	sadd.s32 s6, s0;
	s26 =	sadd.s32 s25, s9;
	[dreg:$0xa] =	wrdreg s1  }
0xd: {  	s8 =	sshrl.u32 s8, $0x3;
	s28 =	sadd.s32 s25, s10;
	[dreg:$0x6] =	wrdreg s26  }
0xe: {  	s1 =	simm.s32 $0xF00;
	s23 =	sadd.s32 s8, s9;
	[dreg:$0x7] =	wrdreg s28  }
0xf: {  	s24 =	sadd.s32 s8, s10;
	s0 =	sadd.s32 $0x42E00, s0;
	[dreg:$0x4] =	wrdreg s23  }
0x10: {  	s10 =	simm.s32 $0x4;
	s9 =	simm.s32 $0x1;
	[dreg:$0x9] =	wrdreg s0  }
0x11: {  	s26 =	simm.s32 $0x4C00;
	[dreg:$0x5] =	wrdreg s24;
	s0 =	simm.s32 $0x2  }
.LBB2_1:
0x12: {  	[dreg:$0xb] =	wrdreg s7  }
0x13: {  	s6 =	rddreg [dreg:$0x1];
	s21 =	simm.s32 $0x5000  }
0x14: {  	[tilespmem:s21], [sflag:$0x4] =	stream.linear.gather [hbm4b:s6+s4], $0x1400, $0x38;
	[tilespmem:$0x6680] =	vst v63  }
0x15: {  	_ =	swait.ge [sflag:s10], $0x1400  }
0x16: {  	[sflag:s10] =	ssyncset.done $0x0  }
0x17: {  	[sflag:s10] =	ssyncadd.s32 $0xFFFFEC00  }
0x18: {  	[spmem:s12] =	stream.linear.scatter [tilespmem:s21], [sflag:$0x4], $0x1400, $0x38;
	[tilespmem:$0x6680] =	vst v63  }
0x19: {  	_ =	swait.ge [sflag:s10], $0x1400  }
0x1a: {  	[sflag:s10] =	ssyncset.done $0x0  }
0x1b: {  	[sflag:s10] =	ssyncadd.s32 $0xFFFFEC00  }
0x1c: {  	[bflag:$0x0] =	sbarrier.arrive $0xFFFF  }
0x1d: {  	s22 =	rddreg [dreg:$0x6]  }
0x1e: {  	s6 =	sadd.s32 $0x0, s22  }
0x1f: {  	[tilespmem:s4], [sflag:$0x4] =	stream.linear.gather [hbm4b:s6+s4], $0x80, $0x38;
	[tilespmem:$0x6680] =	vst v63  }
0x20: {  	_ =	swait.ge [sflag:s10], $0x80  }
0x21: {  	[sflag:s10] =	ssyncset.done $0x0  }
0x22: {  	s23 =	sadd.s32 $0x10, s6;
	[sflag:s10] =	ssyncadd.s32 $0xFFFFFF80  }
0x23: {  	[tilespmem:s11], [sflag:$0x4] =	stream.linear.gather [hbm4b:s23+s4], $0x80, $0x38;
	[tilespmem:$0x6680] =	vst v63  }
0x24: {  	_ =	swait.ge [sflag:s10], $0x80  }
0x25: {  	[sflag:s10] =	ssyncset.done $0x0  }
0x26: {  	s8 =	simm.s32 $0x100;
	s24 =	sadd.s32 $0x20, s6;
	[sflag:s10] =	ssyncadd.s32 $0xFFFFFF80  }
0x27: {  	[tilespmem:s8], [sflag:$0x4] =	stream.linear.gather [hbm4b:s24+s4], $0x80, $0x38;
	[tilespmem:$0x6680] =	vst v63  }
0x28: {  	_ =	swait.ge [sflag:s10], $0x80  }
0x29: {  	[sflag:s10] =	ssyncset.done $0x0  }
0x2a: {  	s28 =	simm.s32 $0x180;
	s25 =	sadd.s32 $0x30, s6;
	[sflag:s10] =	ssyncadd.s32 $0xFFFFFF80  }
0x2b: {  	[tilespmem:s28], [sflag:$0x4] =	stream.linear.gather [hbm4b:s25+s4], $0x80, $0x38;
	[tilespmem:$0x6680] =	vst v63  }
0x2c: {  	_ =	swait.ge [sflag:s10], $0x80  }
0x2d: {  	[sflag:s10] =	ssyncset.done $0x0  }
0x2e: {  	s13 =	simm.s32 $0x200;
	s16 =	sadd.s32 $0x40, s6;
	[sflag:s10] =	ssyncadd.s32 $0xFFFFFF80  }
0x2f: {  	[tilespmem:s13], [sflag:$0x4] =	stream.linear.gather [hbm4b:s16+s4], $0x80, $0x38;
	[tilespmem:$0x6680] =	vst v63  }
0x30: {  	_ =	swait.ge [sflag:s10], $0x80  }
0x31: {  	[sflag:s10] =	ssyncset.done $0x0  }
0x32: {  	s14 =	simm.s32 $0x280;
	s17 =	sadd.s32 $0x50, s6;
	[sflag:s10] =	ssyncadd.s32 $0xFFFFFF80  }
0x33: {  	[tilespmem:s14], [sflag:$0x4] =	stream.linear.gather [hbm4b:s17+s4], $0x80, $0x38;
	[tilespmem:$0x6680] =	vst v63  }
0x34: {  	_ =	swait.ge [sflag:s10], $0x80  }
0x35: {  	[sflag:s10] =	ssyncset.done $0x0  }
0x36: {  	s15 =	simm.s32 $0x300;
	s18 =	sadd.s32 $0x60, s6;
	[sflag:s10] =	ssyncadd.s32 $0xFFFFFF80  }
0x37: {  	[tilespmem:s15], [sflag:$0x4] =	stream.linear.gather [hbm4b:s18+s4], $0x80, $0x38;
	[tilespmem:$0x6680] =	vst v63  }
0x38: {  	_ =	swait.ge [sflag:s10], $0x80  }
0x39: {  	[sflag:s10] =	ssyncset.done $0x0  }
0x3a: {  	s19 =	simm.s32 $0x380;
	s6 =	sadd.s32 $0x70, s6;
	[sflag:s10] =	ssyncadd.s32 $0xFFFFFF80  }
0x3b: {  	[tilespmem:s19], [sflag:$0x4] =	stream.linear.gather [hbm4b:s6+s4], $0x80, $0x38;
	[tilespmem:$0x6680] =	vst v63  }
0x3c: {  	_ =	swait.ge [sflag:s10], $0x80  }
0x3d: {  	[sflag:s10] =	ssyncset.done $0x0  }
0x3e: {  	s16 =	simm.s32 $0x1000;
	[sflag:s10] =	ssyncadd.s32 $0xFFFFFF80  }
0x3f: {  	[tilespmem:s16], [sflag:$0x1] =	stream.indirect.gather [hbm4b:s5+s11], $0x1, s4, s11, $0xb8;
	[tilespmem:$0x6680] =	vst v63  }
0x40: {  	s17 =	simm.s32 $0x1400  }
0x41: {  	[tilespmem:s17], [sflag:$0x1] =	stream.indirect.gather [hbm4b:s5+s11], $0x1, s11, s11, $0xb8;
	[tilespmem:$0x6680] =	vst v63  }
0x42: {  	s18 =	simm.s32 $0x1800  }
0x43: {  	[tilespmem:s18], [sflag:$0x1] =	stream.indirect.gather [hbm4b:s5+s11], $0x1, s8, s11, $0xb8;
	[tilespmem:$0x6680] =	vst v63  }
0x44: {  	s8 =	simm.s32 $0x1C00  }
0x45: {  	[tilespmem:s8], [sflag:$0x1] =	stream.indirect.gather [hbm4b:s5+s11], $0x1, s28, s11, $0xb8;
	[tilespmem:$0x6680] =	vst v63  }
0x46: {  	s12 =	simm.s32 $0x2000  }
0x47: {  	[tilespmem:s12], [sflag:$0x1] =	stream.indirect.gather [hbm4b:s5+s11], $0x1, s13, s11, $0xb8;
	[tilespmem:$0x6680] =	vst v63  }
0x48: {  	s13 =	simm.s32 $0x2400  }
0x49: {  	[tilespmem:s13], [sflag:$0x1] =	stream.indirect.gather [hbm4b:s5+s11], $0x1, s14, s11, $0xb8;
	[tilespmem:$0x6680] =	vst v63  }
0x4a: {  	s14 =	simm.s32 $0x2800  }
0x4b: {  	[tilespmem:s14], [sflag:$0x1] =	stream.indirect.gather [hbm4b:s5+s11], $0x1, s15, s11, $0xb8;
	[tilespmem:$0x6680] =	vst v63  }
0x4c: {  	s20 =	rddreg [dreg:$0x7];
	s15 =	simm.s32 $0x2C00  }
0x4d: {  	[tilespmem:s15], [sflag:$0x1] =	stream.indirect.gather [hbm4b:s5+s11], $0x1, s19, s11, $0xb8;
	[tilespmem:$0x6680] =	vst v63  }
0x4e: {  	s6 =	sadd.s32 $0x0, s20;
	s19 =	simm.s32 $0x800  }
0x4f: {  	[tilespmem:s19], [sflag:$0x4] =	stream.linear.gather [hbm4b:s6+s4], $0x80, $0x38;
	[tilespmem:$0x6680] =	vst v63  }
0x50: {  	_ =	swait.ge [sflag:s10], $0x80  }
0x51: {  	[sflag:s10] =	ssyncset.done $0x0  }
0x52: {  	s20 =	simm.s32 $0x880;
	s21 =	sadd.s32 $0x10, s6;
	[sflag:s10] =	ssyncadd.s32 $0xFFFFFF80  }
0x53: {  	[tilespmem:s20], [sflag:$0x4] =	stream.linear.gather [hbm4b:s21+s4], $0x80, $0x38;
	[tilespmem:$0x6680] =	vst v63  }
0x54: {  	_ =	swait.ge [sflag:s10], $0x80  }
0x55: {  	[sflag:s10] =	ssyncset.done $0x0  }
0x56: {  	s22 =	sadd.s32 $0x20, s6;
	s21 =	simm.s32 $0x900;
	[sflag:s10] =	ssyncadd.s32 $0xFFFFFF80  }
0x57: {  	[tilespmem:s21], [sflag:$0x4] =	stream.linear.gather [hbm4b:s22+s4], $0x80, $0x38;
	[tilespmem:$0x6680] =	vst v63  }
0x58: {  	_ =	swait.ge [sflag:s10], $0x80  }
0x59: {  	[sflag:s10] =	ssyncset.done $0x0  }
0x5a: {  	s23 =	sadd.s32 $0x30, s6;
	s22 =	simm.s32 $0x980;
	[sflag:s10] =	ssyncadd.s32 $0xFFFFFF80  }
0x5b: {  	[tilespmem:s22], [sflag:$0x4] =	stream.linear.gather [hbm4b:s23+s4], $0x80, $0x38;
	[tilespmem:$0x6680] =	vst v63  }
0x5c: {  	_ =	swait.ge [sflag:s10], $0x80  }
0x5d: {  	[sflag:s10] =	ssyncset.done $0x0  }
0x5e: {  	s24 =	sadd.s32 $0x40, s6;
	s23 =	simm.s32 $0xA00;
	[sflag:s10] =	ssyncadd.s32 $0xFFFFFF80  }
0x5f: {  	[tilespmem:s23], [sflag:$0x4] =	stream.linear.gather [hbm4b:s24+s4], $0x80, $0x38;
	[tilespmem:$0x6680] =	vst v63  }
0x60: {  	_ =	swait.ge [sflag:s10], $0x80  }
0x61: {  	[sflag:s10] =	ssyncset.done $0x0  }
0x62: {  	s25 =	sadd.s32 $0x50, s6;
	s24 =	simm.s32 $0xA80;
	[sflag:s10] =	ssyncadd.s32 $0xFFFFFF80  }
0x63: {  	[tilespmem:s24], [sflag:$0x4] =	stream.linear.gather [hbm4b:s25+s4], $0x80, $0x38;
	[tilespmem:$0x6680] =	vst v63  }
0x64: {  	_ =	swait.ge [sflag:s10], $0x80  }
0x65: {  	[sflag:s10] =	ssyncset.done $0x0  }
0x66: {  	s28 =	sadd.s32 $0x60, s6;
	s25 =	simm.s32 $0xB00;
	[sflag:s10] =	ssyncadd.s32 $0xFFFFFF80  }
0x67: {  	[tilespmem:s25], [sflag:$0x4] =	stream.linear.gather [hbm4b:s28+s4], $0x80, $0x38;
	[tilespmem:$0x6680] =	vst v63  }
0x68: {  	_ =	swait.ge [sflag:s10], $0x80  }
0x69: {  	[sflag:s10] =	ssyncset.done $0x0  }
0x6a: {  	s6 =	sadd.s32 $0x70, s6;
	s28 =	simm.s32 $0xB80;
	[sflag:s10] =	ssyncadd.s32 $0xFFFFFF80  }
0x6b: {  	[tilespmem:s28], [sflag:$0x4] =	stream.linear.gather [hbm4b:s6+s4], $0x80, $0x38;
	[tilespmem:$0x6680] =	vst v63  }
0x6c: {  	_ =	swait.ge [sflag:s10], $0x80  }
0x6d: {  	[sflag:s10] =	ssyncset.done $0x0  }
0x6e: {  	[sflag:s10] =	ssyncadd.s32 $0xFFFFFF80  }
0x6f: {  	_ =	swait.ge [sflag:s9], $0x80  }
0x70: {  	[sflag:s9] =	ssyncset.done $0x0  }
0x71: {  	[sflag:s9] =	ssyncadd.s32 $0xFFFFFF80  }
0x72: {  	_ =	swait.ge [sflag:s9], $0x80  }
0x73: {  	[sflag:s9] =	ssyncset.done $0x0  }
0x74: {  	[sflag:s9] =	ssyncadd.s32 $0xFFFFFF80  }
0x75: {  	_ =	swait.ge [sflag:s9], $0x80  }
0x76: {  	[sflag:s9] =	ssyncset.done $0x0  }
0x77: {  	[sflag:s9] =	ssyncadd.s32 $0xFFFFFF80  }
0x78: {  	_ =	swait.ge [sflag:s9], $0x80  }
0x79: {  	[sflag:s9] =	ssyncset.done $0x0  }
0x7a: {  	[sflag:s9] =	ssyncadd.s32 $0xFFFFFF80  }
0x7b: {  	_ =	swait.ge [sflag:s9], $0x80  }
0x7c: {  	[sflag:s9] =	ssyncset.done $0x0  }
0x7d: {  	[sflag:s9] =	ssyncadd.s32 $0xFFFFFF80  }
0x7e: {  	_ =	swait.ge [sflag:s9], $0x80  }
0x7f: {  	[sflag:s9] =	ssyncset.done $0x0  }
0x80: {  	[sflag:s9] =	ssyncadd.s32 $0xFFFFFF80  }
0x81: {  	_ =	swait.ge [sflag:s9], $0x80  }
0x82: {  	[sflag:s9] =	ssyncset.done $0x0  }
0x83: {  	[sflag:s9] =	ssyncadd.s32 $0xFFFFFF80  }
0x84: {  	_ =	swait.ge [sflag:s9], $0x80  }
0x85: {  	p0 =	por $0x1, $0x1;
	[sflag:s9] =	ssyncset.done $0x0  }
0x86: {  	s6 =	simm.s32 @!p0 $0x3;
	[sflag:s9] =	ssyncadd.s32 $0xFFFFFF80  }
0x87: {  	_ =	swait.ge @!p0 [sflag:s6], $0x80  }
0x88: {  	[sflag:s6] =	ssyncset.done @!p0 $0x0  }
0x89: {  	[sflag:s6] =	ssyncadd.s32 @!p0 $0xFFFFFF80  }
0x8a: {  	_ =	swait.ge @!p0 [sflag:s6], $0x80  }
0x8b: {  	[sflag:s6] =	ssyncset.done @!p0 $0x0  }
0x8c: {  	[sflag:s6] =	ssyncadd.s32 @!p0 $0xFFFFFF80  }
0x8d: {  	_ =	swait.ge @!p0 [sflag:s6], $0x80  }
0x8e: {  	[sflag:s6] =	ssyncset.done @!p0 $0x0  }
0x8f: {  	[sflag:s6] =	ssyncadd.s32 @!p0 $0xFFFFFF80  }
0x90: {  	_ =	swait.ge @!p0 [sflag:s6], $0x80  }
0x91: {  	[sflag:s6] =	ssyncset.done @!p0 $0x0  }
0x92: {  	[sflag:s6] =	ssyncadd.s32 @!p0 $0xFFFFFF80  }
0x93: {  	_ =	swait.ge @!p0 [sflag:s6], $0x80  }
0x94: {  	[sflag:s6] =	ssyncset.done @!p0 $0x0  }
0x95: {  	[sflag:s6] =	ssyncadd.s32 @!p0 $0xFFFFFF80  }
0x96: {  	_ =	swait.ge @!p0 [sflag:s6], $0x80  }
0x97: {  	[sflag:s6] =	ssyncset.done @!p0 $0x0  }
0x98: {  	[sflag:s6] =	ssyncadd.s32 @!p0 $0xFFFFFF80  }
0x99: {  	_ =	swait.ge @!p0 [sflag:s6], $0x80  }
0x9a: {  	[sflag:s6] =	ssyncset.done @!p0 $0x0  }
0x9b: {  	[sflag:s6] =	ssyncadd.s32 @!p0 $0xFFFFFF80  }
0x9c: {  	_ =	swait.ge @!p0 [sflag:s6], $0x80  }
0x9d: {  	[sflag:s6] =	ssyncset.done @!p0 $0x0  }
0x9e: {  	[sflag:s6] =	ssyncadd.s32 @!p0 $0xFFFFFF80  }
0x9f: {  	[spmem:s3] =	stream.indirect.scatter.add.f32 [tilespmem:s16], [sflag:$0x2], $0x1, s19, s11, $0xb8;
	[tilespmem:$0x6680] =	vst v63  }
0xa0: {  	_ = 	snop  }
0xa1: {  	[spmem:s3] =	stream.indirect.scatter.add.f32 [tilespmem:s17], [sflag:$0x2], $0x1, s20, s11, $0xb8;
	[tilespmem:$0x6680] =	vst v63  }
0xa2: {  	_ = 	snop  }
0xa3: {  	[spmem:s3] =	stream.indirect.scatter.add.f32 [tilespmem:s18], [sflag:$0x2], $0x1, s21, s11, $0xb8;
	[tilespmem:$0x6680] =	vst v63  }
0xa4: {  	_ = 	snop  }
0xa5: {  	[spmem:s3] =	stream.indirect.scatter.add.f32 [tilespmem:s8], [sflag:$0x2], $0x1, s22, s11, $0xb8;
	[tilespmem:$0x6680] =	vst v63  }
0xa6: {  	_ = 	snop  }
0xa7: {  	[spmem:s3] =	stream.indirect.scatter.add.f32 [tilespmem:s12], [sflag:$0x2], $0x1, s23, s11, $0xb8;
	[tilespmem:$0x6680] =	vst v63  }
0xa8: {  	_ = 	snop  }
0xa9: {  	[spmem:s3] =	stream.indirect.scatter.add.f32 [tilespmem:s13], [sflag:$0x2], $0x1, s24, s11, $0xb8;
	[tilespmem:$0x6680] =	vst v63  }
0xaa: {  	_ = 	snop  }
0xab: {  	[spmem:s3] =	stream.indirect.scatter.add.f32 [tilespmem:s14], [sflag:$0x2], $0x1, s25, s11, $0xb8;
	[tilespmem:$0x6680] =	vst v63  }
0xac: {  	s24 =	rddreg [dreg:$0x4]  }
0xad: {  	[spmem:s3] =	stream.indirect.scatter.add.f32 [tilespmem:s15], [sflag:$0x2], $0x1, s28, s11, $0xb8;
	[tilespmem:$0x6680] =	vst v63  }
0xae: {  	s6 =	sadd.s32 $0x0, s24;
	s28 =	simm.s32 $0x400  }
0xaf: {  	[tilespmem:s28], [sflag:$0x4] =	stream.linear.gather [hbm4b:s6+s4], $0x80, $0x38;
	[tilespmem:$0x6680] =	vst v63  }
0xb0: {  	_ =	swait.ge [sflag:s10], $0x80  }
0xb1: {  	[sflag:s10] =	ssyncset.done $0x0  }
0xb2: {  	s13 =	simm.s32 $0x480;
	s12 =	sadd.s32 $0x10, s6;
	[sflag:s10] =	ssyncadd.s32 $0xFFFFFF80  }
0xb3: {  	[tilespmem:s13], [sflag:$0x4] =	stream.linear.gather [hbm4b:s12+s4], $0x80, $0x38;
	[tilespmem:$0x6680] =	vst v63  }
0xb4: {  	_ =	swait.ge [sflag:s10], $0x80  }
0xb5: {  	[sflag:s10] =	ssyncset.done $0x0  }
0xb6: {  	s14 =	sadd.s32 $0x20, s6;
	s15 =	simm.s32 $0x500;
	[sflag:s10] =	ssyncadd.s32 $0xFFFFFF80  }
0xb7: {  	[tilespmem:s15], [sflag:$0x4] =	stream.linear.gather [hbm4b:s14+s4], $0x80, $0x38;
	[tilespmem:$0x6680] =	vst v63  }
0xb8: {  	_ =	swait.ge [sflag:s10], $0x80  }
0xb9: {  	[sflag:s10] =	ssyncset.done $0x0  }
0xba: {  	s17 =	simm.s32 $0x580;
	s16 =	sadd.s32 $0x30, s6;
	[sflag:s10] =	ssyncadd.s32 $0xFFFFFF80  }
0xbb: {  	[tilespmem:s17], [sflag:$0x4] =	stream.linear.gather [hbm4b:s16+s4], $0x80, $0x38;
	[tilespmem:$0x6680] =	vst v63  }
0xbc: {  	_ =	swait.ge [sflag:s10], $0x80  }
0xbd: {  	[sflag:s10] =	ssyncset.done $0x0  }
0xbe: {  	s19 =	simm.s32 $0x600;
	s18 =	sadd.s32 $0x40, s6;
	[sflag:s10] =	ssyncadd.s32 $0xFFFFFF80  }
0xbf: {  	[tilespmem:s19], [sflag:$0x4] =	stream.linear.gather [hbm4b:s18+s4], $0x80, $0x38;
	[tilespmem:$0x6680] =	vst v63  }
0xc0: {  	_ =	swait.ge [sflag:s10], $0x80  }
0xc1: {  	[sflag:s10] =	ssyncset.done $0x0  }
0xc2: {  	s21 =	simm.s32 $0x680;
	s20 =	sadd.s32 $0x50, s6;
	[sflag:s10] =	ssyncadd.s32 $0xFFFFFF80  }
0xc3: {  	[tilespmem:s21], [sflag:$0x4] =	stream.linear.gather [hbm4b:s20+s4], $0x80, $0x38;
	[tilespmem:$0x6680] =	vst v63  }
0xc4: {  	_ =	swait.ge [sflag:s10], $0x80  }
0xc5: {  	[sflag:s10] =	ssyncset.done $0x0  }
0xc6: {  	s23 =	simm.s32 $0x700;
	s22 =	sadd.s32 $0x60, s6;
	[sflag:s10] =	ssyncadd.s32 $0xFFFFFF80  }
0xc7: {  	[tilespmem:s23], [sflag:$0x4] =	stream.linear.gather [hbm4b:s22+s4], $0x80, $0x38;
	[tilespmem:$0x6680] =	vst v63  }
0xc8: {  	_ =	swait.ge [sflag:s10], $0x80  }
0xc9: {  	[sflag:s10] =	ssyncset.done $0x0  }
0xca: {  	s24 =	simm.s32 $0x780;
	s6 =	sadd.s32 $0x70, s6;
	[sflag:s10] =	ssyncadd.s32 $0xFFFFFF80  }
0xcb: {  	[tilespmem:s24], [sflag:$0x4] =	stream.linear.gather [hbm4b:s6+s4], $0x80, $0x38;
	[tilespmem:$0x6680] =	vst v63  }
0xcc: {  	_ =	swait.ge [sflag:s10], $0x80  }
0xcd: {  	[sflag:s10] =	ssyncset.done $0x0  }
0xce: {  	s18 =	simm.s32 $0x3000;
	[sflag:s10] =	ssyncadd.s32 $0xFFFFFF80  }
0xcf: {  	[tilespmem:s18], [sflag:$0x1] =	stream.indirect.gather [hbm4b:s5+s11], $0x1, s28, s11, $0xb8;
	[tilespmem:$0x6680] =	vst v63  }
0xd0: {  	s8 =	simm.s32 $0x3400  }
0xd1: {  	[tilespmem:s8], [sflag:$0x1] =	stream.indirect.gather [hbm4b:s5+s11], $0x1, s13, s11, $0xb8;
	[tilespmem:$0x6680] =	vst v63  }
0xd2: {  	s12 =	simm.s32 $0x3800  }
0xd3: {  	[tilespmem:s12], [sflag:$0x1] =	stream.indirect.gather [hbm4b:s5+s11], $0x1, s15, s11, $0xb8;
	[tilespmem:$0x6680] =	vst v63  }
0xd4: {  	s13 =	simm.s32 $0x3C00  }
0xd5: {  	[tilespmem:s13], [sflag:$0x1] =	stream.indirect.gather [hbm4b:s5+s11], $0x1, s17, s11, $0xb8;
	[tilespmem:$0x6680] =	vst v63  }
0xd6: {  	s14 =	simm.s32 $0x4000  }
0xd7: {  	[tilespmem:s14], [sflag:$0x1] =	stream.indirect.gather [hbm4b:s5+s11], $0x1, s19, s11, $0xb8;
	[tilespmem:$0x6680] =	vst v63  }
0xd8: {  	s15 =	simm.s32 $0x4400  }
0xd9: {  	[tilespmem:s15], [sflag:$0x1] =	stream.indirect.gather [hbm4b:s5+s11], $0x1, s21, s11, $0xb8;
	[tilespmem:$0x6680] =	vst v63  }
0xda: {  	s16 =	simm.s32 $0x4800  }
0xdb: {  	[tilespmem:s16], [sflag:$0x1] =	stream.indirect.gather [hbm4b:s5+s11], $0x1, s23, s11, $0xb8;
	[tilespmem:$0x6680] =	vst v63  }
0xdc: {  	s25 =	rddreg [dreg:$0x5]  }
0xdd: {  	[tilespmem:s26], [sflag:$0x1] =	stream.indirect.gather [hbm4b:s5+s11], $0x1, s24, s11, $0xb8;
	[tilespmem:$0x6680] =	vst v63  }
0xde: {  	s6 =	sadd.s32 $0x0, s25;
	s17 =	simm.s32 $0xC00  }
0xdf: {  	[tilespmem:s17], [sflag:$0x4] =	stream.linear.gather [hbm4b:s6+s4], $0x80, $0x38;
	[tilespmem:$0x6680] =	vst v63  }
0xe0: {  	_ =	swait.ge [sflag:s10], $0x80  }
0xe1: {  	[sflag:s10] =	ssyncset.done $0x0  }
0xe2: {  	s28 =	sadd.s32 $0x10, s6;
	s19 =	simm.s32 $0xC80;
	[sflag:s10] =	ssyncadd.s32 $0xFFFFFF80  }
0xe3: {  	[tilespmem:s19], [sflag:$0x4] =	stream.linear.gather [hbm4b:s28+s4], $0x80, $0x38;
	[tilespmem:$0x6680] =	vst v63  }
0xe4: {  	_ =	swait.ge [sflag:s10], $0x80  }
0xe5: {  	[sflag:s10] =	ssyncset.done $0x0  }
0xe6: {  	s20 =	sadd.s32 $0x20, s6;
	s21 =	simm.s32 $0xD00;
	[sflag:s10] =	ssyncadd.s32 $0xFFFFFF80  }
0xe7: {  	[tilespmem:s21], [sflag:$0x4] =	stream.linear.gather [hbm4b:s20+s4], $0x80, $0x38;
	[tilespmem:$0x6680] =	vst v63  }
0xe8: {  	_ =	swait.ge [sflag:s10], $0x80  }
0xe9: {  	[sflag:s10] =	ssyncset.done $0x0  }
0xea: {  	s22 =	sadd.s32 $0x30, s6;
	s23 =	simm.s32 $0xD80;
	[sflag:s10] =	ssyncadd.s32 $0xFFFFFF80  }
0xeb: {  	[tilespmem:s23], [sflag:$0x4] =	stream.linear.gather [hbm4b:s22+s4], $0x80, $0x38;
	[tilespmem:$0x6680] =	vst v63  }
0xec: {  	_ =	swait.ge [sflag:s10], $0x80  }
0xed: {  	[sflag:s10] =	ssyncset.done $0x0  }
0xee: {  	s25 =	simm.s32 $0xE00;
	s24 =	sadd.s32 $0x40, s6;
	[sflag:s10] =	ssyncadd.s32 $0xFFFFFF80  }
0xef: {  	[tilespmem:s25], [sflag:$0x4] =	stream.linear.gather [hbm4b:s24+s4], $0x80, $0x38;
	[tilespmem:$0x6680] =	vst v63  }
0xf0: {  	_ =	swait.ge [sflag:s10], $0x80  }
0xf1: {  	[sflag:s10] =	ssyncset.done $0x0  }
0xf2: {  	s26 =	sadd.s32 $0x50, s6;
	[sflag:s10] =	ssyncadd.s32 $0xFFFFFF80  }
0xf3: {  	[tilespmem:s31], [sflag:$0x4] =	stream.linear.gather [hbm4b:s26+s4], $0x80, $0x38;
	[tilespmem:$0x6680] =	vst v63  }
0xf4: {  	_ =	swait.ge [sflag:s10], $0x80  }
0xf5: {  	[sflag:s10] =	ssyncset.done $0x0  }
0xf6: {  	s28 =	sadd.s32 $0x60, s6;
	[sflag:s10] =	ssyncadd.s32 $0xFFFFFF80  }
0xf7: {  	[tilespmem:s1], [sflag:$0x4] =	stream.linear.gather [hbm4b:s28+s4], $0x80, $0x38;
	[tilespmem:$0x6680] =	vst v63  }
0xf8: {  	_ =	swait.ge [sflag:s10], $0x80  }
0xf9: {  	[sflag:s10] =	ssyncset.done $0x0  }
0xfa: {  	s6 =	sadd.s32 $0x70, s6;
	[sflag:s10] =	ssyncadd.s32 $0xFFFFFF80  }
0xfb: {  	[tilespmem:s2], [sflag:$0x4] =	stream.linear.gather [hbm4b:s6+s4], $0x80, $0x38;
	[tilespmem:$0x6680] =	vst v63  }
0xfc: {  	_ =	swait.ge [sflag:s10], $0x80  }
0xfd: {  	[sflag:s10] =	ssyncset.done $0x0  }
0xfe: {  	[sflag:s10] =	ssyncadd.s32 $0xFFFFFF80  }
0xff: {  	_ =	swait.ge [sflag:s9], $0x80  }
0x100: {  	[sflag:s9] =	ssyncset.done $0x0  }
0x101: {  	[sflag:s9] =	ssyncadd.s32 $0xFFFFFF80  }
0x102: {  	_ =	swait.ge [sflag:s9], $0x80  }
0x103: {  	[sflag:s9] =	ssyncset.done $0x0  }
0x104: {  	[sflag:s9] =	ssyncadd.s32 $0xFFFFFF80  }
0x105: {  	_ =	swait.ge [sflag:s9], $0x80  }
0x106: {  	[sflag:s9] =	ssyncset.done $0x0  }
0x107: {  	[sflag:s9] =	ssyncadd.s32 $0xFFFFFF80  }
0x108: {  	_ =	swait.ge [sflag:s9], $0x80  }
0x109: {  	[sflag:s9] =	ssyncset.done $0x0  }
0x10a: {  	[sflag:s9] =	ssyncadd.s32 $0xFFFFFF80  }
0x10b: {  	_ =	swait.ge [sflag:s9], $0x80  }
0x10c: {  	[sflag:s9] =	ssyncset.done $0x0  }
0x10d: {  	[sflag:s9] =	ssyncadd.s32 $0xFFFFFF80  }
0x10e: {  	_ =	swait.ge [sflag:s9], $0x80  }
0x10f: {  	[sflag:s9] =	ssyncset.done $0x0  }
0x110: {  	[sflag:s9] =	ssyncadd.s32 $0xFFFFFF80  }
0x111: {  	_ =	swait.ge [sflag:s9], $0x80  }
0x112: {  	[sflag:s9] =	ssyncset.done $0x0  }
0x113: {  	[sflag:s9] =	ssyncadd.s32 $0xFFFFFF80  }
0x114: {  	_ =	swait.ge [sflag:s9], $0x80  }
0x115: {  	[sflag:s9] =	ssyncset.done $0x0  }
0x116: {  	[sflag:s9] =	ssyncadd.s32 $0xFFFFFF80  }
0x117: {  	_ =	swait.ge [sflag:s0], $0x80  }
0x118: {  	[sflag:s0] =	ssyncset.done $0x0  }
0x119: {  	[sflag:s0] =	ssyncadd.s32 $0xFFFFFF80  }
0x11a: {  	_ =	swait.ge [sflag:s0], $0x80  }
0x11b: {  	[sflag:s0] =	ssyncset.done $0x0  }
0x11c: {  	[sflag:s0] =	ssyncadd.s32 $0xFFFFFF80  }
0x11d: {  	_ =	swait.ge [sflag:s0], $0x80  }
0x11e: {  	[sflag:s0] =	ssyncset.done $0x0  }
0x11f: {  	[sflag:s0] =	ssyncadd.s32 $0xFFFFFF80  }
0x120: {  	_ =	swait.ge [sflag:s0], $0x80  }
0x121: {  	[sflag:s0] =	ssyncset.done $0x0  }
0x122: {  	[sflag:s0] =	ssyncadd.s32 $0xFFFFFF80  }
0x123: {  	_ =	swait.ge [sflag:s0], $0x80  }
0x124: {  	[sflag:s0] =	ssyncset.done $0x0  }
0x125: {  	[sflag:s0] =	ssyncadd.s32 $0xFFFFFF80  }
0x126: {  	_ =	swait.ge [sflag:s0], $0x80  }
0x127: {  	[sflag:s0] =	ssyncset.done $0x0  }
0x128: {  	[sflag:s0] =	ssyncadd.s32 $0xFFFFFF80  }
0x129: {  	_ =	swait.ge [sflag:s0], $0x80  }
0x12a: {  	[sflag:s0] =	ssyncset.done $0x0  }
0x12b: {  	[sflag:s0] =	ssyncadd.s32 $0xFFFFFF80  }
0x12c: {  	_ =	swait.ge [sflag:s0], $0x80  }
0x12d: {  	[sflag:s0] =	ssyncset.done $0x0  }
0x12e: {  	[sflag:s0] =	ssyncadd.s32 $0xFFFFFF80  }
0x12f: {  	[spmem:s3] =	stream.indirect.scatter.add.f32 [tilespmem:s18], [sflag:$0x3], $0x1, s17, s11, $0xb8;
	[tilespmem:$0x6680] =	vst v63  }
0x130: {  	_ = 	snop  }
0x131: {  	[spmem:s3] =	stream.indirect.scatter.add.f32 [tilespmem:s8], [sflag:$0x3], $0x1, s19, s11, $0xb8;
	[tilespmem:$0x6680] =	vst v63  }
0x132: {  	_ = 	snop  }
0x133: {  	[spmem:s3] =	stream.indirect.scatter.add.f32 [tilespmem:s12], [sflag:$0x3], $0x1, s21, s11, $0xb8;
	[tilespmem:$0x6680] =	vst v63  }
0x134: {  	_ = 	snop  }
0x135: {  	[spmem:s3] =	stream.indirect.scatter.add.f32 [tilespmem:s13], [sflag:$0x3], $0x1, s23, s11, $0xb8;
	[tilespmem:$0x6680] =	vst v63  }
0x136: {  	_ = 	snop  }
0x137: {  	[spmem:s3] =	stream.indirect.scatter.add.f32 [tilespmem:s14], [sflag:$0x3], $0x1, s25, s11, $0xb8;
	[tilespmem:$0x6680] =	vst v63  }
0x138: {  	_ = 	snop  }
0x139: {  	[spmem:s3] =	stream.indirect.scatter.add.f32 [tilespmem:s15], [sflag:$0x3], $0x1, s31, s11, $0xb8;
	[tilespmem:$0x6680] =	vst v63  }
0x13a: {  	s7 =	simm.s32 $0x100;
	s6 =	rddreg [dreg:$0x6];
	s8 =	simm.s32 $0x200  }
0x13b: {  	[spmem:s3] =	stream.indirect.scatter.add.f32 [tilespmem:s16], [sflag:$0x3], $0x1, s1, s11, $0xb8;
	[tilespmem:$0x6680] =	vst v63  }
.LBB2_2:
0x13c: {  	[spmem:s3] =	stream.indirect.scatter.add.f32 [tilespmem:s30], [sflag:$0x3], $0x1, s2, s11, $0xb8;
	[tilespmem:$0x6680] =	vst v63  }
0x13d: {  	s12 =	sadd.s32 s7, s6  }
0x13e: {  	[tilespmem:s4], [sflag:$0x4] =	stream.linear.gather [hbm4b:s12+s4], $0x80, $0x38;
	[tilespmem:$0x6680] =	vst v63  }
0x13f: {  	_ =	swait.ge [sflag:s10], $0x80  }
0x140: {  	[sflag:s10] =	ssyncset.done $0x0  }
0x141: {  	s13 =	sadd.s32 $0x10, s12;
	[sflag:s10] =	ssyncadd.s32 $0xFFFFFF80  }
0x142: {  	[tilespmem:s11], [sflag:$0x4] =	stream.linear.gather [hbm4b:s13+s4], $0x80, $0x38;
	[tilespmem:$0x6680] =	vst v63  }
0x143: {  	_ =	swait.ge [sflag:s10], $0x80  }
0x144: {  	[sflag:s10] =	ssyncset.done $0x0  }
0x145: {  	s14 =	simm.s32 $0x100;
	s17 =	sadd.s32 $0x20, s12;
	[sflag:s10] =	ssyncadd.s32 $0xFFFFFF80  }
0x146: {  	[tilespmem:s14], [sflag:$0x4] =	stream.linear.gather [hbm4b:s17+s4], $0x80, $0x38;
	[tilespmem:$0x6680] =	vst v63  }
0x147: {  	_ =	swait.ge [sflag:s10], $0x80  }
0x148: {  	[sflag:s10] =	ssyncset.done $0x0  }
0x149: {  	s15 =	simm.s32 $0x180;
	s18 =	sadd.s32 $0x30, s12;
	[sflag:s10] =	ssyncadd.s32 $0xFFFFFF80  }
0x14a: {  	[tilespmem:s15], [sflag:$0x4] =	stream.linear.gather [hbm4b:s18+s4], $0x80, $0x38;
	[tilespmem:$0x6680] =	vst v63  }
0x14b: {  	_ =	swait.ge [sflag:s10], $0x80  }
0x14c: {  	[sflag:s10] =	ssyncset.done $0x0  }
0x14d: {  	s16 =	simm.s32 $0x200;
	s19 =	sadd.s32 $0x40, s12;
	[sflag:s10] =	ssyncadd.s32 $0xFFFFFF80  }
0x14e: {  	[tilespmem:s16], [sflag:$0x4] =	stream.linear.gather [hbm4b:s19+s4], $0x80, $0x38;
	[tilespmem:$0x6680] =	vst v63  }
0x14f: {  	_ =	swait.ge [sflag:s10], $0x80  }
0x150: {  	[sflag:s10] =	ssyncset.done $0x0  }
0x151: {  	s20 =	sadd.s32 $0x50, s12;
	s17 =	simm.s32 $0x280;
	[sflag:s10] =	ssyncadd.s32 $0xFFFFFF80  }
0x152: {  	[tilespmem:s17], [sflag:$0x4] =	stream.linear.gather [hbm4b:s20+s4], $0x80, $0x38;
	[tilespmem:$0x6680] =	vst v63  }
0x153: {  	_ =	swait.ge [sflag:s10], $0x80  }
0x154: {  	[sflag:s10] =	ssyncset.done $0x0  }
0x155: {  	s21 =	sadd.s32 $0x60, s12;
	s18 =	simm.s32 $0x300;
	[sflag:s10] =	ssyncadd.s32 $0xFFFFFF80  }
0x156: {  	[tilespmem:s18], [sflag:$0x4] =	stream.linear.gather [hbm4b:s21+s4], $0x80, $0x38;
	[tilespmem:$0x6680] =	vst v63  }
0x157: {  	_ =	swait.ge [sflag:s10], $0x80  }
0x158: {  	[sflag:s10] =	ssyncset.done $0x0  }
0x159: {  	s22 =	simm.s32 $0x380;
	s12 =	sadd.s32 $0x70, s12;
	[sflag:s10] =	ssyncadd.s32 $0xFFFFFF80  }
0x15a: {  	[tilespmem:s22], [sflag:$0x4] =	stream.linear.gather [hbm4b:s12+s4], $0x80, $0x38;
	[tilespmem:$0x6680] =	vst v63  }
0x15b: {  	_ =	swait.ge [sflag:s10], $0x80  }
0x15c: {  	[sflag:s10] =	ssyncset.done $0x0  }
0x15d: {  	s19 =	simm.s32 $0x1000;
	[sflag:s10] =	ssyncadd.s32 $0xFFFFFF80  }
0x15e: {  	[tilespmem:s19], [sflag:$0x1] =	stream.indirect.gather [hbm4b:s5+s11], $0x1, s4, s11, $0xb8;
	[tilespmem:$0x6680] =	vst v63  }
0x15f: {  	s20 =	simm.s32 $0x1400  }
0x160: {  	[tilespmem:s20], [sflag:$0x1] =	stream.indirect.gather [hbm4b:s5+s11], $0x1, s11, s11, $0xb8;
	[tilespmem:$0x6680] =	vst v63  }
0x161: {  	s21 =	simm.s32 $0x1800  }
0x162: {  	[tilespmem:s21], [sflag:$0x1] =	stream.indirect.gather [hbm4b:s5+s11], $0x1, s14, s11, $0xb8;
	[tilespmem:$0x6680] =	vst v63  }
0x163: {  	s14 =	simm.s32 $0x1C00  }
0x164: {  	[tilespmem:s14], [sflag:$0x1] =	stream.indirect.gather [hbm4b:s5+s11], $0x1, s15, s11, $0xb8;
	[tilespmem:$0x6680] =	vst v63  }
0x165: {  	s15 =	simm.s32 $0x2000  }
0x166: {  	[tilespmem:s15], [sflag:$0x1] =	stream.indirect.gather [hbm4b:s5+s11], $0x1, s16, s11, $0xb8;
	[tilespmem:$0x6680] =	vst v63  }
0x167: {  	s16 =	simm.s32 $0x2400  }
0x168: {  	[tilespmem:s16], [sflag:$0x1] =	stream.indirect.gather [hbm4b:s5+s11], $0x1, s17, s11, $0xb8;
	[tilespmem:$0x6680] =	vst v63  }
0x169: {  	s17 =	simm.s32 $0x2800  }
0x16a: {  	[tilespmem:s17], [sflag:$0x1] =	stream.indirect.gather [hbm4b:s5+s11], $0x1, s18, s11, $0xb8;
	[tilespmem:$0x6680] =	vst v63  }
0x16b: {  	s23 =	rddreg [dreg:$0x7];
	s18 =	simm.s32 $0x2C00  }
0x16c: {  	[tilespmem:s18], [sflag:$0x1] =	stream.indirect.gather [hbm4b:s5+s11], $0x1, s22, s11, $0xb8;
	[tilespmem:$0x6680] =	vst v63  }
0x16d: {  	s12 =	sadd.s32 s7, s23;
	s22 =	simm.s32 $0x800  }
0x16e: {  	[tilespmem:s22], [sflag:$0x4] =	stream.linear.gather [hbm4b:s12+s4], $0x80, $0x38;
	[tilespmem:$0x6680] =	vst v63  }
0x16f: {  	_ =	swait.ge [sflag:s10], $0x80  }
0x170: {  	[sflag:s10] =	ssyncset.done $0x0  }
0x171: {  	s23 =	simm.s32 $0x880;
	s24 =	sadd.s32 $0x10, s12;
	[sflag:s10] =	ssyncadd.s32 $0xFFFFFF80  }
0x172: {  	[tilespmem:s23], [sflag:$0x4] =	stream.linear.gather [hbm4b:s24+s4], $0x80, $0x38;
	[tilespmem:$0x6680] =	vst v63  }
0x173: {  	_ =	swait.ge [sflag:s10], $0x80  }
0x174: {  	[sflag:s10] =	ssyncset.done $0x0  }
0x175: {  	s25 =	sadd.s32 $0x20, s12;
	s24 =	simm.s32 $0x900;
	[sflag:s10] =	ssyncadd.s32 $0xFFFFFF80  }
0x176: {  	[tilespmem:s24], [sflag:$0x4] =	stream.linear.gather [hbm4b:s25+s4], $0x80, $0x38;
	[tilespmem:$0x6680] =	vst v63  }
0x177: {  	_ =	swait.ge [sflag:s10], $0x80  }
0x178: {  	[sflag:s10] =	ssyncset.done $0x0  }
0x179: {  	s26 =	sadd.s32 $0x30, s12;
	s25 =	simm.s32 $0x980;
	[sflag:s10] =	ssyncadd.s32 $0xFFFFFF80  }
0x17a: {  	[tilespmem:s25], [sflag:$0x4] =	stream.linear.gather [hbm4b:s26+s4], $0x80, $0x38;
	[tilespmem:$0x6680] =	vst v63  }
0x17b: {  	_ =	swait.ge [sflag:s10], $0x80  }
0x17c: {  	[sflag:s10] =	ssyncset.done $0x0  }
0x17d: {  	s28 =	sadd.s32 $0x40, s12;
	s26 =	simm.s32 $0xA00;
	[sflag:s10] =	ssyncadd.s32 $0xFFFFFF80  }
0x17e: {  	[tilespmem:s26], [sflag:$0x4] =	stream.linear.gather [hbm4b:s28+s4], $0x80, $0x38;
	[tilespmem:$0x6680] =	vst v63  }
0x17f: {  	_ =	swait.ge [sflag:s10], $0x80  }
0x180: {  	[sflag:s10] =	ssyncset.done $0x0  }
0x181: {  	s13 =	sadd.s32 $0x50, s12;
	s28 =	simm.s32 $0xA80;
	[sflag:s10] =	ssyncadd.s32 $0xFFFFFF80  }
0x182: {  	[tilespmem:s28], [sflag:$0x4] =	stream.linear.gather [hbm4b:s13+s4], $0x80, $0x38;
	[tilespmem:$0x6680] =	vst v63  }
0x183: {  	_ =	swait.ge [sflag:s10], $0x80  }
0x184: {  	[sflag:s10] =	ssyncset.done $0x0  }
0x185: {  	s13 =	sadd.s32 $0x60, s12;
	[sflag:s10] =	ssyncadd.s32 $0xFFFFFF80  }
0x186: {  	[tilespmem:s29], [sflag:$0x4] =	stream.linear.gather [hbm4b:s13+s4], $0x80, $0x38;
	[tilespmem:$0x6680] =	vst v63  }
0x187: {  	_ =	swait.ge [sflag:s10], $0x80  }
0x188: {  	[sflag:s10] =	ssyncset.done $0x0  }
0x189: {  	s12 =	sadd.s32 $0x70, s12;
	s13 =	simm.s32 $0xB80;
	[sflag:s10] =	ssyncadd.s32 $0xFFFFFF80  }
0x18a: {  	[tilespmem:s13], [sflag:$0x4] =	stream.linear.gather [hbm4b:s12+s4], $0x80, $0x38;
	[tilespmem:$0x6680] =	vst v63  }
0x18b: {  	_ =	swait.ge [sflag:s10], $0x80  }
0x18c: {  	[sflag:s10] =	ssyncset.done $0x0  }
0x18d: {  	[sflag:s10] =	ssyncadd.s32 $0xFFFFFF80  }
0x18e: {  	_ =	swait.ge [sflag:s9], $0x80  }
0x18f: {  	[sflag:s9] =	ssyncset.done $0x0  }
0x190: {  	[sflag:s9] =	ssyncadd.s32 $0xFFFFFF80  }
0x191: {  	_ =	swait.ge [sflag:s9], $0x80  }
0x192: {  	[sflag:s9] =	ssyncset.done $0x0  }
0x193: {  	[sflag:s9] =	ssyncadd.s32 $0xFFFFFF80  }
0x194: {  	_ =	swait.ge [sflag:s9], $0x80  }
0x195: {  	[sflag:s9] =	ssyncset.done $0x0  }
0x196: {  	[sflag:s9] =	ssyncadd.s32 $0xFFFFFF80  }
0x197: {  	_ =	swait.ge [sflag:s9], $0x80  }
0x198: {  	[sflag:s9] =	ssyncset.done $0x0  }
0x199: {  	[sflag:s9] =	ssyncadd.s32 $0xFFFFFF80  }
0x19a: {  	_ =	swait.ge [sflag:s9], $0x80  }
0x19b: {  	[sflag:s9] =	ssyncset.done $0x0  }
0x19c: {  	[sflag:s9] =	ssyncadd.s32 $0xFFFFFF80  }
0x19d: {  	_ =	swait.ge [sflag:s9], $0x80  }
0x19e: {  	[sflag:s9] =	ssyncset.done $0x0  }
0x19f: {  	[sflag:s9] =	ssyncadd.s32 $0xFFFFFF80  }
0x1a0: {  	_ =	swait.ge [sflag:s9], $0x80  }
0x1a1: {  	[sflag:s9] =	ssyncset.done $0x0  }
0x1a2: {  	[sflag:s9] =	ssyncadd.s32 $0xFFFFFF80  }
0x1a3: {  	_ =	swait.ge [sflag:s9], $0x80  }
0x1a4: {  	p1 =	seq.s32 s7, $0x0;
	[sflag:s9] =	ssyncset.done $0x0  }
0x1a5: {  	s12 =	simm.s32 @!p1 $0x3;
	[sflag:s9] =	ssyncadd.s32 $0xFFFFFF80  }
0x1a6: {  	_ =	swait.ge @!p1 [sflag:s12], $0x80  }
0x1a7: {  	[sflag:s12] =	ssyncset.done @!p1 $0x0  }
0x1a8: {  	[sflag:s12] =	ssyncadd.s32 @!p1 $0xFFFFFF80  }
0x1a9: {  	_ =	swait.ge @!p1 [sflag:s12], $0x80  }
0x1aa: {  	[sflag:s12] =	ssyncset.done @!p1 $0x0  }
0x1ab: {  	[sflag:s12] =	ssyncadd.s32 @!p1 $0xFFFFFF80  }
0x1ac: {  	_ =	swait.ge @!p1 [sflag:s12], $0x80  }
0x1ad: {  	[sflag:s12] =	ssyncset.done @!p1 $0x0  }
0x1ae: {  	[sflag:s12] =	ssyncadd.s32 @!p1 $0xFFFFFF80  }
0x1af: {  	_ =	swait.ge @!p1 [sflag:s12], $0x80  }
0x1b0: {  	[sflag:s12] =	ssyncset.done @!p1 $0x0  }
0x1b1: {  	[sflag:s12] =	ssyncadd.s32 @!p1 $0xFFFFFF80  }
0x1b2: {  	_ =	swait.ge @!p1 [sflag:s12], $0x80  }
0x1b3: {  	[sflag:s12] =	ssyncset.done @!p1 $0x0  }
0x1b4: {  	[sflag:s12] =	ssyncadd.s32 @!p1 $0xFFFFFF80  }
0x1b5: {  	_ =	swait.ge @!p1 [sflag:s12], $0x80  }
0x1b6: {  	[sflag:s12] =	ssyncset.done @!p1 $0x0  }
0x1b7: {  	[sflag:s12] =	ssyncadd.s32 @!p1 $0xFFFFFF80  }
0x1b8: {  	_ =	swait.ge @!p1 [sflag:s12], $0x80  }
0x1b9: {  	[sflag:s12] =	ssyncset.done @!p1 $0x0  }
0x1ba: {  	[sflag:s12] =	ssyncadd.s32 @!p1 $0xFFFFFF80  }
0x1bb: {  	_ =	swait.ge @!p1 [sflag:s12], $0x80  }
0x1bc: {  	[sflag:s12] =	ssyncset.done @!p1 $0x0  }
0x1bd: {  	[sflag:s12] =	ssyncadd.s32 @!p1 $0xFFFFFF80  }
0x1be: {  	[spmem:s3] =	stream.indirect.scatter.add.f32 [tilespmem:s19], [sflag:$0x2], $0x1, s22, s11, $0xb8;
	[tilespmem:$0x6680] =	vst v63  }
0x1bf: {  	_ = 	snop  }
0x1c0: {  	[spmem:s3] =	stream.indirect.scatter.add.f32 [tilespmem:s20], [sflag:$0x2], $0x1, s23, s11, $0xb8;
	[tilespmem:$0x6680] =	vst v63  }
0x1c1: {  	_ = 	snop  }
0x1c2: {  	[spmem:s3] =	stream.indirect.scatter.add.f32 [tilespmem:s21], [sflag:$0x2], $0x1, s24, s11, $0xb8;
	[tilespmem:$0x6680] =	vst v63  }
0x1c3: {  	_ = 	snop  }
0x1c4: {  	[spmem:s3] =	stream.indirect.scatter.add.f32 [tilespmem:s14], [sflag:$0x2], $0x1, s25, s11, $0xb8;
	[tilespmem:$0x6680] =	vst v63  }
0x1c5: {  	_ = 	snop  }
0x1c6: {  	[spmem:s3] =	stream.indirect.scatter.add.f32 [tilespmem:s15], [sflag:$0x2], $0x1, s26, s11, $0xb8;
	[tilespmem:$0x6680] =	vst v63  }
0x1c7: {  	_ = 	snop  }
0x1c8: {  	[spmem:s3] =	stream.indirect.scatter.add.f32 [tilespmem:s16], [sflag:$0x2], $0x1, s28, s11, $0xb8;
	[tilespmem:$0x6680] =	vst v63  }
0x1c9: {  	_ = 	snop  }
0x1ca: {  	[spmem:s3] =	stream.indirect.scatter.add.f32 [tilespmem:s17], [sflag:$0x2], $0x1, s29, s11, $0xb8;
	[tilespmem:$0x6680] =	vst v63  }
0x1cb: {  	s14 =	rddreg [dreg:$0x4]  }
0x1cc: {  	[spmem:s3] =	stream.indirect.scatter.add.f32 [tilespmem:s18], [sflag:$0x2], $0x1, s13, s11, $0xb8;
	[tilespmem:$0x6680] =	vst v63  }
0x1cd: {  	s12 =	sadd.s32 s7, s14;
	s14 =	simm.s32 $0x400  }
0x1ce: {  	[tilespmem:s14], [sflag:$0x4] =	stream.linear.gather [hbm4b:s12+s4], $0x80, $0x38;
	[tilespmem:$0x6680] =	vst v63  }
0x1cf: {  	_ =	swait.ge [sflag:s10], $0x80  }
0x1d0: {  	[sflag:s10] =	ssyncset.done $0x0  }
0x1d1: {  	s15 =	sadd.s32 $0x10, s12;
	s16 =	simm.s32 $0x480;
	[sflag:s10] =	ssyncadd.s32 $0xFFFFFF80  }
0x1d2: {  	[tilespmem:s16], [sflag:$0x4] =	stream.linear.gather [hbm4b:s15+s4], $0x80, $0x38;
	[tilespmem:$0x6680] =	vst v63  }
0x1d3: {  	_ =	swait.ge [sflag:s10], $0x80  }
0x1d4: {  	[sflag:s10] =	ssyncset.done $0x0  }
0x1d5: {  	s17 =	sadd.s32 $0x20, s12;
	s18 =	simm.s32 $0x500;
	[sflag:s10] =	ssyncadd.s32 $0xFFFFFF80  }
0x1d6: {  	[tilespmem:s18], [sflag:$0x4] =	stream.linear.gather [hbm4b:s17+s4], $0x80, $0x38;
	[tilespmem:$0x6680] =	vst v63  }
0x1d7: {  	_ =	swait.ge [sflag:s10], $0x80  }
0x1d8: {  	[sflag:s10] =	ssyncset.done $0x0  }
0x1d9: {  	s20 =	simm.s32 $0x580;
	s19 =	sadd.s32 $0x30, s12;
	[sflag:s10] =	ssyncadd.s32 $0xFFFFFF80  }
0x1da: {  	[tilespmem:s20], [sflag:$0x4] =	stream.linear.gather [hbm4b:s19+s4], $0x80, $0x38;
	[tilespmem:$0x6680] =	vst v63  }
0x1db: {  	_ =	swait.ge [sflag:s10], $0x80  }
0x1dc: {  	[sflag:s10] =	ssyncset.done $0x0  }
0x1dd: {  	s23 =	simm.s32 $0x600;
	s22 =	sadd.s32 $0x40, s12;
	[sflag:s10] =	ssyncadd.s32 $0xFFFFFF80  }
0x1de: {  	[tilespmem:s23], [sflag:$0x4] =	stream.linear.gather [hbm4b:s22+s4], $0x80, $0x38;
	[tilespmem:$0x6680] =	vst v63  }
0x1df: {  	_ =	swait.ge [sflag:s10], $0x80  }
0x1e0: {  	[sflag:s10] =	ssyncset.done $0x0  }
0x1e1: {  	s25 =	simm.s32 $0x680;
	s24 =	sadd.s32 $0x50, s12;
	[sflag:s10] =	ssyncadd.s32 $0xFFFFFF80  }
0x1e2: {  	[tilespmem:s25], [sflag:$0x4] =	stream.linear.gather [hbm4b:s24+s4], $0x80, $0x38;
	[tilespmem:$0x6680] =	vst v63  }
0x1e3: {  	_ =	swait.ge [sflag:s10], $0x80  }
0x1e4: {  	[sflag:s10] =	ssyncset.done $0x0  }
0x1e5: {  	s26 =	sadd.s32 $0x60, s12;
	s28 =	simm.s32 $0x700;
	[sflag:s10] =	ssyncadd.s32 $0xFFFFFF80  }
0x1e6: {  	[tilespmem:s28], [sflag:$0x4] =	stream.linear.gather [hbm4b:s26+s4], $0x80, $0x38;
	[tilespmem:$0x6680] =	vst v63  }
0x1e7: {  	_ =	swait.ge [sflag:s10], $0x80  }
0x1e8: {  	[sflag:s10] =	ssyncset.done $0x0  }
0x1e9: {  	s12 =	sadd.s32 $0x70, s12;
	s22 =	simm.s32 $0x780;
	[sflag:s10] =	ssyncadd.s32 $0xFFFFFF80  }
0x1ea: {  	[tilespmem:s22], [sflag:$0x4] =	stream.linear.gather [hbm4b:s12+s4], $0x80, $0x38;
	[tilespmem:$0x6680] =	vst v63  }
0x1eb: {  	_ =	swait.ge [sflag:s10], $0x80  }
0x1ec: {  	[sflag:s10] =	ssyncset.done $0x0  }
0x1ed: {  	s21 =	simm.s32 $0x3000;
	[sflag:s10] =	ssyncadd.s32 $0xFFFFFF80  }
0x1ee: {  	[tilespmem:s21], [sflag:$0x1] =	stream.indirect.gather [hbm4b:s5+s11], $0x1, s14, s11, $0xb8;
	[tilespmem:$0x6680] =	vst v63  }
0x1ef: {  	s14 =	simm.s32 $0x3400  }
0x1f0: {  	[tilespmem:s14], [sflag:$0x1] =	stream.indirect.gather [hbm4b:s5+s11], $0x1, s16, s11, $0xb8;
	[tilespmem:$0x6680] =	vst v63  }
0x1f1: {  	s15 =	simm.s32 $0x3800  }
0x1f2: {  	[tilespmem:s15], [sflag:$0x1] =	stream.indirect.gather [hbm4b:s5+s11], $0x1, s18, s11, $0xb8;
	[tilespmem:$0x6680] =	vst v63  }
0x1f3: {  	s16 =	simm.s32 $0x3C00  }
0x1f4: {  	[tilespmem:s16], [sflag:$0x1] =	stream.indirect.gather [hbm4b:s5+s11], $0x1, s20, s11, $0xb8;
	[tilespmem:$0x6680] =	vst v63  }
0x1f5: {  	s17 =	simm.s32 $0x4000  }
0x1f6: {  	[tilespmem:s17], [sflag:$0x1] =	stream.indirect.gather [hbm4b:s5+s11], $0x1, s23, s11, $0xb8;
	[tilespmem:$0x6680] =	vst v63  }
0x1f7: {  	s18 =	simm.s32 $0x4400  }
0x1f8: {  	[tilespmem:s18], [sflag:$0x1] =	stream.indirect.gather [hbm4b:s5+s11], $0x1, s25, s11, $0xb8;
	[tilespmem:$0x6680] =	vst v63  }
0x1f9: {  	s19 =	simm.s32 $0x4800  }
0x1fa: {  	[tilespmem:s19], [sflag:$0x1] =	stream.indirect.gather [hbm4b:s5+s11], $0x1, s28, s11, $0xb8;
	[tilespmem:$0x6680] =	vst v63  }
0x1fb: {  	s23 =	rddreg [dreg:$0x5]  }
0x1fc: {  	[tilespmem:s30], [sflag:$0x1] =	stream.indirect.gather [hbm4b:s5+s11], $0x1, s22, s11, $0xb8;
	[tilespmem:$0x6680] =	vst v63  }
0x1fd: {  	s13 =	simm.s32 $0xC00;
	s12 =	sadd.s32 s7, s23  }
0x1fe: {  	[tilespmem:s13], [sflag:$0x4] =	stream.linear.gather [hbm4b:s12+s4], $0x80, $0x38;
	[tilespmem:$0x6680] =	vst v63  }
0x1ff: {  	_ =	swait.ge [sflag:s10], $0x80  }
0x200: {  	[sflag:s10] =	ssyncset.done $0x0  }
0x201: {  	s20 =	simm.s32 $0xC80;
	s24 =	sadd.s32 $0x10, s12;
	[sflag:s10] =	ssyncadd.s32 $0xFFFFFF80  }
0x202: {  	[tilespmem:s20], [sflag:$0x4] =	stream.linear.gather [hbm4b:s24+s4], $0x80, $0x38;
	[tilespmem:$0x6680] =	vst v63  }
0x203: {  	_ =	swait.ge [sflag:s10], $0x80  }
0x204: {  	[sflag:s10] =	ssyncset.done $0x0  }
0x205: {  	s25 =	sadd.s32 $0x20, s12;
	s22 =	simm.s32 $0xD00;
	[sflag:s10] =	ssyncadd.s32 $0xFFFFFF80  }
0x206: {  	[tilespmem:s22], [sflag:$0x4] =	stream.linear.gather [hbm4b:s25+s4], $0x80, $0x38;
	[tilespmem:$0x6680] =	vst v63  }
0x207: {  	_ =	swait.ge [sflag:s10], $0x80  }
0x208: {  	[sflag:s10] =	ssyncset.done $0x0  }
0x209: {  	s23 =	simm.s32 $0xD80;
	s26 =	sadd.s32 $0x30, s12;
	[sflag:s10] =	ssyncadd.s32 $0xFFFFFF80  }
0x20a: {  	[tilespmem:s23], [sflag:$0x4] =	stream.linear.gather [hbm4b:s26+s4], $0x80, $0x38;
	[tilespmem:$0x6680] =	vst v63  }
0x20b: {  	_ =	swait.ge [sflag:s10], $0x80  }
0x20c: {  	[sflag:s10] =	ssyncset.done $0x0  }
0x20d: {  	s28 =	sadd.s32 $0x40, s12;
	s24 =	simm.s32 $0xE00;
	[sflag:s10] =	ssyncadd.s32 $0xFFFFFF80  }
0x20e: {  	[tilespmem:s24], [sflag:$0x4] =	stream.linear.gather [hbm4b:s28+s4], $0x80, $0x38;
	[tilespmem:$0x6680] =	vst v63  }
0x20f: {  	_ =	swait.ge [sflag:s10], $0x80  }
0x210: {  	[sflag:s10] =	ssyncset.done $0x0  }
0x211: {  	s25 =	sadd.s32 $0x50, s12;
	[sflag:s10] =	ssyncadd.s32 $0xFFFFFF80  }
0x212: {  	[tilespmem:s31], [sflag:$0x4] =	stream.linear.gather [hbm4b:s25+s4], $0x80, $0x38;
	[tilespmem:$0x6680] =	vst v63  }
0x213: {  	_ =	swait.ge [sflag:s10], $0x80  }
0x214: {  	[sflag:s10] =	ssyncset.done $0x0  }
0x215: {  	s26 =	sadd.s32 $0x60, s12;
	[sflag:s10] =	ssyncadd.s32 $0xFFFFFF80  }
0x216: {  	[tilespmem:s1], [sflag:$0x4] =	stream.linear.gather [hbm4b:s26+s4], $0x80, $0x38;
	[tilespmem:$0x6680] =	vst v63  }
0x217: {  	_ =	swait.ge [sflag:s10], $0x80  }
0x218: {  	[sflag:s10] =	ssyncset.done $0x0  }
0x219: {  	s28 =	sadd.s32 $0x70, s12;
	[sflag:s10] =	ssyncadd.s32 $0xFFFFFF80  }
0x21a: {  	[tilespmem:s2], [sflag:$0x4] =	stream.linear.gather [hbm4b:s28+s4], $0x80, $0x38;
	[tilespmem:$0x6680] =	vst v63  }
0x21b: {  	_ =	swait.ge [sflag:s10], $0x80  }
0x21c: {  	[sflag:s10] =	ssyncset.done $0x0  }
0x21d: {  	[sflag:s10] =	ssyncadd.s32 $0xFFFFFF80  }
0x21e: {  	_ =	swait.ge [sflag:s9], $0x80  }
0x21f: {  	[sflag:s9] =	ssyncset.done $0x0  }
0x220: {  	[sflag:s9] =	ssyncadd.s32 $0xFFFFFF80  }
0x221: {  	_ =	swait.ge [sflag:s9], $0x80  }
0x222: {  	[sflag:s9] =	ssyncset.done $0x0  }
0x223: {  	[sflag:s9] =	ssyncadd.s32 $0xFFFFFF80  }
0x224: {  	_ =	swait.ge [sflag:s9], $0x80  }
0x225: {  	[sflag:s9] =	ssyncset.done $0x0  }
0x226: {  	[sflag:s9] =	ssyncadd.s32 $0xFFFFFF80  }
0x227: {  	_ =	swait.ge [sflag:s9], $0x80  }
0x228: {  	[sflag:s9] =	ssyncset.done $0x0  }
0x229: {  	[sflag:s9] =	ssyncadd.s32 $0xFFFFFF80  }
0x22a: {  	_ =	swait.ge [sflag:s9], $0x80  }
0x22b: {  	[sflag:s9] =	ssyncset.done $0x0  }
0x22c: {  	[sflag:s9] =	ssyncadd.s32 $0xFFFFFF80  }
0x22d: {  	_ =	swait.ge [sflag:s9], $0x80  }
0x22e: {  	[sflag:s9] =	ssyncset.done $0x0  }
0x22f: {  	[sflag:s9] =	ssyncadd.s32 $0xFFFFFF80  }
0x230: {  	_ =	swait.ge [sflag:s9], $0x80  }
0x231: {  	[sflag:s9] =	ssyncset.done $0x0  }
0x232: {  	[sflag:s9] =	ssyncadd.s32 $0xFFFFFF80  }
0x233: {  	_ =	swait.ge [sflag:s9], $0x80  }
0x234: {  	[sflag:s9] =	ssyncset.done $0x0  }
0x235: {  	[sflag:s9] =	ssyncadd.s32 $0xFFFFFF80  }
0x236: {  	_ =	swait.ge [sflag:s0], $0x80  }
0x237: {  	[sflag:s0] =	ssyncset.done $0x0  }
0x238: {  	[sflag:s0] =	ssyncadd.s32 $0xFFFFFF80  }
0x239: {  	_ =	swait.ge [sflag:s0], $0x80  }
0x23a: {  	[sflag:s0] =	ssyncset.done $0x0  }
0x23b: {  	[sflag:s0] =	ssyncadd.s32 $0xFFFFFF80  }
0x23c: {  	_ =	swait.ge [sflag:s0], $0x80  }
0x23d: {  	[sflag:s0] =	ssyncset.done $0x0  }
0x23e: {  	[sflag:s0] =	ssyncadd.s32 $0xFFFFFF80  }
0x23f: {  	_ =	swait.ge [sflag:s0], $0x80  }
0x240: {  	[sflag:s0] =	ssyncset.done $0x0  }
0x241: {  	[sflag:s0] =	ssyncadd.s32 $0xFFFFFF80  }
0x242: {  	_ =	swait.ge [sflag:s0], $0x80  }
0x243: {  	[sflag:s0] =	ssyncset.done $0x0  }
0x244: {  	[sflag:s0] =	ssyncadd.s32 $0xFFFFFF80  }
0x245: {  	_ =	swait.ge [sflag:s0], $0x80  }
0x246: {  	[sflag:s0] =	ssyncset.done $0x0  }
0x247: {  	[sflag:s0] =	ssyncadd.s32 $0xFFFFFF80  }
0x248: {  	_ =	swait.ge [sflag:s0], $0x80  }
0x249: {  	[sflag:s0] =	ssyncset.done $0x0  }
0x24a: {  	[sflag:s0] =	ssyncadd.s32 $0xFFFFFF80  }
0x24b: {  	_ =	swait.ge [sflag:s0], $0x80  }
0x24c: {  	[sflag:s0] =	ssyncset.done $0x0  }
0x24d: {  	[sflag:s0] =	ssyncadd.s32 $0xFFFFFF80  }
0x24e: {  	[spmem:s3] =	stream.indirect.scatter.add.f32 [tilespmem:s21], [sflag:$0x3], $0x1, s13, s11, $0xb8;
	[tilespmem:$0x6680] =	vst v63  }
0x24f: {  	_ = 	snop  }
0x250: {  	[spmem:s3] =	stream.indirect.scatter.add.f32 [tilespmem:s14], [sflag:$0x3], $0x1, s20, s11, $0xb8;
	[tilespmem:$0x6680] =	vst v63  }
0x251: {  	_ = 	snop  }
0x252: {  	[spmem:s3] =	stream.indirect.scatter.add.f32 [tilespmem:s15], [sflag:$0x3], $0x1, s22, s11, $0xb8;
	[tilespmem:$0x6680] =	vst v63  }
0x253: {  	s6 =	smov.u32 s8;
	s8 =	sadd.s32 $0x100, s8  }
0x254: {  	[spmem:s3] =	stream.indirect.scatter.add.f32 [tilespmem:s16], [sflag:$0x3], $0x1, s23, s11, $0xb8;
	[tilespmem:$0x6680] =	vst v63  }
0x255: {  	p0 =	sne.s32 s8, $0x500  }
0x256: {  	[spmem:s3] =	stream.indirect.scatter.add.f32 [tilespmem:s17], [sflag:$0x3], $0x1, s24, s11, $0xb8;
	[tilespmem:$0x6680] =	vst v63  }
.Ltmp0:
0x257: {  	_ = 	snop;
	(pc) =	sbr.rel @p0 .LBB2_2-.Ltmp0, $4  }
0x258: {  	_ = 	snop  }
0x259: {  	[spmem:s3] =	stream.indirect.scatter.add.f32 [tilespmem:s18], [sflag:$0x3], $0x1, s31, s11, $0xb8;
	[tilespmem:$0x6680] =	vst v63  }
0x25a: {  	s7 =	smov.u32 s6;
	s6 =	rddreg [dreg:$0x6]  }
0x25b: {  	[spmem:s3] =	stream.indirect.scatter.add.f32 [tilespmem:s19], [sflag:$0x3], $0x1, s1, s11, $0xb8;
	[tilespmem:$0x6680] =	vst v63  }
0x25c: {  	s28 =	simm.s32 $0x4C00  }
0x25d: {  	[spmem:s3] =	stream.indirect.scatter.add.f32 [tilespmem:s28], [sflag:$0x3], $0x1, s2, s11, $0xb8;
	[tilespmem:$0x6680] =	vst v63  }
0x25e: {  	s6 =	sadd.s32 s7, s6  }
0x25f: {  	[tilespmem:s4], [sflag:$0x4] =	stream.linear.gather [hbm4b:s6+s4], $0x80, $0x38;
	[tilespmem:$0x6680] =	vst v63  }
0x260: {  	_ =	swait.ge [sflag:s10], $0x80  }
0x261: {  	[sflag:s10] =	ssyncset.done $0x0  }
0x262: {  	s8 =	sadd.s32 $0x10, s6;
	[sflag:s10] =	ssyncadd.s32 $0xFFFFFF80  }
0x263: {  	[tilespmem:s11], [sflag:$0x4] =	stream.linear.gather [hbm4b:s8+s4], $0x80, $0x38;
	[tilespmem:$0x6680] =	vst v63  }
0x264: {  	_ =	swait.ge [sflag:s10], $0x80  }
0x265: {  	[sflag:s10] =	ssyncset.done $0x0  }
0x266: {  	s12 =	simm.s32 $0x100;
	s15 =	sadd.s32 $0x20, s6;
	[sflag:s10] =	ssyncadd.s32 $0xFFFFFF80  }
0x267: {  	[tilespmem:s12], [sflag:$0x4] =	stream.linear.gather [hbm4b:s15+s4], $0x80, $0x38;
	[tilespmem:$0x6680] =	vst v63  }
0x268: {  	_ =	swait.ge [sflag:s10], $0x80  }
0x269: {  	[sflag:s10] =	ssyncset.done $0x0  }
0x26a: {  	s13 =	simm.s32 $0x180;
	s16 =	sadd.s32 $0x30, s6;
	[sflag:s10] =	ssyncadd.s32 $0xFFFFFF80  }
0x26b: {  	[tilespmem:s13], [sflag:$0x4] =	stream.linear.gather [hbm4b:s16+s4], $0x80, $0x38;
	[tilespmem:$0x6680] =	vst v63  }
0x26c: {  	_ =	swait.ge [sflag:s10], $0x80  }
0x26d: {  	[sflag:s10] =	ssyncset.done $0x0  }
0x26e: {  	s14 =	simm.s32 $0x200;
	s17 =	sadd.s32 $0x40, s6;
	[sflag:s10] =	ssyncadd.s32 $0xFFFFFF80  }
0x26f: {  	[tilespmem:s14], [sflag:$0x4] =	stream.linear.gather [hbm4b:s17+s4], $0x80, $0x38;
	[tilespmem:$0x6680] =	vst v63  }
0x270: {  	_ =	swait.ge [sflag:s10], $0x80  }
0x271: {  	[sflag:s10] =	ssyncset.done $0x0  }
0x272: {  	s18 =	sadd.s32 $0x50, s6;
	s15 =	simm.s32 $0x280;
	[sflag:s10] =	ssyncadd.s32 $0xFFFFFF80  }
0x273: {  	[tilespmem:s15], [sflag:$0x4] =	stream.linear.gather [hbm4b:s18+s4], $0x80, $0x38;
	[tilespmem:$0x6680] =	vst v63  }
0x274: {  	_ =	swait.ge [sflag:s10], $0x80  }
0x275: {  	[sflag:s10] =	ssyncset.done $0x0  }
0x276: {  	s19 =	sadd.s32 $0x60, s6;
	s16 =	simm.s32 $0x300;
	[sflag:s10] =	ssyncadd.s32 $0xFFFFFF80  }
0x277: {  	[tilespmem:s16], [sflag:$0x4] =	stream.linear.gather [hbm4b:s19+s4], $0x80, $0x38;
	[tilespmem:$0x6680] =	vst v63  }
0x278: {  	_ =	swait.ge [sflag:s10], $0x80  }
0x279: {  	[sflag:s10] =	ssyncset.done $0x0  }
0x27a: {  	s20 =	simm.s32 $0x380;
	s6 =	sadd.s32 $0x70, s6;
	[sflag:s10] =	ssyncadd.s32 $0xFFFFFF80  }
0x27b: {  	[tilespmem:s20], [sflag:$0x4] =	stream.linear.gather [hbm4b:s6+s4], $0x80, $0x38;
	[tilespmem:$0x6680] =	vst v63  }
0x27c: {  	_ =	swait.ge [sflag:s10], $0x80  }
0x27d: {  	[sflag:s10] =	ssyncset.done $0x0  }
0x27e: {  	s17 =	simm.s32 $0x1000;
	[sflag:s10] =	ssyncadd.s32 $0xFFFFFF80  }
0x27f: {  	[tilespmem:s17], [sflag:$0x1] =	stream.indirect.gather [hbm4b:s5+s11], $0x1, s4, s11, $0xb8;
	[tilespmem:$0x6680] =	vst v63  }
0x280: {  	s18 =	simm.s32 $0x1400  }
0x281: {  	[tilespmem:s18], [sflag:$0x1] =	stream.indirect.gather [hbm4b:s5+s11], $0x1, s11, s11, $0xb8;
	[tilespmem:$0x6680] =	vst v63  }
0x282: {  	s19 =	simm.s32 $0x1800  }
0x283: {  	[tilespmem:s19], [sflag:$0x1] =	stream.indirect.gather [hbm4b:s5+s11], $0x1, s12, s11, $0xb8;
	[tilespmem:$0x6680] =	vst v63  }
0x284: {  	s12 =	simm.s32 $0x1C00  }
0x285: {  	[tilespmem:s12], [sflag:$0x1] =	stream.indirect.gather [hbm4b:s5+s11], $0x1, s13, s11, $0xb8;
	[tilespmem:$0x6680] =	vst v63  }
0x286: {  	s13 =	simm.s32 $0x2000  }
0x287: {  	[tilespmem:s13], [sflag:$0x1] =	stream.indirect.gather [hbm4b:s5+s11], $0x1, s14, s11, $0xb8;
	[tilespmem:$0x6680] =	vst v63  }
0x288: {  	s14 =	simm.s32 $0x2400  }
0x289: {  	[tilespmem:s14], [sflag:$0x1] =	stream.indirect.gather [hbm4b:s5+s11], $0x1, s15, s11, $0xb8;
	[tilespmem:$0x6680] =	vst v63  }
0x28a: {  	s15 =	simm.s32 $0x2800  }
0x28b: {  	[tilespmem:s15], [sflag:$0x1] =	stream.indirect.gather [hbm4b:s5+s11], $0x1, s16, s11, $0xb8;
	[tilespmem:$0x6680] =	vst v63  }
0x28c: {  	s21 =	rddreg [dreg:$0x7];
	s16 =	simm.s32 $0x2C00  }
0x28d: {  	[tilespmem:s16], [sflag:$0x1] =	stream.indirect.gather [hbm4b:s5+s11], $0x1, s20, s11, $0xb8;
	[tilespmem:$0x6680] =	vst v63  }
0x28e: {  	s6 =	sadd.s32 s7, s21;
	s20 =	simm.s32 $0x800  }
0x28f: {  	[tilespmem:s20], [sflag:$0x4] =	stream.linear.gather [hbm4b:s6+s4], $0x80, $0x38;
	[tilespmem:$0x6680] =	vst v63  }
0x290: {  	_ =	swait.ge [sflag:s10], $0x80  }
0x291: {  	[sflag:s10] =	ssyncset.done $0x0  }
0x292: {  	s21 =	simm.s32 $0x880;
	s22 =	sadd.s32 $0x10, s6;
	[sflag:s10] =	ssyncadd.s32 $0xFFFFFF80  }
0x293: {  	[tilespmem:s21], [sflag:$0x4] =	stream.linear.gather [hbm4b:s22+s4], $0x80, $0x38;
	[tilespmem:$0x6680] =	vst v63  }
0x294: {  	_ =	swait.ge [sflag:s10], $0x80  }
0x295: {  	[sflag:s10] =	ssyncset.done $0x0  }
0x296: {  	s23 =	sadd.s32 $0x20, s6;
	s22 =	simm.s32 $0x900;
	[sflag:s10] =	ssyncadd.s32 $0xFFFFFF80  }
0x297: {  	[tilespmem:s22], [sflag:$0x4] =	stream.linear.gather [hbm4b:s23+s4], $0x80, $0x38;
	[tilespmem:$0x6680] =	vst v63  }
0x298: {  	_ =	swait.ge [sflag:s10], $0x80  }
0x299: {  	[sflag:s10] =	ssyncset.done $0x0  }
0x29a: {  	s24 =	sadd.s32 $0x30, s6;
	s23 =	simm.s32 $0x980;
	[sflag:s10] =	ssyncadd.s32 $0xFFFFFF80  }
0x29b: {  	[tilespmem:s23], [sflag:$0x4] =	stream.linear.gather [hbm4b:s24+s4], $0x80, $0x38;
	[tilespmem:$0x6680] =	vst v63  }
0x29c: {  	_ =	swait.ge [sflag:s10], $0x80  }
0x29d: {  	[sflag:s10] =	ssyncset.done $0x0  }
0x29e: {  	s25 =	sadd.s32 $0x40, s6;
	s24 =	simm.s32 $0xA00;
	[sflag:s10] =	ssyncadd.s32 $0xFFFFFF80  }
0x29f: {  	[tilespmem:s24], [sflag:$0x4] =	stream.linear.gather [hbm4b:s25+s4], $0x80, $0x38;
	[tilespmem:$0x6680] =	vst v63  }
0x2a0: {  	_ =	swait.ge [sflag:s10], $0x80  }
0x2a1: {  	[sflag:s10] =	ssyncset.done $0x0  }
0x2a2: {  	s26 =	sadd.s32 $0x50, s6;
	s25 =	simm.s32 $0xA80;
	[sflag:s10] =	ssyncadd.s32 $0xFFFFFF80  }
0x2a3: {  	[tilespmem:s25], [sflag:$0x4] =	stream.linear.gather [hbm4b:s26+s4], $0x80, $0x38;
	[tilespmem:$0x6680] =	vst v63  }
0x2a4: {  	_ =	swait.ge [sflag:s10], $0x80  }
0x2a5: {  	[sflag:s10] =	ssyncset.done $0x0  }
0x2a6: {  	s8 =	sadd.s32 $0x60, s6;
	s26 =	simm.s32 $0xB00;
	[sflag:s10] =	ssyncadd.s32 $0xFFFFFF80  }
0x2a7: {  	[tilespmem:s26], [sflag:$0x4] =	stream.linear.gather [hbm4b:s8+s4], $0x80, $0x38;
	[tilespmem:$0x6680] =	vst v63  }
0x2a8: {  	_ =	swait.ge [sflag:s10], $0x80  }
0x2a9: {  	[sflag:s10] =	ssyncset.done $0x0  }
0x2aa: {  	s6 =	sadd.s32 $0x70, s6;
	s8 =	simm.s32 $0xB80;
	[sflag:s10] =	ssyncadd.s32 $0xFFFFFF80  }
0x2ab: {  	[tilespmem:s8], [sflag:$0x4] =	stream.linear.gather [hbm4b:s6+s4], $0x80, $0x38;
	[tilespmem:$0x6680] =	vst v63  }
0x2ac: {  	_ =	swait.ge [sflag:s10], $0x80  }
0x2ad: {  	[sflag:s10] =	ssyncset.done $0x0  }
0x2ae: {  	[sflag:s10] =	ssyncadd.s32 $0xFFFFFF80  }
0x2af: {  	_ =	swait.ge [sflag:s9], $0x80  }
0x2b0: {  	[sflag:s9] =	ssyncset.done $0x0  }
0x2b1: {  	[sflag:s9] =	ssyncadd.s32 $0xFFFFFF80  }
0x2b2: {  	_ =	swait.ge [sflag:s9], $0x80  }
0x2b3: {  	[sflag:s9] =	ssyncset.done $0x0  }
0x2b4: {  	[sflag:s9] =	ssyncadd.s32 $0xFFFFFF80  }
0x2b5: {  	_ =	swait.ge [sflag:s9], $0x80  }
0x2b6: {  	[sflag:s9] =	ssyncset.done $0x0  }
0x2b7: {  	[sflag:s9] =	ssyncadd.s32 $0xFFFFFF80  }
0x2b8: {  	_ =	swait.ge [sflag:s9], $0x80  }
0x2b9: {  	[sflag:s9] =	ssyncset.done $0x0  }
0x2ba: {  	[sflag:s9] =	ssyncadd.s32 $0xFFFFFF80  }
0x2bb: {  	_ =	swait.ge [sflag:s9], $0x80  }
0x2bc: {  	[sflag:s9] =	ssyncset.done $0x0  }
0x2bd: {  	[sflag:s9] =	ssyncadd.s32 $0xFFFFFF80  }
0x2be: {  	_ =	swait.ge [sflag:s9], $0x80  }
0x2bf: {  	[sflag:s9] =	ssyncset.done $0x0  }
0x2c0: {  	[sflag:s9] =	ssyncadd.s32 $0xFFFFFF80  }
0x2c1: {  	_ =	swait.ge [sflag:s9], $0x80  }
0x2c2: {  	[sflag:s9] =	ssyncset.done $0x0  }
0x2c3: {  	[sflag:s9] =	ssyncadd.s32 $0xFFFFFF80  }
0x2c4: {  	_ =	swait.ge [sflag:s9], $0x80  }
0x2c5: {  	p0 =	seq.s32 s7, $0x0;
	[sflag:s9] =	ssyncset.done $0x0  }
0x2c6: {  	s6 =	simm.s32 @!p0 $0x3;
	[sflag:s9] =	ssyncadd.s32 $0xFFFFFF80  }
0x2c7: {  	_ =	swait.ge @!p0 [sflag:s6], $0x80  }
0x2c8: {  	[sflag:s6] =	ssyncset.done @!p0 $0x0  }
0x2c9: {  	[sflag:s6] =	ssyncadd.s32 @!p0 $0xFFFFFF80  }
0x2ca: {  	_ =	swait.ge @!p0 [sflag:s6], $0x80  }
0x2cb: {  	[sflag:s6] =	ssyncset.done @!p0 $0x0  }
0x2cc: {  	[sflag:s6] =	ssyncadd.s32 @!p0 $0xFFFFFF80  }
0x2cd: {  	_ =	swait.ge @!p0 [sflag:s6], $0x80  }
0x2ce: {  	[sflag:s6] =	ssyncset.done @!p0 $0x0  }
0x2cf: {  	[sflag:s6] =	ssyncadd.s32 @!p0 $0xFFFFFF80  }
0x2d0: {  	_ =	swait.ge @!p0 [sflag:s6], $0x80  }
0x2d1: {  	[sflag:s6] =	ssyncset.done @!p0 $0x0  }
0x2d2: {  	[sflag:s6] =	ssyncadd.s32 @!p0 $0xFFFFFF80  }
0x2d3: {  	_ =	swait.ge @!p0 [sflag:s6], $0x80  }
0x2d4: {  	[sflag:s6] =	ssyncset.done @!p0 $0x0  }
0x2d5: {  	[sflag:s6] =	ssyncadd.s32 @!p0 $0xFFFFFF80  }
0x2d6: {  	_ =	swait.ge @!p0 [sflag:s6], $0x80  }
0x2d7: {  	[sflag:s6] =	ssyncset.done @!p0 $0x0  }
0x2d8: {  	[sflag:s6] =	ssyncadd.s32 @!p0 $0xFFFFFF80  }
0x2d9: {  	_ =	swait.ge @!p0 [sflag:s6], $0x80  }
0x2da: {  	[sflag:s6] =	ssyncset.done @!p0 $0x0  }
0x2db: {  	[sflag:s6] =	ssyncadd.s32 @!p0 $0xFFFFFF80  }
0x2dc: {  	_ =	swait.ge @!p0 [sflag:s6], $0x80  }
0x2dd: {  	[sflag:s6] =	ssyncset.done @!p0 $0x0  }
0x2de: {  	[sflag:s6] =	ssyncadd.s32 @!p0 $0xFFFFFF80  }
0x2df: {  	[spmem:s3] =	stream.indirect.scatter.add.f32 [tilespmem:s17], [sflag:$0x2], $0x1, s20, s11, $0xb8;
	[tilespmem:$0x6680] =	vst v63  }
0x2e0: {  	_ = 	snop  }
0x2e1: {  	[spmem:s3] =	stream.indirect.scatter.add.f32 [tilespmem:s18], [sflag:$0x2], $0x1, s21, s11, $0xb8;
	[tilespmem:$0x6680] =	vst v63  }
0x2e2: {  	_ = 	snop  }
0x2e3: {  	[spmem:s3] =	stream.indirect.scatter.add.f32 [tilespmem:s19], [sflag:$0x2], $0x1, s22, s11, $0xb8;
	[tilespmem:$0x6680] =	vst v63  }
0x2e4: {  	_ = 	snop  }
0x2e5: {  	[spmem:s3] =	stream.indirect.scatter.add.f32 [tilespmem:s12], [sflag:$0x2], $0x1, s23, s11, $0xb8;
	[tilespmem:$0x6680] =	vst v63  }
0x2e6: {  	_ = 	snop  }
0x2e7: {  	[spmem:s3] =	stream.indirect.scatter.add.f32 [tilespmem:s13], [sflag:$0x2], $0x1, s24, s11, $0xb8;
	[tilespmem:$0x6680] =	vst v63  }
0x2e8: {  	_ = 	snop  }
0x2e9: {  	[spmem:s3] =	stream.indirect.scatter.add.f32 [tilespmem:s14], [sflag:$0x2], $0x1, s25, s11, $0xb8;
	[tilespmem:$0x6680] =	vst v63  }
0x2ea: {  	_ = 	snop  }
0x2eb: {  	[spmem:s3] =	stream.indirect.scatter.add.f32 [tilespmem:s15], [sflag:$0x2], $0x1, s26, s11, $0xb8;
	[tilespmem:$0x6680] =	vst v63  }
0x2ec: {  	s12 =	rddreg [dreg:$0x4]  }
0x2ed: {  	[spmem:s3] =	stream.indirect.scatter.add.f32 [tilespmem:s16], [sflag:$0x2], $0x1, s8, s11, $0xb8;
	[tilespmem:$0x6680] =	vst v63  }
0x2ee: {  	s6 =	sadd.s32 s7, s12;
	s12 =	simm.s32 $0x400  }
0x2ef: {  	[tilespmem:s12], [sflag:$0x4] =	stream.linear.gather [hbm4b:s6+s4], $0x80, $0x38;
	[tilespmem:$0x6680] =	vst v63  }
0x2f0: {  	_ =	swait.ge [sflag:s10], $0x80  }
0x2f1: {  	[sflag:s10] =	ssyncset.done $0x0  }
0x2f2: {  	s13 =	sadd.s32 $0x10, s6;
	s14 =	simm.s32 $0x480;
	[sflag:s10] =	ssyncadd.s32 $0xFFFFFF80  }
0x2f3: {  	[tilespmem:s14], [sflag:$0x4] =	stream.linear.gather [hbm4b:s13+s4], $0x80, $0x38;
	[tilespmem:$0x6680] =	vst v63  }
0x2f4: {  	_ =	swait.ge [sflag:s10], $0x80  }
0x2f5: {  	[sflag:s10] =	ssyncset.done $0x0  }
0x2f6: {  	s25 =	sadd.s32 $0x20, s6;
	s26 =	simm.s32 $0x500;
	[sflag:s10] =	ssyncadd.s32 $0xFFFFFF80  }
0x2f7: {  	[tilespmem:s26], [sflag:$0x4] =	stream.linear.gather [hbm4b:s25+s4], $0x80, $0x38;
	[tilespmem:$0x6680] =	vst v63  }
0x2f8: {  	_ =	swait.ge [sflag:s10], $0x80  }
0x2f9: {  	[sflag:s10] =	ssyncset.done $0x0  }
0x2fa: {  	s15 =	sadd.s32 $0x30, s6;
	s16 =	simm.s32 $0x580;
	[sflag:s10] =	ssyncadd.s32 $0xFFFFFF80  }
0x2fb: {  	[tilespmem:s16], [sflag:$0x4] =	stream.linear.gather [hbm4b:s15+s4], $0x80, $0x38;
	[tilespmem:$0x6680] =	vst v63  }
0x2fc: {  	_ =	swait.ge [sflag:s10], $0x80  }
0x2fd: {  	[sflag:s10] =	ssyncset.done $0x0  }
0x2fe: {  	s18 =	simm.s32 $0x600;
	s17 =	sadd.s32 $0x40, s6;
	[sflag:s10] =	ssyncadd.s32 $0xFFFFFF80  }
0x2ff: {  	[tilespmem:s18], [sflag:$0x4] =	stream.linear.gather [hbm4b:s17+s4], $0x80, $0x38;
	[tilespmem:$0x6680] =	vst v63  }
0x300: {  	_ =	swait.ge [sflag:s10], $0x80  }
0x301: {  	[sflag:s10] =	ssyncset.done $0x0  }
0x302: {  	s21 =	simm.s32 $0x680;
	s20 =	sadd.s32 $0x50, s6;
	[sflag:s10] =	ssyncadd.s32 $0xFFFFFF80  }
0x303: {  	[tilespmem:s21], [sflag:$0x4] =	stream.linear.gather [hbm4b:s20+s4], $0x80, $0x38;
	[tilespmem:$0x6680] =	vst v63  }
0x304: {  	_ =	swait.ge [sflag:s10], $0x80  }
0x305: {  	[sflag:s10] =	ssyncset.done $0x0  }
0x306: {  	s23 =	simm.s32 $0x700;
	s22 =	sadd.s32 $0x60, s6;
	[sflag:s10] =	ssyncadd.s32 $0xFFFFFF80  }
0x307: {  	[tilespmem:s23], [sflag:$0x4] =	stream.linear.gather [hbm4b:s22+s4], $0x80, $0x38;
	[tilespmem:$0x6680] =	vst v63  }
0x308: {  	_ =	swait.ge [sflag:s10], $0x80  }
0x309: {  	[sflag:s10] =	ssyncset.done $0x0  }
0x30a: {  	s24 =	simm.s32 $0x780;
	s6 =	sadd.s32 $0x70, s6;
	[sflag:s10] =	ssyncadd.s32 $0xFFFFFF80  }
0x30b: {  	[tilespmem:s24], [sflag:$0x4] =	stream.linear.gather [hbm4b:s6+s4], $0x80, $0x38;
	[tilespmem:$0x6680] =	vst v63  }
0x30c: {  	_ =	swait.ge [sflag:s10], $0x80  }
0x30d: {  	[sflag:s10] =	ssyncset.done $0x0  }
0x30e: {  	s19 =	simm.s32 $0x3000;
	[sflag:s10] =	ssyncadd.s32 $0xFFFFFF80  }
0x30f: {  	[tilespmem:s19], [sflag:$0x1] =	stream.indirect.gather [hbm4b:s5+s11], $0x1, s12, s11, $0xb8;
	[tilespmem:$0x6680] =	vst v63  }
0x310: {  	s12 =	simm.s32 $0x3400  }
0x311: {  	[tilespmem:s12], [sflag:$0x1] =	stream.indirect.gather [hbm4b:s5+s11], $0x1, s14, s11, $0xb8;
	[tilespmem:$0x6680] =	vst v63  }
0x312: {  	s13 =	simm.s32 $0x3800  }
0x313: {  	[tilespmem:s13], [sflag:$0x1] =	stream.indirect.gather [hbm4b:s5+s11], $0x1, s26, s11, $0xb8;
	[tilespmem:$0x6680] =	vst v63  }
0x314: {  	s14 =	simm.s32 $0x3C00  }
0x315: {  	[tilespmem:s14], [sflag:$0x1] =	stream.indirect.gather [hbm4b:s5+s11], $0x1, s16, s11, $0xb8;
	[tilespmem:$0x6680] =	vst v63  }
0x316: {  	s15 =	simm.s32 $0x4000  }
0x317: {  	[tilespmem:s15], [sflag:$0x1] =	stream.indirect.gather [hbm4b:s5+s11], $0x1, s18, s11, $0xb8;
	[tilespmem:$0x6680] =	vst v63  }
0x318: {  	s16 =	simm.s32 $0x4400  }
0x319: {  	[tilespmem:s16], [sflag:$0x1] =	stream.indirect.gather [hbm4b:s5+s11], $0x1, s21, s11, $0xb8;
	[tilespmem:$0x6680] =	vst v63  }
0x31a: {  	s17 =	simm.s32 $0x4800  }
0x31b: {  	[tilespmem:s17], [sflag:$0x1] =	stream.indirect.gather [hbm4b:s5+s11], $0x1, s23, s11, $0xb8;
	[tilespmem:$0x6680] =	vst v63  }
0x31c: {  	s25 =	rddreg [dreg:$0x5]  }
0x31d: {  	[tilespmem:s28], [sflag:$0x1] =	stream.indirect.gather [hbm4b:s5+s11], $0x1, s24, s11, $0xb8;
	[tilespmem:$0x6680] =	vst v63  }
0x31e: {  	s8 =	simm.s32 $0xC00;
	s6 =	sadd.s32 s7, s25  }
0x31f: {  	[tilespmem:s8], [sflag:$0x4] =	stream.linear.gather [hbm4b:s6+s4], $0x80, $0x38;
	[tilespmem:$0x6680] =	vst v63  }
0x320: {  	_ =	swait.ge [sflag:s10], $0x80  }
0x321: {  	[sflag:s10] =	ssyncset.done $0x0  }
0x322: {  	s7 =	sadd.s32 $0x10, s6;
	s18 =	simm.s32 $0xC80;
	[sflag:s10] =	ssyncadd.s32 $0xFFFFFF80  }
0x323: {  	[tilespmem:s18], [sflag:$0x4] =	stream.linear.gather [hbm4b:s7+s4], $0x80, $0x38;
	[tilespmem:$0x6680] =	vst v63  }
0x324: {  	_ =	swait.ge [sflag:s10], $0x80  }
0x325: {  	[sflag:s10] =	ssyncset.done $0x0  }
0x326: {  	s20 =	simm.s32 $0xD00;
	s26 =	sadd.s32 $0x20, s6;
	[sflag:s10] =	ssyncadd.s32 $0xFFFFFF80  }
0x327: {  	[tilespmem:s20], [sflag:$0x4] =	stream.linear.gather [hbm4b:s26+s4], $0x80, $0x38;
	[tilespmem:$0x6680] =	vst v63  }
0x328: {  	_ =	swait.ge [sflag:s10], $0x80  }
0x329: {  	[sflag:s10] =	ssyncset.done $0x0  }
0x32a: {  	s22 =	simm.s32 $0xD80;
	s21 =	sadd.s32 $0x30, s6;
	[sflag:s10] =	ssyncadd.s32 $0xFFFFFF80  }
0x32b: {  	[tilespmem:s22], [sflag:$0x4] =	stream.linear.gather [hbm4b:s21+s4], $0x80, $0x38;
	[tilespmem:$0x6680] =	vst v63  }
0x32c: {  	_ =	swait.ge [sflag:s10], $0x80  }
0x32d: {  	[sflag:s10] =	ssyncset.done $0x0  }
0x32e: {  	s23 =	sadd.s32 $0x40, s6;
	s24 =	simm.s32 $0xE00;
	[sflag:s10] =	ssyncadd.s32 $0xFFFFFF80  }
0x32f: {  	[tilespmem:s24], [sflag:$0x4] =	stream.linear.gather [hbm4b:s23+s4], $0x80, $0x38;
	[tilespmem:$0x6680] =	vst v63  }
0x330: {  	_ =	swait.ge [sflag:s10], $0x80  }
0x331: {  	[sflag:s10] =	ssyncset.done $0x0  }
0x332: {  	s25 =	sadd.s32 $0x50, s6;
	[sflag:s10] =	ssyncadd.s32 $0xFFFFFF80  }
0x333: {  	[tilespmem:s31], [sflag:$0x4] =	stream.linear.gather [hbm4b:s25+s4], $0x80, $0x38;
	[tilespmem:$0x6680] =	vst v63  }
0x334: {  	_ =	swait.ge [sflag:s10], $0x80  }
0x335: {  	[sflag:s10] =	ssyncset.done $0x0  }
0x336: {  	s26 =	sadd.s32 $0x60, s6;
	[sflag:s10] =	ssyncadd.s32 $0xFFFFFF80  }
0x337: {  	[tilespmem:s1], [sflag:$0x4] =	stream.linear.gather [hbm4b:s26+s4], $0x80, $0x38;
	[tilespmem:$0x6680] =	vst v63  }
0x338: {  	_ =	swait.ge [sflag:s10], $0x80  }
0x339: {  	[sflag:s10] =	ssyncset.done $0x0  }
0x33a: {  	s6 =	sadd.s32 $0x70, s6;
	[sflag:s10] =	ssyncadd.s32 $0xFFFFFF80  }
0x33b: {  	[tilespmem:s2], [sflag:$0x4] =	stream.linear.gather [hbm4b:s6+s4], $0x80, $0x38;
	[tilespmem:$0x6680] =	vst v63  }
0x33c: {  	_ =	swait.ge [sflag:s10], $0x80  }
0x33d: {  	[sflag:s10] =	ssyncset.done $0x0  }
0x33e: {  	[sflag:s10] =	ssyncadd.s32 $0xFFFFFF80  }
0x33f: {  	_ =	swait.ge [sflag:s9], $0x80  }
0x340: {  	[sflag:s9] =	ssyncset.done $0x0  }
0x341: {  	[sflag:s9] =	ssyncadd.s32 $0xFFFFFF80  }
0x342: {  	_ =	swait.ge [sflag:s9], $0x80  }
0x343: {  	[sflag:s9] =	ssyncset.done $0x0  }
0x344: {  	[sflag:s9] =	ssyncadd.s32 $0xFFFFFF80  }
0x345: {  	_ =	swait.ge [sflag:s9], $0x80  }
0x346: {  	[sflag:s9] =	ssyncset.done $0x0  }
0x347: {  	[sflag:s9] =	ssyncadd.s32 $0xFFFFFF80  }
0x348: {  	_ =	swait.ge [sflag:s9], $0x80  }
0x349: {  	[sflag:s9] =	ssyncset.done $0x0  }
0x34a: {  	[sflag:s9] =	ssyncadd.s32 $0xFFFFFF80  }
0x34b: {  	_ =	swait.ge [sflag:s9], $0x80  }
0x34c: {  	[sflag:s9] =	ssyncset.done $0x0  }
0x34d: {  	[sflag:s9] =	ssyncadd.s32 $0xFFFFFF80  }
0x34e: {  	_ =	swait.ge [sflag:s9], $0x80  }
0x34f: {  	[sflag:s9] =	ssyncset.done $0x0  }
0x350: {  	[sflag:s9] =	ssyncadd.s32 $0xFFFFFF80  }
0x351: {  	_ =	swait.ge [sflag:s9], $0x80  }
0x352: {  	[sflag:s9] =	ssyncset.done $0x0  }
0x353: {  	[sflag:s9] =	ssyncadd.s32 $0xFFFFFF80  }
0x354: {  	_ =	swait.ge [sflag:s9], $0x80  }
0x355: {  	[sflag:s9] =	ssyncset.done $0x0  }
0x356: {  	[sflag:s9] =	ssyncadd.s32 $0xFFFFFF80  }
0x357: {  	_ =	swait.ge [sflag:s0], $0x80  }
0x358: {  	[sflag:s0] =	ssyncset.done $0x0  }
0x359: {  	[sflag:s0] =	ssyncadd.s32 $0xFFFFFF80  }
0x35a: {  	_ =	swait.ge [sflag:s0], $0x80  }
0x35b: {  	[sflag:s0] =	ssyncset.done $0x0  }
0x35c: {  	[sflag:s0] =	ssyncadd.s32 $0xFFFFFF80  }
0x35d: {  	_ =	swait.ge [sflag:s0], $0x80  }
0x35e: {  	[sflag:s0] =	ssyncset.done $0x0  }
0x35f: {  	[sflag:s0] =	ssyncadd.s32 $0xFFFFFF80  }
0x360: {  	_ =	swait.ge [sflag:s0], $0x80  }
0x361: {  	[sflag:s0] =	ssyncset.done $0x0  }
0x362: {  	[sflag:s0] =	ssyncadd.s32 $0xFFFFFF80  }
0x363: {  	_ =	swait.ge [sflag:s0], $0x80  }
0x364: {  	[sflag:s0] =	ssyncset.done $0x0  }
0x365: {  	[sflag:s0] =	ssyncadd.s32 $0xFFFFFF80  }
0x366: {  	_ =	swait.ge [sflag:s0], $0x80  }
0x367: {  	[sflag:s0] =	ssyncset.done $0x0  }
0x368: {  	[sflag:s0] =	ssyncadd.s32 $0xFFFFFF80  }
0x369: {  	_ =	swait.ge [sflag:s0], $0x80  }
0x36a: {  	[sflag:s0] =	ssyncset.done $0x0  }
0x36b: {  	[sflag:s0] =	ssyncadd.s32 $0xFFFFFF80  }
0x36c: {  	_ =	swait.ge [sflag:s0], $0x80  }
0x36d: {  	[sflag:s0] =	ssyncset.done $0x0  }
0x36e: {  	[sflag:s0] =	ssyncadd.s32 $0xFFFFFF80  }
0x36f: {  	[spmem:s3] =	stream.indirect.scatter.add.f32 [tilespmem:s19], [sflag:$0x3], $0x1, s8, s11, $0xb8;
	[tilespmem:$0x6680] =	vst v63  }
0x370: {  	_ = 	snop  }
0x371: {  	[spmem:s3] =	stream.indirect.scatter.add.f32 [tilespmem:s12], [sflag:$0x3], $0x1, s18, s11, $0xb8;
	[tilespmem:$0x6680] =	vst v63  }
0x372: {  	_ = 	snop  }
0x373: {  	[spmem:s3] =	stream.indirect.scatter.add.f32 [tilespmem:s13], [sflag:$0x3], $0x1, s20, s11, $0xb8;
	[tilespmem:$0x6680] =	vst v63  }
0x374: {  	_ = 	snop  }
0x375: {  	[spmem:s3] =	stream.indirect.scatter.add.f32 [tilespmem:s14], [sflag:$0x3], $0x1, s22, s11, $0xb8;
	[tilespmem:$0x6680] =	vst v63  }
0x376: {  	_ = 	snop  }
0x377: {  	[spmem:s3] =	stream.indirect.scatter.add.f32 [tilespmem:s15], [sflag:$0x3], $0x1, s24, s11, $0xb8;
	[tilespmem:$0x6680] =	vst v63  }
0x378: {  	_ = 	snop  }
0x379: {  	[spmem:s3] =	stream.indirect.scatter.add.f32 [tilespmem:s16], [sflag:$0x3], $0x1, s31, s11, $0xb8;
	[tilespmem:$0x6680] =	vst v63  }
0x37a: {  	_ = 	snop  }
0x37b: {  	[spmem:s3] =	stream.indirect.scatter.add.f32 [tilespmem:s17], [sflag:$0x3], $0x1, s1, s11, $0xb8;
	[tilespmem:$0x6680] =	vst v63  }
0x37c: {  	s21 =	simm.s32 $0x3  }
0x37d: {  	[spmem:s3] =	stream.indirect.scatter.add.f32 [tilespmem:s28], [sflag:$0x3], $0x1, s2, s11, $0xb8;
	[tilespmem:$0x6680] =	vst v63  }
0x37e: {  	_ =	swait.ge [sflag:s21], $0x80  }
0x37f: {  	[sflag:s21] =	ssyncset.done $0x0  }
0x380: {  	[sflag:s21] =	ssyncadd.s32 $0xFFFFFF80  }
0x381: {  	_ =	swait.ge [sflag:s21], $0x80  }
0x382: {  	[sflag:s21] =	ssyncset.done $0x0  }
0x383: {  	[sflag:s21] =	ssyncadd.s32 $0xFFFFFF80  }
0x384: {  	_ =	swait.ge [sflag:s21], $0x80  }
0x385: {  	[sflag:s21] =	ssyncset.done $0x0  }
0x386: {  	[sflag:s21] =	ssyncadd.s32 $0xFFFFFF80  }
0x387: {  	_ =	swait.ge [sflag:s21], $0x80  }
0x388: {  	[sflag:s21] =	ssyncset.done $0x0  }
0x389: {  	[sflag:s21] =	ssyncadd.s32 $0xFFFFFF80  }
0x38a: {  	_ =	swait.ge [sflag:s21], $0x80  }
0x38b: {  	[sflag:s21] =	ssyncset.done $0x0  }
0x38c: {  	[sflag:s21] =	ssyncadd.s32 $0xFFFFFF80  }
0x38d: {  	_ =	swait.ge [sflag:s21], $0x80  }
0x38e: {  	[sflag:s21] =	ssyncset.done $0x0  }
0x38f: {  	[sflag:s21] =	ssyncadd.s32 $0xFFFFFF80  }
0x390: {  	_ =	swait.ge [sflag:s21], $0x80  }
0x391: {  	[sflag:s21] =	ssyncset.done $0x0  }
0x392: {  	[sflag:s21] =	ssyncadd.s32 $0xFFFFFF80  }
0x393: {  	_ =	swait.ge [sflag:s21], $0x80  }
0x394: {  	[sflag:s21] =	ssyncset.done $0x0  }
0x395: {  	[sflag:s21] =	ssyncadd.s32 $0xFFFFFF80  }
0x396: {  	s22 =	stileid.u32;
	[bflag:$0x0] =	sbarrier.arrive $0xFFFF  }
0x397: {  	s6 =	sshll.u32 s22, $0x6;
	s12 =	rddreg [dreg:$0x8]  }
0x398: {  	s6 =	sor.u32 $0x1C04, s6;
	s24 =	rddreg [dreg:$0x9];
	s23 =	sshrl.u32 s12, $0x3  }
0x399: {  	[hbm:s24], [sflag:s6] =	dma.local [spmem:s23], $0x280  }
0x39a: {  	_ =	swait.ge [sflag:s10], $0x280  }
0x39b: {  	s25 =	rddreg [dreg:$0xb]  }
0x39c: {  	s28 =	rddreg [dreg:$0xa];
	s7 =	sadd.s32 $0x1, s25  }
0x39d: {  	p0 =	sne.s32 s7, s28  }
.Ltmp1:
0x39e: {  	_ = 	snop;
	(pc) =	sbr.rel @p0 .LBB2_1-.Ltmp1, $3  }
0x39f: {  	_ =	sdelay $0x1  }
0x3a0: {  	[sflag:s10] =	ssyncset.done $0x0  }
0x3a1: {  	s26 =	simm.s32 $0x4C00;
	[sflag:s10] =	ssyncadd.s32 $0xFFFFFD80  }
0x3a2: {  	_ =	sfence.sel $0x180000  }
0x3a3: {  	[bflag:$0x0] =	sbarrier.arrive $0xFFFF  }
0x3a4: {  	_ =	strace $0x9000004D  }
0x3a5: {  	s0 =	stileid.u32;
	[bflag:$0x2] =	sbarrier.arrive $0xFFFF  }
0x3a6: {  	p0 =	sne.s32 s0, $0x0;
	s0 =	rddreg [dreg:$0x3]  }
0x3a7: {  	s0 =	sadd.s32 @!p0 $0x100000, s0  }
0x3a8: {  	[sflag:s0] =	ssyncadd.tile.s32 @!p0 $0x1;
	_ =	shalt  }
.Lfunc_end2:
_tile_overlayer_lowered:
.L_overlay_start_2:
0x3a9: {  	(tag) =	ssettag $0x2  }
0x3aa: {  	s0 =	rddreg [dreg:$0x0];
	s2 =	stileid.u32  }
0x3ab: {  	s1 =	rddreg [dreg:$0x1];
	p0 =	sne.s32 s2, $0x0  }
0x3ac: {  	s3 =	rddreg [dreg:$0x2];
	[bflag:$0x3] =	sbarrier.arrive $0xFFFF;
	s2 =	simm.s32 @!p0 $0x1C04  }
0x3ad: {  	[timem:s3], [sflag:s2] =	dma.local @!p0 [hbm:s0], s1  }
0x3ae: {  	s0 =	simm.s32 @!p0 $0x4  }
0x3af: {  	_ =	swait.ge @!p0 [sflag:s0], s1  }
0x3b0: {  	s1 =	ssub.s32 @!p0 $0x0, s1;
	[sflag:s0] =	ssyncset.done @!p0 $0x0  }
0x3b1: {  	[sflag:s0] =	ssyncadd.s32 @!p0 s1  }
0x3b2: {  	[bflag:$0x3] =	sbarrier.arrive $0xFFFF  }
0x3b3: {  	_ =	shalt  }

// kernel: kernel.8.cloned.1.call-start
scs
__scs_entry_jumppad:
0x0: {  	(pc) =	sbr.rel $0x88, $3  }
0x1: {  	(tag) =	ssettag $0x0;
	lr =	simm.s32 $0x1  }
0x2: {  	[smem:$0x3F9B] =	sst lr;
	_ =	strace $0xD0000000  }
0x3: {  	_ = 	snop  }
0x4: {  	_ = 	snop  }
0x5: {  	_ = 	snop  }
0x6: {  	_ = 	snop  }
0x7: {  	_ = 	snop  }
__scs_overlays_trampoline_lowered:
0x8: {  	[smem:$0x3FAA] =	sst s0  }
0x9: {  	[smem:$0x3FAB] =	sst s1  }
0xa: {  	[smem:$0x3FAC] =	sst s2  }
0xb: {  	[smem:$0x3FAD] =	sst s3  }
0xc: {  	[smem:$0x3FAE] =	sst s4  }
0xd: {  	[smem:$0x3FAF] =	sst s5  }
0xe: {  	[smem:$0x3FB0] =	sst s6  }
0xf: {  	[smem:$0x3FB1] =	sst s7  }
0x10: {  	[smem:$0x3FB2] =	sst s8  }
0x11: {  	[smem:$0x3FB3] =	sst s9;
	s0 =	simm.s32 @!p0 $0x0  }
0x12: {  	s1 =	sld [smem:$0x3F99];
	s0 =	simm.s32 @p0 $0x1  }
0x13: {  	[smem:$0x3FB4] =	sst s0;
	s0 =	simm.s32 @!p1 $0x0  }
0x14: {  	s2 =	sld [smem:$0x3F98];
	s0 =	simm.s32 @p1 $0x1  }
0x15: {  	[smem:$0x3FB5] =	sst s0;
	s0 =	simm.s32 @!p2 $0x0  }
0x16: {  	s3 =	sld [smem:$0x3FDB];
	s0 =	simm.s32 @p2 $0x1  }
0x17: {  	s4 =	simm.s32 $0x1BF5;
	[smem:$0x3FB7] =	sst s0  }
0x18: {  	s0 =	sld [smem:$0x3F9A];
	_ =	swait.ge [sflag:s4], $0x0  }
0x19: {  	s7 =	sld [smem:$0x3F9B]  }
0x1a: {  	s8 =	sadd.s32 $0xFFFFE003, lr  }
0x1b: {  	s9 =	sadd.s32 $0xFFFFFEF7, lr;
	s5 =	simm.s32 $0xFFFFFFFF;
	p2 =	slt.u32 s8, $0xFFFFF086  }
0x1c: {  	p1 =	slt.u32 s9, $0xF7A;
	s5 =	simm.s32 @!p2 $0x0  }
0x1d: {  	s5 =	simm.s32 @p1 $0x1;
	p0 =	seq.s32 s7, s2  }
0x1e: {  	s7 =	smul.u32 @!p0 $0xF7A, s2;
	p2 =	seq.s32 @!p0 s5, $0x0  }
0x1f: {  	s9 =	smul.u32 $0xF7A, s1;
	s8 =	simm.s32 @!p0 $0x1BF5;
	p2 =	por !p2, p0  }
0x20: {  	[sflag:s8] =	ssyncset.s32 @!p0 $0xFFFFF086;
	s6 =	sadd.s32 @!p0 s3, s7;
	s7 =	simm.s32 @!p0 $0x108  }
0x21: {  	s3 =	sadd.s32 s3, s9;
	s6 =	sadd.s32 @!p0 $0x88, s6;
	s7 =	simm.s32 @p2 $0x1082  }
0x22: {  	[simem:s7], [sflag:s8] =	dma.local @!p0 [hbm:s6], $0xF7A  }
0x23: {  	s9 =	sor.u32 $0xD0000000, s2;
	s6 =	simm.s32 $0x108;
	_ =	swait.ge @!p0 [sflag:s8], $0x0  }
0x24: {  	s3 =	sadd.s32 $0x88, s3;
	s6 =	simm.s32 @!p1 $0x1082;
	[sflag:s4] =	ssyncset.s32 $0xFFFFF086  }
0x25: {  	[simem:s6], [sflag:s4] =	dma.local [hbm:s3], $0xF7A  }
0x26: {  	[smem:$0x3F9B] =	sst s1;
	(tag) =	ssettag s2;
	_ =	strace s9  }
0x27: {  	s1 =	sld [smem:$0x3FAB]  }
0x28: {  	s2 =	sld [smem:$0x3FAC]  }
0x29: {  	s4 =	sld [smem:$0x3FAE]  }
0x2a: {  	p0 =	seq.s32 s5, $0x0;
	s5 =	sld [smem:$0x3FAF]  }
0x2b: {  	s6 =	sld [smem:$0x3FB0]  }
0x2c: {  	s7 =	sld [smem:$0x3FB1]  }
0x2d: {  	s3 =	simm.s32 $0x108;
	s8 =	sld [smem:$0x3FB2]  }
0x2e: {  	s3 =	simm.s32 @!p0 $0x1082;
	s9 =	sld [smem:$0x3FB3]  }
0x2f: {  	lr =	sadd.s32 s0, s3;
	s0 =	sld [smem:$0x3FAA]  }
0x30: {  	s3 =	sld [smem:$0x3FAD]  }
0x31: {  	[smem:$0x3FB6] =	sst s10  }
0x32: {  	s10 =	sld [smem:$0x3FB4];
	_ =	sdelay $0x3  }
0x33: {  	p0 =	seq.s32 s10, $0x1;
	s10 =	sld [smem:$0x3FB6];
	_ =	sdelay $0x3  }
0x34: {  	[smem:$0x3FB6] =	sst s10  }
0x35: {  	s10 =	sld [smem:$0x3FB5];
	_ =	sdelay $0x3  }
0x36: {  	p1 =	seq.s32 s10, $0x1;
	s10 =	sld [smem:$0x3FB6];
	_ =	sdelay $0x3  }
0x37: {  	[smem:$0x3FB6] =	sst s10  }
0x38: {  	s10 =	sld [smem:$0x3FB7]  }
0x39: {  	_ = 	snop;
	(pc) =	sbr.ind lr, $3  }
0x3a: {  	_ = 	snop  }
0x3b: {  	_ = 	snop  }
0x3c: {  	p2 =	seq.s32 s10, $0x1;
	s10 =	sld [smem:$0x3FB6]  }
0x3d: {  	_ =	shalt  }
0x3e: {  	_ =	shalt  }
0x3f: {  	_ =	shalt  }
0x40: {  	_ =	shalt  }
0x41: {  	_ =	shalt  }
0x42: {  	_ =	shalt  }
0x43: {  	_ =	shalt  }
0x44: {  	_ =	shalt  }
0x45: {  	_ =	shalt  }
0x46: {  	_ =	shalt  }
0x47: {  	_ =	shalt  }
0x48: {  	_ =	shalt  }
0x49: {  	_ =	shalt  }
0x4a: {  	_ =	shalt  }
0x4b: {  	_ =	shalt  }
0x4c: {  	_ =	shalt  }
0x4d: {  	_ =	shalt  }
0x4e: {  	_ =	shalt  }
0x4f: {  	_ =	shalt  }
0x50: {  	_ =	shalt  }
0x51: {  	_ =	shalt  }
0x52: {  	_ =	shalt  }
0x53: {  	_ =	shalt  }
0x54: {  	_ =	shalt  }
0x55: {  	_ =	shalt  }
0x56: {  	_ =	shalt  }
0x57: {  	_ =	shalt  }
0x58: {  	_ =	shalt  }
0x59: {  	_ =	shalt  }
0x5a: {  	_ =	shalt  }
0x5b: {  	_ =	shalt  }
0x5c: {  	_ =	shalt  }
0x5d: {  	_ =	shalt  }
0x5e: {  	_ =	shalt  }
0x5f: {  	_ =	shalt  }
0x60: {  	_ =	shalt  }
0x61: {  	_ =	shalt  }
0x62: {  	_ =	shalt  }
0x63: {  	_ =	shalt  }
0x64: {  	_ =	shalt  }
0x65: {  	_ =	shalt  }
0x66: {  	_ =	shalt  }
0x67: {  	_ =	shalt  }
0x68: {  	_ =	shalt  }
0x69: {  	_ =	shalt  }
0x6a: {  	_ =	shalt  }
0x6b: {  	_ =	shalt  }
0x6c: {  	_ =	shalt  }
0x6d: {  	_ =	shalt  }
0x6e: {  	_ =	shalt  }
0x6f: {  	_ =	shalt  }
0x70: {  	_ =	shalt  }
0x71: {  	_ =	shalt  }
0x72: {  	_ =	shalt  }
0x73: {  	_ =	shalt  }
0x74: {  	_ =	shalt  }
0x75: {  	_ =	shalt  }
0x76: {  	_ =	shalt  }
0x77: {  	_ =	shalt  }
0x78: {  	_ =	shalt  }
0x79: {  	_ =	shalt  }
0x7a: {  	_ =	shalt  }
0x7b: {  	_ =	shalt  }
0x7c: {  	_ =	shalt  }
0x7d: {  	_ =	shalt  }
0x7e: {  	_ =	shalt  }
0x7f: {  	_ =	shalt  }
0x80: {  	_ =	shalt  }
0x81: {  	_ =	shalt  }
0x82: {  	_ =	shalt  }
0x83: {  	_ =	shalt  }
0x84: {  	_ =	shalt  }
0x85: {  	_ =	shalt  }
0x86: {  	_ =	shalt  }
0x87: {  	_ =	shalt  }
.Lfunc_end0:
.L_simem_size_0:
called_computation_lowered:
.L_overlay_start_0:
0x88: {  	s2 =	sld [smem:$0x3FD9]  }
0x89: {  	s3 =	sld [smem:$0x3FFE];
	_ =	sdelay $0x1  }
0x8a: {  	s1 =	srdreg.scid  }
0x8b: {  	s0 =	sand.u32 $0x1, s1  }
0x8c: {  	s17 =	sshll.u32 s0, $0xA;
	s2 =	sadd.s32 s3, s2  }
0x8d: {  	s2 =	sadd.s32 s2, s17  }
0x8e: {  	[smem:$0x3FC2] =	sst s2  }
0x8f: {  	_ = 	snop  }
0x90: {  	s2 =	sld [smem:$0x3FD0];
	(tm) =	ssettm $0x1  }
0x91: {  	s18 =	sld [smem:$0x3FFB];
	_ =	sdelay $0x3  }
0x92: {  	_ =	strace s18  }
0x93: {  	s3 =	sld [smem:$0x3FFC];
	_ =	sdelay $0x3  }
0x94: {  	_ =	strace s3  }
0x95: {  	s3 =	sld [smem:$0x3FFD];
	_ =	sdelay $0x3  }
0x96: {  	_ =	strace s3  }
0x97: {  	_ =	strace $0x8FFFFFFF  }
0x98: {  	s19 =	sld [smem:$0x3FDB];
	_ =	sdelay $0x1  }
0x99: {  	s4 =	simm.s32 $_scs_section_size  }
0x9a: {  	s5 =	simm.s32 $_size__tile_overlayer_lowered;
	s6 =	simm.s32 $_tile_overlayer_lowered  }
0x9b: {  	s22 =	simm.s32 $0x1BFF;
	s21 =	sshll.u32 s6, $0x1;
	s3 =	sadd.s32 s4, s19  }
0x9c: {  	s7 =	simm.s32 $0x0;
	s20 =	sshll.u32 s5, $0x1;
	s5 =	sadd.s32 s21, s3  }
0x9d: {  	[timem:s7], [sflag:s22] =	dma.local [hbm:s5], s20  }
0x9e: {  	_ =	swait.ge [sflag:s22], s20  }
0x9f: {  	s4 =	ssub.s32 $0x0, s20;
	[sflag:s22] =	ssyncset.done $0x0  }
0xa0: {  	[sflag:s22] =	ssyncadd.s32 s4;
	_ =	sdelay $0x1  }
0xa1: {  	s23 =	simm.s32 $0x1B8B  }
0xa2: {  	_ =	swait.ge [sflag:s23], $0x1  }
0xa3: {  	[sflag:s23] =	ssyncset.done $0x0  }
0xa4: {  	s25 =	simm.s32 $0x1B8E;
	s24 =	sld [smem:$0x3FFE];
	[sflag:s23] =	ssyncadd.s32 $0xFFFFFFFF  }
0xa5: {  	s26 =	simm.s32 $execute0_lowered;
	[smem:$0x3FD2] =	sst s25  }
0xa6: {  	s5 =	sshll.u32 s26, $0x1;
	_ =	strace $0x80000046;
	[dreg:$0x1] =	wrdreg $0xFFFFFFFF  }
0xa7: {  	s28 =	simm.s32 $_size_execute0_lowered;
	s3 =	sadd.s32 s3, s5;
	[dreg:$0x0] =	wrdreg $0x0  }
0xa8: {  	s5 =	sshll.u32 s28, $0x1;
	[dreg:$0x2] =	wrdreg s3  }
0xa9: {  	[dreg:$0x3] =	wrdreg s5  }
0xaa: {  	[dreg:$0x4] =	wrdreg $0xC0  }
0xab: {  	_ =	task [dreg:s7], $0x5FFFF  }
0xac: {  	[dreg:$0x1] =	wrdreg $0xFFFFFFFF  }
0xad: {  	[dreg:$0x0] =	wrdreg $0x60  }
0xae: {  	[dreg:$0x2] =	wrdreg s24  }
0xaf: {  	[dreg:$0x3] =	wrdreg s2  }
0xb0: {  	[dreg:$0x4] =	wrdreg $0x20000  }
0xb1: {  	[dreg:$0x5] =	wrdreg $0x9  }
0xb2: {  	_ =	task.clear_ibuf [dreg:s7], $0x6FFFF;
	_ =	strace $0x90000046  }
0xb3: {  	s29 =	simm.s32 $0x9;
	_ =	strace $0x80000048  }
0xb4: {  	_ =	swait.ge [sflag:s29], $0x1  }
0xb5: {  	[sflag:s29] =	ssyncadd.s32 $0xFFFFFFFF  }
0xb6: {  	_ =	strace $0x90000048  }
0xb7: {  	_ =	sfence  }
0xb8: {  	s30 =	sld [smem:$0x0];
	_ =	sdelay $0x2  }
0xb9: {  	s31 =	sshll.u32 s1, $0xD;
	s1 =	sshrl.u32 s1, $0x2  }
0xba: {  	s3 =	sand.u32 $0x4000, s31;
	s1 =	sadd.s32 s1, s30  }
0xbb: {  	s0 =	sor.u32 s3, s0;
	s1 =	sshll.u32 s1, $0x11  }
0xbc: {  	s0 =	sor.u32 s1, s0  }
0xbd: {  	s0 =	sadd.s32 $0x8F2B, s0  }
0xbe: {  	[sflag:s0] =	ssyncadd.remote.s32 $0x1  }
0xbf: {  	_ =	sfence.sel $0xFFFF  }
0xc0: {  	[dreg:$0x0] =	wrdreg $0xFFFFFFFF;
	(pc) =	sbr.abs _section_cstart, $3  }
0xc1: {  	[dreg:$0x1] =	wrdreg $0xFFFFFFFF  }
0xc2: {  	_ =	task.clear_ibuf [dreg:s7], $0x2FFFF;
	_ =	strace $0x9FFFFFFF  }
0xc3: {  	(tm) =	ssettm $0x7FFFFFFF  }
tec
execute0_lowered:
.L_overlay_start_1:
0x0: {  	(tag) =	ssettag $0x1  }
0x1: {  	s0 =	rddreg [dreg:$0x0];
	s1 =	srdreg.scid  }
0x2: {  	s5 =	stileid.u32;
	s3 =	rddreg [dreg:$0x2];
	s4 =	simm.s32 $0x0  }
0x3: {  	s10 =	simm.s32 $0x3;
	s11 =	simm.s32 $0x800;
	s12 =	simm.s32 $0x80  }
0x4: {  	s13 =	simm.s32 $0x100;
	s14 =	simm.s32 $0x180;
	s15 =	simm.s32 $0x200  }
0x5: {  	s16 =	simm.s32 $0x280;
	s17 =	simm.s32 $0x300;
	s18 =	simm.s32 $0x380  }
0x6: {  	s19 =	simm.s32 $0x400;
	s20 =	simm.s32 $0x480;
	s21 =	simm.s32 $0x500  }
0x7: {  	s22 =	simm.s32 $0x580;
	s23 =	simm.s32 $0x600;
	s24 =	simm.s32 $0x680  }
0x8: {  	s28 =	simm.s32 $0x1;
	s29 =	simm.s32 $0x2;
	s2 =	smul.u32 $0x1400, s5  }
0x9: {  	s30 =	simm.s32 $0x0;
	s1 =	sand.u32 $0x1, s1;
	s7 =	smul.u32 $0x5000, s5  }
0xa: {  	[smem:$0x7FF] =	sst s4;
	s9 =	sadd.s32 $0x1E00, s0;
	s6 =	smul.u32 $0x14000, s1  }
0xb: {  	s25 =	sadd.s32 $0x1C00, s0;
	s8 =	smul.u32 $0x2800, s1;
	_ =	strace $0x80000047  }
0xc: {  	[dreg:$0x6] =	wrdreg s25;
	s1 =	ssub.s32 $0x2, s1;
	s25 =	simm.s32 $0x700  }
0xd: {  	s26 =	sshrl.u32 s1, $0x1;
	s6 =	sadd.s32 s2, s6;
	s7 =	sadd.s32 s8, s7  }
0xe: {  	s1 =	ssub.s32 s1, s26;
	s26 =	simm.s32 $0x780;
	s6 =	sshrl.u32 s6, $0x3  }
0xf: {  	s8 =	sor.u32 $0x400, s7;
	s7 =	sshrl.u32 s7, $0x3;
	s0 =	sadd.s32 s6, s0  }
0x10: {  	s8 =	sshrl.u32 s8, $0x3;
	s6 =	sadd.s32 s2, s3;
	s31 =	sadd.s32 s7, s9  }
0x11: {  	s8 =	sadd.s32 s8, s9;
	s7 =	sadd.s32 $0xBE00, s0;
	[dreg:$0x5] =	wrdreg s31  }
0x12: {  	s9 =	simm.s32 $0xC00;
	[dreg:$0x4] =	wrdreg s8;
	s8 =	smax.u32 s1, $0x1  }
.LBB2_1:
0x13: {  	s0 =	rddreg [dreg:$0x1]  }
0x14: {  	[tilespmem:s9], [sflag:$0x3] =	stream.linear.gather [hbm4b:s0+s4], $0x1400, $0x38;
	[tilespmem:$0x2280] =	vst v63  }
0x15: {  	_ =	swait.ge [sflag:s10], $0x1400  }
0x16: {  	[sflag:s10] =	ssyncset.done $0x0  }
0x17: {  	[sflag:s10] =	ssyncadd.s32 $0xFFFFEC00  }
0x18: {  	[spmem:s6] =	stream.linear.scatter [tilespmem:s9], [sflag:$0x3], $0x1400, $0x38;
	[tilespmem:$0x2280] =	vst v63  }
0x19: {  	_ =	swait.ge [sflag:s10], $0x1400  }
0x1a: {  	[sflag:s10] =	ssyncset.done $0x0  }
0x1b: {  	s1 =	rddreg [dreg:$0x6];
	[sflag:s10] =	ssyncadd.s32 $0xFFFFEC00  }
0x1c: {  	[tilespmem:s11], [sflag:$0x3] =	stream.linear.gather [hbm4b:s1+s4], $0x400, $0x38;
	[tilespmem:$0x2280] =	vst v63  }
0x1d: {  	_ =	swait.ge [sflag:s10], $0x400  }
0x1e: {  	[sflag:s10] =	ssyncset.done $0x0  }
0x1f: {  	[sflag:s10] =	ssyncadd.s32 $0xFFFFFC00  }
0x20: {  	[bflag:$0x0] =	sbarrier.arrive $0xFFFF  }
0x21: {  	s2 =	rddreg [dreg:$0x5]  }
0x22: {  	s0 =	sadd.s32 $0x0, s2  }
0x23: {  	[tilespmem:s4], [sflag:$0x3] =	stream.linear.gather [hbm4b:s0+s4], $0x80, $0x38;
	[tilespmem:$0x2280] =	vst v63  }
0x24: {  	_ =	swait.ge [sflag:s10], $0x80  }
0x25: {  	[sflag:s10] =	ssyncset.done $0x0  }
0x26: {  	s1 =	sadd.s32 $0x10, s0;
	[sflag:s10] =	ssyncadd.s32 $0xFFFFFF80  }
0x27: {  	[tilespmem:s12], [sflag:$0x3] =	stream.linear.gather [hbm4b:s1+s4], $0x80, $0x38;
	[tilespmem:$0x2280] =	vst v63  }
0x28: {  	_ =	swait.ge [sflag:s10], $0x80  }
0x29: {  	[sflag:s10] =	ssyncset.done $0x0  }
0x2a: {  	s5 =	sadd.s32 $0x20, s0;
	[sflag:s10] =	ssyncadd.s32 $0xFFFFFF80  }
0x2b: {  	[tilespmem:s13], [sflag:$0x3] =	stream.linear.gather [hbm4b:s5+s4], $0x80, $0x38;
	[tilespmem:$0x2280] =	vst v63  }
0x2c: {  	_ =	swait.ge [sflag:s10], $0x80  }
0x2d: {  	[sflag:s10] =	ssyncset.done $0x0  }
0x2e: {  	s2 =	sadd.s32 $0x30, s0;
	[sflag:s10] =	ssyncadd.s32 $0xFFFFFF80  }
0x2f: {  	[tilespmem:s14], [sflag:$0x3] =	stream.linear.gather [hbm4b:s2+s4], $0x80, $0x38;
	[tilespmem:$0x2280] =	vst v63  }
0x30: {  	_ =	swait.ge [sflag:s10], $0x80  }
0x31: {  	[sflag:s10] =	ssyncset.done $0x0  }
0x32: {  	s5 =	sadd.s32 $0x40, s0;
	[sflag:s10] =	ssyncadd.s32 $0xFFFFFF80  }
0x33: {  	[tilespmem:s15], [sflag:$0x3] =	stream.linear.gather [hbm4b:s5+s4], $0x80, $0x38;
	[tilespmem:$0x2280] =	vst v63  }
0x34: {  	_ =	swait.ge [sflag:s10], $0x80  }
0x35: {  	[sflag:s10] =	ssyncset.done $0x0  }
0x36: {  	s2 =	sadd.s32 $0x50, s0;
	[sflag:s10] =	ssyncadd.s32 $0xFFFFFF80  }
0x37: {  	[tilespmem:s16], [sflag:$0x3] =	stream.linear.gather [hbm4b:s2+s4], $0x80, $0x38;
	[tilespmem:$0x2280] =	vst v63  }
0x38: {  	_ =	swait.ge [sflag:s10], $0x80  }
0x39: {  	[sflag:s10] =	ssyncset.done $0x0  }
0x3a: {  	s5 =	sadd.s32 $0x60, s0;
	[sflag:s10] =	ssyncadd.s32 $0xFFFFFF80  }
0x3b: {  	[tilespmem:s17], [sflag:$0x3] =	stream.linear.gather [hbm4b:s5+s4], $0x80, $0x38;
	[tilespmem:$0x2280] =	vst v63  }
0x3c: {  	_ =	swait.ge [sflag:s10], $0x80  }
0x3d: {  	[sflag:s10] =	ssyncset.done $0x0  }
0x3e: {  	s0 =	sadd.s32 $0x70, s0;
	[sflag:s10] =	ssyncadd.s32 $0xFFFFFF80  }
0x3f: {  	[tilespmem:s18], [sflag:$0x3] =	stream.linear.gather [hbm4b:s0+s4], $0x80, $0x38;
	[tilespmem:$0x2280] =	vst v63  }
0x40: {  	_ =	swait.ge [sflag:s10], $0x80  }
0x41: {  	p0 =	por $0x1, $0x1;
	[sflag:s10] =	ssyncset.done $0x0  }
0x42: {  	s0 =	simm.s32 @!p0 $0x2;
	[sflag:s10] =	ssyncadd.s32 $0xFFFFFF80  }
0x43: {  	_ =	swait.ge @!p0 [sflag:s0], $0x80  }
0x44: {  	[sflag:s0] =	ssyncset.done @!p0 $0x0  }
0x45: {  	[sflag:s0] =	ssyncadd.s32 @!p0 $0xFFFFFF80  }
0x46: {  	_ =	swait.ge @!p0 [sflag:s0], $0x80  }
0x47: {  	[sflag:s0] =	ssyncset.done @!p0 $0x0  }
0x48: {  	[sflag:s0] =	ssyncadd.s32 @!p0 $0xFFFFFF80  }
0x49: {  	_ =	swait.ge @!p0 [sflag:s0], $0x80  }
0x4a: {  	[sflag:s0] =	ssyncset.done @!p0 $0x0  }
0x4b: {  	[sflag:s0] =	ssyncadd.s32 @!p0 $0xFFFFFF80  }
0x4c: {  	_ =	swait.ge @!p0 [sflag:s0], $0x80  }
0x4d: {  	[sflag:s0] =	ssyncset.done @!p0 $0x0  }
0x4e: {  	[sflag:s0] =	ssyncadd.s32 @!p0 $0xFFFFFF80  }
0x4f: {  	_ =	swait.ge @!p0 [sflag:s0], $0x80  }
0x50: {  	[sflag:s0] =	ssyncset.done @!p0 $0x0  }
0x51: {  	[sflag:s0] =	ssyncadd.s32 @!p0 $0xFFFFFF80  }
0x52: {  	_ =	swait.ge @!p0 [sflag:s0], $0x80  }
0x53: {  	[sflag:s0] =	ssyncset.done @!p0 $0x0  }
0x54: {  	[sflag:s0] =	ssyncadd.s32 @!p0 $0xFFFFFF80  }
0x55: {  	_ =	swait.ge @!p0 [sflag:s0], $0x80  }
0x56: {  	[sflag:s0] =	ssyncset.done @!p0 $0x0  }
0x57: {  	[sflag:s0] =	ssyncadd.s32 @!p0 $0xFFFFFF80  }
0x58: {  	_ =	swait.ge @!p0 [sflag:s0], $0x80  }
0x59: {  	[sflag:s0] =	ssyncset.done @!p0 $0x0  }
0x5a: {  	[sflag:s0] =	ssyncadd.s32 @!p0 $0xFFFFFF80  }
0x5b: {  	[spmem:s3] =	stream.indirect.scatter.add.f32 [tilespmem:s11], [sflag:$0x1], $0x1, s4, s12, $0xb8;
	[tilespmem:$0x2280] =	vst v63  }
0x5c: {  	_ = 	snop  }
0x5d: {  	[spmem:s3] =	stream.indirect.scatter.add.f32 [tilespmem:s11], [sflag:$0x1], $0x1, s12, s12, $0xb8;
	[tilespmem:$0x2280] =	vst v63  }
0x5e: {  	_ = 	snop  }
0x5f: {  	[spmem:s3] =	stream.indirect.scatter.add.f32 [tilespmem:s11], [sflag:$0x1], $0x1, s13, s12, $0xb8;
	[tilespmem:$0x2280] =	vst v63  }
0x60: {  	_ = 	snop  }
0x61: {  	[spmem:s3] =	stream.indirect.scatter.add.f32 [tilespmem:s11], [sflag:$0x1], $0x1, s14, s12, $0xb8;
	[tilespmem:$0x2280] =	vst v63  }
0x62: {  	_ = 	snop  }
0x63: {  	[spmem:s3] =	stream.indirect.scatter.add.f32 [tilespmem:s11], [sflag:$0x1], $0x1, s15, s12, $0xb8;
	[tilespmem:$0x2280] =	vst v63  }
0x64: {  	_ = 	snop  }
0x65: {  	[spmem:s3] =	stream.indirect.scatter.add.f32 [tilespmem:s11], [sflag:$0x1], $0x1, s16, s12, $0xb8;
	[tilespmem:$0x2280] =	vst v63  }
0x66: {  	_ = 	snop  }
0x67: {  	[spmem:s3] =	stream.indirect.scatter.add.f32 [tilespmem:s11], [sflag:$0x1], $0x1, s17, s12, $0xb8;
	[tilespmem:$0x2280] =	vst v63  }
0x68: {  	s1 =	rddreg [dreg:$0x4]  }
0x69: {  	[spmem:s3] =	stream.indirect.scatter.add.f32 [tilespmem:s11], [sflag:$0x1], $0x1, s18, s12, $0xb8;
	[tilespmem:$0x2280] =	vst v63  }
0x6a: {  	s0 =	sadd.s32 $0x0, s1  }
0x6b: {  	[tilespmem:s19], [sflag:$0x3] =	stream.linear.gather [hbm4b:s0+s4], $0x80, $0x38;
	[tilespmem:$0x2280] =	vst v63  }
0x6c: {  	_ =	swait.ge [sflag:s10], $0x80  }
0x6d: {  	[sflag:s10] =	ssyncset.done $0x0  }
0x6e: {  	s2 =	sadd.s32 $0x10, s0;
	[sflag:s10] =	ssyncadd.s32 $0xFFFFFF80  }
0x6f: {  	[tilespmem:s20], [sflag:$0x3] =	stream.linear.gather [hbm4b:s2+s4], $0x80, $0x38;
	[tilespmem:$0x2280] =	vst v63  }
0x70: {  	_ =	swait.ge [sflag:s10], $0x80  }
0x71: {  	[sflag:s10] =	ssyncset.done $0x0  }
0x72: {  	s5 =	sadd.s32 $0x20, s0;
	[sflag:s10] =	ssyncadd.s32 $0xFFFFFF80  }
0x73: {  	[tilespmem:s21], [sflag:$0x3] =	stream.linear.gather [hbm4b:s5+s4], $0x80, $0x38;
	[tilespmem:$0x2280] =	vst v63  }
0x74: {  	_ =	swait.ge [sflag:s10], $0x80  }
0x75: {  	[sflag:s10] =	ssyncset.done $0x0  }
0x76: {  	s2 =	sadd.s32 $0x30, s0;
	[sflag:s10] =	ssyncadd.s32 $0xFFFFFF80  }
0x77: {  	[tilespmem:s22], [sflag:$0x3] =	stream.linear.gather [hbm4b:s2+s4], $0x80, $0x38;
	[tilespmem:$0x2280] =	vst v63  }
0x78: {  	_ =	swait.ge [sflag:s10], $0x80  }
0x79: {  	[sflag:s10] =	ssyncset.done $0x0  }
0x7a: {  	s5 =	sadd.s32 $0x40, s0;
	[sflag:s10] =	ssyncadd.s32 $0xFFFFFF80  }
0x7b: {  	[tilespmem:s23], [sflag:$0x3] =	stream.linear.gather [hbm4b:s5+s4], $0x80, $0x38;
	[tilespmem:$0x2280] =	vst v63  }
0x7c: {  	_ =	swait.ge [sflag:s10], $0x80  }
0x7d: {  	[sflag:s10] =	ssyncset.done $0x0  }
0x7e: {  	s2 =	sadd.s32 $0x50, s0;
	[sflag:s10] =	ssyncadd.s32 $0xFFFFFF80  }
0x7f: {  	[tilespmem:s24], [sflag:$0x3] =	stream.linear.gather [hbm4b:s2+s4], $0x80, $0x38;
	[tilespmem:$0x2280] =	vst v63  }
0x80: {  	_ =	swait.ge [sflag:s10], $0x80  }
0x81: {  	[sflag:s10] =	ssyncset.done $0x0  }
0x82: {  	s5 =	sadd.s32 $0x60, s0;
	[sflag:s10] =	ssyncadd.s32 $0xFFFFFF80  }
0x83: {  	[tilespmem:s25], [sflag:$0x3] =	stream.linear.gather [hbm4b:s5+s4], $0x80, $0x38;
	[tilespmem:$0x2280] =	vst v63  }
0x84: {  	_ =	swait.ge [sflag:s10], $0x80  }
0x85: {  	[sflag:s10] =	ssyncset.done $0x0  }
0x86: {  	s0 =	sadd.s32 $0x70, s0;
	[sflag:s10] =	ssyncadd.s32 $0xFFFFFF80  }
0x87: {  	[tilespmem:s26], [sflag:$0x3] =	stream.linear.gather [hbm4b:s0+s4], $0x80, $0x38;
	[tilespmem:$0x2280] =	vst v63  }
0x88: {  	_ =	swait.ge [sflag:s10], $0x80  }
0x89: {  	[sflag:s10] =	ssyncset.done $0x0  }
0x8a: {  	[sflag:s10] =	ssyncadd.s32 $0xFFFFFF80  }
0x8b: {  	_ =	swait.ge [sflag:s28], $0x80  }
0x8c: {  	[sflag:s28] =	ssyncset.done $0x0  }
0x8d: {  	[sflag:s28] =	ssyncadd.s32 $0xFFFFFF80  }
0x8e: {  	_ =	swait.ge [sflag:s28], $0x80  }
0x8f: {  	[sflag:s28] =	ssyncset.done $0x0  }
0x90: {  	[sflag:s28] =	ssyncadd.s32 $0xFFFFFF80  }
0x91: {  	_ =	swait.ge [sflag:s28], $0x80  }
0x92: {  	[sflag:s28] =	ssyncset.done $0x0  }
0x93: {  	[sflag:s28] =	ssyncadd.s32 $0xFFFFFF80  }
0x94: {  	_ =	swait.ge [sflag:s28], $0x80  }
0x95: {  	[sflag:s28] =	ssyncset.done $0x0  }
0x96: {  	[sflag:s28] =	ssyncadd.s32 $0xFFFFFF80  }
0x97: {  	_ =	swait.ge [sflag:s28], $0x80  }
0x98: {  	[sflag:s28] =	ssyncset.done $0x0  }
0x99: {  	[sflag:s28] =	ssyncadd.s32 $0xFFFFFF80  }
0x9a: {  	_ =	swait.ge [sflag:s28], $0x80  }
0x9b: {  	[sflag:s28] =	ssyncset.done $0x0  }
0x9c: {  	[sflag:s28] =	ssyncadd.s32 $0xFFFFFF80  }
0x9d: {  	_ =	swait.ge [sflag:s28], $0x80  }
0x9e: {  	[sflag:s28] =	ssyncset.done $0x0  }
0x9f: {  	[sflag:s28] =	ssyncadd.s32 $0xFFFFFF80  }
0xa0: {  	_ =	swait.ge [sflag:s28], $0x80  }
0xa1: {  	[sflag:s28] =	ssyncset.done $0x0  }
0xa2: {  	[sflag:s28] =	ssyncadd.s32 $0xFFFFFF80  }
0xa3: {  	[spmem:s3] =	stream.indirect.scatter.add.f32 [tilespmem:s11], [sflag:$0x2], $0x1, s19, s12, $0xb8;
	[tilespmem:$0x2280] =	vst v63  }
0xa4: {  	_ = 	snop  }
0xa5: {  	[spmem:s3] =	stream.indirect.scatter.add.f32 [tilespmem:s11], [sflag:$0x2], $0x1, s20, s12, $0xb8;
	[tilespmem:$0x2280] =	vst v63  }
0xa6: {  	_ = 	snop  }
0xa7: {  	[spmem:s3] =	stream.indirect.scatter.add.f32 [tilespmem:s11], [sflag:$0x2], $0x1, s21, s12, $0xb8;
	[tilespmem:$0x2280] =	vst v63  }
0xa8: {  	_ = 	snop  }
0xa9: {  	[spmem:s3] =	stream.indirect.scatter.add.f32 [tilespmem:s11], [sflag:$0x2], $0x1, s22, s12, $0xb8;
	[tilespmem:$0x2280] =	vst v63  }
0xaa: {  	_ = 	snop  }
0xab: {  	[spmem:s3] =	stream.indirect.scatter.add.f32 [tilespmem:s11], [sflag:$0x2], $0x1, s23, s12, $0xb8;
	[tilespmem:$0x2280] =	vst v63  }
0xac: {  	_ = 	snop  }
0xad: {  	[spmem:s3] =	stream.indirect.scatter.add.f32 [tilespmem:s11], [sflag:$0x2], $0x1, s24, s12, $0xb8;
	[tilespmem:$0x2280] =	vst v63  }
0xae: {  	s31 =	simm.s32 $0x100;
	s1 =	simm.s32 $0x200;
	s0 =	rddreg [dreg:$0x5]  }
0xaf: {  	[spmem:s3] =	stream.indirect.scatter.add.f32 [tilespmem:s11], [sflag:$0x2], $0x1, s25, s12, $0xb8;
	[tilespmem:$0x2280] =	vst v63  }
.LBB2_2:
0xb0: {  	[spmem:s3] =	stream.indirect.scatter.add.f32 [tilespmem:s11], [sflag:$0x2], $0x1, s26, s12, $0xb8;
	[tilespmem:$0x2280] =	vst v63  }
0xb1: {  	s0 =	sadd.s32 s31, s0  }
0xb2: {  	[tilespmem:s4], [sflag:$0x3] =	stream.linear.gather [hbm4b:s0+s4], $0x80, $0x38;
	[tilespmem:$0x2280] =	vst v63  }
0xb3: {  	_ =	swait.ge [sflag:s10], $0x80  }
0xb4: {  	[sflag:s10] =	ssyncset.done $0x0  }
0xb5: {  	s5 =	sadd.s32 $0x10, s0;
	[sflag:s10] =	ssyncadd.s32 $0xFFFFFF80  }
0xb6: {  	[tilespmem:s12], [sflag:$0x3] =	stream.linear.gather [hbm4b:s5+s4], $0x80, $0x38;
	[tilespmem:$0x2280] =	vst v63  }
0xb7: {  	_ =	swait.ge [sflag:s10], $0x80  }
0xb8: {  	[sflag:s10] =	ssyncset.done $0x0  }
0xb9: {  	s5 =	sadd.s32 $0x20, s0;
	[sflag:s10] =	ssyncadd.s32 $0xFFFFFF80  }
0xba: {  	[tilespmem:s13], [sflag:$0x3] =	stream.linear.gather [hbm4b:s5+s4], $0x80, $0x38;
	[tilespmem:$0x2280] =	vst v63  }
0xbb: {  	_ =	swait.ge [sflag:s10], $0x80  }
0xbc: {  	[sflag:s10] =	ssyncset.done $0x0  }
0xbd: {  	s5 =	sadd.s32 $0x30, s0;
	[sflag:s10] =	ssyncadd.s32 $0xFFFFFF80  }
0xbe: {  	[tilespmem:s14], [sflag:$0x3] =	stream.linear.gather [hbm4b:s5+s4], $0x80, $0x38;
	[tilespmem:$0x2280] =	vst v63  }
0xbf: {  	_ =	swait.ge [sflag:s10], $0x80  }
0xc0: {  	[sflag:s10] =	ssyncset.done $0x0  }
0xc1: {  	s5 =	sadd.s32 $0x40, s0;
	[sflag:s10] =	ssyncadd.s32 $0xFFFFFF80  }
0xc2: {  	[tilespmem:s15], [sflag:$0x3] =	stream.linear.gather [hbm4b:s5+s4], $0x80, $0x38;
	[tilespmem:$0x2280] =	vst v63  }
0xc3: {  	_ =	swait.ge [sflag:s10], $0x80  }
0xc4: {  	[sflag:s10] =	ssyncset.done $0x0  }
0xc5: {  	s5 =	sadd.s32 $0x50, s0;
	[sflag:s10] =	ssyncadd.s32 $0xFFFFFF80  }
0xc6: {  	[tilespmem:s16], [sflag:$0x3] =	stream.linear.gather [hbm4b:s5+s4], $0x80, $0x38;
	[tilespmem:$0x2280] =	vst v63  }
0xc7: {  	_ =	swait.ge [sflag:s10], $0x80  }
0xc8: {  	[sflag:s10] =	ssyncset.done $0x0  }
0xc9: {  	s5 =	sadd.s32 $0x60, s0;
	[sflag:s10] =	ssyncadd.s32 $0xFFFFFF80  }
0xca: {  	[tilespmem:s17], [sflag:$0x3] =	stream.linear.gather [hbm4b:s5+s4], $0x80, $0x38;
	[tilespmem:$0x2280] =	vst v63  }
0xcb: {  	_ =	swait.ge [sflag:s10], $0x80  }
0xcc: {  	[sflag:s10] =	ssyncset.done $0x0  }
0xcd: {  	s0 =	sadd.s32 $0x70, s0;
	[sflag:s10] =	ssyncadd.s32 $0xFFFFFF80  }
0xce: {  	[tilespmem:s18], [sflag:$0x3] =	stream.linear.gather [hbm4b:s0+s4], $0x80, $0x38;
	[tilespmem:$0x2280] =	vst v63  }
0xcf: {  	_ =	swait.ge [sflag:s10], $0x80  }
0xd0: {  	p1 =	seq.s32 s31, $0x0;
	[sflag:s10] =	ssyncset.done $0x0  }
0xd1: {  	s0 =	simm.s32 @!p1 $0x2;
	[sflag:s10] =	ssyncadd.s32 $0xFFFFFF80  }
0xd2: {  	_ =	swait.ge @!p1 [sflag:s0], $0x80  }
0xd3: {  	[sflag:s0] =	ssyncset.done @!p1 $0x0  }
0xd4: {  	[sflag:s0] =	ssyncadd.s32 @!p1 $0xFFFFFF80  }
0xd5: {  	_ =	swait.ge @!p1 [sflag:s0], $0x80  }
0xd6: {  	[sflag:s0] =	ssyncset.done @!p1 $0x0  }
0xd7: {  	[sflag:s0] =	ssyncadd.s32 @!p1 $0xFFFFFF80  }
0xd8: {  	_ =	swait.ge @!p1 [sflag:s0], $0x80  }
0xd9: {  	[sflag:s0] =	ssyncset.done @!p1 $0x0  }
0xda: {  	[sflag:s0] =	ssyncadd.s32 @!p1 $0xFFFFFF80  }
0xdb: {  	_ =	swait.ge @!p1 [sflag:s0], $0x80  }
0xdc: {  	[sflag:s0] =	ssyncset.done @!p1 $0x0  }
0xdd: {  	[sflag:s0] =	ssyncadd.s32 @!p1 $0xFFFFFF80  }
0xde: {  	_ =	swait.ge @!p1 [sflag:s0], $0x80  }
0xdf: {  	[sflag:s0] =	ssyncset.done @!p1 $0x0  }
0xe0: {  	[sflag:s0] =	ssyncadd.s32 @!p1 $0xFFFFFF80  }
0xe1: {  	_ =	swait.ge @!p1 [sflag:s0], $0x80  }
0xe2: {  	[sflag:s0] =	ssyncset.done @!p1 $0x0  }
0xe3: {  	[sflag:s0] =	ssyncadd.s32 @!p1 $0xFFFFFF80  }
0xe4: {  	_ =	swait.ge @!p1 [sflag:s0], $0x80  }
0xe5: {  	[sflag:s0] =	ssyncset.done @!p1 $0x0  }
0xe6: {  	[sflag:s0] =	ssyncadd.s32 @!p1 $0xFFFFFF80  }
0xe7: {  	_ =	swait.ge @!p1 [sflag:s0], $0x80  }
0xe8: {  	[sflag:s0] =	ssyncset.done @!p1 $0x0  }
0xe9: {  	[sflag:s0] =	ssyncadd.s32 @!p1 $0xFFFFFF80  }
0xea: {  	[spmem:s3] =	stream.indirect.scatter.add.f32 [tilespmem:s11], [sflag:$0x1], $0x1, s4, s12, $0xb8;
	[tilespmem:$0x2280] =	vst v63  }
0xeb: {  	_ = 	snop  }
0xec: {  	[spmem:s3] =	stream.indirect.scatter.add.f32 [tilespmem:s11], [sflag:$0x1], $0x1, s12, s12, $0xb8;
	[tilespmem:$0x2280] =	vst v63  }
0xed: {  	_ = 	snop  }
0xee: {  	[spmem:s3] =	stream.indirect.scatter.add.f32 [tilespmem:s11], [sflag:$0x1], $0x1, s13, s12, $0xb8;
	[tilespmem:$0x2280] =	vst v63  }
0xef: {  	_ = 	snop  }
0xf0: {  	[spmem:s3] =	stream.indirect.scatter.add.f32 [tilespmem:s11], [sflag:$0x1], $0x1, s14, s12, $0xb8;
	[tilespmem:$0x2280] =	vst v63  }
0xf1: {  	_ = 	snop  }
0xf2: {  	[spmem:s3] =	stream.indirect.scatter.add.f32 [tilespmem:s11], [sflag:$0x1], $0x1, s15, s12, $0xb8;
	[tilespmem:$0x2280] =	vst v63  }
0xf3: {  	_ = 	snop  }
0xf4: {  	[spmem:s3] =	stream.indirect.scatter.add.f32 [tilespmem:s11], [sflag:$0x1], $0x1, s16, s12, $0xb8;
	[tilespmem:$0x2280] =	vst v63  }
0xf5: {  	_ = 	snop  }
0xf6: {  	[spmem:s3] =	stream.indirect.scatter.add.f32 [tilespmem:s11], [sflag:$0x1], $0x1, s17, s12, $0xb8;
	[tilespmem:$0x2280] =	vst v63  }
0xf7: {  	s5 =	rddreg [dreg:$0x4]  }
0xf8: {  	[spmem:s3] =	stream.indirect.scatter.add.f32 [tilespmem:s11], [sflag:$0x1], $0x1, s18, s12, $0xb8;
	[tilespmem:$0x2280] =	vst v63  }
0xf9: {  	s0 =	sadd.s32 s31, s5  }
0xfa: {  	[tilespmem:s19], [sflag:$0x3] =	stream.linear.gather [hbm4b:s0+s4], $0x80, $0x38;
	[tilespmem:$0x2280] =	vst v63  }
0xfb: {  	_ =	swait.ge [sflag:s10], $0x80  }
0xfc: {  	[sflag:s10] =	ssyncset.done $0x0  }
0xfd: {  	s5 =	sadd.s32 $0x10, s0;
	[sflag:s10] =	ssyncadd.s32 $0xFFFFFF80  }
0xfe: {  	[tilespmem:s20], [sflag:$0x3] =	stream.linear.gather [hbm4b:s5+s4], $0x80, $0x38;
	[tilespmem:$0x2280] =	vst v63  }
0xff: {  	_ =	swait.ge [sflag:s10], $0x80  }
0x100: {  	[sflag:s10] =	ssyncset.done $0x0  }
0x101: {  	s5 =	sadd.s32 $0x20, s0;
	[sflag:s10] =	ssyncadd.s32 $0xFFFFFF80  }
0x102: {  	[tilespmem:s21], [sflag:$0x3] =	stream.linear.gather [hbm4b:s5+s4], $0x80, $0x38;
	[tilespmem:$0x2280] =	vst v63  }
0x103: {  	_ =	swait.ge [sflag:s10], $0x80  }
0x104: {  	[sflag:s10] =	ssyncset.done $0x0  }
0x105: {  	s5 =	sadd.s32 $0x30, s0;
	[sflag:s10] =	ssyncadd.s32 $0xFFFFFF80  }
0x106: {  	[tilespmem:s22], [sflag:$0x3] =	stream.linear.gather [hbm4b:s5+s4], $0x80, $0x38;
	[tilespmem:$0x2280] =	vst v63  }
0x107: {  	_ =	swait.ge [sflag:s10], $0x80  }
0x108: {  	[sflag:s10] =	ssyncset.done $0x0  }
0x109: {  	s5 =	sadd.s32 $0x40, s0;
	[sflag:s10] =	ssyncadd.s32 $0xFFFFFF80  }
0x10a: {  	[tilespmem:s23], [sflag:$0x3] =	stream.linear.gather [hbm4b:s5+s4], $0x80, $0x38;
	[tilespmem:$0x2280] =	vst v63  }
0x10b: {  	_ =	swait.ge [sflag:s10], $0x80  }
0x10c: {  	[sflag:s10] =	ssyncset.done $0x0  }
0x10d: {  	s5 =	sadd.s32 $0x50, s0;
	[sflag:s10] =	ssyncadd.s32 $0xFFFFFF80  }
0x10e: {  	[tilespmem:s24], [sflag:$0x3] =	stream.linear.gather [hbm4b:s5+s4], $0x80, $0x38;
	[tilespmem:$0x2280] =	vst v63  }
0x10f: {  	_ =	swait.ge [sflag:s10], $0x80  }
0x110: {  	[sflag:s10] =	ssyncset.done $0x0  }
0x111: {  	s5 =	sadd.s32 $0x60, s0;
	[sflag:s10] =	ssyncadd.s32 $0xFFFFFF80  }
0x112: {  	[tilespmem:s25], [sflag:$0x3] =	stream.linear.gather [hbm4b:s5+s4], $0x80, $0x38;
	[tilespmem:$0x2280] =	vst v63  }
0x113: {  	_ =	swait.ge [sflag:s10], $0x80  }
0x114: {  	[sflag:s10] =	ssyncset.done $0x0  }
0x115: {  	s0 =	sadd.s32 $0x70, s0;
	[sflag:s10] =	ssyncadd.s32 $0xFFFFFF80  }
0x116: {  	[tilespmem:s26], [sflag:$0x3] =	stream.linear.gather [hbm4b:s0+s4], $0x80, $0x38;
	[tilespmem:$0x2280] =	vst v63  }
0x117: {  	_ =	swait.ge [sflag:s10], $0x80  }
0x118: {  	[sflag:s10] =	ssyncset.done $0x0  }
0x119: {  	[sflag:s10] =	ssyncadd.s32 $0xFFFFFF80  }
0x11a: {  	_ =	swait.ge [sflag:s28], $0x80  }
0x11b: {  	[sflag:s28] =	ssyncset.done $0x0  }
0x11c: {  	[sflag:s28] =	ssyncadd.s32 $0xFFFFFF80  }
0x11d: {  	_ =	swait.ge [sflag:s28], $0x80  }
0x11e: {  	[sflag:s28] =	ssyncset.done $0x0  }
0x11f: {  	[sflag:s28] =	ssyncadd.s32 $0xFFFFFF80  }
0x120: {  	_ =	swait.ge [sflag:s28], $0x80  }
0x121: {  	[sflag:s28] =	ssyncset.done $0x0  }
0x122: {  	[sflag:s28] =	ssyncadd.s32 $0xFFFFFF80  }
0x123: {  	_ =	swait.ge [sflag:s28], $0x80  }
0x124: {  	[sflag:s28] =	ssyncset.done $0x0  }
0x125: {  	[sflag:s28] =	ssyncadd.s32 $0xFFFFFF80  }
0x126: {  	_ =	swait.ge [sflag:s28], $0x80  }
0x127: {  	[sflag:s28] =	ssyncset.done $0x0  }
0x128: {  	[sflag:s28] =	ssyncadd.s32 $0xFFFFFF80  }
0x129: {  	_ =	swait.ge [sflag:s28], $0x80  }
0x12a: {  	[sflag:s28] =	ssyncset.done $0x0  }
0x12b: {  	[sflag:s28] =	ssyncadd.s32 $0xFFFFFF80  }
0x12c: {  	_ =	swait.ge [sflag:s28], $0x80  }
0x12d: {  	[sflag:s28] =	ssyncset.done $0x0  }
0x12e: {  	[sflag:s28] =	ssyncadd.s32 $0xFFFFFF80  }
0x12f: {  	_ =	swait.ge [sflag:s28], $0x80  }
0x130: {  	[sflag:s28] =	ssyncset.done $0x0  }
0x131: {  	[sflag:s28] =	ssyncadd.s32 $0xFFFFFF80  }
0x132: {  	[spmem:s3] =	stream.indirect.scatter.add.f32 [tilespmem:s11], [sflag:$0x2], $0x1, s19, s12, $0xb8;
	[tilespmem:$0x2280] =	vst v63  }
0x133: {  	_ = 	snop  }
0x134: {  	[spmem:s3] =	stream.indirect.scatter.add.f32 [tilespmem:s11], [sflag:$0x2], $0x1, s20, s12, $0xb8;
	[tilespmem:$0x2280] =	vst v63  }
0x135: {  	_ = 	snop  }
0x136: {  	[spmem:s3] =	stream.indirect.scatter.add.f32 [tilespmem:s11], [sflag:$0x2], $0x1, s21, s12, $0xb8;
	[tilespmem:$0x2280] =	vst v63  }
0x137: {  	s2 =	smov.u32 s1;
	s1 =	sadd.s32 $0x100, s1  }
0x138: {  	[spmem:s3] =	stream.indirect.scatter.add.f32 [tilespmem:s11], [sflag:$0x2], $0x1, s22, s12, $0xb8;
	[tilespmem:$0x2280] =	vst v63  }
0x139: {  	p0 =	sne.s32 s1, $0x500  }
0x13a: {  	[spmem:s3] =	stream.indirect.scatter.add.f32 [tilespmem:s11], [sflag:$0x2], $0x1, s23, s12, $0xb8;
	[tilespmem:$0x2280] =	vst v63  }
.Ltmp0:
0x13b: {  	_ = 	snop;
	(pc) =	sbr.rel @p0 .LBB2_2-.Ltmp0, $4  }
0x13c: {  	_ = 	snop  }
0x13d: {  	[spmem:s3] =	stream.indirect.scatter.add.f32 [tilespmem:s11], [sflag:$0x2], $0x1, s24, s12, $0xb8;
	[tilespmem:$0x2280] =	vst v63  }
0x13e: {  	s31 =	smov.u32 s2;
	s0 =	rddreg [dreg:$0x5]  }
0x13f: {  	[spmem:s3] =	stream.indirect.scatter.add.f32 [tilespmem:s11], [sflag:$0x2], $0x1, s25, s12, $0xb8;
	[tilespmem:$0x2280] =	vst v63  }
0x140: {  	[spmem:s3] =	stream.indirect.scatter.add.f32 [tilespmem:s11], [sflag:$0x2], $0x1, s26, s12, $0xb8;
	[tilespmem:$0x2280] =	vst v63  }
0x141: {  	s0 =	sadd.s32 s31, s0  }
0x142: {  	[tilespmem:s4], [sflag:$0x3] =	stream.linear.gather [hbm4b:s0+s4], $0x80, $0x38;
	[tilespmem:$0x2280] =	vst v63  }
0x143: {  	_ =	swait.ge [sflag:s10], $0x80  }
0x144: {  	[sflag:s10] =	ssyncset.done $0x0  }
0x145: {  	s1 =	sadd.s32 $0x10, s0;
	[sflag:s10] =	ssyncadd.s32 $0xFFFFFF80  }
0x146: {  	[tilespmem:s12], [sflag:$0x3] =	stream.linear.gather [hbm4b:s1+s4], $0x80, $0x38;
	[tilespmem:$0x2280] =	vst v63  }
0x147: {  	_ =	swait.ge [sflag:s10], $0x80  }
0x148: {  	[sflag:s10] =	ssyncset.done $0x0  }
0x149: {  	s5 =	sadd.s32 $0x20, s0;
	[sflag:s10] =	ssyncadd.s32 $0xFFFFFF80  }
0x14a: {  	[tilespmem:s13], [sflag:$0x3] =	stream.linear.gather [hbm4b:s5+s4], $0x80, $0x38;
	[tilespmem:$0x2280] =	vst v63  }
0x14b: {  	_ =	swait.ge [sflag:s10], $0x80  }
0x14c: {  	[sflag:s10] =	ssyncset.done $0x0  }
0x14d: {  	s2 =	sadd.s32 $0x30, s0;
	[sflag:s10] =	ssyncadd.s32 $0xFFFFFF80  }
0x14e: {  	[tilespmem:s14], [sflag:$0x3] =	stream.linear.gather [hbm4b:s2+s4], $0x80, $0x38;
	[tilespmem:$0x2280] =	vst v63  }
0x14f: {  	_ =	swait.ge [sflag:s10], $0x80  }
0x150: {  	[sflag:s10] =	ssyncset.done $0x0  }
0x151: {  	s5 =	sadd.s32 $0x40, s0;
	[sflag:s10] =	ssyncadd.s32 $0xFFFFFF80  }
0x152: {  	[tilespmem:s15], [sflag:$0x3] =	stream.linear.gather [hbm4b:s5+s4], $0x80, $0x38;
	[tilespmem:$0x2280] =	vst v63  }
0x153: {  	_ =	swait.ge [sflag:s10], $0x80  }
0x154: {  	[sflag:s10] =	ssyncset.done $0x0  }
0x155: {  	s2 =	sadd.s32 $0x50, s0;
	[sflag:s10] =	ssyncadd.s32 $0xFFFFFF80  }
0x156: {  	[tilespmem:s16], [sflag:$0x3] =	stream.linear.gather [hbm4b:s2+s4], $0x80, $0x38;
	[tilespmem:$0x2280] =	vst v63  }
0x157: {  	_ =	swait.ge [sflag:s10], $0x80  }
0x158: {  	[sflag:s10] =	ssyncset.done $0x0  }
0x159: {  	s5 =	sadd.s32 $0x60, s0;
	[sflag:s10] =	ssyncadd.s32 $0xFFFFFF80  }
0x15a: {  	[tilespmem:s17], [sflag:$0x3] =	stream.linear.gather [hbm4b:s5+s4], $0x80, $0x38;
	[tilespmem:$0x2280] =	vst v63  }
0x15b: {  	_ =	swait.ge [sflag:s10], $0x80  }
0x15c: {  	[sflag:s10] =	ssyncset.done $0x0  }
0x15d: {  	s0 =	sadd.s32 $0x70, s0;
	[sflag:s10] =	ssyncadd.s32 $0xFFFFFF80  }
0x15e: {  	[tilespmem:s18], [sflag:$0x3] =	stream.linear.gather [hbm4b:s0+s4], $0x80, $0x38;
	[tilespmem:$0x2280] =	vst v63  }
0x15f: {  	_ =	swait.ge [sflag:s10], $0x80  }
0x160: {  	p0 =	seq.s32 s31, $0x0;
	[sflag:s10] =	ssyncset.done $0x0  }
0x161: {  	s0 =	simm.s32 @!p0 $0x2;
	[sflag:s10] =	ssyncadd.s32 $0xFFFFFF80  }
0x162: {  	_ =	swait.ge @!p0 [sflag:s0], $0x80  }
0x163: {  	[sflag:s0] =	ssyncset.done @!p0 $0x0  }
0x164: {  	[sflag:s0] =	ssyncadd.s32 @!p0 $0xFFFFFF80  }
0x165: {  	_ =	swait.ge @!p0 [sflag:s0], $0x80  }
0x166: {  	[sflag:s0] =	ssyncset.done @!p0 $0x0  }
0x167: {  	[sflag:s0] =	ssyncadd.s32 @!p0 $0xFFFFFF80  }
0x168: {  	_ =	swait.ge @!p0 [sflag:s0], $0x80  }
0x169: {  	[sflag:s0] =	ssyncset.done @!p0 $0x0  }
0x16a: {  	[sflag:s0] =	ssyncadd.s32 @!p0 $0xFFFFFF80  }
0x16b: {  	_ =	swait.ge @!p0 [sflag:s0], $0x80  }
0x16c: {  	[sflag:s0] =	ssyncset.done @!p0 $0x0  }
0x16d: {  	[sflag:s0] =	ssyncadd.s32 @!p0 $0xFFFFFF80  }
0x16e: {  	_ =	swait.ge @!p0 [sflag:s0], $0x80  }
0x16f: {  	[sflag:s0] =	ssyncset.done @!p0 $0x0  }
0x170: {  	[sflag:s0] =	ssyncadd.s32 @!p0 $0xFFFFFF80  }
0x171: {  	_ =	swait.ge @!p0 [sflag:s0], $0x80  }
0x172: {  	[sflag:s0] =	ssyncset.done @!p0 $0x0  }
0x173: {  	[sflag:s0] =	ssyncadd.s32 @!p0 $0xFFFFFF80  }
0x174: {  	_ =	swait.ge @!p0 [sflag:s0], $0x80  }
0x175: {  	[sflag:s0] =	ssyncset.done @!p0 $0x0  }
0x176: {  	[sflag:s0] =	ssyncadd.s32 @!p0 $0xFFFFFF80  }
0x177: {  	_ =	swait.ge @!p0 [sflag:s0], $0x80  }
0x178: {  	[sflag:s0] =	ssyncset.done @!p0 $0x0  }
0x179: {  	[sflag:s0] =	ssyncadd.s32 @!p0 $0xFFFFFF80  }
0x17a: {  	[spmem:s3] =	stream.indirect.scatter.add.f32 [tilespmem:s11], [sflag:$0x1], $0x1, s4, s12, $0xb8;
	[tilespmem:$0x2280] =	vst v63  }
0x17b: {  	_ = 	snop  }
0x17c: {  	[spmem:s3] =	stream.indirect.scatter.add.f32 [tilespmem:s11], [sflag:$0x1], $0x1, s12, s12, $0xb8;
	[tilespmem:$0x2280] =	vst v63  }
0x17d: {  	_ = 	snop  }
0x17e: {  	[spmem:s3] =	stream.indirect.scatter.add.f32 [tilespmem:s11], [sflag:$0x1], $0x1, s13, s12, $0xb8;
	[tilespmem:$0x2280] =	vst v63  }
0x17f: {  	_ = 	snop  }
0x180: {  	[spmem:s3] =	stream.indirect.scatter.add.f32 [tilespmem:s11], [sflag:$0x1], $0x1, s14, s12, $0xb8;
	[tilespmem:$0x2280] =	vst v63  }
0x181: {  	_ = 	snop  }
0x182: {  	[spmem:s3] =	stream.indirect.scatter.add.f32 [tilespmem:s11], [sflag:$0x1], $0x1, s15, s12, $0xb8;
	[tilespmem:$0x2280] =	vst v63  }
0x183: {  	_ = 	snop  }
0x184: {  	[spmem:s3] =	stream.indirect.scatter.add.f32 [tilespmem:s11], [sflag:$0x1], $0x1, s16, s12, $0xb8;
	[tilespmem:$0x2280] =	vst v63  }
0x185: {  	_ = 	snop  }
0x186: {  	[spmem:s3] =	stream.indirect.scatter.add.f32 [tilespmem:s11], [sflag:$0x1], $0x1, s17, s12, $0xb8;
	[tilespmem:$0x2280] =	vst v63  }
0x187: {  	s2 =	rddreg [dreg:$0x4]  }
0x188: {  	[spmem:s3] =	stream.indirect.scatter.add.f32 [tilespmem:s11], [sflag:$0x1], $0x1, s18, s12, $0xb8;
	[tilespmem:$0x2280] =	vst v63  }
0x189: {  	s0 =	sadd.s32 s31, s2  }
0x18a: {  	[tilespmem:s19], [sflag:$0x3] =	stream.linear.gather [hbm4b:s0+s4], $0x80, $0x38;
	[tilespmem:$0x2280] =	vst v63  }
0x18b: {  	_ =	swait.ge [sflag:s10], $0x80  }
0x18c: {  	[sflag:s10] =	ssyncset.done $0x0  }
0x18d: {  	s5 =	sadd.s32 $0x10, s0;
	[sflag:s10] =	ssyncadd.s32 $0xFFFFFF80  }
0x18e: {  	[tilespmem:s20], [sflag:$0x3] =	stream.linear.gather [hbm4b:s5+s4], $0x80, $0x38;
	[tilespmem:$0x2280] =	vst v63  }
0x18f: {  	_ =	swait.ge [sflag:s10], $0x80  }
0x190: {  	[sflag:s10] =	ssyncset.done $0x0  }
0x191: {  	s31 =	sadd.s32 $0x20, s0;
	[sflag:s10] =	ssyncadd.s32 $0xFFFFFF80  }
0x192: {  	[tilespmem:s21], [sflag:$0x3] =	stream.linear.gather [hbm4b:s31+s4], $0x80, $0x38;
	[tilespmem:$0x2280] =	vst v63  }
0x193: {  	_ =	swait.ge [sflag:s10], $0x80  }
0x194: {  	[sflag:s10] =	ssyncset.done $0x0  }
0x195: {  	s2 =	sadd.s32 $0x30, s0;
	[sflag:s10] =	ssyncadd.s32 $0xFFFFFF80  }
0x196: {  	[tilespmem:s22], [sflag:$0x3] =	stream.linear.gather [hbm4b:s2+s4], $0x80, $0x38;
	[tilespmem:$0x2280] =	vst v63  }
0x197: {  	_ =	swait.ge [sflag:s10], $0x80  }
0x198: {  	[sflag:s10] =	ssyncset.done $0x0  }
0x199: {  	s5 =	sadd.s32 $0x40, s0;
	[sflag:s10] =	ssyncadd.s32 $0xFFFFFF80  }
0x19a: {  	[tilespmem:s23], [sflag:$0x3] =	stream.linear.gather [hbm4b:s5+s4], $0x80, $0x38;
	[tilespmem:$0x2280] =	vst v63  }
0x19b: {  	_ =	swait.ge [sflag:s10], $0x80  }
0x19c: {  	[sflag:s10] =	ssyncset.done $0x0  }
0x19d: {  	s31 =	sadd.s32 $0x50, s0;
	[sflag:s10] =	ssyncadd.s32 $0xFFFFFF80  }
0x19e: {  	[tilespmem:s24], [sflag:$0x3] =	stream.linear.gather [hbm4b:s31+s4], $0x80, $0x38;
	[tilespmem:$0x2280] =	vst v63  }
0x19f: {  	_ =	swait.ge [sflag:s10], $0x80  }
0x1a0: {  	[sflag:s10] =	ssyncset.done $0x0  }
0x1a1: {  	s2 =	sadd.s32 $0x60, s0;
	[sflag:s10] =	ssyncadd.s32 $0xFFFFFF80  }
0x1a2: {  	[tilespmem:s25], [sflag:$0x3] =	stream.linear.gather [hbm4b:s2+s4], $0x80, $0x38;
	[tilespmem:$0x2280] =	vst v63  }
0x1a3: {  	_ =	swait.ge [sflag:s10], $0x80  }
0x1a4: {  	[sflag:s10] =	ssyncset.done $0x0  }
0x1a5: {  	s0 =	sadd.s32 $0x70, s0;
	[sflag:s10] =	ssyncadd.s32 $0xFFFFFF80  }
0x1a6: {  	[tilespmem:s26], [sflag:$0x3] =	stream.linear.gather [hbm4b:s0+s4], $0x80, $0x38;
	[tilespmem:$0x2280] =	vst v63  }
0x1a7: {  	_ =	swait.ge [sflag:s10], $0x80  }
0x1a8: {  	[sflag:s10] =	ssyncset.done $0x0  }
0x1a9: {  	[sflag:s10] =	ssyncadd.s32 $0xFFFFFF80  }
0x1aa: {  	_ =	swait.ge [sflag:s28], $0x80  }
0x1ab: {  	[sflag:s28] =	ssyncset.done $0x0  }
0x1ac: {  	[sflag:s28] =	ssyncadd.s32 $0xFFFFFF80  }
0x1ad: {  	_ =	swait.ge [sflag:s28], $0x80  }
0x1ae: {  	[sflag:s28] =	ssyncset.done $0x0  }
0x1af: {  	[sflag:s28] =	ssyncadd.s32 $0xFFFFFF80  }
0x1b0: {  	_ =	swait.ge [sflag:s28], $0x80  }
0x1b1: {  	[sflag:s28] =	ssyncset.done $0x0  }
0x1b2: {  	[sflag:s28] =	ssyncadd.s32 $0xFFFFFF80  }
0x1b3: {  	_ =	swait.ge [sflag:s28], $0x80  }
0x1b4: {  	[sflag:s28] =	ssyncset.done $0x0  }
0x1b5: {  	[sflag:s28] =	ssyncadd.s32 $0xFFFFFF80  }
0x1b6: {  	_ =	swait.ge [sflag:s28], $0x80  }
0x1b7: {  	[sflag:s28] =	ssyncset.done $0x0  }
0x1b8: {  	[sflag:s28] =	ssyncadd.s32 $0xFFFFFF80  }
0x1b9: {  	_ =	swait.ge [sflag:s28], $0x80  }
0x1ba: {  	[sflag:s28] =	ssyncset.done $0x0  }
0x1bb: {  	[sflag:s28] =	ssyncadd.s32 $0xFFFFFF80  }
0x1bc: {  	_ =	swait.ge [sflag:s28], $0x80  }
0x1bd: {  	[sflag:s28] =	ssyncset.done $0x0  }
0x1be: {  	[sflag:s28] =	ssyncadd.s32 $0xFFFFFF80  }
0x1bf: {  	_ =	swait.ge [sflag:s28], $0x80  }
0x1c0: {  	[sflag:s28] =	ssyncset.done $0x0  }
0x1c1: {  	[sflag:s28] =	ssyncadd.s32 $0xFFFFFF80  }
0x1c2: {  	[spmem:s3] =	stream.indirect.scatter.add.f32 [tilespmem:s11], [sflag:$0x2], $0x1, s19, s12, $0xb8;
	[tilespmem:$0x2280] =	vst v63  }
0x1c3: {  	_ = 	snop  }
0x1c4: {  	[spmem:s3] =	stream.indirect.scatter.add.f32 [tilespmem:s11], [sflag:$0x2], $0x1, s20, s12, $0xb8;
	[tilespmem:$0x2280] =	vst v63  }
0x1c5: {  	_ = 	snop  }
0x1c6: {  	[spmem:s3] =	stream.indirect.scatter.add.f32 [tilespmem:s11], [sflag:$0x2], $0x1, s21, s12, $0xb8;
	[tilespmem:$0x2280] =	vst v63  }
0x1c7: {  	_ = 	snop  }
0x1c8: {  	[spmem:s3] =	stream.indirect.scatter.add.f32 [tilespmem:s11], [sflag:$0x2], $0x1, s22, s12, $0xb8;
	[tilespmem:$0x2280] =	vst v63  }
0x1c9: {  	_ = 	snop  }
0x1ca: {  	[spmem:s3] =	stream.indirect.scatter.add.f32 [tilespmem:s11], [sflag:$0x2], $0x1, s23, s12, $0xb8;
	[tilespmem:$0x2280] =	vst v63  }
0x1cb: {  	_ = 	snop  }
0x1cc: {  	[spmem:s3] =	stream.indirect.scatter.add.f32 [tilespmem:s11], [sflag:$0x2], $0x1, s24, s12, $0xb8;
	[tilespmem:$0x2280] =	vst v63  }
0x1cd: {  	_ = 	snop  }
0x1ce: {  	[spmem:s3] =	stream.indirect.scatter.add.f32 [tilespmem:s11], [sflag:$0x2], $0x1, s25, s12, $0xb8;
	[tilespmem:$0x2280] =	vst v63  }
0x1cf: {  	_ = 	snop  }
0x1d0: {  	[spmem:s3] =	stream.indirect.scatter.add.f32 [tilespmem:s11], [sflag:$0x2], $0x1, s26, s12, $0xb8;
	[tilespmem:$0x2280] =	vst v63  }
0x1d1: {  	_ =	swait.ge [sflag:s29], $0x80  }
0x1d2: {  	[sflag:s29] =	ssyncset.done $0x0  }
0x1d3: {  	[sflag:s29] =	ssyncadd.s32 $0xFFFFFF80  }
0x1d4: {  	_ =	swait.ge [sflag:s29], $0x80  }
0x1d5: {  	[sflag:s29] =	ssyncset.done $0x0  }
0x1d6: {  	[sflag:s29] =	ssyncadd.s32 $0xFFFFFF80  }
0x1d7: {  	_ =	swait.ge [sflag:s29], $0x80  }
0x1d8: {  	[sflag:s29] =	ssyncset.done $0x0  }
0x1d9: {  	[sflag:s29] =	ssyncadd.s32 $0xFFFFFF80  }
0x1da: {  	_ =	swait.ge [sflag:s29], $0x80  }
0x1db: {  	[sflag:s29] =	ssyncset.done $0x0  }
0x1dc: {  	[sflag:s29] =	ssyncadd.s32 $0xFFFFFF80  }
0x1dd: {  	_ =	swait.ge [sflag:s29], $0x80  }
0x1de: {  	[sflag:s29] =	ssyncset.done $0x0  }
0x1df: {  	[sflag:s29] =	ssyncadd.s32 $0xFFFFFF80  }
0x1e0: {  	_ =	swait.ge [sflag:s29], $0x80  }
0x1e1: {  	[sflag:s29] =	ssyncset.done $0x0  }
0x1e2: {  	[sflag:s29] =	ssyncadd.s32 $0xFFFFFF80  }
0x1e3: {  	_ =	swait.ge [sflag:s29], $0x80  }
0x1e4: {  	[sflag:s29] =	ssyncset.done $0x0  }
0x1e5: {  	[sflag:s29] =	ssyncadd.s32 $0xFFFFFF80  }
0x1e6: {  	s30 =	sadd.s32 $0x1, s30;
	_ =	swait.ge [sflag:s29], $0x80  }
0x1e7: {  	p0 =	sne.s32 s30, s8;
	s5 =	stileid.u32;
	[sflag:s29] =	ssyncset.done $0x0  }
0x1e8: {  	s31 =	sshrl.u32 s6, $0x3;
	s0 =	sshll.u32 s5, $0x6;
	[sflag:s29] =	ssyncadd.s32 $0xFFFFFF80  }
.Ltmp1:
0x1e9: {  	s0 =	sor.u32 $0x1C03, s0;
	[bflag:$0x0] =	sbarrier.arrive $0xFFFF;
	(pc) =	sbr.rel @p0 .LBB2_1-.Ltmp1, $4  }
0x1ea: {  	[hbm:s7], [sflag:s0] =	dma.local [spmem:s31], $0x280  }
0x1eb: {  	_ =	swait.ge [sflag:s10], $0x280  }
0x1ec: {  	[sflag:s10] =	ssyncset.done $0x0  }
0x1ed: {  	[sflag:s10] =	ssyncadd.s32 $0xFFFFFD80  }
0x1ee: {  	_ =	sfence.sel $0x180000  }
0x1ef: {  	[bflag:$0x0] =	sbarrier.arrive $0xFFFF  }
0x1f0: {  	_ =	strace $0x90000047  }
0x1f1: {  	s0 =	stileid.u32;
	[bflag:$0x2] =	sbarrier.arrive $0xFFFF  }
0x1f2: {  	p0 =	sne.s32 s0, $0x0;
	s0 =	rddreg [dreg:$0x3]  }
0x1f3: {  	s0 =	sadd.s32 @!p0 $0x100000, s0  }
0x1f4: {  	[sflag:s0] =	ssyncadd.tile.s32 @!p0 $0x1;
	_ =	shalt  }
.Lfunc_end2:
_tile_overlayer_lowered:
.L_overlay_start_2:
0x1f5: {  	(tag) =	ssettag $0x2  }
0x1f6: {  	s0 =	rddreg [dreg:$0x0];
	s2 =	stileid.u32  }
0x1f7: {  	s1 =	rddreg [dreg:$0x1];
	p0 =	sne.s32 s2, $0x0  }
0x1f8: {  	s3 =	rddreg [dreg:$0x2];
	[bflag:$0x3] =	sbarrier.arrive $0xFFFF;
	s2 =	simm.s32 @!p0 $0x1C03  }
0x1f9: {  	[timem:s3], [sflag:s2] =	dma.local @!p0 [hbm:s0], s1  }
0x1fa: {  	s0 =	simm.s32 @!p0 $0x3  }
0x1fb: {  	_ =	swait.ge @!p0 [sflag:s0], s1  }
0x1fc: {  	s1 =	ssub.s32 @!p0 $0x0, s1;
	[sflag:s0] =	ssyncset.done @!p0 $0x0  }
0x1fd: {  	[sflag:s0] =	ssyncadd.s32 @!p0 s1  }
0x1fe: {  	[bflag:$0x3] =	sbarrier.arrive $0xFFFF  }
0x1ff: {  	_ =	shalt  }

</sc_bundles>
